<compile_context>
chip_gen: v7x
topology: tpu7x:2x2x1
jax: 0.10.2.dev20260603
libtpu: 0.0.44.dev20260713+nightly
codegen_flags: <defaults>
</compile_context>

<pallas_src>
import functools
import jax
import jax.numpy as jnp
from jax import lax
from jax.experimental import pallas as pl
from jax.experimental.pallas import tpu as pltpu
from jax.experimental.pallas import tpu_sc as plsc

B, D, H, W = 4, 96, 384, 384
DT = 80
DS = D - DT
HT = 32
NH = H // HT
NP = H * W
NR = NP // 128
NWK = 32
WPB = NWK // B
RW = NR // WPB
RC = 24
NCH = RW // RC
NL = 128 // 16

_mesh = plsc.VectorSubcoreMesh(core_axis_name="c", subcore_axis_name="s")


@functools.partial(
    pl.kernel,
    mesh=_mesh,
    out_type=jax.ShapeDtypeStruct((3, B * NR, 128), jnp.float32),
    scratch_types=[
        pltpu.VMEM((DS, RC, 128), jnp.float32),
        pltpu.VMEM((DS, RC, 128), jnp.float32),
        pltpu.VMEM((RC, 128), jnp.float32),
        pltpu.VMEM((RC, 128), jnp.float32),
        pltpu.VMEM((RC, 128), jnp.float32),
    ],
)
def _sc_partial(s_hbm, t_hbm, out_hbm, s_v, t_v, pd_v, pn_v, pt_v):
    wid = lax.axis_index("s") * 2 + lax.axis_index("c")
    b = wid // WPB
    lrow = (wid % WPB) * RW

    def _chunk(c, _):
        row0 = pl.multiple_of(lrow + c * RC, 8)
        grow0 = pl.multiple_of(wid * RW + c * RC, 8)
        for d in range(DS):
            pltpu.sync_copy(s_hbm.at[b * D + DT + d, pl.ds(row0, RC)],
                            s_v.at[d])
            pltpu.sync_copy(t_hbm.at[b * D + DT + d, pl.ds(row0, RC)],
                            t_v.at[d])

        def _row(r, _):
            for j in range(NL):
                sl = pl.ds(j * 16, 16)
                accd = accn = acct = None
                for d in range(DS):
                    sv = s_v[d, r, sl]
                    tv = t_v[d, r, sl]
                    if d == 0:
                        accd, accn, acct = sv * tv, sv * sv, tv * tv
                    else:
                        accd = accd + sv * tv
                        accn = accn + sv * sv
                        acct = acct + tv * tv
                pd_v[r, sl] = accd
                pn_v[r, sl] = accn
                pt_v[r, sl] = acct
            return 0

        lax.fori_loop(0, RC, _row, 0)
        pltpu.sync_copy(pd_v, out_hbm.at[0, pl.ds(grow0, RC)])
        pltpu.sync_copy(pn_v, out_hbm.at[1, pl.ds(grow0, RC)])
        pltpu.sync_copy(pt_v, out_hbm.at[2, pl.ds(grow0, RC)])
        return 0

    lax.fori_loop(0, NCH, _chunk, 0)


def _tc_body(s_ref, t_ref, d_ref, n_ref, t2_ref):
    dot = ns = nt = None
    for d in range(DT):
        sd = s_ref[0, d]
        td = t_ref[0, d]
        if d == 0:
            dot, ns, nt = sd * td, sd * sd, td * td
        else:
            dot = dot + sd * td
            ns = ns + sd * sd
            nt = nt + td * td
    d_ref[0] = dot
    n_ref[0] = ns
    t2_ref[0] = nt


def _combine_body(td_ref, tn_ref, tt_ref, sc_ref, m_ref, x_ref,
                  sum_ref, cnt_ref):
    b = pl.program_id(0)

    @pl.when(b == 0)
    def _init():
        sum_ref[...] = jnp.zeros_like(sum_ref)
        cnt_ref[...] = jnp.zeros_like(cnt_ref)

    dot = td_ref[0] + sc_ref[0, 0]
    ns = tn_ref[0] + sc_ref[1, 0]
    nt = tt_ref[0] + sc_ref[2, 0]
    denom = jnp.maximum(jnp.sqrt(ns) * jnp.sqrt(nt), 1e-8)
    loss_map = 1.0 - dot / denom
    valid = (x_ref[0] != 0.0) & (m_ref[0] == 0)
    vf = valid.astype(jnp.float32)
    sum_ref[...] += jnp.sum(loss_map * vf, keepdims=True).reshape(1, 1)
    cnt_ref[...] += jnp.sum(vf, keepdims=True).reshape(1, 1)


def kernel(student_feats, teacher_feats, mask, original_x):
    m = mask.astype(jnp.int8)
    x = original_x.reshape(B, H, W)
    s_flat = student_feats.reshape(B * D, NR, 128)
    t_flat = teacher_feats.reshape(B * D, NR, 128)

    sc_pm = _sc_partial(s_flat, t_flat)
    sc_pm = sc_pm.reshape(3, B, H, W)

    feat_spec = pl.BlockSpec((1, DT, HT, W), lambda b, h: (b, 0, h, 0))
    map_spec = pl.BlockSpec((1, HT, W), lambda b, h: (b, h, 0))
    tcd, tcn, tct = pl.pallas_call(
        _tc_body,
        grid=(B, NH),
        in_specs=[feat_spec, feat_spec],
        out_specs=[map_spec, map_spec, map_spec],
        out_shape=[jax.ShapeDtypeStruct((B, H, W), jnp.float32)] * 3,
        compiler_params=pltpu.CompilerParams(
            dimension_semantics=("arbitrary", "arbitrary"),
        ),
    )(student_feats, teacher_feats)

    full_spec = pl.BlockSpec((1, H, W), lambda b: (b, 0, 0))
    sums, cnts = pl.pallas_call(
        _combine_body,
        grid=(B,),
        in_specs=[
            full_spec, full_spec, full_spec,
            pl.BlockSpec((3, 1, H, W), lambda b: (0, b, 0, 0)),
            full_spec, full_spec,
        ],
        out_specs=[
            pl.BlockSpec((1, 1), lambda b: (0, 0)),
            pl.BlockSpec((1, 1), lambda b: (0, 0)),
        ],
        out_shape=[
            jax.ShapeDtypeStruct((1, 1), jnp.float32),
            jax.ShapeDtypeStruct((1, 1), jnp.float32),
        ],
        compiler_params=pltpu.CompilerParams(
            dimension_semantics=("arbitrary",),
        ),
    )(tcd, tcn, tct, sc_pm, m, x)

    return sums[0, 0] / cnts[0, 0]

# --- scband reference (transcript-rebuilt; emitter-appended) ---
"""Pipeline reference for scband-pixel-dinoloss-81355270521012 (READ-ONLY COPY).

The authoritative reference and input builder live on the scoring server;
editing this copy changes nothing except your own understanding.
"""

import jax, jax.numpy as jnp
import numpy as np


def setup_inputs(seed: int = 0) -> dict:
    key = jax.random.key(seed)
    k1, k2, k3, k4 = jax.random.split(key, 4)
    B, D, H, W = 4, 96, 384, 384
    student_feats = jax.random.normal(k1, (B, D, H, W), dtype=jnp.float32)
    teacher_feats = jax.random.normal(k2, (B, D, H, W), dtype=jnp.float32)
    mask = jax.random.randint(k3, (B, H, W), 0, 2).astype(jnp.bool_)
    original_x = jax.random.normal(k4, (B, 1, H, W), dtype=jnp.float32)
    return {"student_feats": student_feats, "teacher_feats": teacher_feats, "mask": mask, "original_x": original_x}


def reference(student_feats, teacher_feats, mask, original_x):
    # active pixels: original image nonzero
    active = jnp.squeeze(original_x, axis=1) != 0  # [B, H, W]
    valid = active & (~mask)                        # [B, H, W]
    # permute to channels-last
    s = jnp.transpose(student_feats, (0, 2, 3, 1))  # [B, H, W, D]
    t = jnp.transpose(teacher_feats, (0, 2, 3, 1))  # [B, H, W, D]
    t = jax.lax.stop_gradient(t)
    # center buffer: None -> zeros at first forward
    center = jnp.zeros((t.shape[-1],), dtype=t.dtype)
    t = t - center
    # cosine similarity along last dim (eps=1e-8 as in torch)
    eps = 1e-8
    dot = jnp.sum(s * t, axis=-1)
    ns = jnp.sqrt(jnp.sum(s * s, axis=-1))
    nt = jnp.sqrt(jnp.sum(t * t, axis=-1))
    cos = dot / jnp.maximum(ns * nt, eps)
    loss_map = 1.0 - cos                            # [B, H, W]
    validf = valid.astype(loss_map.dtype)
    count = jnp.sum(validf)
    # mean over valid positions (count > 0 with random inputs)
    loss = jnp.sum(loss_map * validf) / count
    return loss

if __name__ == "__main__":
    import jax
    _d = setup_inputs()
    print(jax.jit(kernel)(*tuple(_d.values())))

</pallas_src>

<mosaic_0001>
#map = affine_map<(d0, d1) -> (0, 0, 0)>
module attributes {stable_mosaic.version = 14 : i64} {
  func.func @_sc_partial(%arg0: i32, %arg1: i32, %arg2: memref<384x1152x128xf32, #tpu.memory_space<hbm>>, %arg3: memref<384x1152x128xf32, #tpu.memory_space<hbm>>, %arg4: memref<3x4608x128xf32, #tpu.memory_space<hbm>>, %arg5: memref<16x24x128xf32, #tpu.memory_space<vmem>>, %arg6: memref<16x24x128xf32, #tpu.memory_space<vmem>>, %arg7: memref<24x128xf32, #tpu.memory_space<vmem>>, %arg8: memref<24x128xf32, #tpu.memory_space<vmem>>, %arg9: memref<24x128xf32, #tpu.memory_space<vmem>>) attributes {dimension_semantics = [#tpu.dimension_semantics<core_parallel>, #tpu.dimension_semantics<subcore_parallel>], iteration_bounds = array<i64: 2, 16>, scalar_prefetch = 0 : i64, scratch_operands = 5 : i64, tpu.core_type = #tpu.core_type<sc_vector_subcore>, window_params = [{transform_indices = #map}, {transform_indices = #map}, {transform_indices = #map}]} {
    %mul3A = arith.constant 2 : i32
    %mul3A_0 = arith.muli %arg1, %mul3A : i32
    %add3A = arith.addi %mul3A_0, %arg0 : i32
    %jit3A = arith.constant 8 : i32
    %div3A = arith.divsi %add3A, %jit3A : i32
    %sign3A = arith.constant 0 : i32
    %sign3A_1 = arith.cmpi sgt, %add3A, %sign3A : i32
    %sign3A_2 = arith.extui %sign3A_1 : i1 to i32
    %sign3A_3 = arith.constant 0 : i32
    %sign3A_4 = arith.cmpi slt, %add3A, %sign3A_3 : i32
    %sign3A_5 = arith.extui %sign3A_4 : i1 to i32
    %sign3A_6 = arith.subi %sign3A_2, %sign3A_5 : i32
    %sign3A_7 = arith.constant 0 : i32
    %sign3A_8 = arith.cmpi sgt, %jit3A, %sign3A_7 : i32
    %sign3A_9 = arith.extui %sign3A_8 : i1 to i32
    %sign3A_10 = arith.constant 0 : i32
    %sign3A_11 = arith.cmpi slt, %jit3A, %sign3A_10 : i32
    %sign3A_12 = arith.extui %sign3A_11 : i1 to i32
    %sign3A_13 = arith.subi %sign3A_9, %sign3A_12 : i32
    %ne3A = arith.cmpi ne, %sign3A_6, %sign3A_13 : i32
    %rem3A = arith.remsi %add3A, %jit3A : i32
    %ne3A_14 = arith.constant 0 : i32
    %ne3A_15 = arith.cmpi ne, %rem3A, %ne3A_14 : i32
    %and3A = arith.andi %ne3A, %ne3A_15 : i1
    %sub3A = arith.constant 1 : i32
    %sub3A_16 = arith.subi %div3A, %sub3A : i32
    %select_n3A = arith.select %and3A, %sub3A_16, %div3A : i32
    %jit3A_17 = arith.constant 8 : i32
    %eq3A = arith.constant 0 : i32
    %eq3A_18 = arith.cmpi eq, %jit3A_17, %eq3A : i32
    %jit3A_19 = arith.constant 1 : i32
    %select_n3A_20 = arith.select %eq3A_18, %jit3A_19, %jit3A_17 : i32
    %rem3A_21 = arith.remsi %add3A, %select_n3A_20 : i32
    %ne3A_22 = arith.constant 0 : i32
    %ne3A_23 = arith.cmpi ne, %rem3A_21, %ne3A_22 : i32
    %lt3A = arith.constant 0 : i32
    %lt3A_24 = arith.cmpi slt, %rem3A_21, %lt3A : i32
    %lt3A_25 = arith.constant 0 : i32
    %lt3A_26 = arith.cmpi slt, %select_n3A_20, %lt3A_25 : i32
    %ne3A_27 = arith.xori %lt3A_24, %lt3A_26 : i1
    %and3A_28 = arith.andi %ne3A_27, %ne3A_23 : i1
    %add3A_29 = arith.addi %rem3A_21, %select_n3A_20 : i32
    %select_n3A_30 = arith.select %and3A_28, %add3A_29, %rem3A_21 : i32
    %mul3A_31 = arith.constant 144 : i32
    %mul3A_32 = arith.muli %select_n3A_30, %mul3A_31 : i32
    %scan3A = arith.constant 0 : i32
    %scan3A_33 = arith.constant 0 : i32
    %scan3A_34 = arith.constant 6 : i32
    %scan3A_35 = arith.addi %scan3A_33, %scan3A_34 : i32
    %scan3A_36 = arith.constant 1 : i32
    %scan3A_37 = scf.for %scan3A_39 = %scan3A_33 to %scan3A_35 step %scan3A_36 iter_args(%scan3A_40 = %scan3A) -> (i32)  : i32 {
      %mul3A_41 = arith.constant 24 : i32
      %mul3A_42 = arith.muli %scan3A_39, %mul3A_41 : i32
      %add3A_43 = arith.addi %mul3A_32, %mul3A_42 : i32
      %multiple_of3A = tpu.assume_multiple %add3A_43, 8 : i32
      %mul3A_44 = arith.constant 144 : i32
      %mul3A_45 = arith.muli %add3A, %mul3A_44 : i32
      %mul3A_46 = arith.constant 24 : i32
      %mul3A_47 = arith.muli %scan3A_39, %mul3A_46 : i32
      %add3A_48 = arith.addi %mul3A_45, %mul3A_47 : i32
      %multiple_of3A_49 = tpu.assume_multiple %add3A_48, 8 : i32
      %mul3A_50 = arith.constant 96 : i32
      %mul3A_51 = arith.muli %select_n3A, %mul3A_50 : i32
      %add3A_52 = arith.constant 80 : i32
      %add3A_53 = arith.addi %mul3A_51, %add3A_52 : i32
      %add3A_54 = arith.constant 0 : i32
      %add3A_55 = arith.addi %add3A_53, %add3A_54 : i32
      %run_scoped3A = arith.constant 0 : i32
      "tpu.region"() ({
        %run_scoped3A_284 = tpu.sem_alloc : memref<!tpu.dma_semaphore, #tpu.memory_space<semaphore_mem>>
        %dma_start3A = arith.constant 0 : i32
        %dma_start3A_285 = arith.constant 0 : i32
        %dma_start3A_286 = tpu.memref_slice %arg5[%run_scoped3A, %dma_start3A, %dma_start3A_285] : memref<16x24x128xf32, #tpu.memory_space<vmem>> -> memref<1x24x128xf32, #tpu.memory_space<vmem>>
        %dma_start3A_287 = tpu.memref_squeeze %dma_start3A_286 : memref<1x24x128xf32, #tpu.memory_space<vmem>> -> memref<24x128xf32, #tpu.memory_space<vmem>>
        %dma_start3A_288 = arith.constant 0 : i32
        %dma_start3A_289 = tpu.memref_slice %arg2[%add3A_55, %multiple_of3A, %dma_start3A_288] : memref<384x1152x128xf32, #tpu.memory_space<hbm>> -> memref<1x24x128xf32, #tpu.memory_space<hbm>>
        %dma_start3A_290 = tpu.memref_squeeze %dma_start3A_289 : memref<1x24x128xf32, #tpu.memory_space<hbm>> -> memref<24x128xf32, #tpu.memory_space<hbm>>
        %dma_start3A_291 = arith.constant 0 : i32
        %dma_start3A_292 = arith.constant 0 : i32
        %dma_start3A_293 = tpu.memref_slice %arg5[%run_scoped3A, %dma_start3A_291, %dma_start3A_292] : memref<16x24x128xf32, #tpu.memory_space<vmem>> -> memref<1x24x128xf32, #tpu.memory_space<vmem>>
        %dma_start3A_294 = tpu.memref_squeeze %dma_start3A_293 : memref<1x24x128xf32, #tpu.memory_space<vmem>> -> memref<24x128xf32, #tpu.memory_space<vmem>>
        %dma_start3A_295 = arith.constant 0 : i32
        %dma_start3A_296 = tpu.memref_slice %arg2[%add3A_55, %multiple_of3A, %dma_start3A_295] : memref<384x1152x128xf32, #tpu.memory_space<hbm>> -> memref<1x24x128xf32, #tpu.memory_space<hbm>>
        %dma_start3A_297 = tpu.memref_squeeze %dma_start3A_296 : memref<1x24x128xf32, #tpu.memory_space<hbm>> -> memref<24x128xf32, #tpu.memory_space<hbm>>
        tpu.enqueue_dma source(%dma_start3A_297 : memref<24x128xf32, #tpu.memory_space<hbm>>) target(%dma_start3A_294 : memref<24x128xf32, #tpu.memory_space<vmem>>) target_semaphore(%run_scoped3A_284 : memref<!tpu.dma_semaphore, #tpu.memory_space<semaphore_mem>>)
        %dma_wait3A = arith.constant 0 : i32
        %dma_wait3A_298 = arith.constant 0 : i32
        %dma_wait3A_299 = tpu.memref_slice %arg5[%run_scoped3A, %dma_wait3A, %dma_wait3A_298] : memref<16x24x128xf32, #tpu.memory_space<vmem>> -> memref<1x24x128xf32, #tpu.memory_space<vmem>>
        %dma_wait3A_300 = tpu.memref_squeeze %dma_wait3A_299 : memref<1x24x128xf32, #tpu.memory_space<vmem>> -> memref<24x128xf32, #tpu.memory_space<vmem>>
        %dma_wait3A_301 = arith.constant 0 : i32
        %dma_wait3A_302 = tpu.memref_slice %arg2[%add3A_55, %multiple_of3A, %dma_wait3A_301] : memref<384x1152x128xf32, #tpu.memory_space<hbm>> -> memref<1x24x128xf32, #tpu.memory_space<hbm>>
        %dma_wait3A_303 = tpu.memref_squeeze %dma_wait3A_302 : memref<1x24x128xf32, #tpu.memory_space<hbm>> -> memref<24x128xf32, #tpu.memory_space<hbm>>
        %dma_wait3A_304 = arith.constant 0 : i32
        %dma_wait3A_305 = arith.constant 0 : i32
        %dma_wait3A_306 = tpu.memref_slice %arg5[%run_scoped3A, %dma_wait3A_304, %dma_wait3A_305] : memref<16x24x128xf32, #tpu.memory_space<vmem>> -> memref<1x24x128xf32, #tpu.memory_space<vmem>>
        %dma_wait3A_307 = tpu.memref_squeeze %dma_wait3A_306 : memref<1x24x128xf32, #tpu.memory_space<vmem>> -> memref<24x128xf32, #tpu.memory_space<vmem>>
        %dma_wait3A_308 = arith.constant 0 : i32
        %dma_wait3A_309 = tpu.memref_slice %arg2[%add3A_55, %multiple_of3A, %dma_wait3A_308] : memref<384x1152x128xf32, #tpu.memory_space<hbm>> -> memref<1x24x128xf32, #tpu.memory_space<hbm>>
        %dma_wait3A_310 = tpu.memref_squeeze %dma_wait3A_309 : memref<1x24x128xf32, #tpu.memory_space<hbm>> -> memref<24x128xf32, #tpu.memory_space<hbm>>
        tpu.wait_dma2 semaphore(%run_scoped3A_284 : memref<!tpu.dma_semaphore, #tpu.memory_space<semaphore_mem>>) src(%dma_wait3A_310 : memref<24x128xf32, #tpu.memory_space<hbm>>) dst(%dma_wait3A_307 : memref<24x128xf32, #tpu.memory_space<vmem>>)
        tpu.yield
      }) : () -> ()
      %mul3A_56 = arith.constant 96 : i32
      %mul3A_57 = arith.muli %select_n3A, %mul3A_56 : i32
      %add3A_58 = arith.constant 80 : i32
      %add3A_59 = arith.addi %mul3A_57, %add3A_58 : i32
      %add3A_60 = arith.constant 0 : i32
      %add3A_61 = arith.addi %add3A_59, %add3A_60 : i32
      %run_scoped3A_62 = arith.constant 0 : i32
      "tpu.region"() ({
        %run_scoped3A_284 = tpu.sem_alloc : memref<!tpu.dma_semaphore, #tpu.memory_space<semaphore_mem>>
        %dma_start3A = arith.constant 0 : i32
        %dma_start3A_285 = arith.constant 0 : i32
        %dma_start3A_286 = tpu.memref_slice %arg6[%run_scoped3A_62, %dma_start3A, %dma_start3A_285] : memref<16x24x128xf32, #tpu.memory_space<vmem>> -> memref<1x24x128xf32, #tpu.memory_space<vmem>>
        %dma_start3A_287 = tpu.memref_squeeze %dma_start3A_286 : memref<1x24x128xf32, #tpu.memory_space<vmem>> -> memref<24x128xf32, #tpu.memory_space<vmem>>
        %dma_start3A_288 = arith.constant 0 : i32
        %dma_start3A_289 = tpu.memref_slice %arg3[%add3A_61, %multiple_of3A, %dma_start3A_288] : memref<384x1152x128xf32, #tpu.memory_space<hbm>> -> memref<1x24x128xf32, #tpu.memory_space<hbm>>
        %dma_start3A_290 = tpu.memref_squeeze %dma_start3A_289 : memref<1x24x128xf32, #tpu.memory_space<hbm>> -> memref<24x128xf32, #tpu.memory_space<hbm>>
        %dma_start3A_291 = arith.constant 0 : i32
        %dma_start3A_292 = arith.constant 0 : i32
        %dma_start3A_293 = tpu.memref_slice %arg6[%run_scoped3A_62, %dma_start3A_291, %dma_start3A_292] : memref<16x24x128xf32, #tpu.memory_space<vmem>> -> memref<1x24x128xf32, #tpu.memory_space<vmem>>
        %dma_start3A_294 = tpu.memref_squeeze %dma_start3A_293 : memref<1x24x128xf32, #tpu.memory_space<vmem>> -> memref<24x128xf32, #tpu.memory_space<vmem>>
        %dma_start3A_295 = arith.constant 0 : i32
        %dma_start3A_296 = tpu.memref_slice %arg3[%add3A_61, %multiple_of3A, %dma_start3A_295] : memref<384x1152x128xf32, #tpu.memory_space<hbm>> -> memref<1x24x128xf32, #tpu.memory_space<hbm>>
        %dma_start3A_297 = tpu.memref_squeeze %dma_start3A_296 : memref<1x24x128xf32, #tpu.memory_space<hbm>> -> memref<24x128xf32, #tpu.memory_space<hbm>>
        tpu.enqueue_dma source(%dma_start3A_297 : memref<24x128xf32, #tpu.memory_space<hbm>>) target(%dma_start3A_294 : memref<24x128xf32, #tpu.memory_space<vmem>>) target_semaphore(%run_scoped3A_284 : memref<!tpu.dma_semaphore, #tpu.memory_space<semaphore_mem>>)
        %dma_wait3A = arith.constant 0 : i32
        %dma_wait3A_298 = arith.constant 0 : i32
        %dma_wait3A_299 = tpu.memref_slice %arg6[%run_scoped3A_62, %dma_wait3A, %dma_wait3A_298] : memref<16x24x128xf32, #tpu.memory_space<vmem>> -> memref<1x24x128xf32, #tpu.memory_space<vmem>>
        %dma_wait3A_300 = tpu.memref_squeeze %dma_wait3A_299 : memref<1x24x128xf32, #tpu.memory_space<vmem>> -> memref<24x128xf32, #tpu.memory_space<vmem>>
        %dma_wait3A_301 = arith.constant 0 : i32
        %dma_wait3A_302 = tpu.memref_slice %arg3[%add3A_61, %multiple_of3A, %dma_wait3A_301] : memref<384x1152x128xf32, #tpu.memory_space<hbm>> -> memref<1x24x128xf32, #tpu.memory_space<hbm>>
        %dma_wait3A_303 = tpu.memref_squeeze %dma_wait3A_302 : memref<1x24x128xf32, #tpu.memory_space<hbm>> -> memref<24x128xf32, #tpu.memory_space<hbm>>
        %dma_wait3A_304 = arith.constant 0 : i32
        %dma_wait3A_305 = arith.constant 0 : i32
        %dma_wait3A_306 = tpu.memref_slice %arg6[%run_scoped3A_62, %dma_wait3A_304, %dma_wait3A_305] : memref<16x24x128xf32, #tpu.memory_space<vmem>> -> memref<1x24x128xf32, #tpu.memory_space<vmem>>
        %dma_wait3A_307 = tpu.memref_squeeze %dma_wait3A_306 : memref<1x24x128xf32, #tpu.memory_space<vmem>> -> memref<24x128xf32, #tpu.memory_space<vmem>>
        %dma_wait3A_308 = arith.constant 0 : i32
        %dma_wait3A_309 = tpu.memref_slice %arg3[%add3A_61, %multiple_of3A, %dma_wait3A_308] : memref<384x1152x128xf32, #tpu.memory_space<hbm>> -> memref<1x24x128xf32, #tpu.memory_space<hbm>>
        %dma_wait3A_310 = tpu.memref_squeeze %dma_wait3A_309 : memref<1x24x128xf32, #tpu.memory_space<hbm>> -> memref<24x128xf32, #tpu.memory_space<hbm>>
        tpu.wait_dma2 semaphore(%run_scoped3A_284 : memref<!tpu.dma_semaphore, #tpu.memory_space<semaphore_mem>>) src(%dma_wait3A_310 : memref<24x128xf32, #tpu.memory_space<hbm>>) dst(%dma_wait3A_307 : memref<24x128xf32, #tpu.memory_space<vmem>>)
        tpu.yield
      }) : () -> ()
      %mul3A_63 = arith.constant 96 : i32
      %mul3A_64 = arith.muli %select_n3A, %mul3A_63 : i32
      %add3A_65 = arith.constant 80 : i32
      %add3A_66 = arith.addi %mul3A_64, %add3A_65 : i32
      %add3A_67 = arith.constant 1 : i32
      %add3A_68 = arith.addi %add3A_66, %add3A_67 : i32
      %run_scoped3A_69 = arith.constant 1 : i32
      "tpu.region"() ({
        %run_scoped3A_284 = tpu.sem_alloc : memref<!tpu.dma_semaphore, #tpu.memory_space<semaphore_mem>>
        %dma_start3A = arith.constant 0 : i32
        %dma_start3A_285 = arith.constant 0 : i32
        %dma_start3A_286 = tpu.memref_slice %arg5[%run_scoped3A_69, %dma_start3A, %dma_start3A_285] : memref<16x24x128xf32, #tpu.memory_space<vmem>> -> memref<1x24x128xf32, #tpu.memory_space<vmem>>
        %dma_start3A_287 = tpu.memref_squeeze %dma_start3A_286 : memref<1x24x128xf32, #tpu.memory_space<vmem>> -> memref<24x128xf32, #tpu.memory_space<vmem>>
        %dma_start3A_288 = arith.constant 0 : i32
        %dma_start3A_289 = tpu.memref_slice %arg2[%add3A_68, %multiple_of3A, %dma_start3A_288] : memref<384x1152x128xf32, #tpu.memory_space<hbm>> -> memref<1x24x128xf32, #tpu.memory_space<hbm>>
        %dma_start3A_290 = tpu.memref_squeeze %dma_start3A_289 : memref<1x24x128xf32, #tpu.memory_space<hbm>> -> memref<24x128xf32, #tpu.memory_space<hbm>>
        %dma_start3A_291 = arith.constant 0 : i32
        %dma_start3A_292 = arith.constant 0 : i32
        %dma_start3A_293 = tpu.memref_slice %arg5[%run_scoped3A_69, %dma_start3A_291, %dma_start3A_292] : memref<16x24x128xf32, #tpu.memory_space<vmem>> -> memref<1x24x128xf32, #tpu.memory_space<vmem>>
        %dma_start3A_294 = tpu.memref_squeeze %dma_start3A_293 : memref<1x24x128xf32, #tpu.memory_space<vmem>> -> memref<24x128xf32, #tpu.memory_space<vmem>>
        %dma_start3A_295 = arith.constant 0 : i32
        %dma_start3A_296 = tpu.memref_slice %arg2[%add3A_68, %multiple_of3A, %dma_start3A_295] : memref<384x1152x128xf32, #tpu.memory_space<hbm>> -> memref<1x24x128xf32, #tpu.memory_space<hbm>>
        %dma_start3A_297 = tpu.memref_squeeze %dma_start3A_296 : memref<1x24x128xf32, #tpu.memory_space<hbm>> -> memref<24x128xf32, #tpu.memory_space<hbm>>
        tpu.enqueue_dma source(%dma_start3A_297 : memref<24x128xf32, #tpu.memory_space<hbm>>) target(%dma_start3A_294 : memref<24x128xf32, #tpu.memory_space<vmem>>) target_semaphore(%run_scoped3A_284 : memref<!tpu.dma_semaphore, #tpu.memory_space<semaphore_mem>>)
        %dma_wait3A = arith.constant 0 : i32
        %dma_wait3A_298 = arith.constant 0 : i32
        %dma_wait3A_299 = tpu.memref_slice %arg5[%run_scoped3A_69, %dma_wait3A, %dma_wait3A_298] : memref<16x24x128xf32, #tpu.memory_space<vmem>> -> memref<1x24x128xf32, #tpu.memory_space<vmem>>
        %dma_wait3A_300 = tpu.memref_squeeze %dma_wait3A_299 : memref<1x24x128xf32, #tpu.memory_space<vmem>> -> memref<24x128xf32, #tpu.memory_space<vmem>>
        %dma_wait3A_301 = arith.constant 0 : i32
        %dma_wait3A_302 = tpu.memref_slice %arg2[%add3A_68, %multiple_of3A, %dma_wait3A_301] : memref<384x1152x128xf32, #tpu.memory_space<hbm>> -> memref<1x24x128xf32, #tpu.memory_space<hbm>>
        %dma_wait3A_303 = tpu.memref_squeeze %dma_wait3A_302 : memref<1x24x128xf32, #tpu.memory_space<hbm>> -> memref<24x128xf32, #tpu.memory_space<hbm>>
        %dma_wait3A_304 = arith.constant 0 : i32
        %dma_wait3A_305 = arith.constant 0 : i32
        %dma_wait3A_306 = tpu.memref_slice %arg5[%run_scoped3A_69, %dma_wait3A_304, %dma_wait3A_305] : memref<16x24x128xf32, #tpu.memory_space<vmem>> -> memref<1x24x128xf32, #tpu.memory_space<vmem>>
        %dma_wait3A_307 = tpu.memref_squeeze %dma_wait3A_306 : memref<1x24x128xf32, #tpu.memory_space<vmem>> -> memref<24x128xf32, #tpu.memory_space<vmem>>
        %dma_wait3A_308 = arith.constant 0 : i32
        %dma_wait3A_309 = tpu.memref_slice %arg2[%add3A_68, %multiple_of3A, %dma_wait3A_308] : memref<384x1152x128xf32, #tpu.memory_space<hbm>> -> memref<1x24x128xf32, #tpu.memory_space<hbm>>
        %dma_wait3A_310 = tpu.memref_squeeze %dma_wait3A_309 : memref<1x24x128xf32, #tpu.memory_space<hbm>> -> memref<24x128xf32, #tpu.memory_space<hbm>>
        tpu.wait_dma2 semaphore(%run_scoped3A_284 : memref<!tpu.dma_semaphore, #tpu.memory_space<semaphore_mem>>) src(%dma_wait3A_310 : memref<24x128xf32, #tpu.memory_space<hbm>>) dst(%dma_wait3A_307 : memref<24x128xf32, #tpu.memory_space<vmem>>)
        tpu.yield
      }) : () -> ()
      %mul3A_70 = arith.constant 96 : i32
      %mul3A_71 = arith.muli %select_n3A, %mul3A_70 : i32
      %add3A_72 = arith.constant 80 : i32
      %add3A_73 = arith.addi %mul3A_71, %add3A_72 : i32
      %add3A_74 = arith.constant 1 : i32
      %add3A_75 = arith.addi %add3A_73, %add3A_74 : i32
      %run_scoped3A_76 = arith.constant 1 : i32
      "tpu.region"() ({
        %run_scoped3A_284 = tpu.sem_alloc : memref<!tpu.dma_semaphore, #tpu.memory_space<semaphore_mem>>
        %dma_start3A = arith.constant 0 : i32
        %dma_start3A_285 = arith.constant 0 : i32
        %dma_start3A_286 = tpu.memref_slice %arg6[%run_scoped3A_76, %dma_start3A, %dma_start3A_285] : memref<16x24x128xf32, #tpu.memory_space<vmem>> -> memref<1x24x128xf32, #tpu.memory_space<vmem>>
        %dma_start3A_287 = tpu.memref_squeeze %dma_start3A_286 : memref<1x24x128xf32, #tpu.memory_space<vmem>> -> memref<24x128xf32, #tpu.memory_space<vmem>>
        %dma_start3A_288 = arith.constant 0 : i32
        %dma_start3A_289 = tpu.memref_slice %arg3[%add3A_75, %multiple_of3A, %dma_start3A_288] : memref<384x1152x128xf32, #tpu.memory_space<hbm>> -> memref<1x24x128xf32, #tpu.memory_space<hbm>>
        %dma_start3A_290 = tpu.memref_squeeze %dma_start3A_289 : memref<1x24x128xf32, #tpu.memory_space<hbm>> -> memref<24x128xf32, #tpu.memory_space<hbm>>
        %dma_start3A_291 = arith.constant 0 : i32
        %dma_start3A_292 = arith.constant 0 : i32
        %dma_start3A_293 = tpu.memref_slice %arg6[%run_scoped3A_76, %dma_start3A_291, %dma_start3A_292] : memref<16x24x128xf32, #tpu.memory_space<vmem>> -> memref<1x24x128xf32, #tpu.memory_space<vmem>>
        %dma_start3A_294 = tpu.memref_squeeze %dma_start3A_293 : memref<1x24x128xf32, #tpu.memory_space<vmem>> -> memref<24x128xf32, #tpu.memory_space<vmem>>
        %dma_start3A_295 = arith.constant 0 : i32
        %dma_start3A_296 = tpu.memref_slice %arg3[%add3A_75, %multiple_of3A, %dma_start3A_295] : memref<384x1152x128xf32, #tpu.memory_space<hbm>> -> memref<1x24x128xf32, #tpu.memory_space<hbm>>
        %dma_start3A_297 = tpu.memref_squeeze %dma_start3A_296 : memref<1x24x128xf32, #tpu.memory_space<hbm>> -> memref<24x128xf32, #tpu.memory_space<hbm>>
        tpu.enqueue_dma source(%dma_start3A_297 : memref<24x128xf32, #tpu.memory_space<hbm>>) target(%dma_start3A_294 : memref<24x128xf32, #tpu.memory_space<vmem>>) target_semaphore(%run_scoped3A_284 : memref<!tpu.dma_semaphore, #tpu.memory_space<semaphore_mem>>)
        %dma_wait3A = arith.constant 0 : i32
        %dma_wait3A_298 = arith.constant 0 : i32
        %dma_wait3A_299 = tpu.memref_slice %arg6[%run_scoped3A_76, %dma_wait3A, %dma_wait3A_298] : memref<16x24x128xf32, #tpu.memory_space<vmem>> -> memref<1x24x128xf32, #tpu.memory_space<vmem>>
        %dma_wait3A_300 = tpu.memref_squeeze %dma_wait3A_299 : memref<1x24x128xf32, #tpu.memory_space<vmem>> -> memref<24x128xf32, #tpu.memory_space<vmem>>
        %dma_wait3A_301 = arith.constant 0 : i32
        %dma_wait3A_302 = tpu.memref_slice %arg3[%add3A_75, %multiple_of3A, %dma_wait3A_301] : memref<384x1152x128xf32, #tpu.memory_space<hbm>> -> memref<1x24x128xf32, #tpu.memory_space<hbm>>
        %dma_wait3A_303 = tpu.memref_squeeze %dma_wait3A_302 : memref<1x24x128xf32, #tpu.memory_space<hbm>> -> memref<24x128xf32, #tpu.memory_space<hbm>>
        %dma_wait3A_304 = arith.constant 0 : i32
        %dma_wait3A_305 = arith.constant 0 : i32
        %dma_wait3A_306 = tpu.memref_slice %arg6[%run_scoped3A_76, %dma_wait3A_304, %dma_wait3A_305] : memref<16x24x128xf32, #tpu.memory_space<vmem>> -> memref<1x24x128xf32, #tpu.memory_space<vmem>>
        %dma_wait3A_307 = tpu.memref_squeeze %dma_wait3A_306 : memref<1x24x128xf32, #tpu.memory_space<vmem>> -> memref<24x128xf32, #tpu.memory_space<vmem>>
        %dma_wait3A_308 = arith.constant 0 : i32
        %dma_wait3A_309 = tpu.memref_slice %arg3[%add3A_75, %multiple_of3A, %dma_wait3A_308] : memref<384x1152x128xf32, #tpu.memory_space<hbm>> -> memref<1x24x128xf32, #tpu.memory_space<hbm>>
        %dma_wait3A_310 = tpu.memref_squeeze %dma_wait3A_309 : memref<1x24x128xf32, #tpu.memory_space<hbm>> -> memref<24x128xf32, #tpu.memory_space<hbm>>
        tpu.wait_dma2 semaphore(%run_scoped3A_284 : memref<!tpu.dma_semaphore, #tpu.memory_space<semaphore_mem>>) src(%dma_wait3A_310 : memref<24x128xf32, #tpu.memory_space<hbm>>) dst(%dma_wait3A_307 : memref<24x128xf32, #tpu.memory_space<vmem>>)
        tpu.yield
      }) : () -> ()
      %mul3A_77 = arith.constant 96 : i32
      %mul3A_78 = arith.muli %select_n3A, %mul3A_77 : i32
      %add3A_79 = arith.constant 80 : i32
      %add3A_80 = arith.addi %mul3A_78, %add3A_79 : i32
      %add3A_81 = arith.constant 2 : i32
      %add3A_82 = arith.addi %add3A_80, %add3A_81 : i32
      %run_scoped3A_83 = arith.constant 2 : i32
      "tpu.region"() ({
        %run_scoped3A_284 = tpu.sem_alloc : memref<!tpu.dma_semaphore, #tpu.memory_space<semaphore_mem>>
        %dma_start3A = arith.constant 0 : i32
        %dma_start3A_285 = arith.constant 0 : i32
        %dma_start3A_286 = tpu.memref_slice %arg5[%run_scoped3A_83, %dma_start3A, %dma_start3A_285] : memref<16x24x128xf32, #tpu.memory_space<vmem>> -> memref<1x24x128xf32, #tpu.memory_space<vmem>>
        %dma_start3A_287 = tpu.memref_squeeze %dma_start3A_286 : memref<1x24x128xf32, #tpu.memory_space<vmem>> -> memref<24x128xf32, #tpu.memory_space<vmem>>
        %dma_start3A_288 = arith.constant 0 : i32
        %dma_start3A_289 = tpu.memref_slice %arg2[%add3A_82, %multiple_of3A, %dma_start3A_288] : memref<384x1152x128xf32, #tpu.memory_space<hbm>> -> memref<1x24x128xf32, #tpu.memory_space<hbm>>
        %dma_start3A_290 = tpu.memref_squeeze %dma_start3A_289 : memref<1x24x128xf32, #tpu.memory_space<hbm>> -> memref<24x128xf32, #tpu.memory_space<hbm>>
        %dma_start3A_291 = arith.constant 0 : i32
        %dma_start3A_292 = arith.constant 0 : i32
        %dma_start3A_293 = tpu.memref_slice %arg5[%run_scoped3A_83, %dma_start3A_291, %dma_start3A_292] : memref<16x24x128xf32, #tpu.memory_space<vmem>> -> memref<1x24x128xf32, #tpu.memory_space<vmem>>
        %dma_start3A_294 = tpu.memref_squeeze %dma_start3A_293 : memref<1x24x128xf32, #tpu.memory_space<vmem>> -> memref<24x128xf32, #tpu.memory_space<vmem>>
        %dma_start3A_295 = arith.constant 0 : i32
        %dma_start3A_296 = tpu.memref_slice %arg2[%add3A_82, %multiple_of3A, %dma_start3A_295] : memref<384x1152x128xf32, #tpu.memory_space<hbm>> -> memref<1x24x128xf32, #tpu.memory_space<hbm>>
        %dma_start3A_297 = tpu.memref_squeeze %dma_start3A_296 : memref<1x24x128xf32, #tpu.memory_space<hbm>> -> memref<24x128xf32, #tpu.memory_space<hbm>>
        tpu.enqueue_dma source(%dma_start3A_297 : memref<24x128xf32, #tpu.memory_space<hbm>>) target(%dma_start3A_294 : memref<24x128xf32, #tpu.memory_space<vmem>>) target_semaphore(%run_scoped3A_284 : memref<!tpu.dma_semaphore, #tpu.memory_space<semaphore_mem>>)
        %dma_wait3A = arith.constant 0 : i32
        %dma_wait3A_298 = arith.constant 0 : i32
        %dma_wait3A_299 = tpu.memref_slice %arg5[%run_scoped3A_83, %dma_wait3A, %dma_wait3A_298] : memref<16x24x128xf32, #tpu.memory_space<vmem>> -> memref<1x24x128xf32, #tpu.memory_space<vmem>>
        %dma_wait3A_300 = tpu.memref_squeeze %dma_wait3A_299 : memref<1x24x128xf32, #tpu.memory_space<vmem>> -> memref<24x128xf32, #tpu.memory_space<vmem>>
        %dma_wait3A_301 = arith.constant 0 : i32
        %dma_wait3A_302 = tpu.memref_slice %arg2[%add3A_82, %multiple_of3A, %dma_wait3A_301] : memref<384x1152x128xf32, #tpu.memory_space<hbm>> -> memref<1x24x128xf32, #tpu.memory_space<hbm>>
        %dma_wait3A_303 = tpu.memref_squeeze %dma_wait3A_302 : memref<1x24x128xf32, #tpu.memory_space<hbm>> -> memref<24x128xf32, #tpu.memory_space<hbm>>
        %dma_wait3A_304 = arith.constant 0 : i32
        %dma_wait3A_305 = arith.constant 0 : i32
        %dma_wait3A_306 = tpu.memref_slice %arg5[%run_scoped3A_83, %dma_wait3A_304, %dma_wait3A_305] : memref<16x24x128xf32, #tpu.memory_space<vmem>> -> memref<1x24x128xf32, #tpu.memory_space<vmem>>
        %dma_wait3A_307 = tpu.memref_squeeze %dma_wait3A_306 : memref<1x24x128xf32, #tpu.memory_space<vmem>> -> memref<24x128xf32, #tpu.memory_space<vmem>>
        %dma_wait3A_308 = arith.constant 0 : i32
        %dma_wait3A_309 = tpu.memref_slice %arg2[%add3A_82, %multiple_of3A, %dma_wait3A_308] : memref<384x1152x128xf32, #tpu.memory_space<hbm>> -> memref<1x24x128xf32, #tpu.memory_space<hbm>>
        %dma_wait3A_310 = tpu.memref_squeeze %dma_wait3A_309 : memref<1x24x128xf32, #tpu.memory_space<hbm>> -> memref<24x128xf32, #tpu.memory_space<hbm>>
        tpu.wait_dma2 semaphore(%run_scoped3A_284 : memref<!tpu.dma_semaphore, #tpu.memory_space<semaphore_mem>>) src(%dma_wait3A_310 : memref<24x128xf32, #tpu.memory_space<hbm>>) dst(%dma_wait3A_307 : memref<24x128xf32, #tpu.memory_space<vmem>>)
        tpu.yield
      }) : () -> ()
      %mul3A_84 = arith.constant 96 : i32
      %mul3A_85 = arith.muli %select_n3A, %mul3A_84 : i32
      %add3A_86 = arith.constant 80 : i32
      %add3A_87 = arith.addi %mul3A_85, %add3A_86 : i32
      %add3A_88 = arith.constant 2 : i32
      %add3A_89 = arith.addi %add3A_87, %add3A_88 : i32
      %run_scoped3A_90 = arith.constant 2 : i32
      "tpu.region"() ({
        %run_scoped3A_284 = tpu.sem_alloc : memref<!tpu.dma_semaphore, #tpu.memory_space<semaphore_mem>>
        %dma_start3A = arith.constant 0 : i32
        %dma_start3A_285 = arith.constant 0 : i32
        %dma_start3A_286 = tpu.memref_slice %arg6[%run_scoped3A_90, %dma_start3A, %dma_start3A_285] : memref<16x24x128xf32, #tpu.memory_space<vmem>> -> memref<1x24x128xf32, #tpu.memory_space<vmem>>
        %dma_start3A_287 = tpu.memref_squeeze %dma_start3A_286 : memref<1x24x128xf32, #tpu.memory_space<vmem>> -> memref<24x128xf32, #tpu.memory_space<vmem>>
        %dma_start3A_288 = arith.constant 0 : i32
        %dma_start3A_289 = tpu.memref_slice %arg3[%add3A_89, %multiple_of3A, %dma_start3A_288] : memref<384x1152x128xf32, #tpu.memory_space<hbm>> -> memref<1x24x128xf32, #tpu.memory_space<hbm>>
        %dma_start3A_290 = tpu.memref_squeeze %dma_start3A_289 : memref<1x24x128xf32, #tpu.memory_space<hbm>> -> memref<24x128xf32, #tpu.memory_space<hbm>>
        %dma_start3A_291 = arith.constant 0 : i32
        %dma_start3A_292 = arith.constant 0 : i32
        %dma_start3A_293 = tpu.memref_slice %arg6[%run_scoped3A_90, %dma_start3A_291, %dma_start3A_292] : memref<16x24x128xf32, #tpu.memory_space<vmem>> -> memref<1x24x128xf32, #tpu.memory_space<vmem>>
        %dma_start3A_294 = tpu.memref_squeeze %dma_start3A_293 : memref<1x24x128xf32, #tpu.memory_space<vmem>> -> memref<24x128xf32, #tpu.memory_space<vmem>>
        %dma_start3A_295 = arith.constant 0 : i32
        %dma_start3A_296 = tpu.memref_slice %arg3[%add3A_89, %multiple_of3A, %dma_start3A_295] : memref<384x1152x128xf32, #tpu.memory_space<hbm>> -> memref<1x24x128xf32, #tpu.memory_space<hbm>>
        %dma_start3A_297 = tpu.memref_squeeze %dma_start3A_296 : memref<1x24x128xf32, #tpu.memory_space<hbm>> -> memref<24x128xf32, #tpu.memory_space<hbm>>
        tpu.enqueue_dma source(%dma_start3A_297 : memref<24x128xf32, #tpu.memory_space<hbm>>) target(%dma_start3A_294 : memref<24x128xf32, #tpu.memory_space<vmem>>) target_semaphore(%run_scoped3A_284 : memref<!tpu.dma_semaphore, #tpu.memory_space<semaphore_mem>>)
        %dma_wait3A = arith.constant 0 : i32
        %dma_wait3A_298 = arith.constant 0 : i32
        %dma_wait3A_299 = tpu.memref_slice %arg6[%run_scoped3A_90, %dma_wait3A, %dma_wait3A_298] : memref<16x24x128xf32, #tpu.memory_space<vmem>> -> memref<1x24x128xf32, #tpu.memory_space<vmem>>
        %dma_wait3A_300 = tpu.memref_squeeze %dma_wait3A_299 : memref<1x24x128xf32, #tpu.memory_space<vmem>> -> memref<24x128xf32, #tpu.memory_space<vmem>>
        %dma_wait3A_301 = arith.constant 0 : i32
        %dma_wait3A_302 = tpu.memref_slice %arg3[%add3A_89, %multiple_of3A, %dma_wait3A_301] : memref<384x1152x128xf32, #tpu.memory_space<hbm>> -> memref<1x24x128xf32, #tpu.memory_space<hbm>>
        %dma_wait3A_303 = tpu.memref_squeeze %dma_wait3A_302 : memref<1x24x128xf32, #tpu.memory_space<hbm>> -> memref<24x128xf32, #tpu.memory_space<hbm>>
        %dma_wait3A_304 = arith.constant 0 : i32
        %dma_wait3A_305 = arith.constant 0 : i32
        %dma_wait3A_306 = tpu.memref_slice %arg6[%run_scoped3A_90, %dma_wait3A_304, %dma_wait3A_305] : memref<16x24x128xf32, #tpu.memory_space<vmem>> -> memref<1x24x128xf32, #tpu.memory_space<vmem>>
        %dma_wait3A_307 = tpu.memref_squeeze %dma_wait3A_306 : memref<1x24x128xf32, #tpu.memory_space<vmem>> -> memref<24x128xf32, #tpu.memory_space<vmem>>
        %dma_wait3A_308 = arith.constant 0 : i32
        %dma_wait3A_309 = tpu.memref_slice %arg3[%add3A_89, %multiple_of3A, %dma_wait3A_308] : memref<384x1152x128xf32, #tpu.memory_space<hbm>> -> memref<1x24x128xf32, #tpu.memory_space<hbm>>
        %dma_wait3A_310 = tpu.memref_squeeze %dma_wait3A_309 : memref<1x24x128xf32, #tpu.memory_space<hbm>> -> memref<24x128xf32, #tpu.memory_space<hbm>>
        tpu.wait_dma2 semaphore(%run_scoped3A_284 : memref<!tpu.dma_semaphore, #tpu.memory_space<semaphore_mem>>) src(%dma_wait3A_310 : memref<24x128xf32, #tpu.memory_space<hbm>>) dst(%dma_wait3A_307 : memref<24x128xf32, #tpu.memory_space<vmem>>)
        tpu.yield
      }) : () -> ()
      %mul3A_91 = arith.constant 96 : i32
      %mul3A_92 = arith.muli %select_n3A, %mul3A_91 : i32
      %add3A_93 = arith.constant 80 : i32
      %add3A_94 = arith.addi %mul3A_92, %add3A_93 : i32
      %add3A_95 = arith.constant 3 : i32
      %add3A_96 = arith.addi %add3A_94, %add3A_95 : i32
      %run_scoped3A_97 = arith.constant 3 : i32
      "tpu.region"() ({
        %run_scoped3A_284 = tpu.sem_alloc : memref<!tpu.dma_semaphore, #tpu.memory_space<semaphore_mem>>
        %dma_start3A = arith.constant 0 : i32
        %dma_start3A_285 = arith.constant 0 : i32
        %dma_start3A_286 = tpu.memref_slice %arg5[%run_scoped3A_97, %dma_start3A, %dma_start3A_285] : memref<16x24x128xf32, #tpu.memory_space<vmem>> -> memref<1x24x128xf32, #tpu.memory_space<vmem>>
        %dma_start3A_287 = tpu.memref_squeeze %dma_start3A_286 : memref<1x24x128xf32, #tpu.memory_space<vmem>> -> memref<24x128xf32, #tpu.memory_space<vmem>>
        %dma_start3A_288 = arith.constant 0 : i32
        %dma_start3A_289 = tpu.memref_slice %arg2[%add3A_96, %multiple_of3A, %dma_start3A_288] : memref<384x1152x128xf32, #tpu.memory_space<hbm>> -> memref<1x24x128xf32, #tpu.memory_space<hbm>>
        %dma_start3A_290 = tpu.memref_squeeze %dma_start3A_289 : memref<1x24x128xf32, #tpu.memory_space<hbm>> -> memref<24x128xf32, #tpu.memory_space<hbm>>
        %dma_start3A_291 = arith.constant 0 : i32
        %dma_start3A_292 = arith.constant 0 : i32
        %dma_start3A_293 = tpu.memref_slice %arg5[%run_scoped3A_97, %dma_start3A_291, %dma_start3A_292] : memref<16x24x128xf32, #tpu.memory_space<vmem>> -> memref<1x24x128xf32, #tpu.memory_space<vmem>>
        %dma_start3A_294 = tpu.memref_squeeze %dma_start3A_293 : memref<1x24x128xf32, #tpu.memory_space<vmem>> -> memref<24x128xf32, #tpu.memory_space<vmem>>
        %dma_start3A_295 = arith.constant 0 : i32
        %dma_start3A_296 = tpu.memref_slice %arg2[%add3A_96, %multiple_of3A, %dma_start3A_295] : memref<384x1152x128xf32, #tpu.memory_space<hbm>> -> memref<1x24x128xf32, #tpu.memory_space<hbm>>
        %dma_start3A_297 = tpu.memref_squeeze %dma_start3A_296 : memref<1x24x128xf32, #tpu.memory_space<hbm>> -> memref<24x128xf32, #tpu.memory_space<hbm>>
        tpu.enqueue_dma source(%dma_start3A_297 : memref<24x128xf32, #tpu.memory_space<hbm>>) target(%dma_start3A_294 : memref<24x128xf32, #tpu.memory_space<vmem>>) target_semaphore(%run_scoped3A_284 : memref<!tpu.dma_semaphore, #tpu.memory_space<semaphore_mem>>)
        %dma_wait3A = arith.constant 0 : i32
        %dma_wait3A_298 = arith.constant 0 : i32
        %dma_wait3A_299 = tpu.memref_slice %arg5[%run_scoped3A_97, %dma_wait3A, %dma_wait3A_298] : memref<16x24x128xf32, #tpu.memory_space<vmem>> -> memref<1x24x128xf32, #tpu.memory_space<vmem>>
        %dma_wait3A_300 = tpu.memref_squeeze %dma_wait3A_299 : memref<1x24x128xf32, #tpu.memory_space<vmem>> -> memref<24x128xf32, #tpu.memory_space<vmem>>
        %dma_wait3A_301 = arith.constant 0 : i32
        %dma_wait3A_302 = tpu.memref_slice %arg2[%add3A_96, %multiple_of3A, %dma_wait3A_301] : memref<384x1152x128xf32, #tpu.memory_space<hbm>> -> memref<1x24x128xf32, #tpu.memory_space<hbm>>
        %dma_wait3A_303 = tpu.memref_squeeze %dma_wait3A_302 : memref<1x24x128xf32, #tpu.memory_space<hbm>> -> memref<24x128xf32, #tpu.memory_space<hbm>>
        %dma_wait3A_304 = arith.constant 0 : i32
        %dma_wait3A_305 = arith.constant 0 : i32
        %dma_wait3A_306 = tpu.memref_slice %arg5[%run_scoped3A_97, %dma_wait3A_304, %dma_wait3A_305] : memref<16x24x128xf32, #tpu.memory_space<vmem>> -> memref<1x24x128xf32, #tpu.memory_space<vmem>>
        %dma_wait3A_307 = tpu.memref_squeeze %dma_wait3A_306 : memref<1x24x128xf32, #tpu.memory_space<vmem>> -> memref<24x128xf32, #tpu.memory_space<vmem>>
        %dma_wait3A_308 = arith.constant 0 : i32
        %dma_wait3A_309 = tpu.memref_slice %arg2[%add3A_96, %multiple_of3A, %dma_wait3A_308] : memref<384x1152x128xf32, #tpu.memory_space<hbm>> -> memref<1x24x128xf32, #tpu.memory_space<hbm>>
        %dma_wait3A_310 = tpu.memref_squeeze %dma_wait3A_309 : memref<1x24x128xf32, #tpu.memory_space<hbm>> -> memref<24x128xf32, #tpu.memory_space<hbm>>
        tpu.wait_dma2 semaphore(%run_scoped3A_284 : memref<!tpu.dma_semaphore, #tpu.memory_space<semaphore_mem>>) src(%dma_wait3A_310 : memref<24x128xf32, #tpu.memory_space<hbm>>) dst(%dma_wait3A_307 : memref<24x128xf32, #tpu.memory_space<vmem>>)
        tpu.yield
      }) : () -> ()
      %mul3A_98 = arith.constant 96 : i32
      %mul3A_99 = arith.muli %select_n3A, %mul3A_98 : i32
      %add3A_100 = arith.constant 80 : i32
      %add3A_101 = arith.addi %mul3A_99, %add3A_100 : i32
      %add3A_102 = arith.constant 3 : i32
      %add3A_103 = arith.addi %add3A_101, %add3A_102 : i32
      %run_scoped3A_104 = arith.constant 3 : i32
      "tpu.region"() ({
        %run_scoped3A_284 = tpu.sem_alloc : memref<!tpu.dma_semaphore, #tpu.memory_space<semaphore_mem>>
        %dma_start3A = arith.constant 0 : i32
        %dma_start3A_285 = arith.constant 0 : i32
        %dma_start3A_286 = tpu.memref_slice %arg6[%run_scoped3A_104, %dma_start3A, %dma_start3A_285] : memref<16x24x128xf32, #tpu.memory_space<vmem>> -> memref<1x24x128xf32, #tpu.memory_space<vmem>>
        %dma_start3A_287 = tpu.memref_squeeze %dma_start3A_286 : memref<1x24x128xf32, #tpu.memory_space<vmem>> -> memref<24x128xf32, #tpu.memory_space<vmem>>
        %dma_start3A_288 = arith.constant 0 : i32
        %dma_start3A_289 = tpu.memref_slice %arg3[%add3A_103, %multiple_of3A, %dma_start3A_288] : memref<384x1152x128xf32, #tpu.memory_space<hbm>> -> memref<1x24x128xf32, #tpu.memory_space<hbm>>
        %dma_start3A_290 = tpu.memref_squeeze %dma_start3A_289 : memref<1x24x128xf32, #tpu.memory_space<hbm>> -> memref<24x128xf32, #tpu.memory_space<hbm>>
        %dma_start3A_291 = arith.constant 0 : i32
        %dma_start3A_292 = arith.constant 0 : i32
        %dma_start3A_293 = tpu.memref_slice %arg6[%run_scoped3A_104, %dma_start3A_291, %dma_start3A_292] : memref<16x24x128xf32, #tpu.memory_space<vmem>> -> memref<1x24x128xf32, #tpu.memory_space<vmem>>
        %dma_start3A_294 = tpu.memref_squeeze %dma_start3A_293 : memref<1x24x128xf32, #tpu.memory_space<vmem>> -> memref<24x128xf32, #tpu.memory_space<vmem>>
        %dma_start3A_295 = arith.constant 0 : i32
        %dma_start3A_296 = tpu.memref_slice %arg3[%add3A_103, %multiple_of3A, %dma_start3A_295] : memref<384x1152x128xf32, #tpu.memory_space<hbm>> -> memref<1x24x128xf32, #tpu.memory_space<hbm>>
        %dma_start3A_297 = tpu.memref_squeeze %dma_start3A_296 : memref<1x24x128xf32, #tpu.memory_space<hbm>> -> memref<24x128xf32, #tpu.memory_space<hbm>>
        tpu.enqueue_dma source(%dma_start3A_297 : memref<24x128xf32, #tpu.memory_space<hbm>>) target(%dma_start3A_294 : memref<24x128xf32, #tpu.memory_space<vmem>>) target_semaphore(%run_scoped3A_284 : memref<!tpu.dma_semaphore, #tpu.memory_space<semaphore_mem>>)
        %dma_wait3A = arith.constant 0 : i32
        %dma_wait3A_298 = arith.constant 0 : i32
        %dma_wait3A_299 = tpu.memref_slice %arg6[%run_scoped3A_104, %dma_wait3A, %dma_wait3A_298] : memref<16x24x128xf32, #tpu.memory_space<vmem>> -> memref<1x24x128xf32, #tpu.memory_space<vmem>>
        %dma_wait3A_300 = tpu.memref_squeeze %dma_wait3A_299 : memref<1x24x128xf32, #tpu.memory_space<vmem>> -> memref<24x128xf32, #tpu.memory_space<vmem>>
        %dma_wait3A_301 = arith.constant 0 : i32
        %dma_wait3A_302 = tpu.memref_slice %arg3[%add3A_103, %multiple_of3A, %dma_wait3A_301] : memref<384x1152x128xf32, #tpu.memory_space<hbm>> -> memref<1x24x128xf32, #tpu.memory_space<hbm>>
        %dma_wait3A_303 = tpu.memref_squeeze %dma_wait3A_302 : memref<1x24x128xf32, #tpu.memory_space<hbm>> -> memref<24x128xf32, #tpu.memory_space<hbm>>
        %dma_wait3A_304 = arith.constant 0 : i32
        %dma_wait3A_305 = arith.constant 0 : i32
        %dma_wait3A_306 = tpu.memref_slice %arg6[%run_scoped3A_104, %dma_wait3A_304, %dma_wait3A_305] : memref<16x24x128xf32, #tpu.memory_space<vmem>> -> memref<1x24x128xf32, #tpu.memory_space<vmem>>
        %dma_wait3A_307 = tpu.memref_squeeze %dma_wait3A_306 : memref<1x24x128xf32, #tpu.memory_space<vmem>> -> memref<24x128xf32, #tpu.memory_space<vmem>>
        %dma_wait3A_308 = arith.constant 0 : i32
        %dma_wait3A_309 = tpu.memref_slice %arg3[%add3A_103, %multiple_of3A, %dma_wait3A_308] : memref<384x1152x128xf32, #tpu.memory_space<hbm>> -> memref<1x24x128xf32, #tpu.memory_space<hbm>>
        %dma_wait3A_310 = tpu.memref_squeeze %dma_wait3A_309 : memref<1x24x128xf32, #tpu.memory_space<hbm>> -> memref<24x128xf32, #tpu.memory_space<hbm>>
        tpu.wait_dma2 semaphore(%run_scoped3A_284 : memref<!tpu.dma_semaphore, #tpu.memory_space<semaphore_mem>>) src(%dma_wait3A_310 : memref<24x128xf32, #tpu.memory_space<hbm>>) dst(%dma_wait3A_307 : memref<24x128xf32, #tpu.memory_space<vmem>>)
        tpu.yield
      }) : () -> ()
      %mul3A_105 = arith.constant 96 : i32
      %mul3A_106 = arith.muli %select_n3A, %mul3A_105 : i32
      %add3A_107 = arith.constant 80 : i32
      %add3A_108 = arith.addi %mul3A_106, %add3A_107 : i32
      %add3A_109 = arith.constant 4 : i32
      %add3A_110 = arith.addi %add3A_108, %add3A_109 : i32
      %run_scoped3A_111 = arith.constant 4 : i32
      "tpu.region"() ({
        %run_scoped3A_284 = tpu.sem_alloc : memref<!tpu.dma_semaphore, #tpu.memory_space<semaphore_mem>>
        %dma_start3A = arith.constant 0 : i32
        %dma_start3A_285 = arith.constant 0 : i32
        %dma_start3A_286 = tpu.memref_slice %arg5[%run_scoped3A_111, %dma_start3A, %dma_start3A_285] : memref<16x24x128xf32, #tpu.memory_space<vmem>> -> memref<1x24x128xf32, #tpu.memory_space<vmem>>
        %dma_start3A_287 = tpu.memref_squeeze %dma_start3A_286 : memref<1x24x128xf32, #tpu.memory_space<vmem>> -> memref<24x128xf32, #tpu.memory_space<vmem>>
        %dma_start3A_288 = arith.constant 0 : i32
        %dma_start3A_289 = tpu.memref_slice %arg2[%add3A_110, %multiple_of3A, %dma_start3A_288] : memref<384x1152x128xf32, #tpu.memory_space<hbm>> -> memref<1x24x128xf32, #tpu.memory_space<hbm>>
        %dma_start3A_290 = tpu.memref_squeeze %dma_start3A_289 : memref<1x24x128xf32, #tpu.memory_space<hbm>> -> memref<24x128xf32, #tpu.memory_space<hbm>>
        %dma_start3A_291 = arith.constant 0 : i32
        %dma_start3A_292 = arith.constant 0 : i32
        %dma_start3A_293 = tpu.memref_slice %arg5[%run_scoped3A_111, %dma_start3A_291, %dma_start3A_292] : memref<16x24x128xf32, #tpu.memory_space<vmem>> -> memref<1x24x128xf32, #tpu.memory_space<vmem>>
        %dma_start3A_294 = tpu.memref_squeeze %dma_start3A_293 : memref<1x24x128xf32, #tpu.memory_space<vmem>> -> memref<24x128xf32, #tpu.memory_space<vmem>>
        %dma_start3A_295 = arith.constant 0 : i32
        %dma_start3A_296 = tpu.memref_slice %arg2[%add3A_110, %multiple_of3A, %dma_start3A_295] : memref<384x1152x128xf32, #tpu.memory_space<hbm>> -> memref<1x24x128xf32, #tpu.memory_space<hbm>>
        %dma_start3A_297 = tpu.memref_squeeze %dma_start3A_296 : memref<1x24x128xf32, #tpu.memory_space<hbm>> -> memref<24x128xf32, #tpu.memory_space<hbm>>
        tpu.enqueue_dma source(%dma_start3A_297 : memref<24x128xf32, #tpu.memory_space<hbm>>) target(%dma_start3A_294 : memref<24x128xf32, #tpu.memory_space<vmem>>) target_semaphore(%run_scoped3A_284 : memref<!tpu.dma_semaphore, #tpu.memory_space<semaphore_mem>>)
        %dma_wait3A = arith.constant 0 : i32
        %dma_wait3A_298 = arith.constant 0 : i32
        %dma_wait3A_299 = tpu.memref_slice %arg5[%run_scoped3A_111, %dma_wait3A, %dma_wait3A_298] : memref<16x24x128xf32, #tpu.memory_space<vmem>> -> memref<1x24x128xf32, #tpu.memory_space<vmem>>
        %dma_wait3A_300 = tpu.memref_squeeze %dma_wait3A_299 : memref<1x24x128xf32, #tpu.memory_space<vmem>> -> memref<24x128xf32, #tpu.memory_space<vmem>>
        %dma_wait3A_301 = arith.constant 0 : i32
        %dma_wait3A_302 = tpu.memref_slice %arg2[%add3A_110, %multiple_of3A, %dma_wait3A_301] : memref<384x1152x128xf32, #tpu.memory_space<hbm>> -> memref<1x24x128xf32, #tpu.memory_space<hbm>>
        %dma_wait3A_303 = tpu.memref_squeeze %dma_wait3A_302 : memref<1x24x128xf32, #tpu.memory_space<hbm>> -> memref<24x128xf32, #tpu.memory_space<hbm>>
        %dma_wait3A_304 = arith.constant 0 : i32
        %dma_wait3A_305 = arith.constant 0 : i32
        %dma_wait3A_306 = tpu.memref_slice %arg5[%run_scoped3A_111, %dma_wait3A_304, %dma_wait3A_305] : memref<16x24x128xf32, #tpu.memory_space<vmem>> -> memref<1x24x128xf32, #tpu.memory_space<vmem>>
        %dma_wait3A_307 = tpu.memref_squeeze %dma_wait3A_306 : memref<1x24x128xf32, #tpu.memory_space<vmem>> -> memref<24x128xf32, #tpu.memory_space<vmem>>
        %dma_wait3A_308 = arith.constant 0 : i32
        %dma_wait3A_309 = tpu.memref_slice %arg2[%add3A_110, %multiple_of3A, %dma_wait3A_308] : memref<384x1152x128xf32, #tpu.memory_space<hbm>> -> memref<1x24x128xf32, #tpu.memory_space<hbm>>
        %dma_wait3A_310 = tpu.memref_squeeze %dma_wait3A_309 : memref<1x24x128xf32, #tpu.memory_space<hbm>> -> memref<24x128xf32, #tpu.memory_space<hbm>>
        tpu.wait_dma2 semaphore(%run_scoped3A_284 : memref<!tpu.dma_semaphore, #tpu.memory_space<semaphore_mem>>) src(%dma_wait3A_310 : memref<24x128xf32, #tpu.memory_space<hbm>>) dst(%dma_wait3A_307 : memref<24x128xf32, #tpu.memory_space<vmem>>)
        tpu.yield
      }) : () -> ()
      %mul3A_112 = arith.constant 96 : i32
      %mul3A_113 = arith.muli %select_n3A, %mul3A_112 : i32
      %add3A_114 = arith.constant 80 : i32
      %add3A_115 = arith.addi %mul3A_113, %add3A_114 : i32
      %add3A_116 = arith.constant 4 : i32
      %add3A_117 = arith.addi %add3A_115, %add3A_116 : i32
      %run_scoped3A_118 = arith.constant 4 : i32
      "tpu.region"() ({
        %run_scoped3A_284 = tpu.sem_alloc : memref<!tpu.dma_semaphore, #tpu.memory_space<semaphore_mem>>
        %dma_start3A = arith.constant 0 : i32
        %dma_start3A_285 = arith.constant 0 : i32
        %dma_start3A_286 = tpu.memref_slice %arg6[%run_scoped3A_118, %dma_start3A, %dma_start3A_285] : memref<16x24x128xf32, #tpu.memory_space<vmem>> -> memref<1x24x128xf32, #tpu.memory_space<vmem>>
        %dma_start3A_287 = tpu.memref_squeeze %dma_start3A_286 : memref<1x24x128xf32, #tpu.memory_space<vmem>> -> memref<24x128xf32, #tpu.memory_space<vmem>>
        %dma_start3A_288 = arith.constant 0 : i32
        %dma_start3A_289 = tpu.memref_slice %arg3[%add3A_117, %multiple_of3A, %dma_start3A_288] : memref<384x1152x128xf32, #tpu.memory_space<hbm>> -> memref<1x24x128xf32, #tpu.memory_space<hbm>>
        %dma_start3A_290 = tpu.memref_squeeze %dma_start3A_289 : memref<1x24x128xf32, #tpu.memory_space<hbm>> -> memref<24x128xf32, #tpu.memory_space<hbm>>
        %dma_start3A_291 = arith.constant 0 : i32
        %dma_start3A_292 = arith.constant 0 : i32
        %dma_start3A_293 = tpu.memref_slice %arg6[%run_scoped3A_118, %dma_start3A_291, %dma_start3A_292] : memref<16x24x128xf32, #tpu.memory_space<vmem>> -> memref<1x24x128xf32, #tpu.memory_space<vmem>>
        %dma_start3A_294 = tpu.memref_squeeze %dma_start3A_293 : memref<1x24x128xf32, #tpu.memory_space<vmem>> -> memref<24x128xf32, #tpu.memory_space<vmem>>
        %dma_start3A_295 = arith.constant 0 : i32
        %dma_start3A_296 = tpu.memref_slice %arg3[%add3A_117, %multiple_of3A, %dma_start3A_295] : memref<384x1152x128xf32, #tpu.memory_space<hbm>> -> memref<1x24x128xf32, #tpu.memory_space<hbm>>
        %dma_start3A_297 = tpu.memref_squeeze %dma_start3A_296 : memref<1x24x128xf32, #tpu.memory_space<hbm>> -> memref<24x128xf32, #tpu.memory_space<hbm>>
        tpu.enqueue_dma source(%dma_start3A_297 : memref<24x128xf32, #tpu.memory_space<hbm>>) target(%dma_start3A_294 : memref<24x128xf32, #tpu.memory_space<vmem>>) target_semaphore(%run_scoped3A_284 : memref<!tpu.dma_semaphore, #tpu.memory_space<semaphore_mem>>)
        %dma_wait3A = arith.constant 0 : i32
        %dma_wait3A_298 = arith.constant 0 : i32
        %dma_wait3A_299 = tpu.memref_slice %arg6[%run_scoped3A_118, %dma_wait3A, %dma_wait3A_298] : memref<16x24x128xf32, #tpu.memory_space<vmem>> -> memref<1x24x128xf32, #tpu.memory_space<vmem>>
        %dma_wait3A_300 = tpu.memref_squeeze %dma_wait3A_299 : memref<1x24x128xf32, #tpu.memory_space<vmem>> -> memref<24x128xf32, #tpu.memory_space<vmem>>
        %dma_wait3A_301 = arith.constant 0 : i32
        %dma_wait3A_302 = tpu.memref_slice %arg3[%add3A_117, %multiple_of3A, %dma_wait3A_301] : memref<384x1152x128xf32, #tpu.memory_space<hbm>> -> memref<1x24x128xf32, #tpu.memory_space<hbm>>
        %dma_wait3A_303 = tpu.memref_squeeze %dma_wait3A_302 : memref<1x24x128xf32, #tpu.memory_space<hbm>> -> memref<24x128xf32, #tpu.memory_space<hbm>>
        %dma_wait3A_304 = arith.constant 0 : i32
        %dma_wait3A_305 = arith.constant 0 : i32
        %dma_wait3A_306 = tpu.memref_slice %arg6[%run_scoped3A_118, %dma_wait3A_304, %dma_wait3A_305] : memref<16x24x128xf32, #tpu.memory_space<vmem>> -> memref<1x24x128xf32, #tpu.memory_space<vmem>>
        %dma_wait3A_307 = tpu.memref_squeeze %dma_wait3A_306 : memref<1x24x128xf32, #tpu.memory_space<vmem>> -> memref<24x128xf32, #tpu.memory_space<vmem>>
        %dma_wait3A_308 = arith.constant 0 : i32
        %dma_wait3A_309 = tpu.memref_slice %arg3[%add3A_117, %multiple_of3A, %dma_wait3A_308] : memref<384x1152x128xf32, #tpu.memory_space<hbm>> -> memref<1x24x128xf32, #tpu.memory_space<hbm>>
        %dma_wait3A_310 = tpu.memref_squeeze %dma_wait3A_309 : memref<1x24x128xf32, #tpu.memory_space<hbm>> -> memref<24x128xf32, #tpu.memory_space<hbm>>
        tpu.wait_dma2 semaphore(%run_scoped3A_284 : memref<!tpu.dma_semaphore, #tpu.memory_space<semaphore_mem>>) src(%dma_wait3A_310 : memref<24x128xf32, #tpu.memory_space<hbm>>) dst(%dma_wait3A_307 : memref<24x128xf32, #tpu.memory_space<vmem>>)
        tpu.yield
      }) : () -> ()
      %mul3A_119 = arith.constant 96 : i32
      %mul3A_120 = arith.muli %select_n3A, %mul3A_119 : i32
      %add3A_121 = arith.constant 80 : i32
      %add3A_122 = arith.addi %mul3A_120, %add3A_121 : i32
      %add3A_123 = arith.constant 5 : i32
      %add3A_124 = arith.addi %add3A_122, %add3A_123 : i32
      %run_scoped3A_125 = arith.constant 5 : i32
      "tpu.region"() ({
        %run_scoped3A_284 = tpu.sem_alloc : memref<!tpu.dma_semaphore, #tpu.memory_space<semaphore_mem>>
        %dma_start3A = arith.constant 0 : i32
        %dma_start3A_285 = arith.constant 0 : i32
        %dma_start3A_286 = tpu.memref_slice %arg5[%run_scoped3A_125, %dma_start3A, %dma_start3A_285] : memref<16x24x128xf32, #tpu.memory_space<vmem>> -> memref<1x24x128xf32, #tpu.memory_space<vmem>>
        %dma_start3A_287 = tpu.memref_squeeze %dma_start3A_286 : memref<1x24x128xf32, #tpu.memory_space<vmem>> -> memref<24x128xf32, #tpu.memory_space<vmem>>
        %dma_start3A_288 = arith.constant 0 : i32
        %dma_start3A_289 = tpu.memref_slice %arg2[%add3A_124, %multiple_of3A, %dma_start3A_288] : memref<384x1152x128xf32, #tpu.memory_space<hbm>> -> memref<1x24x128xf32, #tpu.memory_space<hbm>>
        %dma_start3A_290 = tpu.memref_squeeze %dma_start3A_289 : memref<1x24x128xf32, #tpu.memory_space<hbm>> -> memref<24x128xf32, #tpu.memory_space<hbm>>
        %dma_start3A_291 = arith.constant 0 : i32
        %dma_start3A_292 = arith.constant 0 : i32
        %dma_start3A_293 = tpu.memref_slice %arg5[%run_scoped3A_125, %dma_start3A_291, %dma_start3A_292] : memref<16x24x128xf32, #tpu.memory_space<vmem>> -> memref<1x24x128xf32, #tpu.memory_space<vmem>>
        %dma_start3A_294 = tpu.memref_squeeze %dma_start3A_293 : memref<1x24x128xf32, #tpu.memory_space<vmem>> -> memref<24x128xf32, #tpu.memory_space<vmem>>
        %dma_start3A_295 = arith.constant 0 : i32
        %dma_start3A_296 = tpu.memref_slice %arg2[%add3A_124, %multiple_of3A, %dma_start3A_295] : memref<384x1152x128xf32, #tpu.memory_space<hbm>> -> memref<1x24x128xf32, #tpu.memory_space<hbm>>
        %dma_start3A_297 = tpu.memref_squeeze %dma_start3A_296 : memref<1x24x128xf32, #tpu.memory_space<hbm>> -> memref<24x128xf32, #tpu.memory_space<hbm>>
        tpu.enqueue_dma source(%dma_start3A_297 : memref<24x128xf32, #tpu.memory_space<hbm>>) target(%dma_start3A_294 : memref<24x128xf32, #tpu.memory_space<vmem>>) target_semaphore(%run_scoped3A_284 : memref<!tpu.dma_semaphore, #tpu.memory_space<semaphore_mem>>)
        %dma_wait3A = arith.constant 0 : i32
        %dma_wait3A_298 = arith.constant 0 : i32
        %dma_wait3A_299 = tpu.memref_slice %arg5[%run_scoped3A_125, %dma_wait3A, %dma_wait3A_298] : memref<16x24x128xf32, #tpu.memory_space<vmem>> -> memref<1x24x128xf32, #tpu.memory_space<vmem>>
        %dma_wait3A_300 = tpu.memref_squeeze %dma_wait3A_299 : memref<1x24x128xf32, #tpu.memory_space<vmem>> -> memref<24x128xf32, #tpu.memory_space<vmem>>
        %dma_wait3A_301 = arith.constant 0 : i32
        %dma_wait3A_302 = tpu.memref_slice %arg2[%add3A_124, %multiple_of3A, %dma_wait3A_301] : memref<384x1152x128xf32, #tpu.memory_space<hbm>> -> memref<1x24x128xf32, #tpu.memory_space<hbm>>
        %dma_wait3A_303 = tpu.memref_squeeze %dma_wait3A_302 : memref<1x24x128xf32, #tpu.memory_space<hbm>> -> memref<24x128xf32, #tpu.memory_space<hbm>>
        %dma_wait3A_304 = arith.constant 0 : i32
        %dma_wait3A_305 = arith.constant 0 : i32
        %dma_wait3A_306 = tpu.memref_slice %arg5[%run_scoped3A_125, %dma_wait3A_304, %dma_wait3A_305] : memref<16x24x128xf32, #tpu.memory_space<vmem>> -> memref<1x24x128xf32, #tpu.memory_space<vmem>>
        %dma_wait3A_307 = tpu.memref_squeeze %dma_wait3A_306 : memref<1x24x128xf32, #tpu.memory_space<vmem>> -> memref<24x128xf32, #tpu.memory_space<vmem>>
        %dma_wait3A_308 = arith.constant 0 : i32
        %dma_wait3A_309 = tpu.memref_slice %arg2[%add3A_124, %multiple_of3A, %dma_wait3A_308] : memref<384x1152x128xf32, #tpu.memory_space<hbm>> -> memref<1x24x128xf32, #tpu.memory_space<hbm>>
        %dma_wait3A_310 = tpu.memref_squeeze %dma_wait3A_309 : memref<1x24x128xf32, #tpu.memory_space<hbm>> -> memref<24x128xf32, #tpu.memory_space<hbm>>
        tpu.wait_dma2 semaphore(%run_scoped3A_284 : memref<!tpu.dma_semaphore, #tpu.memory_space<semaphore_mem>>) src(%dma_wait3A_310 : memref<24x128xf32, #tpu.memory_space<hbm>>) dst(%dma_wait3A_307 : memref<24x128xf32, #tpu.memory_space<vmem>>)
        tpu.yield
      }) : () -> ()
      %mul3A_126 = arith.constant 96 : i32
      %mul3A_127 = arith.muli %select_n3A, %mul3A_126 : i32
      %add3A_128 = arith.constant 80 : i32
      %add3A_129 = arith.addi %mul3A_127, %add3A_128 : i32
      %add3A_130 = arith.constant 5 : i32
      %add3A_131 = arith.addi %add3A_129, %add3A_130 : i32
      %run_scoped3A_132 = arith.constant 5 : i32
      "tpu.region"() ({
        %run_scoped3A_284 = tpu.sem_alloc : memref<!tpu.dma_semaphore, #tpu.memory_space<semaphore_mem>>
        %dma_start3A = arith.constant 0 : i32
        %dma_start3A_285 = arith.constant 0 : i32
        %dma_start3A_286 = tpu.memref_slice %arg6[%run_scoped3A_132, %dma_start3A, %dma_start3A_285] : memref<16x24x128xf32, #tpu.memory_space<vmem>> -> memref<1x24x128xf32, #tpu.memory_space<vmem>>
        %dma_start3A_287 = tpu.memref_squeeze %dma_start3A_286 : memref<1x24x128xf32, #tpu.memory_space<vmem>> -> memref<24x128xf32, #tpu.memory_space<vmem>>
        %dma_start3A_288 = arith.constant 0 : i32
        %dma_start3A_289 = tpu.memref_slice %arg3[%add3A_131, %multiple_of3A, %dma_start3A_288] : memref<384x1152x128xf32, #tpu.memory_space<hbm>> -> memref<1x24x128xf32, #tpu.memory_space<hbm>>
        %dma_start3A_290 = tpu.memref_squeeze %dma_start3A_289 : memref<1x24x128xf32, #tpu.memory_space<hbm>> -> memref<24x128xf32, #tpu.memory_space<hbm>>
        %dma_start3A_291 = arith.constant 0 : i32
        %dma_start3A_292 = arith.constant 0 : i32
        %dma_start3A_293 = tpu.memref_slice %arg6[%run_scoped3A_132, %dma_start3A_291, %dma_start3A_292] : memref<16x24x128xf32, #tpu.memory_space<vmem>> -> memref<1x24x128xf32, #tpu.memory_space<vmem>>
        %dma_start3A_294 = tpu.memref_squeeze %dma_start3A_293 : memref<1x24x128xf32, #tpu.memory_space<vmem>> -> memref<24x128xf32, #tpu.memory_space<vmem>>
        %dma_start3A_295 = arith.constant 0 : i32
        %dma_start3A_296 = tpu.memref_slice %arg3[%add3A_131, %multiple_of3A, %dma_start3A_295] : memref<384x1152x128xf32, #tpu.memory_space<hbm>> -> memref<1x24x128xf32, #tpu.memory_space<hbm>>
        %dma_start3A_297 = tpu.memref_squeeze %dma_start3A_296 : memref<1x24x128xf32, #tpu.memory_space<hbm>> -> memref<24x128xf32, #tpu.memory_space<hbm>>
        tpu.enqueue_dma source(%dma_start3A_297 : memref<24x128xf32, #tpu.memory_space<hbm>>) target(%dma_start3A_294 : memref<24x128xf32, #tpu.memory_space<vmem>>) target_semaphore(%run_scoped3A_284 : memref<!tpu.dma_semaphore, #tpu.memory_space<semaphore_mem>>)
        %dma_wait3A = arith.constant 0 : i32
        %dma_wait3A_298 = arith.constant 0 : i32
        %dma_wait3A_299 = tpu.memref_slice %arg6[%run_scoped3A_132, %dma_wait3A, %dma_wait3A_298] : memref<16x24x128xf32, #tpu.memory_space<vmem>> -> memref<1x24x128xf32, #tpu.memory_space<vmem>>
        %dma_wait3A_300 = tpu.memref_squeeze %dma_wait3A_299 : memref<1x24x128xf32, #tpu.memory_space<vmem>> -> memref<24x128xf32, #tpu.memory_space<vmem>>
        %dma_wait3A_301 = arith.constant 0 : i32
        %dma_wait3A_302 = tpu.memref_slice %arg3[%add3A_131, %multiple_of3A, %dma_wait3A_301] : memref<384x1152x128xf32, #tpu.memory_space<hbm>> -> memref<1x24x128xf32, #tpu.memory_space<hbm>>
        %dma_wait3A_303 = tpu.memref_squeeze %dma_wait3A_302 : memref<1x24x128xf32, #tpu.memory_space<hbm>> -> memref<24x128xf32, #tpu.memory_space<hbm>>
        %dma_wait3A_304 = arith.constant 0 : i32
        %dma_wait3A_305 = arith.constant 0 : i32
        %dma_wait3A_306 = tpu.memref_slice %arg6[%run_scoped3A_132, %dma_wait3A_304, %dma_wait3A_305] : memref<16x24x128xf32, #tpu.memory_space<vmem>> -> memref<1x24x128xf32, #tpu.memory_space<vmem>>
        %dma_wait3A_307 = tpu.memref_squeeze %dma_wait3A_306 : memref<1x24x128xf32, #tpu.memory_space<vmem>> -> memref<24x128xf32, #tpu.memory_space<vmem>>
        %dma_wait3A_308 = arith.constant 0 : i32
        %dma_wait3A_309 = tpu.memref_slice %arg3[%add3A_131, %multiple_of3A, %dma_wait3A_308] : memref<384x1152x128xf32, #tpu.memory_space<hbm>> -> memref<1x24x128xf32, #tpu.memory_space<hbm>>
        %dma_wait3A_310 = tpu.memref_squeeze %dma_wait3A_309 : memref<1x24x128xf32, #tpu.memory_space<hbm>> -> memref<24x128xf32, #tpu.memory_space<hbm>>
        tpu.wait_dma2 semaphore(%run_scoped3A_284 : memref<!tpu.dma_semaphore, #tpu.memory_space<semaphore_mem>>) src(%dma_wait3A_310 : memref<24x128xf32, #tpu.memory_space<hbm>>) dst(%dma_wait3A_307 : memref<24x128xf32, #tpu.memory_space<vmem>>)
        tpu.yield
      }) : () -> ()
      %mul3A_133 = arith.constant 96 : i32
      %mul3A_134 = arith.muli %select_n3A, %mul3A_133 : i32
      %add3A_135 = arith.constant 80 : i32
      %add3A_136 = arith.addi %mul3A_134, %add3A_135 : i32
      %add3A_137 = arith.constant 6 : i32
      %add3A_138 = arith.addi %add3A_136, %add3A_137 : i32
      %run_scoped3A_139 = arith.constant 6 : i32
      "tpu.region"() ({
        %run_scoped3A_284 = tpu.sem_alloc : memref<!tpu.dma_semaphore, #tpu.memory_space<semaphore_mem>>
        %dma_start3A = arith.constant 0 : i32
        %dma_start3A_285 = arith.constant 0 : i32
        %dma_start3A_286 = tpu.memref_slice %arg5[%run_scoped3A_139, %dma_start3A, %dma_start3A_285] : memref<16x24x128xf32, #tpu.memory_space<vmem>> -> memref<1x24x128xf32, #tpu.memory_space<vmem>>
        %dma_start3A_287 = tpu.memref_squeeze %dma_start3A_286 : memref<1x24x128xf32, #tpu.memory_space<vmem>> -> memref<24x128xf32, #tpu.memory_space<vmem>>
        %dma_start3A_288 = arith.constant 0 : i32
        %dma_start3A_289 = tpu.memref_slice %arg2[%add3A_138, %multiple_of3A, %dma_start3A_288] : memref<384x1152x128xf32, #tpu.memory_space<hbm>> -> memref<1x24x128xf32, #tpu.memory_space<hbm>>
        %dma_start3A_290 = tpu.memref_squeeze %dma_start3A_289 : memref<1x24x128xf32, #tpu.memory_space<hbm>> -> memref<24x128xf32, #tpu.memory_space<hbm>>
        %dma_start3A_291 = arith.constant 0 : i32
        %dma_start3A_292 = arith.constant 0 : i32
        %dma_start3A_293 = tpu.memref_slice %arg5[%run_scoped3A_139, %dma_start3A_291, %dma_start3A_292] : memref<16x24x128xf32, #tpu.memory_space<vmem>> -> memref<1x24x128xf32, #tpu.memory_space<vmem>>
        %dma_start3A_294 = tpu.memref_squeeze %dma_start3A_293 : memref<1x24x128xf32, #tpu.memory_space<vmem>> -> memref<24x128xf32, #tpu.memory_space<vmem>>
        %dma_start3A_295 = arith.constant 0 : i32
        %dma_start3A_296 = tpu.memref_slice %arg2[%add3A_138, %multiple_of3A, %dma_start3A_295] : memref<384x1152x128xf32, #tpu.memory_space<hbm>> -> memref<1x24x128xf32, #tpu.memory_space<hbm>>
        %dma_start3A_297 = tpu.memref_squeeze %dma_start3A_296 : memref<1x24x128xf32, #tpu.memory_space<hbm>> -> memref<24x128xf32, #tpu.memory_space<hbm>>
        tpu.enqueue_dma source(%dma_start3A_297 : memref<24x128xf32, #tpu.memory_space<hbm>>) target(%dma_start3A_294 : memref<24x128xf32, #tpu.memory_space<vmem>>) target_semaphore(%run_scoped3A_284 : memref<!tpu.dma_semaphore, #tpu.memory_space<semaphore_mem>>)
        %dma_wait3A = arith.constant 0 : i32
        %dma_wait3A_298 = arith.constant 0 : i32
        %dma_wait3A_299 = tpu.memref_slice %arg5[%run_scoped3A_139, %dma_wait3A, %dma_wait3A_298] : memref<16x24x128xf32, #tpu.memory_space<vmem>> -> memref<1x24x128xf32, #tpu.memory_space<vmem>>
        %dma_wait3A_300 = tpu.memref_squeeze %dma_wait3A_299 : memref<1x24x128xf32, #tpu.memory_space<vmem>> -> memref<24x128xf32, #tpu.memory_space<vmem>>
        %dma_wait3A_301 = arith.constant 0 : i32
        %dma_wait3A_302 = tpu.memref_slice %arg2[%add3A_138, %multiple_of3A, %dma_wait3A_301] : memref<384x1152x128xf32, #tpu.memory_space<hbm>> -> memref<1x24x128xf32, #tpu.memory_space<hbm>>
        %dma_wait3A_303 = tpu.memref_squeeze %dma_wait3A_302 : memref<1x24x128xf32, #tpu.memory_space<hbm>> -> memref<24x128xf32, #tpu.memory_space<hbm>>
        %dma_wait3A_304 = arith.constant 0 : i32
        %dma_wait3A_305 = arith.constant 0 : i32
        %dma_wait3A_306 = tpu.memref_slice %arg5[%run_scoped3A_139, %dma_wait3A_304, %dma_wait3A_305] : memref<16x24x128xf32, #tpu.memory_space<vmem>> -> memref<1x24x128xf32, #tpu.memory_space<vmem>>
        %dma_wait3A_307 = tpu.memref_squeeze %dma_wait3A_306 : memref<1x24x128xf32, #tpu.memory_space<vmem>> -> memref<24x128xf32, #tpu.memory_space<vmem>>
        %dma_wait3A_308 = arith.constant 0 : i32
        %dma_wait3A_309 = tpu.memref_slice %arg2[%add3A_138, %multiple_of3A, %dma_wait3A_308] : memref<384x1152x128xf32, #tpu.memory_space<hbm>> -> memref<1x24x128xf32, #tpu.memory_space<hbm>>
        %dma_wait3A_310 = tpu.memref_squeeze %dma_wait3A_309 : memref<1x24x128xf32, #tpu.memory_space<hbm>> -> memref<24x128xf32, #tpu.memory_space<hbm>>
        tpu.wait_dma2 semaphore(%run_scoped3A_284 : memref<!tpu.dma_semaphore, #tpu.memory_space<semaphore_mem>>) src(%dma_wait3A_310 : memref<24x128xf32, #tpu.memory_space<hbm>>) dst(%dma_wait3A_307 : memref<24x128xf32, #tpu.memory_space<vmem>>)
        tpu.yield
      }) : () -> ()
      %mul3A_140 = arith.constant 96 : i32
      %mul3A_141 = arith.muli %select_n3A, %mul3A_140 : i32
      %add3A_142 = arith.constant 80 : i32
      %add3A_143 = arith.addi %mul3A_141, %add3A_142 : i32
      %add3A_144 = arith.constant 6 : i32
      %add3A_145 = arith.addi %add3A_143, %add3A_144 : i32
      %run_scoped3A_146 = arith.constant 6 : i32
      "tpu.region"() ({
        %run_scoped3A_284 = tpu.sem_alloc : memref<!tpu.dma_semaphore, #tpu.memory_space<semaphore_mem>>
        %dma_start3A = arith.constant 0 : i32
        %dma_start3A_285 = arith.constant 0 : i32
        %dma_start3A_286 = tpu.memref_slice %arg6[%run_scoped3A_146, %dma_start3A, %dma_start3A_285] : memref<16x24x128xf32, #tpu.memory_space<vmem>> -> memref<1x24x128xf32, #tpu.memory_space<vmem>>
        %dma_start3A_287 = tpu.memref_squeeze %dma_start3A_286 : memref<1x24x128xf32, #tpu.memory_space<vmem>> -> memref<24x128xf32, #tpu.memory_space<vmem>>
        %dma_start3A_288 = arith.constant 0 : i32
        %dma_start3A_289 = tpu.memref_slice %arg3[%add3A_145, %multiple_of3A, %dma_start3A_288] : memref<384x1152x128xf32, #tpu.memory_space<hbm>> -> memref<1x24x128xf32, #tpu.memory_space<hbm>>
        %dma_start3A_290 = tpu.memref_squeeze %dma_start3A_289 : memref<1x24x128xf32, #tpu.memory_space<hbm>> -> memref<24x128xf32, #tpu.memory_space<hbm>>
        %dma_start3A_291 = arith.constant 0 : i32
        %dma_start3A_292 = arith.constant 0 : i32
        %dma_start3A_293 = tpu.memref_slice %arg6[%run_scoped3A_146, %dma_start3A_291, %dma_start3A_292] : memref<16x24x128xf32, #tpu.memory_space<vmem>> -> memref<1x24x128xf32, #tpu.memory_space<vmem>>
        %dma_start3A_294 = tpu.memref_squeeze %dma_start3A_293 : memref<1x24x128xf32, #tpu.memory_space<vmem>> -> memref<24x128xf32, #tpu.memory_space<vmem>>
        %dma_start3A_295 = arith.constant 0 : i32
        %dma_start3A_296 = tpu.memref_slice %arg3[%add3A_145, %multiple_of3A, %dma_start3A_295] : memref<384x1152x128xf32, #tpu.memory_space<hbm>> -> memref<1x24x128xf32, #tpu.memory_space<hbm>>
        %dma_start3A_297 = tpu.memref_squeeze %dma_start3A_296 : memref<1x24x128xf32, #tpu.memory_space<hbm>> -> memref<24x128xf32, #tpu.memory_space<hbm>>
        tpu.enqueue_dma source(%dma_start3A_297 : memref<24x128xf32, #tpu.memory_space<hbm>>) target(%dma_start3A_294 : memref<24x128xf32, #tpu.memory_space<vmem>>) target_semaphore(%run_scoped3A_284 : memref<!tpu.dma_semaphore, #tpu.memory_space<semaphore_mem>>)
        %dma_wait3A = arith.constant 0 : i32
        %dma_wait3A_298 = arith.constant 0 : i32
        %dma_wait3A_299 = tpu.memref_slice %arg6[%run_scoped3A_146, %dma_wait3A, %dma_wait3A_298] : memref<16x24x128xf32, #tpu.memory_space<vmem>> -> memref<1x24x128xf32, #tpu.memory_space<vmem>>
        %dma_wait3A_300 = tpu.memref_squeeze %dma_wait3A_299 : memref<1x24x128xf32, #tpu.memory_space<vmem>> -> memref<24x128xf32, #tpu.memory_space<vmem>>
        %dma_wait3A_301 = arith.constant 0 : i32
        %dma_wait3A_302 = tpu.memref_slice %arg3[%add3A_145, %multiple_of3A, %dma_wait3A_301] : memref<384x1152x128xf32, #tpu.memory_space<hbm>> -> memref<1x24x128xf32, #tpu.memory_space<hbm>>
        %dma_wait3A_303 = tpu.memref_squeeze %dma_wait3A_302 : memref<1x24x128xf32, #tpu.memory_space<hbm>> -> memref<24x128xf32, #tpu.memory_space<hbm>>
        %dma_wait3A_304 = arith.constant 0 : i32
        %dma_wait3A_305 = arith.constant 0 : i32
        %dma_wait3A_306 = tpu.memref_slice %arg6[%run_scoped3A_146, %dma_wait3A_304, %dma_wait3A_305] : memref<16x24x128xf32, #tpu.memory_space<vmem>> -> memref<1x24x128xf32, #tpu.memory_space<vmem>>
        %dma_wait3A_307 = tpu.memref_squeeze %dma_wait3A_306 : memref<1x24x128xf32, #tpu.memory_space<vmem>> -> memref<24x128xf32, #tpu.memory_space<vmem>>
        %dma_wait3A_308 = arith.constant 0 : i32
        %dma_wait3A_309 = tpu.memref_slice %arg3[%add3A_145, %multiple_of3A, %dma_wait3A_308] : memref<384x1152x128xf32, #tpu.memory_space<hbm>> -> memref<1x24x128xf32, #tpu.memory_space<hbm>>
        %dma_wait3A_310 = tpu.memref_squeeze %dma_wait3A_309 : memref<1x24x128xf32, #tpu.memory_space<hbm>> -> memref<24x128xf32, #tpu.memory_space<hbm>>
        tpu.wait_dma2 semaphore(%run_scoped3A_284 : memref<!tpu.dma_semaphore, #tpu.memory_space<semaphore_mem>>) src(%dma_wait3A_310 : memref<24x128xf32, #tpu.memory_space<hbm>>) dst(%dma_wait3A_307 : memref<24x128xf32, #tpu.memory_space<vmem>>)
        tpu.yield
      }) : () -> ()
      %mul3A_147 = arith.constant 96 : i32
      %mul3A_148 = arith.muli %select_n3A, %mul3A_147 : i32
      %add3A_149 = arith.constant 80 : i32
      %add3A_150 = arith.addi %mul3A_148, %add3A_149 : i32
      %add3A_151 = arith.constant 7 : i32
      %add3A_152 = arith.addi %add3A_150, %add3A_151 : i32
      %run_scoped3A_153 = arith.constant 7 : i32
      "tpu.region"() ({
        %run_scoped3A_284 = tpu.sem_alloc : memref<!tpu.dma_semaphore, #tpu.memory_space<semaphore_mem>>
        %dma_start3A = arith.constant 0 : i32
        %dma_start3A_285 = arith.constant 0 : i32
        %dma_start3A_286 = tpu.memref_slice %arg5[%run_scoped3A_153, %dma_start3A, %dma_start3A_285] : memref<16x24x128xf32, #tpu.memory_space<vmem>> -> memref<1x24x128xf32, #tpu.memory_space<vmem>>
        %dma_start3A_287 = tpu.memref_squeeze %dma_start3A_286 : memref<1x24x128xf32, #tpu.memory_space<vmem>> -> memref<24x128xf32, #tpu.memory_space<vmem>>
        %dma_start3A_288 = arith.constant 0 : i32
        %dma_start3A_289 = tpu.memref_slice %arg2[%add3A_152, %multiple_of3A, %dma_start3A_288] : memref<384x1152x128xf32, #tpu.memory_space<hbm>> -> memref<1x24x128xf32, #tpu.memory_space<hbm>>
        %dma_start3A_290 = tpu.memref_squeeze %dma_start3A_289 : memref<1x24x128xf32, #tpu.memory_space<hbm>> -> memref<24x128xf32, #tpu.memory_space<hbm>>
        %dma_start3A_291 = arith.constant 0 : i32
        %dma_start3A_292 = arith.constant 0 : i32
        %dma_start3A_293 = tpu.memref_slice %arg5[%run_scoped3A_153, %dma_start3A_291, %dma_start3A_292] : memref<16x24x128xf32, #tpu.memory_space<vmem>> -> memref<1x24x128xf32, #tpu.memory_space<vmem>>
        %dma_start3A_294 = tpu.memref_squeeze %dma_start3A_293 : memref<1x24x128xf32, #tpu.memory_space<vmem>> -> memref<24x128xf32, #tpu.memory_space<vmem>>
        %dma_start3A_295 = arith.constant 0 : i32
        %dma_start3A_296 = tpu.memref_slice %arg2[%add3A_152, %multiple_of3A, %dma_start3A_295] : memref<384x1152x128xf32, #tpu.memory_space<hbm>> -> memref<1x24x128xf32, #tpu.memory_space<hbm>>
        %dma_start3A_297 = tpu.memref_squeeze %dma_start3A_296 : memref<1x24x128xf32, #tpu.memory_space<hbm>> -> memref<24x128xf32, #tpu.memory_space<hbm>>
        tpu.enqueue_dma source(%dma_start3A_297 : memref<24x128xf32, #tpu.memory_space<hbm>>) target(%dma_start3A_294 : memref<24x128xf32, #tpu.memory_space<vmem>>) target_semaphore(%run_scoped3A_284 : memref<!tpu.dma_semaphore, #tpu.memory_space<semaphore_mem>>)
        %dma_wait3A = arith.constant 0 : i32
        %dma_wait3A_298 = arith.constant 0 : i32
        %dma_wait3A_299 = tpu.memref_slice %arg5[%run_scoped3A_153, %dma_wait3A, %dma_wait3A_298] : memref<16x24x128xf32, #tpu.memory_space<vmem>> -> memref<1x24x128xf32, #tpu.memory_space<vmem>>
        %dma_wait3A_300 = tpu.memref_squeeze %dma_wait3A_299 : memref<1x24x128xf32, #tpu.memory_space<vmem>> -> memref<24x128xf32, #tpu.memory_space<vmem>>
        %dma_wait3A_301 = arith.constant 0 : i32
        %dma_wait3A_302 = tpu.memref_slice %arg2[%add3A_152, %multiple_of3A, %dma_wait3A_301] : memref<384x1152x128xf32, #tpu.memory_space<hbm>> -> memref<1x24x128xf32, #tpu.memory_space<hbm>>
        %dma_wait3A_303 = tpu.memref_squeeze %dma_wait3A_302 : memref<1x24x128xf32, #tpu.memory_space<hbm>> -> memref<24x128xf32, #tpu.memory_space<hbm>>
        %dma_wait3A_304 = arith.constant 0 : i32
        %dma_wait3A_305 = arith.constant 0 : i32
        %dma_wait3A_306 = tpu.memref_slice %arg5[%run_scoped3A_153, %dma_wait3A_304, %dma_wait3A_305] : memref<16x24x128xf32, #tpu.memory_space<vmem>> -> memref<1x24x128xf32, #tpu.memory_space<vmem>>
        %dma_wait3A_307 = tpu.memref_squeeze %dma_wait3A_306 : memref<1x24x128xf32, #tpu.memory_space<vmem>> -> memref<24x128xf32, #tpu.memory_space<vmem>>
        %dma_wait3A_308 = arith.constant 0 : i32
        %dma_wait3A_309 = tpu.memref_slice %arg2[%add3A_152, %multiple_of3A, %dma_wait3A_308] : memref<384x1152x128xf32, #tpu.memory_space<hbm>> -> memref<1x24x128xf32, #tpu.memory_space<hbm>>
        %dma_wait3A_310 = tpu.memref_squeeze %dma_wait3A_309 : memref<1x24x128xf32, #tpu.memory_space<hbm>> -> memref<24x128xf32, #tpu.memory_space<hbm>>
        tpu.wait_dma2 semaphore(%run_scoped3A_284 : memref<!tpu.dma_semaphore, #tpu.memory_space<semaphore_mem>>) src(%dma_wait3A_310 : memref<24x128xf32, #tpu.memory_space<hbm>>) dst(%dma_wait3A_307 : memref<24x128xf32, #tpu.memory_space<vmem>>)
        tpu.yield
      }) : () -> ()
      %mul3A_154 = arith.constant 96 : i32
      %mul3A_155 = arith.muli %select_n3A, %mul3A_154 : i32
      %add3A_156 = arith.constant 80 : i32
      %add3A_157 = arith.addi %mul3A_155, %add3A_156 : i32
      %add3A_158 = arith.constant 7 : i32
      %add3A_159 = arith.addi %add3A_157, %add3A_158 : i32
      %run_scoped3A_160 = arith.constant 7 : i32
      "tpu.region"() ({
        %run_scoped3A_284 = tpu.sem_alloc : memref<!tpu.dma_semaphore, #tpu.memory_space<semaphore_mem>>
        %dma_start3A = arith.constant 0 : i32
        %dma_start3A_285 = arith.constant 0 : i32
        %dma_start3A_286 = tpu.memref_slice %arg6[%run_scoped3A_160, %dma_start3A, %dma_start3A_285] : memref<16x24x128xf32, #tpu.memory_space<vmem>> -> memref<1x24x128xf32, #tpu.memory_space<vmem>>
        %dma_start3A_287 = tpu.memref_squeeze %dma_start3A_286 : memref<1x24x128xf32, #tpu.memory_space<vmem>> -> memref<24x128xf32, #tpu.memory_space<vmem>>
        %dma_start3A_288 = arith.constant 0 : i32
        %dma_start3A_289 = tpu.memref_slice %arg3[%add3A_159, %multiple_of3A, %dma_start3A_288] : memref<384x1152x128xf32, #tpu.memory_space<hbm>> -> memref<1x24x128xf32, #tpu.memory_space<hbm>>
        %dma_start3A_290 = tpu.memref_squeeze %dma_start3A_289 : memref<1x24x128xf32, #tpu.memory_space<hbm>> -> memref<24x128xf32, #tpu.memory_space<hbm>>
        %dma_start3A_291 = arith.constant 0 : i32
        %dma_start3A_292 = arith.constant 0 : i32
        %dma_start3A_293 = tpu.memref_slice %arg6[%run_scoped3A_160, %dma_start3A_291, %dma_start3A_292] : memref<16x24x128xf32, #tpu.memory_space<vmem>> -> memref<1x24x128xf32, #tpu.memory_space<vmem>>
        %dma_start3A_294 = tpu.memref_squeeze %dma_start3A_293 : memref<1x24x128xf32, #tpu.memory_space<vmem>> -> memref<24x128xf32, #tpu.memory_space<vmem>>
        %dma_start3A_295 = arith.constant 0 : i32
        %dma_start3A_296 = tpu.memref_slice %arg3[%add3A_159, %multiple_of3A, %dma_start3A_295] : memref<384x1152x128xf32, #tpu.memory_space<hbm>> -> memref<1x24x128xf32, #tpu.memory_space<hbm>>
        %dma_start3A_297 = tpu.memref_squeeze %dma_start3A_296 : memref<1x24x128xf32, #tpu.memory_space<hbm>> -> memref<24x128xf32, #tpu.memory_space<hbm>>
        tpu.enqueue_dma source(%dma_start3A_297 : memref<24x128xf32, #tpu.memory_space<hbm>>) target(%dma_start3A_294 : memref<24x128xf32, #tpu.memory_space<vmem>>) target_semaphore(%run_scoped3A_284 : memref<!tpu.dma_semaphore, #tpu.memory_space<semaphore_mem>>)
        %dma_wait3A = arith.constant 0 : i32
        %dma_wait3A_298 = arith.constant 0 : i32
        %dma_wait3A_299 = tpu.memref_slice %arg6[%run_scoped3A_160, %dma_wait3A, %dma_wait3A_298] : memref<16x24x128xf32, #tpu.memory_space<vmem>> -> memref<1x24x128xf32, #tpu.memory_space<vmem>>
        %dma_wait3A_300 = tpu.memref_squeeze %dma_wait3A_299 : memref<1x24x128xf32, #tpu.memory_space<vmem>> -> memref<24x128xf32, #tpu.memory_space<vmem>>
        %dma_wait3A_301 = arith.constant 0 : i32
        %dma_wait3A_302 = tpu.memref_slice %arg3[%add3A_159, %multiple_of3A, %dma_wait3A_301] : memref<384x1152x128xf32, #tpu.memory_space<hbm>> -> memref<1x24x128xf32, #tpu.memory_space<hbm>>
        %dma_wait3A_303 = tpu.memref_squeeze %dma_wait3A_302 : memref<1x24x128xf32, #tpu.memory_space<hbm>> -> memref<24x128xf32, #tpu.memory_space<hbm>>
        %dma_wait3A_304 = arith.constant 0 : i32
        %dma_wait3A_305 = arith.constant 0 : i32
        %dma_wait3A_306 = tpu.memref_slice %arg6[%run_scoped3A_160, %dma_wait3A_304, %dma_wait3A_305] : memref<16x24x128xf32, #tpu.memory_space<vmem>> -> memref<1x24x128xf32, #tpu.memory_space<vmem>>
        %dma_wait3A_307 = tpu.memref_squeeze %dma_wait3A_306 : memref<1x24x128xf32, #tpu.memory_space<vmem>> -> memref<24x128xf32, #tpu.memory_space<vmem>>
        %dma_wait3A_308 = arith.constant 0 : i32
        %dma_wait3A_309 = tpu.memref_slice %arg3[%add3A_159, %multiple_of3A, %dma_wait3A_308] : memref<384x1152x128xf32, #tpu.memory_space<hbm>> -> memref<1x24x128xf32, #tpu.memory_space<hbm>>
        %dma_wait3A_310 = tpu.memref_squeeze %dma_wait3A_309 : memref<1x24x128xf32, #tpu.memory_space<hbm>> -> memref<24x128xf32, #tpu.memory_space<hbm>>
        tpu.wait_dma2 semaphore(%run_scoped3A_284 : memref<!tpu.dma_semaphore, #tpu.memory_space<semaphore_mem>>) src(%dma_wait3A_310 : memref<24x128xf32, #tpu.memory_space<hbm>>) dst(%dma_wait3A_307 : memref<24x128xf32, #tpu.memory_space<vmem>>)
        tpu.yield
      }) : () -> ()
      %mul3A_161 = arith.constant 96 : i32
      %mul3A_162 = arith.muli %select_n3A, %mul3A_161 : i32
      %add3A_163 = arith.constant 80 : i32
      %add3A_164 = arith.addi %mul3A_162, %add3A_163 : i32
      %add3A_165 = arith.constant 8 : i32
      %add3A_166 = arith.addi %add3A_164, %add3A_165 : i32
      %run_scoped3A_167 = arith.constant 8 : i32
      "tpu.region"() ({
        %run_scoped3A_284 = tpu.sem_alloc : memref<!tpu.dma_semaphore, #tpu.memory_space<semaphore_mem>>
        %dma_start3A = arith.constant 0 : i32
        %dma_start3A_285 = arith.constant 0 : i32
        %dma_start3A_286 = tpu.memref_slice %arg5[%run_scoped3A_167, %dma_start3A, %dma_start3A_285] : memref<16x24x128xf32, #tpu.memory_space<vmem>> -> memref<1x24x128xf32, #tpu.memory_space<vmem>>
        %dma_start3A_287 = tpu.memref_squeeze %dma_start3A_286 : memref<1x24x128xf32, #tpu.memory_space<vmem>> -> memref<24x128xf32, #tpu.memory_space<vmem>>
        %dma_start3A_288 = arith.constant 0 : i32
        %dma_start3A_289 = tpu.memref_slice %arg2[%add3A_166, %multiple_of3A, %dma_start3A_288] : memref<384x1152x128xf32, #tpu.memory_space<hbm>> -> memref<1x24x128xf32, #tpu.memory_space<hbm>>
        %dma_start3A_290 = tpu.memref_squeeze %dma_start3A_289 : memref<1x24x128xf32, #tpu.memory_space<hbm>> -> memref<24x128xf32, #tpu.memory_space<hbm>>
        %dma_start3A_291 = arith.constant 0 : i32
        %dma_start3A_292 = arith.constant 0 : i32
        %dma_start3A_293 = tpu.memref_slice %arg5[%run_scoped3A_167, %dma_start3A_291, %dma_start3A_292] : memref<16x24x128xf32, #tpu.memory_space<vmem>> -> memref<1x24x128xf32, #tpu.memory_space<vmem>>
        %dma_start3A_294 = tpu.memref_squeeze %dma_start3A_293 : memref<1x24x128xf32, #tpu.memory_space<vmem>> -> memref<24x128xf32, #tpu.memory_space<vmem>>
        %dma_start3A_295 = arith.constant 0 : i32
        %dma_start3A_296 = tpu.memref_slice %arg2[%add3A_166, %multiple_of3A, %dma_start3A_295] : memref<384x1152x128xf32, #tpu.memory_space<hbm>> -> memref<1x24x128xf32, #tpu.memory_space<hbm>>
        %dma_start3A_297 = tpu.memref_squeeze %dma_start3A_296 : memref<1x24x128xf32, #tpu.memory_space<hbm>> -> memref<24x128xf32, #tpu.memory_space<hbm>>
        tpu.enqueue_dma source(%dma_start3A_297 : memref<24x128xf32, #tpu.memory_space<hbm>>) target(%dma_start3A_294 : memref<24x128xf32, #tpu.memory_space<vmem>>) target_semaphore(%run_scoped3A_284 : memref<!tpu.dma_semaphore, #tpu.memory_space<semaphore_mem>>)
        %dma_wait3A = arith.constant 0 : i32
        %dma_wait3A_298 = arith.constant 0 : i32
        %dma_wait3A_299 = tpu.memref_slice %arg5[%run_scoped3A_167, %dma_wait3A, %dma_wait3A_298] : memref<16x24x128xf32, #tpu.memory_space<vmem>> -> memref<1x24x128xf32, #tpu.memory_space<vmem>>
        %dma_wait3A_300 = tpu.memref_squeeze %dma_wait3A_299 : memref<1x24x128xf32, #tpu.memory_space<vmem>> -> memref<24x128xf32, #tpu.memory_space<vmem>>
        %dma_wait3A_301 = arith.constant 0 : i32
        %dma_wait3A_302 = tpu.memref_slice %arg2[%add3A_166, %multiple_of3A, %dma_wait3A_301] : memref<384x1152x128xf32, #tpu.memory_space<hbm>> -> memref<1x24x128xf32, #tpu.memory_space<hbm>>
        %dma_wait3A_303 = tpu.memref_squeeze %dma_wait3A_302 : memref<1x24x128xf32, #tpu.memory_space<hbm>> -> memref<24x128xf32, #tpu.memory_space<hbm>>
        %dma_wait3A_304 = arith.constant 0 : i32
        %dma_wait3A_305 = arith.constant 0 : i32
        %dma_wait3A_306 = tpu.memref_slice %arg5[%run_scoped3A_167, %dma_wait3A_304, %dma_wait3A_305] : memref<16x24x128xf32, #tpu.memory_space<vmem>> -> memref<1x24x128xf32, #tpu.memory_space<vmem>>
        %dma_wait3A_307 = tpu.memref_squeeze %dma_wait3A_306 : memref<1x24x128xf32, #tpu.memory_space<vmem>> -> memref<24x128xf32, #tpu.memory_space<vmem>>
        %dma_wait3A_308 = arith.constant 0 : i32
        %dma_wait3A_309 = tpu.memref_slice %arg2[%add3A_166, %multiple_of3A, %dma_wait3A_308] : memref<384x1152x128xf32, #tpu.memory_space<hbm>> -> memref<1x24x128xf32, #tpu.memory_space<hbm>>
        %dma_wait3A_310 = tpu.memref_squeeze %dma_wait3A_309 : memref<1x24x128xf32, #tpu.memory_space<hbm>> -> memref<24x128xf32, #tpu.memory_space<hbm>>
        tpu.wait_dma2 semaphore(%run_scoped3A_284 : memref<!tpu.dma_semaphore, #tpu.memory_space<semaphore_mem>>) src(%dma_wait3A_310 : memref<24x128xf32, #tpu.memory_space<hbm>>) dst(%dma_wait3A_307 : memref<24x128xf32, #tpu.memory_space<vmem>>)
        tpu.yield
      }) : () -> ()
      %mul3A_168 = arith.constant 96 : i32
      %mul3A_169 = arith.muli %select_n3A, %mul3A_168 : i32
      %add3A_170 = arith.constant 80 : i32
      %add3A_171 = arith.addi %mul3A_169, %add3A_170 : i32
      %add3A_172 = arith.constant 8 : i32
      %add3A_173 = arith.addi %add3A_171, %add3A_172 : i32
      %run_scoped3A_174 = arith.constant 8 : i32
      "tpu.region"() ({
        %run_scoped3A_284 = tpu.sem_alloc : memref<!tpu.dma_semaphore, #tpu.memory_space<semaphore_mem>>
        %dma_start3A = arith.constant 0 : i32
        %dma_start3A_285 = arith.constant 0 : i32
        %dma_start3A_286 = tpu.memref_slice %arg6[%run_scoped3A_174, %dma_start3A, %dma_start3A_285] : memref<16x24x128xf32, #tpu.memory_space<vmem>> -> memref<1x24x128xf32, #tpu.memory_space<vmem>>
        %dma_start3A_287 = tpu.memref_squeeze %dma_start3A_286 : memref<1x24x128xf32, #tpu.memory_space<vmem>> -> memref<24x128xf32, #tpu.memory_space<vmem>>
        %dma_start3A_288 = arith.constant 0 : i32
        %dma_start3A_289 = tpu.memref_slice %arg3[%add3A_173, %multiple_of3A, %dma_start3A_288] : memref<384x1152x128xf32, #tpu.memory_space<hbm>> -> memref<1x24x128xf32, #tpu.memory_space<hbm>>
        %dma_start3A_290 = tpu.memref_squeeze %dma_start3A_289 : memref<1x24x128xf32, #tpu.memory_space<hbm>> -> memref<24x128xf32, #tpu.memory_space<hbm>>
        %dma_start3A_291 = arith.constant 0 : i32
        %dma_start3A_292 = arith.constant 0 : i32
        %dma_start3A_293 = tpu.memref_slice %arg6[%run_scoped3A_174, %dma_start3A_291, %dma_start3A_292] : memref<16x24x128xf32, #tpu.memory_space<vmem>> -> memref<1x24x128xf32, #tpu.memory_space<vmem>>
        %dma_start3A_294 = tpu.memref_squeeze %dma_start3A_293 : memref<1x24x128xf32, #tpu.memory_space<vmem>> -> memref<24x128xf32, #tpu.memory_space<vmem>>
        %dma_start3A_295 = arith.constant 0 : i32
        %dma_start3A_296 = tpu.memref_slice %arg3[%add3A_173, %multiple_of3A, %dma_start3A_295] : memref<384x1152x128xf32, #tpu.memory_space<hbm>> -> memref<1x24x128xf32, #tpu.memory_space<hbm>>
        %dma_start3A_297 = tpu.memref_squeeze %dma_start3A_296 : memref<1x24x128xf32, #tpu.memory_space<hbm>> -> memref<24x128xf32, #tpu.memory_space<hbm>>
        tpu.enqueue_dma source(%dma_start3A_297 : memref<24x128xf32, #tpu.memory_space<hbm>>) target(%dma_start3A_294 : memref<24x128xf32, #tpu.memory_space<vmem>>) target_semaphore(%run_scoped3A_284 : memref<!tpu.dma_semaphore, #tpu.memory_space<semaphore_mem>>)
        %dma_wait3A = arith.constant 0 : i32
        %dma_wait3A_298 = arith.constant 0 : i32
        %dma_wait3A_299 = tpu.memref_slice %arg6[%run_scoped3A_174, %dma_wait3A, %dma_wait3A_298] : memref<16x24x128xf32, #tpu.memory_space<vmem>> -> memref<1x24x128xf32, #tpu.memory_space<vmem>>
        %dma_wait3A_300 = tpu.memref_squeeze %dma_wait3A_299 : memref<1x24x128xf32, #tpu.memory_space<vmem>> -> memref<24x128xf32, #tpu.memory_space<vmem>>
        %dma_wait3A_301 = arith.constant 0 : i32
        %dma_wait3A_302 = tpu.memref_slice %arg3[%add3A_173, %multiple_of3A, %dma_wait3A_301] : memref<384x1152x128xf32, #tpu.memory_space<hbm>> -> memref<1x24x128xf32, #tpu.memory_space<hbm>>
        %dma_wait3A_303 = tpu.memref_squeeze %dma_wait3A_302 : memref<1x24x128xf32, #tpu.memory_space<hbm>> -> memref<24x128xf32, #tpu.memory_space<hbm>>
        %dma_wait3A_304 = arith.constant 0 : i32
        %dma_wait3A_305 = arith.constant 0 : i32
        %dma_wait3A_306 = tpu.memref_slice %arg6[%run_scoped3A_174, %dma_wait3A_304, %dma_wait3A_305] : memref<16x24x128xf32, #tpu.memory_space<vmem>> -> memref<1x24x128xf32, #tpu.memory_space<vmem>>
        %dma_wait3A_307 = tpu.memref_squeeze %dma_wait3A_306 : memref<1x24x128xf32, #tpu.memory_space<vmem>> -> memref<24x128xf32, #tpu.memory_space<vmem>>
        %dma_wait3A_308 = arith.constant 0 : i32
        %dma_wait3A_309 = tpu.memref_slice %arg3[%add3A_173, %multiple_of3A, %dma_wait3A_308] : memref<384x1152x128xf32, #tpu.memory_space<hbm>> -> memref<1x24x128xf32, #tpu.memory_space<hbm>>
        %dma_wait3A_310 = tpu.memref_squeeze %dma_wait3A_309 : memref<1x24x128xf32, #tpu.memory_space<hbm>> -> memref<24x128xf32, #tpu.memory_space<hbm>>
        tpu.wait_dma2 semaphore(%run_scoped3A_284 : memref<!tpu.dma_semaphore, #tpu.memory_space<semaphore_mem>>) src(%dma_wait3A_310 : memref<24x128xf32, #tpu.memory_space<hbm>>) dst(%dma_wait3A_307 : memref<24x128xf32, #tpu.memory_space<vmem>>)
        tpu.yield
      }) : () -> ()
      %mul3A_175 = arith.constant 96 : i32
      %mul3A_176 = arith.muli %select_n3A, %mul3A_175 : i32
      %add3A_177 = arith.constant 80 : i32
      %add3A_178 = arith.addi %mul3A_176, %add3A_177 : i32
      %add3A_179 = arith.constant 9 : i32
      %add3A_180 = arith.addi %add3A_178, %add3A_179 : i32
      %run_scoped3A_181 = arith.constant 9 : i32
      "tpu.region"() ({
        %run_scoped3A_284 = tpu.sem_alloc : memref<!tpu.dma_semaphore, #tpu.memory_space<semaphore_mem>>
        %dma_start3A = arith.constant 0 : i32
        %dma_start3A_285 = arith.constant 0 : i32
        %dma_start3A_286 = tpu.memref_slice %arg5[%run_scoped3A_181, %dma_start3A, %dma_start3A_285] : memref<16x24x128xf32, #tpu.memory_space<vmem>> -> memref<1x24x128xf32, #tpu.memory_space<vmem>>
        %dma_start3A_287 = tpu.memref_squeeze %dma_start3A_286 : memref<1x24x128xf32, #tpu.memory_space<vmem>> -> memref<24x128xf32, #tpu.memory_space<vmem>>
        %dma_start3A_288 = arith.constant 0 : i32
        %dma_start3A_289 = tpu.memref_slice %arg2[%add3A_180, %multiple_of3A, %dma_start3A_288] : memref<384x1152x128xf32, #tpu.memory_space<hbm>> -> memref<1x24x128xf32, #tpu.memory_space<hbm>>
        %dma_start3A_290 = tpu.memref_squeeze %dma_start3A_289 : memref<1x24x128xf32, #tpu.memory_space<hbm>> -> memref<24x128xf32, #tpu.memory_space<hbm>>
        %dma_start3A_291 = arith.constant 0 : i32
        %dma_start3A_292 = arith.constant 0 : i32
        %dma_start3A_293 = tpu.memref_slice %arg5[%run_scoped3A_181, %dma_start3A_291, %dma_start3A_292] : memref<16x24x128xf32, #tpu.memory_space<vmem>> -> memref<1x24x128xf32, #tpu.memory_space<vmem>>
        %dma_start3A_294 = tpu.memref_squeeze %dma_start3A_293 : memref<1x24x128xf32, #tpu.memory_space<vmem>> -> memref<24x128xf32, #tpu.memory_space<vmem>>
        %dma_start3A_295 = arith.constant 0 : i32
        %dma_start3A_296 = tpu.memref_slice %arg2[%add3A_180, %multiple_of3A, %dma_start3A_295] : memref<384x1152x128xf32, #tpu.memory_space<hbm>> -> memref<1x24x128xf32, #tpu.memory_space<hbm>>
        %dma_start3A_297 = tpu.memref_squeeze %dma_start3A_296 : memref<1x24x128xf32, #tpu.memory_space<hbm>> -> memref<24x128xf32, #tpu.memory_space<hbm>>
        tpu.enqueue_dma source(%dma_start3A_297 : memref<24x128xf32, #tpu.memory_space<hbm>>) target(%dma_start3A_294 : memref<24x128xf32, #tpu.memory_space<vmem>>) target_semaphore(%run_scoped3A_284 : memref<!tpu.dma_semaphore, #tpu.memory_space<semaphore_mem>>)
        %dma_wait3A = arith.constant 0 : i32
        %dma_wait3A_298 = arith.constant 0 : i32
        %dma_wait3A_299 = tpu.memref_slice %arg5[%run_scoped3A_181, %dma_wait3A, %dma_wait3A_298] : memref<16x24x128xf32, #tpu.memory_space<vmem>> -> memref<1x24x128xf32, #tpu.memory_space<vmem>>
        %dma_wait3A_300 = tpu.memref_squeeze %dma_wait3A_299 : memref<1x24x128xf32, #tpu.memory_space<vmem>> -> memref<24x128xf32, #tpu.memory_space<vmem>>
        %dma_wait3A_301 = arith.constant 0 : i32
        %dma_wait3A_302 = tpu.memref_slice %arg2[%add3A_180, %multiple_of3A, %dma_wait3A_301] : memref<384x1152x128xf32, #tpu.memory_space<hbm>> -> memref<1x24x128xf32, #tpu.memory_space<hbm>>
        %dma_wait3A_303 = tpu.memref_squeeze %dma_wait3A_302 : memref<1x24x128xf32, #tpu.memory_space<hbm>> -> memref<24x128xf32, #tpu.memory_space<hbm>>
        %dma_wait3A_304 = arith.constant 0 : i32
        %dma_wait3A_305 = arith.constant 0 : i32
        %dma_wait3A_306 = tpu.memref_slice %arg5[%run_scoped3A_181, %dma_wait3A_304, %dma_wait3A_305] : memref<16x24x128xf32, #tpu.memory_space<vmem>> -> memref<1x24x128xf32, #tpu.memory_space<vmem>>
        %dma_wait3A_307 = tpu.memref_squeeze %dma_wait3A_306 : memref<1x24x128xf32, #tpu.memory_space<vmem>> -> memref<24x128xf32, #tpu.memory_space<vmem>>
        %dma_wait3A_308 = arith.constant 0 : i32
        %dma_wait3A_309 = tpu.memref_slice %arg2[%add3A_180, %multiple_of3A, %dma_wait3A_308] : memref<384x1152x128xf32, #tpu.memory_space<hbm>> -> memref<1x24x128xf32, #tpu.memory_space<hbm>>
        %dma_wait3A_310 = tpu.memref_squeeze %dma_wait3A_309 : memref<1x24x128xf32, #tpu.memory_space<hbm>> -> memref<24x128xf32, #tpu.memory_space<hbm>>
        tpu.wait_dma2 semaphore(%run_scoped3A_284 : memref<!tpu.dma_semaphore, #tpu.memory_space<semaphore_mem>>) src(%dma_wait3A_310 : memref<24x128xf32, #tpu.memory_space<hbm>>) dst(%dma_wait3A_307 : memref<24x128xf32, #tpu.memory_space<vmem>>)
        tpu.yield
      }) : () -> ()
      %mul3A_182 = arith.constant 96 : i32
      %mul3A_183 = arith.muli %select_n3A, %mul3A_182 : i32
      %add3A_184 = arith.constant 80 : i32
      %add3A_185 = arith.addi %mul3A_183, %add3A_184 : i32
      %add3A_186 = arith.constant 9 : i32
      %add3A_187 = arith.addi %add3A_185, %add3A_186 : i32
      %run_scoped3A_188 = arith.constant 9 : i32
      "tpu.region"() ({
        %run_scoped3A_284 = tpu.sem_alloc : memref<!tpu.dma_semaphore, #tpu.memory_space<semaphore_mem>>
        %dma_start3A = arith.constant 0 : i32
        %dma_start3A_285 = arith.constant 0 : i32
        %dma_start3A_286 = tpu.memref_slice %arg6[%run_scoped3A_188, %dma_start3A, %dma_start3A_285] : memref<16x24x128xf32, #tpu.memory_space<vmem>> -> memref<1x24x128xf32, #tpu.memory_space<vmem>>
        %dma_start3A_287 = tpu.memref_squeeze %dma_start3A_286 : memref<1x24x128xf32, #tpu.memory_space<vmem>> -> memref<24x128xf32, #tpu.memory_space<vmem>>
        %dma_start3A_288 = arith.constant 0 : i32
        %dma_start3A_289 = tpu.memref_slice %arg3[%add3A_187, %multiple_of3A, %dma_start3A_288] : memref<384x1152x128xf32, #tpu.memory_space<hbm>> -> memref<1x24x128xf32, #tpu.memory_space<hbm>>
        %dma_start3A_290 = tpu.memref_squeeze %dma_start3A_289 : memref<1x24x128xf32, #tpu.memory_space<hbm>> -> memref<24x128xf32, #tpu.memory_space<hbm>>
        %dma_start3A_291 = arith.constant 0 : i32
        %dma_start3A_292 = arith.constant 0 : i32
        %dma_start3A_293 = tpu.memref_slice %arg6[%run_scoped3A_188, %dma_start3A_291, %dma_start3A_292] : memref<16x24x128xf32, #tpu.memory_space<vmem>> -> memref<1x24x128xf32, #tpu.memory_space<vmem>>
        %dma_start3A_294 = tpu.memref_squeeze %dma_start3A_293 : memref<1x24x128xf32, #tpu.memory_space<vmem>> -> memref<24x128xf32, #tpu.memory_space<vmem>>
        %dma_start3A_295 = arith.constant 0 : i32
        %dma_start3A_296 = tpu.memref_slice %arg3[%add3A_187, %multiple_of3A, %dma_start3A_295] : memref<384x1152x128xf32, #tpu.memory_space<hbm>> -> memref<1x24x128xf32, #tpu.memory_space<hbm>>
        %dma_start3A_297 = tpu.memref_squeeze %dma_start3A_296 : memref<1x24x128xf32, #tpu.memory_space<hbm>> -> memref<24x128xf32, #tpu.memory_space<hbm>>
        tpu.enqueue_dma source(%dma_start3A_297 : memref<24x128xf32, #tpu.memory_space<hbm>>) target(%dma_start3A_294 : memref<24x128xf32, #tpu.memory_space<vmem>>) target_semaphore(%run_scoped3A_284 : memref<!tpu.dma_semaphore, #tpu.memory_space<semaphore_mem>>)
        %dma_wait3A = arith.constant 0 : i32
        %dma_wait3A_298 = arith.constant 0 : i32
        %dma_wait3A_299 = tpu.memref_slice %arg6[%run_scoped3A_188, %dma_wait3A, %dma_wait3A_298] : memref<16x24x128xf32, #tpu.memory_space<vmem>> -> memref<1x24x128xf32, #tpu.memory_space<vmem>>
        %dma_wait3A_300 = tpu.memref_squeeze %dma_wait3A_299 : memref<1x24x128xf32, #tpu.memory_space<vmem>> -> memref<24x128xf32, #tpu.memory_space<vmem>>
        %dma_wait3A_301 = arith.constant 0 : i32
        %dma_wait3A_302 = tpu.memref_slice %arg3[%add3A_187, %multiple_of3A, %dma_wait3A_301] : memref<384x1152x128xf32, #tpu.memory_space<hbm>> -> memref<1x24x128xf32, #tpu.memory_space<hbm>>
        %dma_wait3A_303 = tpu.memref_squeeze %dma_wait3A_302 : memref<1x24x128xf32, #tpu.memory_space<hbm>> -> memref<24x128xf32, #tpu.memory_space<hbm>>
        %dma_wait3A_304 = arith.constant 0 : i32
        %dma_wait3A_305 = arith.constant 0 : i32
        %dma_wait3A_306 = tpu.memref_slice %arg6[%run_scoped3A_188, %dma_wait3A_304, %dma_wait3A_305] : memref<16x24x128xf32, #tpu.memory_space<vmem>> -> memref<1x24x128xf32, #tpu.memory_space<vmem>>
        %dma_wait3A_307 = tpu.memref_squeeze %dma_wait3A_306 : memref<1x24x128xf32, #tpu.memory_space<vmem>> -> memref<24x128xf32, #tpu.memory_space<vmem>>
        %dma_wait3A_308 = arith.constant 0 : i32
        %dma_wait3A_309 = tpu.memref_slice %arg3[%add3A_187, %multiple_of3A, %dma_wait3A_308] : memref<384x1152x128xf32, #tpu.memory_space<hbm>> -> memref<1x24x128xf32, #tpu.memory_space<hbm>>
        %dma_wait3A_310 = tpu.memref_squeeze %dma_wait3A_309 : memref<1x24x128xf32, #tpu.memory_space<hbm>> -> memref<24x128xf32, #tpu.memory_space<hbm>>
        tpu.wait_dma2 semaphore(%run_scoped3A_284 : memref<!tpu.dma_semaphore, #tpu.memory_space<semaphore_mem>>) src(%dma_wait3A_310 : memref<24x128xf32, #tpu.memory_space<hbm>>) dst(%dma_wait3A_307 : memref<24x128xf32, #tpu.memory_space<vmem>>)
        tpu.yield
      }) : () -> ()
      %mul3A_189 = arith.constant 96 : i32
      %mul3A_190 = arith.muli %select_n3A, %mul3A_189 : i32
      %add3A_191 = arith.constant 80 : i32
      %add3A_192 = arith.addi %mul3A_190, %add3A_191 : i32
      %add3A_193 = arith.constant 10 : i32
      %add3A_194 = arith.addi %add3A_192, %add3A_193 : i32
      %run_scoped3A_195 = arith.constant 10 : i32
      "tpu.region"() ({
        %run_scoped3A_284 = tpu.sem_alloc : memref<!tpu.dma_semaphore, #tpu.memory_space<semaphore_mem>>
        %dma_start3A = arith.constant 0 : i32
        %dma_start3A_285 = arith.constant 0 : i32
        %dma_start3A_286 = tpu.memref_slice %arg5[%run_scoped3A_195, %dma_start3A, %dma_start3A_285] : memref<16x24x128xf32, #tpu.memory_space<vmem>> -> memref<1x24x128xf32, #tpu.memory_space<vmem>>
        %dma_start3A_287 = tpu.memref_squeeze %dma_start3A_286 : memref<1x24x128xf32, #tpu.memory_space<vmem>> -> memref<24x128xf32, #tpu.memory_space<vmem>>
        %dma_start3A_288 = arith.constant 0 : i32
        %dma_start3A_289 = tpu.memref_slice %arg2[%add3A_194, %multiple_of3A, %dma_start3A_288] : memref<384x1152x128xf32, #tpu.memory_space<hbm>> -> memref<1x24x128xf32, #tpu.memory_space<hbm>>
        %dma_start3A_290 = tpu.memref_squeeze %dma_start3A_289 : memref<1x24x128xf32, #tpu.memory_space<hbm>> -> memref<24x128xf32, #tpu.memory_space<hbm>>
        %dma_start3A_291 = arith.constant 0 : i32
        %dma_start3A_292 = arith.constant 0 : i32
        %dma_start3A_293 = tpu.memref_slice %arg5[%run_scoped3A_195, %dma_start3A_291, %dma_start3A_292] : memref<16x24x128xf32, #tpu.memory_space<vmem>> -> memref<1x24x128xf32, #tpu.memory_space<vmem>>
        %dma_start3A_294 = tpu.memref_squeeze %dma_start3A_293 : memref<1x24x128xf32, #tpu.memory_space<vmem>> -> memref<24x128xf32, #tpu.memory_space<vmem>>
        %dma_start3A_295 = arith.constant 0 : i32
        %dma_start3A_296 = tpu.memref_slice %arg2[%add3A_194, %multiple_of3A, %dma_start3A_295] : memref<384x1152x128xf32, #tpu.memory_space<hbm>> -> memref<1x24x128xf32, #tpu.memory_space<hbm>>
        %dma_start3A_297 = tpu.memref_squeeze %dma_start3A_296 : memref<1x24x128xf32, #tpu.memory_space<hbm>> -> memref<24x128xf32, #tpu.memory_space<hbm>>
        tpu.enqueue_dma source(%dma_start3A_297 : memref<24x128xf32, #tpu.memory_space<hbm>>) target(%dma_start3A_294 : memref<24x128xf32, #tpu.memory_space<vmem>>) target_semaphore(%run_scoped3A_284 : memref<!tpu.dma_semaphore, #tpu.memory_space<semaphore_mem>>)
        %dma_wait3A = arith.constant 0 : i32
        %dma_wait3A_298 = arith.constant 0 : i32
        %dma_wait3A_299 = tpu.memref_slice %arg5[%run_scoped3A_195, %dma_wait3A, %dma_wait3A_298] : memref<16x24x128xf32, #tpu.memory_space<vmem>> -> memref<1x24x128xf32, #tpu.memory_space<vmem>>
        %dma_wait3A_300 = tpu.memref_squeeze %dma_wait3A_299 : memref<1x24x128xf32, #tpu.memory_space<vmem>> -> memref<24x128xf32, #tpu.memory_space<vmem>>
        %dma_wait3A_301 = arith.constant 0 : i32
        %dma_wait3A_302 = tpu.memref_slice %arg2[%add3A_194, %multiple_of3A, %dma_wait3A_301] : memref<384x1152x128xf32, #tpu.memory_space<hbm>> -> memref<1x24x128xf32, #tpu.memory_space<hbm>>
        %dma_wait3A_303 = tpu.memref_squeeze %dma_wait3A_302 : memref<1x24x128xf32, #tpu.memory_space<hbm>> -> memref<24x128xf32, #tpu.memory_space<hbm>>
        %dma_wait3A_304 = arith.constant 0 : i32
        %dma_wait3A_305 = arith.constant 0 : i32
        %dma_wait3A_306 = tpu.memref_slice %arg5[%run_scoped3A_195, %dma_wait3A_304, %dma_wait3A_305] : memref<16x24x128xf32, #tpu.memory_space<vmem>> -> memref<1x24x128xf32, #tpu.memory_space<vmem>>
        %dma_wait3A_307 = tpu.memref_squeeze %dma_wait3A_306 : memref<1x24x128xf32, #tpu.memory_space<vmem>> -> memref<24x128xf32, #tpu.memory_space<vmem>>
        %dma_wait3A_308 = arith.constant 0 : i32
        %dma_wait3A_309 = tpu.memref_slice %arg2[%add3A_194, %multiple_of3A, %dma_wait3A_308] : memref<384x1152x128xf32, #tpu.memory_space<hbm>> -> memref<1x24x128xf32, #tpu.memory_space<hbm>>
        %dma_wait3A_310 = tpu.memref_squeeze %dma_wait3A_309 : memref<1x24x128xf32, #tpu.memory_space<hbm>> -> memref<24x128xf32, #tpu.memory_space<hbm>>
        tpu.wait_dma2 semaphore(%run_scoped3A_284 : memref<!tpu.dma_semaphore, #tpu.memory_space<semaphore_mem>>) src(%dma_wait3A_310 : memref<24x128xf32, #tpu.memory_space<hbm>>) dst(%dma_wait3A_307 : memref<24x128xf32, #tpu.memory_space<vmem>>)
        tpu.yield
      }) : () -> ()
      %mul3A_196 = arith.constant 96 : i32
      %mul3A_197 = arith.muli %select_n3A, %mul3A_196 : i32
      %add3A_198 = arith.constant 80 : i32
      %add3A_199 = arith.addi %mul3A_197, %add3A_198 : i32
      %add3A_200 = arith.constant 10 : i32
      %add3A_201 = arith.addi %add3A_199, %add3A_200 : i32
      %run_scoped3A_202 = arith.constant 10 : i32
      "tpu.region"() ({
        %run_scoped3A_284 = tpu.sem_alloc : memref<!tpu.dma_semaphore, #tpu.memory_space<semaphore_mem>>
        %dma_start3A = arith.constant 0 : i32
        %dma_start3A_285 = arith.constant 0 : i32
        %dma_start3A_286 = tpu.memref_slice %arg6[%run_scoped3A_202, %dma_start3A, %dma_start3A_285] : memref<16x24x128xf32, #tpu.memory_space<vmem>> -> memref<1x24x128xf32, #tpu.memory_space<vmem>>
        %dma_start3A_287 = tpu.memref_squeeze %dma_start3A_286 : memref<1x24x128xf32, #tpu.memory_space<vmem>> -> memref<24x128xf32, #tpu.memory_space<vmem>>
        %dma_start3A_288 = arith.constant 0 : i32
        %dma_start3A_289 = tpu.memref_slice %arg3[%add3A_201, %multiple_of3A, %dma_start3A_288] : memref<384x1152x128xf32, #tpu.memory_space<hbm>> -> memref<1x24x128xf32, #tpu.memory_space<hbm>>
        %dma_start3A_290 = tpu.memref_squeeze %dma_start3A_289 : memref<1x24x128xf32, #tpu.memory_space<hbm>> -> memref<24x128xf32, #tpu.memory_space<hbm>>
        %dma_start3A_291 = arith.constant 0 : i32
        %dma_start3A_292 = arith.constant 0 : i32
        %dma_start3A_293 = tpu.memref_slice %arg6[%run_scoped3A_202, %dma_start3A_291, %dma_start3A_292] : memref<16x24x128xf32, #tpu.memory_space<vmem>> -> memref<1x24x128xf32, #tpu.memory_space<vmem>>
        %dma_start3A_294 = tpu.memref_squeeze %dma_start3A_293 : memref<1x24x128xf32, #tpu.memory_space<vmem>> -> memref<24x128xf32, #tpu.memory_space<vmem>>
        %dma_start3A_295 = arith.constant 0 : i32
        %dma_start3A_296 = tpu.memref_slice %arg3[%add3A_201, %multiple_of3A, %dma_start3A_295] : memref<384x1152x128xf32, #tpu.memory_space<hbm>> -> memref<1x24x128xf32, #tpu.memory_space<hbm>>
        %dma_start3A_297 = tpu.memref_squeeze %dma_start3A_296 : memref<1x24x128xf32, #tpu.memory_space<hbm>> -> memref<24x128xf32, #tpu.memory_space<hbm>>
        tpu.enqueue_dma source(%dma_start3A_297 : memref<24x128xf32, #tpu.memory_space<hbm>>) target(%dma_start3A_294 : memref<24x128xf32, #tpu.memory_space<vmem>>) target_semaphore(%run_scoped3A_284 : memref<!tpu.dma_semaphore, #tpu.memory_space<semaphore_mem>>)
        %dma_wait3A = arith.constant 0 : i32
        %dma_wait3A_298 = arith.constant 0 : i32
        %dma_wait3A_299 = tpu.memref_slice %arg6[%run_scoped3A_202, %dma_wait3A, %dma_wait3A_298] : memref<16x24x128xf32, #tpu.memory_space<vmem>> -> memref<1x24x128xf32, #tpu.memory_space<vmem>>
        %dma_wait3A_300 = tpu.memref_squeeze %dma_wait3A_299 : memref<1x24x128xf32, #tpu.memory_space<vmem>> -> memref<24x128xf32, #tpu.memory_space<vmem>>
        %dma_wait3A_301 = arith.constant 0 : i32
        %dma_wait3A_302 = tpu.memref_slice %arg3[%add3A_201, %multiple_of3A, %dma_wait3A_301] : memref<384x1152x128xf32, #tpu.memory_space<hbm>> -> memref<1x24x128xf32, #tpu.memory_space<hbm>>
        %dma_wait3A_303 = tpu.memref_squeeze %dma_wait3A_302 : memref<1x24x128xf32, #tpu.memory_space<hbm>> -> memref<24x128xf32, #tpu.memory_space<hbm>>
        %dma_wait3A_304 = arith.constant 0 : i32
        %dma_wait3A_305 = arith.constant 0 : i32
        %dma_wait3A_306 = tpu.memref_slice %arg6[%run_scoped3A_202, %dma_wait3A_304, %dma_wait3A_305] : memref<16x24x128xf32, #tpu.memory_space<vmem>> -> memref<1x24x128xf32, #tpu.memory_space<vmem>>
        %dma_wait3A_307 = tpu.memref_squeeze %dma_wait3A_306 : memref<1x24x128xf32, #tpu.memory_space<vmem>> -> memref<24x128xf32, #tpu.memory_space<vmem>>
        %dma_wait3A_308 = arith.constant 0 : i32
        %dma_wait3A_309 = tpu.memref_slice %arg3[%add3A_201, %multiple_of3A, %dma_wait3A_308] : memref<384x1152x128xf32, #tpu.memory_space<hbm>> -> memref<1x24x128xf32, #tpu.memory_space<hbm>>
        %dma_wait3A_310 = tpu.memref_squeeze %dma_wait3A_309 : memref<1x24x128xf32, #tpu.memory_space<hbm>> -> memref<24x128xf32, #tpu.memory_space<hbm>>
        tpu.wait_dma2 semaphore(%run_scoped3A_284 : memref<!tpu.dma_semaphore, #tpu.memory_space<semaphore_mem>>) src(%dma_wait3A_310 : memref<24x128xf32, #tpu.memory_space<hbm>>) dst(%dma_wait3A_307 : memref<24x128xf32, #tpu.memory_space<vmem>>)
        tpu.yield
      }) : () -> ()
      %mul3A_203 = arith.constant 96 : i32
      %mul3A_204 = arith.muli %select_n3A, %mul3A_203 : i32
      %add3A_205 = arith.constant 80 : i32
      %add3A_206 = arith.addi %mul3A_204, %add3A_205 : i32
      %add3A_207 = arith.constant 11 : i32
      %add3A_208 = arith.addi %add3A_206, %add3A_207 : i32
      %run_scoped3A_209 = arith.constant 11 : i32
      "tpu.region"() ({
        %run_scoped3A_284 = tpu.sem_alloc : memref<!tpu.dma_semaphore, #tpu.memory_space<semaphore_mem>>
        %dma_start3A = arith.constant 0 : i32
        %dma_start3A_285 = arith.constant 0 : i32
        %dma_start3A_286 = tpu.memref_slice %arg5[%run_scoped3A_209, %dma_start3A, %dma_start3A_285] : memref<16x24x128xf32, #tpu.memory_space<vmem>> -> memref<1x24x128xf32, #tpu.memory_space<vmem>>
        %dma_start3A_287 = tpu.memref_squeeze %dma_start3A_286 : memref<1x24x128xf32, #tpu.memory_space<vmem>> -> memref<24x128xf32, #tpu.memory_space<vmem>>
        %dma_start3A_288 = arith.constant 0 : i32
        %dma_start3A_289 = tpu.memref_slice %arg2[%add3A_208, %multiple_of3A, %dma_start3A_288] : memref<384x1152x128xf32, #tpu.memory_space<hbm>> -> memref<1x24x128xf32, #tpu.memory_space<hbm>>
        %dma_start3A_290 = tpu.memref_squeeze %dma_start3A_289 : memref<1x24x128xf32, #tpu.memory_space<hbm>> -> memref<24x128xf32, #tpu.memory_space<hbm>>
        %dma_start3A_291 = arith.constant 0 : i32
        %dma_start3A_292 = arith.constant 0 : i32
        %dma_start3A_293 = tpu.memref_slice %arg5[%run_scoped3A_209, %dma_start3A_291, %dma_start3A_292] : memref<16x24x128xf32, #tpu.memory_space<vmem>> -> memref<1x24x128xf32, #tpu.memory_space<vmem>>
        %dma_start3A_294 = tpu.memref_squeeze %dma_start3A_293 : memref<1x24x128xf32, #tpu.memory_space<vmem>> -> memref<24x128xf32, #tpu.memory_space<vmem>>
        %dma_start3A_295 = arith.constant 0 : i32
        %dma_start3A_296 = tpu.memref_slice %arg2[%add3A_208, %multiple_of3A, %dma_start3A_295] : memref<384x1152x128xf32, #tpu.memory_space<hbm>> -> memref<1x24x128xf32, #tpu.memory_space<hbm>>
        %dma_start3A_297 = tpu.memref_squeeze %dma_start3A_296 : memref<1x24x128xf32, #tpu.memory_space<hbm>> -> memref<24x128xf32, #tpu.memory_space<hbm>>
        tpu.enqueue_dma source(%dma_start3A_297 : memref<24x128xf32, #tpu.memory_space<hbm>>) target(%dma_start3A_294 : memref<24x128xf32, #tpu.memory_space<vmem>>) target_semaphore(%run_scoped3A_284 : memref<!tpu.dma_semaphore, #tpu.memory_space<semaphore_mem>>)
        %dma_wait3A = arith.constant 0 : i32
        %dma_wait3A_298 = arith.constant 0 : i32
        %dma_wait3A_299 = tpu.memref_slice %arg5[%run_scoped3A_209, %dma_wait3A, %dma_wait3A_298] : memref<16x24x128xf32, #tpu.memory_space<vmem>> -> memref<1x24x128xf32, #tpu.memory_space<vmem>>
        %dma_wait3A_300 = tpu.memref_squeeze %dma_wait3A_299 : memref<1x24x128xf32, #tpu.memory_space<vmem>> -> memref<24x128xf32, #tpu.memory_space<vmem>>
        %dma_wait3A_301 = arith.constant 0 : i32
        %dma_wait3A_302 = tpu.memref_slice %arg2[%add3A_208, %multiple_of3A, %dma_wait3A_301] : memref<384x1152x128xf32, #tpu.memory_space<hbm>> -> memref<1x24x128xf32, #tpu.memory_space<hbm>>
        %dma_wait3A_303 = tpu.memref_squeeze %dma_wait3A_302 : memref<1x24x128xf32, #tpu.memory_space<hbm>> -> memref<24x128xf32, #tpu.memory_space<hbm>>
        %dma_wait3A_304 = arith.constant 0 : i32
        %dma_wait3A_305 = arith.constant 0 : i32
        %dma_wait3A_306 = tpu.memref_slice %arg5[%run_scoped3A_209, %dma_wait3A_304, %dma_wait3A_305] : memref<16x24x128xf32, #tpu.memory_space<vmem>> -> memref<1x24x128xf32, #tpu.memory_space<vmem>>
        %dma_wait3A_307 = tpu.memref_squeeze %dma_wait3A_306 : memref<1x24x128xf32, #tpu.memory_space<vmem>> -> memref<24x128xf32, #tpu.memory_space<vmem>>
        %dma_wait3A_308 = arith.constant 0 : i32
        %dma_wait3A_309 = tpu.memref_slice %arg2[%add3A_208, %multiple_of3A, %dma_wait3A_308] : memref<384x1152x128xf32, #tpu.memory_space<hbm>> -> memref<1x24x128xf32, #tpu.memory_space<hbm>>
        %dma_wait3A_310 = tpu.memref_squeeze %dma_wait3A_309 : memref<1x24x128xf32, #tpu.memory_space<hbm>> -> memref<24x128xf32, #tpu.memory_space<hbm>>
        tpu.wait_dma2 semaphore(%run_scoped3A_284 : memref<!tpu.dma_semaphore, #tpu.memory_space<semaphore_mem>>) src(%dma_wait3A_310 : memref<24x128xf32, #tpu.memory_space<hbm>>) dst(%dma_wait3A_307 : memref<24x128xf32, #tpu.memory_space<vmem>>)
        tpu.yield
      }) : () -> ()
      %mul3A_210 = arith.constant 96 : i32
      %mul3A_211 = arith.muli %select_n3A, %mul3A_210 : i32
      %add3A_212 = arith.constant 80 : i32
      %add3A_213 = arith.addi %mul3A_211, %add3A_212 : i32
      %add3A_214 = arith.constant 11 : i32
      %add3A_215 = arith.addi %add3A_213, %add3A_214 : i32
      %run_scoped3A_216 = arith.constant 11 : i32
      "tpu.region"() ({
        %run_scoped3A_284 = tpu.sem_alloc : memref<!tpu.dma_semaphore, #tpu.memory_space<semaphore_mem>>
        %dma_start3A = arith.constant 0 : i32
        %dma_start3A_285 = arith.constant 0 : i32
        %dma_start3A_286 = tpu.memref_slice %arg6[%run_scoped3A_216, %dma_start3A, %dma_start3A_285] : memref<16x24x128xf32, #tpu.memory_space<vmem>> -> memref<1x24x128xf32, #tpu.memory_space<vmem>>
        %dma_start3A_287 = tpu.memref_squeeze %dma_start3A_286 : memref<1x24x128xf32, #tpu.memory_space<vmem>> -> memref<24x128xf32, #tpu.memory_space<vmem>>
        %dma_start3A_288 = arith.constant 0 : i32
        %dma_start3A_289 = tpu.memref_slice %arg3[%add3A_215, %multiple_of3A, %dma_start3A_288] : memref<384x1152x128xf32, #tpu.memory_space<hbm>> -> memref<1x24x128xf32, #tpu.memory_space<hbm>>
        %dma_start3A_290 = tpu.memref_squeeze %dma_start3A_289 : memref<1x24x128xf32, #tpu.memory_space<hbm>> -> memref<24x128xf32, #tpu.memory_space<hbm>>
        %dma_start3A_291 = arith.constant 0 : i32
        %dma_start3A_292 = arith.constant 0 : i32
        %dma_start3A_293 = tpu.memref_slice %arg6[%run_scoped3A_216, %dma_start3A_291, %dma_start3A_292] : memref<16x24x128xf32, #tpu.memory_space<vmem>> -> memref<1x24x128xf32, #tpu.memory_space<vmem>>
        %dma_start3A_294 = tpu.memref_squeeze %dma_start3A_293 : memref<1x24x128xf32, #tpu.memory_space<vmem>> -> memref<24x128xf32, #tpu.memory_space<vmem>>
        %dma_start3A_295 = arith.constant 0 : i32
        %dma_start3A_296 = tpu.memref_slice %arg3[%add3A_215, %multiple_of3A, %dma_start3A_295] : memref<384x1152x128xf32, #tpu.memory_space<hbm>> -> memref<1x24x128xf32, #tpu.memory_space<hbm>>
        %dma_start3A_297 = tpu.memref_squeeze %dma_start3A_296 : memref<1x24x128xf32, #tpu.memory_space<hbm>> -> memref<24x128xf32, #tpu.memory_space<hbm>>
        tpu.enqueue_dma source(%dma_start3A_297 : memref<24x128xf32, #tpu.memory_space<hbm>>) target(%dma_start3A_294 : memref<24x128xf32, #tpu.memory_space<vmem>>) target_semaphore(%run_scoped3A_284 : memref<!tpu.dma_semaphore, #tpu.memory_space<semaphore_mem>>)
        %dma_wait3A = arith.constant 0 : i32
        %dma_wait3A_298 = arith.constant 0 : i32
        %dma_wait3A_299 = tpu.memref_slice %arg6[%run_scoped3A_216, %dma_wait3A, %dma_wait3A_298] : memref<16x24x128xf32, #tpu.memory_space<vmem>> -> memref<1x24x128xf32, #tpu.memory_space<vmem>>
        %dma_wait3A_300 = tpu.memref_squeeze %dma_wait3A_299 : memref<1x24x128xf32, #tpu.memory_space<vmem>> -> memref<24x128xf32, #tpu.memory_space<vmem>>
        %dma_wait3A_301 = arith.constant 0 : i32
        %dma_wait3A_302 = tpu.memref_slice %arg3[%add3A_215, %multiple_of3A, %dma_wait3A_301] : memref<384x1152x128xf32, #tpu.memory_space<hbm>> -> memref<1x24x128xf32, #tpu.memory_space<hbm>>
        %dma_wait3A_303 = tpu.memref_squeeze %dma_wait3A_302 : memref<1x24x128xf32, #tpu.memory_space<hbm>> -> memref<24x128xf32, #tpu.memory_space<hbm>>
        %dma_wait3A_304 = arith.constant 0 : i32
        %dma_wait3A_305 = arith.constant 0 : i32
        %dma_wait3A_306 = tpu.memref_slice %arg6[%run_scoped3A_216, %dma_wait3A_304, %dma_wait3A_305] : memref<16x24x128xf32, #tpu.memory_space<vmem>> -> memref<1x24x128xf32, #tpu.memory_space<vmem>>
        %dma_wait3A_307 = tpu.memref_squeeze %dma_wait3A_306 : memref<1x24x128xf32, #tpu.memory_space<vmem>> -> memref<24x128xf32, #tpu.memory_space<vmem>>
        %dma_wait3A_308 = arith.constant 0 : i32
        %dma_wait3A_309 = tpu.memref_slice %arg3[%add3A_215, %multiple_of3A, %dma_wait3A_308] : memref<384x1152x128xf32, #tpu.memory_space<hbm>> -> memref<1x24x128xf32, #tpu.memory_space<hbm>>
        %dma_wait3A_310 = tpu.memref_squeeze %dma_wait3A_309 : memref<1x24x128xf32, #tpu.memory_space<hbm>> -> memref<24x128xf32, #tpu.memory_space<hbm>>
        tpu.wait_dma2 semaphore(%run_scoped3A_284 : memref<!tpu.dma_semaphore, #tpu.memory_space<semaphore_mem>>) src(%dma_wait3A_310 : memref<24x128xf32, #tpu.memory_space<hbm>>) dst(%dma_wait3A_307 : memref<24x128xf32, #tpu.memory_space<vmem>>)
        tpu.yield
      }) : () -> ()
      %mul3A_217 = arith.constant 96 : i32
      %mul3A_218 = arith.muli %select_n3A, %mul3A_217 : i32
      %add3A_219 = arith.constant 80 : i32
      %add3A_220 = arith.addi %mul3A_218, %add3A_219 : i32
      %add3A_221 = arith.constant 12 : i32
      %add3A_222 = arith.addi %add3A_220, %add3A_221 : i32
      %run_scoped3A_223 = arith.constant 12 : i32
      "tpu.region"() ({
        %run_scoped3A_284 = tpu.sem_alloc : memref<!tpu.dma_semaphore, #tpu.memory_space<semaphore_mem>>
        %dma_start3A = arith.constant 0 : i32
        %dma_start3A_285 = arith.constant 0 : i32
        %dma_start3A_286 = tpu.memref_slice %arg5[%run_scoped3A_223, %dma_start3A, %dma_start3A_285] : memref<16x24x128xf32, #tpu.memory_space<vmem>> -> memref<1x24x128xf32, #tpu.memory_space<vmem>>
        %dma_start3A_287 = tpu.memref_squeeze %dma_start3A_286 : memref<1x24x128xf32, #tpu.memory_space<vmem>> -> memref<24x128xf32, #tpu.memory_space<vmem>>
        %dma_start3A_288 = arith.constant 0 : i32
        %dma_start3A_289 = tpu.memref_slice %arg2[%add3A_222, %multiple_of3A, %dma_start3A_288] : memref<384x1152x128xf32, #tpu.memory_space<hbm>> -> memref<1x24x128xf32, #tpu.memory_space<hbm>>
        %dma_start3A_290 = tpu.memref_squeeze %dma_start3A_289 : memref<1x24x128xf32, #tpu.memory_space<hbm>> -> memref<24x128xf32, #tpu.memory_space<hbm>>
        %dma_start3A_291 = arith.constant 0 : i32
        %dma_start3A_292 = arith.constant 0 : i32
        %dma_start3A_293 = tpu.memref_slice %arg5[%run_scoped3A_223, %dma_start3A_291, %dma_start3A_292] : memref<16x24x128xf32, #tpu.memory_space<vmem>> -> memref<1x24x128xf32, #tpu.memory_space<vmem>>
        %dma_start3A_294 = tpu.memref_squeeze %dma_start3A_293 : memref<1x24x128xf32, #tpu.memory_space<vmem>> -> memref<24x128xf32, #tpu.memory_space<vmem>>
        %dma_start3A_295 = arith.constant 0 : i32
        %dma_start3A_296 = tpu.memref_slice %arg2[%add3A_222, %multiple_of3A, %dma_start3A_295] : memref<384x1152x128xf32, #tpu.memory_space<hbm>> -> memref<1x24x128xf32, #tpu.memory_space<hbm>>
        %dma_start3A_297 = tpu.memref_squeeze %dma_start3A_296 : memref<1x24x128xf32, #tpu.memory_space<hbm>> -> memref<24x128xf32, #tpu.memory_space<hbm>>
        tpu.enqueue_dma source(%dma_start3A_297 : memref<24x128xf32, #tpu.memory_space<hbm>>) target(%dma_start3A_294 : memref<24x128xf32, #tpu.memory_space<vmem>>) target_semaphore(%run_scoped3A_284 : memref<!tpu.dma_semaphore, #tpu.memory_space<semaphore_mem>>)
        %dma_wait3A = arith.constant 0 : i32
        %dma_wait3A_298 = arith.constant 0 : i32
        %dma_wait3A_299 = tpu.memref_slice %arg5[%run_scoped3A_223, %dma_wait3A, %dma_wait3A_298] : memref<16x24x128xf32, #tpu.memory_space<vmem>> -> memref<1x24x128xf32, #tpu.memory_space<vmem>>
        %dma_wait3A_300 = tpu.memref_squeeze %dma_wait3A_299 : memref<1x24x128xf32, #tpu.memory_space<vmem>> -> memref<24x128xf32, #tpu.memory_space<vmem>>
        %dma_wait3A_301 = arith.constant 0 : i32
        %dma_wait3A_302 = tpu.memref_slice %arg2[%add3A_222, %multiple_of3A, %dma_wait3A_301] : memref<384x1152x128xf32, #tpu.memory_space<hbm>> -> memref<1x24x128xf32, #tpu.memory_space<hbm>>
        %dma_wait3A_303 = tpu.memref_squeeze %dma_wait3A_302 : memref<1x24x128xf32, #tpu.memory_space<hbm>> -> memref<24x128xf32, #tpu.memory_space<hbm>>
        %dma_wait3A_304 = arith.constant 0 : i32
        %dma_wait3A_305 = arith.constant 0 : i32
        %dma_wait3A_306 = tpu.memref_slice %arg5[%run_scoped3A_223, %dma_wait3A_304, %dma_wait3A_305] : memref<16x24x128xf32, #tpu.memory_space<vmem>> -> memref<1x24x128xf32, #tpu.memory_space<vmem>>
        %dma_wait3A_307 = tpu.memref_squeeze %dma_wait3A_306 : memref<1x24x128xf32, #tpu.memory_space<vmem>> -> memref<24x128xf32, #tpu.memory_space<vmem>>
        %dma_wait3A_308 = arith.constant 0 : i32
        %dma_wait3A_309 = tpu.memref_slice %arg2[%add3A_222, %multiple_of3A, %dma_wait3A_308] : memref<384x1152x128xf32, #tpu.memory_space<hbm>> -> memref<1x24x128xf32, #tpu.memory_space<hbm>>
        %dma_wait3A_310 = tpu.memref_squeeze %dma_wait3A_309 : memref<1x24x128xf32, #tpu.memory_space<hbm>> -> memref<24x128xf32, #tpu.memory_space<hbm>>
        tpu.wait_dma2 semaphore(%run_scoped3A_284 : memref<!tpu.dma_semaphore, #tpu.memory_space<semaphore_mem>>) src(%dma_wait3A_310 : memref<24x128xf32, #tpu.memory_space<hbm>>) dst(%dma_wait3A_307 : memref<24x128xf32, #tpu.memory_space<vmem>>)
        tpu.yield
      }) : () -> ()
      %mul3A_224 = arith.constant 96 : i32
      %mul3A_225 = arith.muli %select_n3A, %mul3A_224 : i32
      %add3A_226 = arith.constant 80 : i32
      %add3A_227 = arith.addi %mul3A_225, %add3A_226 : i32
      %add3A_228 = arith.constant 12 : i32
      %add3A_229 = arith.addi %add3A_227, %add3A_228 : i32
      %run_scoped3A_230 = arith.constant 12 : i32
      "tpu.region"() ({
        %run_scoped3A_284 = tpu.sem_alloc : memref<!tpu.dma_semaphore, #tpu.memory_space<semaphore_mem>>
        %dma_start3A = arith.constant 0 : i32
        %dma_start3A_285 = arith.constant 0 : i32
        %dma_start3A_286 = tpu.memref_slice %arg6[%run_scoped3A_230, %dma_start3A, %dma_start3A_285] : memref<16x24x128xf32, #tpu.memory_space<vmem>> -> memref<1x24x128xf32, #tpu.memory_space<vmem>>
        %dma_start3A_287 = tpu.memref_squeeze %dma_start3A_286 : memref<1x24x128xf32, #tpu.memory_space<vmem>> -> memref<24x128xf32, #tpu.memory_space<vmem>>
        %dma_start3A_288 = arith.constant 0 : i32
        %dma_start3A_289 = tpu.memref_slice %arg3[%add3A_229, %multiple_of3A, %dma_start3A_288] : memref<384x1152x128xf32, #tpu.memory_space<hbm>> -> memref<1x24x128xf32, #tpu.memory_space<hbm>>
        %dma_start3A_290 = tpu.memref_squeeze %dma_start3A_289 : memref<1x24x128xf32, #tpu.memory_space<hbm>> -> memref<24x128xf32, #tpu.memory_space<hbm>>
        %dma_start3A_291 = arith.constant 0 : i32
        %dma_start3A_292 = arith.constant 0 : i32
        %dma_start3A_293 = tpu.memref_slice %arg6[%run_scoped3A_230, %dma_start3A_291, %dma_start3A_292] : memref<16x24x128xf32, #tpu.memory_space<vmem>> -> memref<1x24x128xf32, #tpu.memory_space<vmem>>
        %dma_start3A_294 = tpu.memref_squeeze %dma_start3A_293 : memref<1x24x128xf32, #tpu.memory_space<vmem>> -> memref<24x128xf32, #tpu.memory_space<vmem>>
        %dma_start3A_295 = arith.constant 0 : i32
        %dma_start3A_296 = tpu.memref_slice %arg3[%add3A_229, %multiple_of3A, %dma_start3A_295] : memref<384x1152x128xf32, #tpu.memory_space<hbm>> -> memref<1x24x128xf32, #tpu.memory_space<hbm>>
        %dma_start3A_297 = tpu.memref_squeeze %dma_start3A_296 : memref<1x24x128xf32, #tpu.memory_space<hbm>> -> memref<24x128xf32, #tpu.memory_space<hbm>>
        tpu.enqueue_dma source(%dma_start3A_297 : memref<24x128xf32, #tpu.memory_space<hbm>>) target(%dma_start3A_294 : memref<24x128xf32, #tpu.memory_space<vmem>>) target_semaphore(%run_scoped3A_284 : memref<!tpu.dma_semaphore, #tpu.memory_space<semaphore_mem>>)
        %dma_wait3A = arith.constant 0 : i32
        %dma_wait3A_298 = arith.constant 0 : i32
        %dma_wait3A_299 = tpu.memref_slice %arg6[%run_scoped3A_230, %dma_wait3A, %dma_wait3A_298] : memref<16x24x128xf32, #tpu.memory_space<vmem>> -> memref<1x24x128xf32, #tpu.memory_space<vmem>>
        %dma_wait3A_300 = tpu.memref_squeeze %dma_wait3A_299 : memref<1x24x128xf32, #tpu.memory_space<vmem>> -> memref<24x128xf32, #tpu.memory_space<vmem>>
        %dma_wait3A_301 = arith.constant 0 : i32
        %dma_wait3A_302 = tpu.memref_slice %arg3[%add3A_229, %multiple_of3A, %dma_wait3A_301] : memref<384x1152x128xf32, #tpu.memory_space<hbm>> -> memref<1x24x128xf32, #tpu.memory_space<hbm>>
        %dma_wait3A_303 = tpu.memref_squeeze %dma_wait3A_302 : memref<1x24x128xf32, #tpu.memory_space<hbm>> -> memref<24x128xf32, #tpu.memory_space<hbm>>
        %dma_wait3A_304 = arith.constant 0 : i32
        %dma_wait3A_305 = arith.constant 0 : i32
        %dma_wait3A_306 = tpu.memref_slice %arg6[%run_scoped3A_230, %dma_wait3A_304, %dma_wait3A_305] : memref<16x24x128xf32, #tpu.memory_space<vmem>> -> memref<1x24x128xf32, #tpu.memory_space<vmem>>
        %dma_wait3A_307 = tpu.memref_squeeze %dma_wait3A_306 : memref<1x24x128xf32, #tpu.memory_space<vmem>> -> memref<24x128xf32, #tpu.memory_space<vmem>>
        %dma_wait3A_308 = arith.constant 0 : i32
        %dma_wait3A_309 = tpu.memref_slice %arg3[%add3A_229, %multiple_of3A, %dma_wait3A_308] : memref<384x1152x128xf32, #tpu.memory_space<hbm>> -> memref<1x24x128xf32, #tpu.memory_space<hbm>>
        %dma_wait3A_310 = tpu.memref_squeeze %dma_wait3A_309 : memref<1x24x128xf32, #tpu.memory_space<hbm>> -> memref<24x128xf32, #tpu.memory_space<hbm>>
        tpu.wait_dma2 semaphore(%run_scoped3A_284 : memref<!tpu.dma_semaphore, #tpu.memory_space<semaphore_mem>>) src(%dma_wait3A_310 : memref<24x128xf32, #tpu.memory_space<hbm>>) dst(%dma_wait3A_307 : memref<24x128xf32, #tpu.memory_space<vmem>>)
        tpu.yield
      }) : () -> ()
      %mul3A_231 = arith.constant 96 : i32
      %mul3A_232 = arith.muli %select_n3A, %mul3A_231 : i32
      %add3A_233 = arith.constant 80 : i32
      %add3A_234 = arith.addi %mul3A_232, %add3A_233 : i32
      %add3A_235 = arith.constant 13 : i32
      %add3A_236 = arith.addi %add3A_234, %add3A_235 : i32
      %run_scoped3A_237 = arith.constant 13 : i32
      "tpu.region"() ({
        %run_scoped3A_284 = tpu.sem_alloc : memref<!tpu.dma_semaphore, #tpu.memory_space<semaphore_mem>>
        %dma_start3A = arith.constant 0 : i32
        %dma_start3A_285 = arith.constant 0 : i32
        %dma_start3A_286 = tpu.memref_slice %arg5[%run_scoped3A_237, %dma_start3A, %dma_start3A_285] : memref<16x24x128xf32, #tpu.memory_space<vmem>> -> memref<1x24x128xf32, #tpu.memory_space<vmem>>
        %dma_start3A_287 = tpu.memref_squeeze %dma_start3A_286 : memref<1x24x128xf32, #tpu.memory_space<vmem>> -> memref<24x128xf32, #tpu.memory_space<vmem>>
        %dma_start3A_288 = arith.constant 0 : i32
        %dma_start3A_289 = tpu.memref_slice %arg2[%add3A_236, %multiple_of3A, %dma_start3A_288] : memref<384x1152x128xf32, #tpu.memory_space<hbm>> -> memref<1x24x128xf32, #tpu.memory_space<hbm>>
        %dma_start3A_290 = tpu.memref_squeeze %dma_start3A_289 : memref<1x24x128xf32, #tpu.memory_space<hbm>> -> memref<24x128xf32, #tpu.memory_space<hbm>>
        %dma_start3A_291 = arith.constant 0 : i32
        %dma_start3A_292 = arith.constant 0 : i32
        %dma_start3A_293 = tpu.memref_slice %arg5[%run_scoped3A_237, %dma_start3A_291, %dma_start3A_292] : memref<16x24x128xf32, #tpu.memory_space<vmem>> -> memref<1x24x128xf32, #tpu.memory_space<vmem>>
        %dma_start3A_294 = tpu.memref_squeeze %dma_start3A_293 : memref<1x24x128xf32, #tpu.memory_space<vmem>> -> memref<24x128xf32, #tpu.memory_space<vmem>>
        %dma_start3A_295 = arith.constant 0 : i32
        %dma_start3A_296 = tpu.memref_slice %arg2[%add3A_236, %multiple_of3A, %dma_start3A_295] : memref<384x1152x128xf32, #tpu.memory_space<hbm>> -> memref<1x24x128xf32, #tpu.memory_space<hbm>>
        %dma_start3A_297 = tpu.memref_squeeze %dma_start3A_296 : memref<1x24x128xf32, #tpu.memory_space<hbm>> -> memref<24x128xf32, #tpu.memory_space<hbm>>
        tpu.enqueue_dma source(%dma_start3A_297 : memref<24x128xf32, #tpu.memory_space<hbm>>) target(%dma_start3A_294 : memref<24x128xf32, #tpu.memory_space<vmem>>) target_semaphore(%run_scoped3A_284 : memref<!tpu.dma_semaphore, #tpu.memory_space<semaphore_mem>>)
        %dma_wait3A = arith.constant 0 : i32
        %dma_wait3A_298 = arith.constant 0 : i32
        %dma_wait3A_299 = tpu.memref_slice %arg5[%run_scoped3A_237, %dma_wait3A, %dma_wait3A_298] : memref<16x24x128xf32, #tpu.memory_space<vmem>> -> memref<1x24x128xf32, #tpu.memory_space<vmem>>
        %dma_wait3A_300 = tpu.memref_squeeze %dma_wait3A_299 : memref<1x24x128xf32, #tpu.memory_space<vmem>> -> memref<24x128xf32, #tpu.memory_space<vmem>>
        %dma_wait3A_301 = arith.constant 0 : i32
        %dma_wait3A_302 = tpu.memref_slice %arg2[%add3A_236, %multiple_of3A, %dma_wait3A_301] : memref<384x1152x128xf32, #tpu.memory_space<hbm>> -> memref<1x24x128xf32, #tpu.memory_space<hbm>>
        %dma_wait3A_303 = tpu.memref_squeeze %dma_wait3A_302 : memref<1x24x128xf32, #tpu.memory_space<hbm>> -> memref<24x128xf32, #tpu.memory_space<hbm>>
        %dma_wait3A_304 = arith.constant 0 : i32
        %dma_wait3A_305 = arith.constant 0 : i32
        %dma_wait3A_306 = tpu.memref_slice %arg5[%run_scoped3A_237, %dma_wait3A_304, %dma_wait3A_305] : memref<16x24x128xf32, #tpu.memory_space<vmem>> -> memref<1x24x128xf32, #tpu.memory_space<vmem>>
        %dma_wait3A_307 = tpu.memref_squeeze %dma_wait3A_306 : memref<1x24x128xf32, #tpu.memory_space<vmem>> -> memref<24x128xf32, #tpu.memory_space<vmem>>
        %dma_wait3A_308 = arith.constant 0 : i32
        %dma_wait3A_309 = tpu.memref_slice %arg2[%add3A_236, %multiple_of3A, %dma_wait3A_308] : memref<384x1152x128xf32, #tpu.memory_space<hbm>> -> memref<1x24x128xf32, #tpu.memory_space<hbm>>
        %dma_wait3A_310 = tpu.memref_squeeze %dma_wait3A_309 : memref<1x24x128xf32, #tpu.memory_space<hbm>> -> memref<24x128xf32, #tpu.memory_space<hbm>>
        tpu.wait_dma2 semaphore(%run_scoped3A_284 : memref<!tpu.dma_semaphore, #tpu.memory_space<semaphore_mem>>) src(%dma_wait3A_310 : memref<24x128xf32, #tpu.memory_space<hbm>>) dst(%dma_wait3A_307 : memref<24x128xf32, #tpu.memory_space<vmem>>)
        tpu.yield
      }) : () -> ()
      %mul3A_238 = arith.constant 96 : i32
      %mul3A_239 = arith.muli %select_n3A, %mul3A_238 : i32
      %add3A_240 = arith.constant 80 : i32
      %add3A_241 = arith.addi %mul3A_239, %add3A_240 : i32
      %add3A_242 = arith.constant 13 : i32
      %add3A_243 = arith.addi %add3A_241, %add3A_242 : i32
      %run_scoped3A_244 = arith.constant 13 : i32
      "tpu.region"() ({
        %run_scoped3A_284 = tpu.sem_alloc : memref<!tpu.dma_semaphore, #tpu.memory_space<semaphore_mem>>
        %dma_start3A = arith.constant 0 : i32
        %dma_start3A_285 = arith.constant 0 : i32
        %dma_start3A_286 = tpu.memref_slice %arg6[%run_scoped3A_244, %dma_start3A, %dma_start3A_285] : memref<16x24x128xf32, #tpu.memory_space<vmem>> -> memref<1x24x128xf32, #tpu.memory_space<vmem>>
        %dma_start3A_287 = tpu.memref_squeeze %dma_start3A_286 : memref<1x24x128xf32, #tpu.memory_space<vmem>> -> memref<24x128xf32, #tpu.memory_space<vmem>>
        %dma_start3A_288 = arith.constant 0 : i32
        %dma_start3A_289 = tpu.memref_slice %arg3[%add3A_243, %multiple_of3A, %dma_start3A_288] : memref<384x1152x128xf32, #tpu.memory_space<hbm>> -> memref<1x24x128xf32, #tpu.memory_space<hbm>>
        %dma_start3A_290 = tpu.memref_squeeze %dma_start3A_289 : memref<1x24x128xf32, #tpu.memory_space<hbm>> -> memref<24x128xf32, #tpu.memory_space<hbm>>
        %dma_start3A_291 = arith.constant 0 : i32
        %dma_start3A_292 = arith.constant 0 : i32
        %dma_start3A_293 = tpu.memref_slice %arg6[%run_scoped3A_244, %dma_start3A_291, %dma_start3A_292] : memref<16x24x128xf32, #tpu.memory_space<vmem>> -> memref<1x24x128xf32, #tpu.memory_space<vmem>>
        %dma_start3A_294 = tpu.memref_squeeze %dma_start3A_293 : memref<1x24x128xf32, #tpu.memory_space<vmem>> -> memref<24x128xf32, #tpu.memory_space<vmem>>
        %dma_start3A_295 = arith.constant 0 : i32
        %dma_start3A_296 = tpu.memref_slice %arg3[%add3A_243, %multiple_of3A, %dma_start3A_295] : memref<384x1152x128xf32, #tpu.memory_space<hbm>> -> memref<1x24x128xf32, #tpu.memory_space<hbm>>
        %dma_start3A_297 = tpu.memref_squeeze %dma_start3A_296 : memref<1x24x128xf32, #tpu.memory_space<hbm>> -> memref<24x128xf32, #tpu.memory_space<hbm>>
        tpu.enqueue_dma source(%dma_start3A_297 : memref<24x128xf32, #tpu.memory_space<hbm>>) target(%dma_start3A_294 : memref<24x128xf32, #tpu.memory_space<vmem>>) target_semaphore(%run_scoped3A_284 : memref<!tpu.dma_semaphore, #tpu.memory_space<semaphore_mem>>)
        %dma_wait3A = arith.constant 0 : i32
        %dma_wait3A_298 = arith.constant 0 : i32
        %dma_wait3A_299 = tpu.memref_slice %arg6[%run_scoped3A_244, %dma_wait3A, %dma_wait3A_298] : memref<16x24x128xf32, #tpu.memory_space<vmem>> -> memref<1x24x128xf32, #tpu.memory_space<vmem>>
        %dma_wait3A_300 = tpu.memref_squeeze %dma_wait3A_299 : memref<1x24x128xf32, #tpu.memory_space<vmem>> -> memref<24x128xf32, #tpu.memory_space<vmem>>
        %dma_wait3A_301 = arith.constant 0 : i32
        %dma_wait3A_302 = tpu.memref_slice %arg3[%add3A_243, %multiple_of3A, %dma_wait3A_301] : memref<384x1152x128xf32, #tpu.memory_space<hbm>> -> memref<1x24x128xf32, #tpu.memory_space<hbm>>
        %dma_wait3A_303 = tpu.memref_squeeze %dma_wait3A_302 : memref<1x24x128xf32, #tpu.memory_space<hbm>> -> memref<24x128xf32, #tpu.memory_space<hbm>>
        %dma_wait3A_304 = arith.constant 0 : i32
        %dma_wait3A_305 = arith.constant 0 : i32
        %dma_wait3A_306 = tpu.memref_slice %arg6[%run_scoped3A_244, %dma_wait3A_304, %dma_wait3A_305] : memref<16x24x128xf32, #tpu.memory_space<vmem>> -> memref<1x24x128xf32, #tpu.memory_space<vmem>>
        %dma_wait3A_307 = tpu.memref_squeeze %dma_wait3A_306 : memref<1x24x128xf32, #tpu.memory_space<vmem>> -> memref<24x128xf32, #tpu.memory_space<vmem>>
        %dma_wait3A_308 = arith.constant 0 : i32
        %dma_wait3A_309 = tpu.memref_slice %arg3[%add3A_243, %multiple_of3A, %dma_wait3A_308] : memref<384x1152x128xf32, #tpu.memory_space<hbm>> -> memref<1x24x128xf32, #tpu.memory_space<hbm>>
        %dma_wait3A_310 = tpu.memref_squeeze %dma_wait3A_309 : memref<1x24x128xf32, #tpu.memory_space<hbm>> -> memref<24x128xf32, #tpu.memory_space<hbm>>
        tpu.wait_dma2 semaphore(%run_scoped3A_284 : memref<!tpu.dma_semaphore, #tpu.memory_space<semaphore_mem>>) src(%dma_wait3A_310 : memref<24x128xf32, #tpu.memory_space<hbm>>) dst(%dma_wait3A_307 : memref<24x128xf32, #tpu.memory_space<vmem>>)
        tpu.yield
      }) : () -> ()
      %mul3A_245 = arith.constant 96 : i32
      %mul3A_246 = arith.muli %select_n3A, %mul3A_245 : i32
      %add3A_247 = arith.constant 80 : i32
      %add3A_248 = arith.addi %mul3A_246, %add3A_247 : i32
      %add3A_249 = arith.constant 14 : i32
      %add3A_250 = arith.addi %add3A_248, %add3A_249 : i32
      %run_scoped3A_251 = arith.constant 14 : i32
      "tpu.region"() ({
        %run_scoped3A_284 = tpu.sem_alloc : memref<!tpu.dma_semaphore, #tpu.memory_space<semaphore_mem>>
        %dma_start3A = arith.constant 0 : i32
        %dma_start3A_285 = arith.constant 0 : i32
        %dma_start3A_286 = tpu.memref_slice %arg5[%run_scoped3A_251, %dma_start3A, %dma_start3A_285] : memref<16x24x128xf32, #tpu.memory_space<vmem>> -> memref<1x24x128xf32, #tpu.memory_space<vmem>>
        %dma_start3A_287 = tpu.memref_squeeze %dma_start3A_286 : memref<1x24x128xf32, #tpu.memory_space<vmem>> -> memref<24x128xf32, #tpu.memory_space<vmem>>
        %dma_start3A_288 = arith.constant 0 : i32
        %dma_start3A_289 = tpu.memref_slice %arg2[%add3A_250, %multiple_of3A, %dma_start3A_288] : memref<384x1152x128xf32, #tpu.memory_space<hbm>> -> memref<1x24x128xf32, #tpu.memory_space<hbm>>
        %dma_start3A_290 = tpu.memref_squeeze %dma_start3A_289 : memref<1x24x128xf32, #tpu.memory_space<hbm>> -> memref<24x128xf32, #tpu.memory_space<hbm>>
        %dma_start3A_291 = arith.constant 0 : i32
        %dma_start3A_292 = arith.constant 0 : i32
        %dma_start3A_293 = tpu.memref_slice %arg5[%run_scoped3A_251, %dma_start3A_291, %dma_start3A_292] : memref<16x24x128xf32, #tpu.memory_space<vmem>> -> memref<1x24x128xf32, #tpu.memory_space<vmem>>
        %dma_start3A_294 = tpu.memref_squeeze %dma_start3A_293 : memref<1x24x128xf32, #tpu.memory_space<vmem>> -> memref<24x128xf32, #tpu.memory_space<vmem>>
        %dma_start3A_295 = arith.constant 0 : i32
        %dma_start3A_296 = tpu.memref_slice %arg2[%add3A_250, %multiple_of3A, %dma_start3A_295] : memref<384x1152x128xf32, #tpu.memory_space<hbm>> -> memref<1x24x128xf32, #tpu.memory_space<hbm>>
        %dma_start3A_297 = tpu.memref_squeeze %dma_start3A_296 : memref<1x24x128xf32, #tpu.memory_space<hbm>> -> memref<24x128xf32, #tpu.memory_space<hbm>>
        tpu.enqueue_dma source(%dma_start3A_297 : memref<24x128xf32, #tpu.memory_space<hbm>>) target(%dma_start3A_294 : memref<24x128xf32, #tpu.memory_space<vmem>>) target_semaphore(%run_scoped3A_284 : memref<!tpu.dma_semaphore, #tpu.memory_space<semaphore_mem>>)
        %dma_wait3A = arith.constant 0 : i32
        %dma_wait3A_298 = arith.constant 0 : i32
        %dma_wait3A_299 = tpu.memref_slice %arg5[%run_scoped3A_251, %dma_wait3A, %dma_wait3A_298] : memref<16x24x128xf32, #tpu.memory_space<vmem>> -> memref<1x24x128xf32, #tpu.memory_space<vmem>>
        %dma_wait3A_300 = tpu.memref_squeeze %dma_wait3A_299 : memref<1x24x128xf32, #tpu.memory_space<vmem>> -> memref<24x128xf32, #tpu.memory_space<vmem>>
        %dma_wait3A_301 = arith.constant 0 : i32
        %dma_wait3A_302 = tpu.memref_slice %arg2[%add3A_250, %multiple_of3A, %dma_wait3A_301] : memref<384x1152x128xf32, #tpu.memory_space<hbm>> -> memref<1x24x128xf32, #tpu.memory_space<hbm>>
        %dma_wait3A_303 = tpu.memref_squeeze %dma_wait3A_302 : memref<1x24x128xf32, #tpu.memory_space<hbm>> -> memref<24x128xf32, #tpu.memory_space<hbm>>
        %dma_wait3A_304 = arith.constant 0 : i32
        %dma_wait3A_305 = arith.constant 0 : i32
        %dma_wait3A_306 = tpu.memref_slice %arg5[%run_scoped3A_251, %dma_wait3A_304, %dma_wait3A_305] : memref<16x24x128xf32, #tpu.memory_space<vmem>> -> memref<1x24x128xf32, #tpu.memory_space<vmem>>
        %dma_wait3A_307 = tpu.memref_squeeze %dma_wait3A_306 : memref<1x24x128xf32, #tpu.memory_space<vmem>> -> memref<24x128xf32, #tpu.memory_space<vmem>>
        %dma_wait3A_308 = arith.constant 0 : i32
        %dma_wait3A_309 = tpu.memref_slice %arg2[%add3A_250, %multiple_of3A, %dma_wait3A_308] : memref<384x1152x128xf32, #tpu.memory_space<hbm>> -> memref<1x24x128xf32, #tpu.memory_space<hbm>>
        %dma_wait3A_310 = tpu.memref_squeeze %dma_wait3A_309 : memref<1x24x128xf32, #tpu.memory_space<hbm>> -> memref<24x128xf32, #tpu.memory_space<hbm>>
        tpu.wait_dma2 semaphore(%run_scoped3A_284 : memref<!tpu.dma_semaphore, #tpu.memory_space<semaphore_mem>>) src(%dma_wait3A_310 : memref<24x128xf32, #tpu.memory_space<hbm>>) dst(%dma_wait3A_307 : memref<24x128xf32, #tpu.memory_space<vmem>>)
        tpu.yield
      }) : () -> ()
      %mul3A_252 = arith.constant 96 : i32
      %mul3A_253 = arith.muli %select_n3A, %mul3A_252 : i32
      %add3A_254 = arith.constant 80 : i32
      %add3A_255 = arith.addi %mul3A_253, %add3A_254 : i32
      %add3A_256 = arith.constant 14 : i32
      %add3A_257 = arith.addi %add3A_255, %add3A_256 : i32
      %run_scoped3A_258 = arith.constant 14 : i32
      "tpu.region"() ({
        %run_scoped3A_284 = tpu.sem_alloc : memref<!tpu.dma_semaphore, #tpu.memory_space<semaphore_mem>>
        %dma_start3A = arith.constant 0 : i32
        %dma_start3A_285 = arith.constant 0 : i32
        %dma_start3A_286 = tpu.memref_slice %arg6[%run_scoped3A_258, %dma_start3A, %dma_start3A_285] : memref<16x24x128xf32, #tpu.memory_space<vmem>> -> memref<1x24x128xf32, #tpu.memory_space<vmem>>
        %dma_start3A_287 = tpu.memref_squeeze %dma_start3A_286 : memref<1x24x128xf32, #tpu.memory_space<vmem>> -> memref<24x128xf32, #tpu.memory_space<vmem>>
        %dma_start3A_288 = arith.constant 0 : i32
        %dma_start3A_289 = tpu.memref_slice %arg3[%add3A_257, %multiple_of3A, %dma_start3A_288] : memref<384x1152x128xf32, #tpu.memory_space<hbm>> -> memref<1x24x128xf32, #tpu.memory_space<hbm>>
        %dma_start3A_290 = tpu.memref_squeeze %dma_start3A_289 : memref<1x24x128xf32, #tpu.memory_space<hbm>> -> memref<24x128xf32, #tpu.memory_space<hbm>>
        %dma_start3A_291 = arith.constant 0 : i32
        %dma_start3A_292 = arith.constant 0 : i32
        %dma_start3A_293 = tpu.memref_slice %arg6[%run_scoped3A_258, %dma_start3A_291, %dma_start3A_292] : memref<16x24x128xf32, #tpu.memory_space<vmem>> -> memref<1x24x128xf32, #tpu.memory_space<vmem>>
        %dma_start3A_294 = tpu.memref_squeeze %dma_start3A_293 : memref<1x24x128xf32, #tpu.memory_space<vmem>> -> memref<24x128xf32, #tpu.memory_space<vmem>>
        %dma_start3A_295 = arith.constant 0 : i32
        %dma_start3A_296 = tpu.memref_slice %arg3[%add3A_257, %multiple_of3A, %dma_start3A_295] : memref<384x1152x128xf32, #tpu.memory_space<hbm>> -> memref<1x24x128xf32, #tpu.memory_space<hbm>>
        %dma_start3A_297 = tpu.memref_squeeze %dma_start3A_296 : memref<1x24x128xf32, #tpu.memory_space<hbm>> -> memref<24x128xf32, #tpu.memory_space<hbm>>
        tpu.enqueue_dma source(%dma_start3A_297 : memref<24x128xf32, #tpu.memory_space<hbm>>) target(%dma_start3A_294 : memref<24x128xf32, #tpu.memory_space<vmem>>) target_semaphore(%run_scoped3A_284 : memref<!tpu.dma_semaphore, #tpu.memory_space<semaphore_mem>>)
        %dma_wait3A = arith.constant 0 : i32
        %dma_wait3A_298 = arith.constant 0 : i32
        %dma_wait3A_299 = tpu.memref_slice %arg6[%run_scoped3A_258, %dma_wait3A, %dma_wait3A_298] : memref<16x24x128xf32, #tpu.memory_space<vmem>> -> memref<1x24x128xf32, #tpu.memory_space<vmem>>
        %dma_wait3A_300 = tpu.memref_squeeze %dma_wait3A_299 : memref<1x24x128xf32, #tpu.memory_space<vmem>> -> memref<24x128xf32, #tpu.memory_space<vmem>>
        %dma_wait3A_301 = arith.constant 0 : i32
        %dma_wait3A_302 = tpu.memref_slice %arg3[%add3A_257, %multiple_of3A, %dma_wait3A_301] : memref<384x1152x128xf32, #tpu.memory_space<hbm>> -> memref<1x24x128xf32, #tpu.memory_space<hbm>>
        %dma_wait3A_303 = tpu.memref_squeeze %dma_wait3A_302 : memref<1x24x128xf32, #tpu.memory_space<hbm>> -> memref<24x128xf32, #tpu.memory_space<hbm>>
        %dma_wait3A_304 = arith.constant 0 : i32
        %dma_wait3A_305 = arith.constant 0 : i32
        %dma_wait3A_306 = tpu.memref_slice %arg6[%run_scoped3A_258, %dma_wait3A_304, %dma_wait3A_305] : memref<16x24x128xf32, #tpu.memory_space<vmem>> -> memref<1x24x128xf32, #tpu.memory_space<vmem>>
        %dma_wait3A_307 = tpu.memref_squeeze %dma_wait3A_306 : memref<1x24x128xf32, #tpu.memory_space<vmem>> -> memref<24x128xf32, #tpu.memory_space<vmem>>
        %dma_wait3A_308 = arith.constant 0 : i32
        %dma_wait3A_309 = tpu.memref_slice %arg3[%add3A_257, %multiple_of3A, %dma_wait3A_308] : memref<384x1152x128xf32, #tpu.memory_space<hbm>> -> memref<1x24x128xf32, #tpu.memory_space<hbm>>
        %dma_wait3A_310 = tpu.memref_squeeze %dma_wait3A_309 : memref<1x24x128xf32, #tpu.memory_space<hbm>> -> memref<24x128xf32, #tpu.memory_space<hbm>>
        tpu.wait_dma2 semaphore(%run_scoped3A_284 : memref<!tpu.dma_semaphore, #tpu.memory_space<semaphore_mem>>) src(%dma_wait3A_310 : memref<24x128xf32, #tpu.memory_space<hbm>>) dst(%dma_wait3A_307 : memref<24x128xf32, #tpu.memory_space<vmem>>)
        tpu.yield
      }) : () -> ()
      %mul3A_259 = arith.constant 96 : i32
      %mul3A_260 = arith.muli %select_n3A, %mul3A_259 : i32
      %add3A_261 = arith.constant 80 : i32
      %add3A_262 = arith.addi %mul3A_260, %add3A_261 : i32
      %add3A_263 = arith.constant 15 : i32
      %add3A_264 = arith.addi %add3A_262, %add3A_263 : i32
      %run_scoped3A_265 = arith.constant 15 : i32
      "tpu.region"() ({
        %run_scoped3A_284 = tpu.sem_alloc : memref<!tpu.dma_semaphore, #tpu.memory_space<semaphore_mem>>
        %dma_start3A = arith.constant 0 : i32
        %dma_start3A_285 = arith.constant 0 : i32
        %dma_start3A_286 = tpu.memref_slice %arg5[%run_scoped3A_265, %dma_start3A, %dma_start3A_285] : memref<16x24x128xf32, #tpu.memory_space<vmem>> -> memref<1x24x128xf32, #tpu.memory_space<vmem>>
        %dma_start3A_287 = tpu.memref_squeeze %dma_start3A_286 : memref<1x24x128xf32, #tpu.memory_space<vmem>> -> memref<24x128xf32, #tpu.memory_space<vmem>>
        %dma_start3A_288 = arith.constant 0 : i32
        %dma_start3A_289 = tpu.memref_slice %arg2[%add3A_264, %multiple_of3A, %dma_start3A_288] : memref<384x1152x128xf32, #tpu.memory_space<hbm>> -> memref<1x24x128xf32, #tpu.memory_space<hbm>>
        %dma_start3A_290 = tpu.memref_squeeze %dma_start3A_289 : memref<1x24x128xf32, #tpu.memory_space<hbm>> -> memref<24x128xf32, #tpu.memory_space<hbm>>
        %dma_start3A_291 = arith.constant 0 : i32
        %dma_start3A_292 = arith.constant 0 : i32
        %dma_start3A_293 = tpu.memref_slice %arg5[%run_scoped3A_265, %dma_start3A_291, %dma_start3A_292] : memref<16x24x128xf32, #tpu.memory_space<vmem>> -> memref<1x24x128xf32, #tpu.memory_space<vmem>>
        %dma_start3A_294 = tpu.memref_squeeze %dma_start3A_293 : memref<1x24x128xf32, #tpu.memory_space<vmem>> -> memref<24x128xf32, #tpu.memory_space<vmem>>
        %dma_start3A_295 = arith.constant 0 : i32
        %dma_start3A_296 = tpu.memref_slice %arg2[%add3A_264, %multiple_of3A, %dma_start3A_295] : memref<384x1152x128xf32, #tpu.memory_space<hbm>> -> memref<1x24x128xf32, #tpu.memory_space<hbm>>
        %dma_start3A_297 = tpu.memref_squeeze %dma_start3A_296 : memref<1x24x128xf32, #tpu.memory_space<hbm>> -> memref<24x128xf32, #tpu.memory_space<hbm>>
        tpu.enqueue_dma source(%dma_start3A_297 : memref<24x128xf32, #tpu.memory_space<hbm>>) target(%dma_start3A_294 : memref<24x128xf32, #tpu.memory_space<vmem>>) target_semaphore(%run_scoped3A_284 : memref<!tpu.dma_semaphore, #tpu.memory_space<semaphore_mem>>)
        %dma_wait3A = arith.constant 0 : i32
        %dma_wait3A_298 = arith.constant 0 : i32
        %dma_wait3A_299 = tpu.memref_slice %arg5[%run_scoped3A_265, %dma_wait3A, %dma_wait3A_298] : memref<16x24x128xf32, #tpu.memory_space<vmem>> -> memref<1x24x128xf32, #tpu.memory_space<vmem>>
        %dma_wait3A_300 = tpu.memref_squeeze %dma_wait3A_299 : memref<1x24x128xf32, #tpu.memory_space<vmem>> -> memref<24x128xf32, #tpu.memory_space<vmem>>
        %dma_wait3A_301 = arith.constant 0 : i32
        %dma_wait3A_302 = tpu.memref_slice %arg2[%add3A_264, %multiple_of3A, %dma_wait3A_301] : memref<384x1152x128xf32, #tpu.memory_space<hbm>> -> memref<1x24x128xf32, #tpu.memory_space<hbm>>
        %dma_wait3A_303 = tpu.memref_squeeze %dma_wait3A_302 : memref<1x24x128xf32, #tpu.memory_space<hbm>> -> memref<24x128xf32, #tpu.memory_space<hbm>>
        %dma_wait3A_304 = arith.constant 0 : i32
        %dma_wait3A_305 = arith.constant 0 : i32
        %dma_wait3A_306 = tpu.memref_slice %arg5[%run_scoped3A_265, %dma_wait3A_304, %dma_wait3A_305] : memref<16x24x128xf32, #tpu.memory_space<vmem>> -> memref<1x24x128xf32, #tpu.memory_space<vmem>>
        %dma_wait3A_307 = tpu.memref_squeeze %dma_wait3A_306 : memref<1x24x128xf32, #tpu.memory_space<vmem>> -> memref<24x128xf32, #tpu.memory_space<vmem>>
        %dma_wait3A_308 = arith.constant 0 : i32
        %dma_wait3A_309 = tpu.memref_slice %arg2[%add3A_264, %multiple_of3A, %dma_wait3A_308] : memref<384x1152x128xf32, #tpu.memory_space<hbm>> -> memref<1x24x128xf32, #tpu.memory_space<hbm>>
        %dma_wait3A_310 = tpu.memref_squeeze %dma_wait3A_309 : memref<1x24x128xf32, #tpu.memory_space<hbm>> -> memref<24x128xf32, #tpu.memory_space<hbm>>
        tpu.wait_dma2 semaphore(%run_scoped3A_284 : memref<!tpu.dma_semaphore, #tpu.memory_space<semaphore_mem>>) src(%dma_wait3A_310 : memref<24x128xf32, #tpu.memory_space<hbm>>) dst(%dma_wait3A_307 : memref<24x128xf32, #tpu.memory_space<vmem>>)
        tpu.yield
      }) : () -> ()
      %mul3A_266 = arith.constant 96 : i32
      %mul3A_267 = arith.muli %select_n3A, %mul3A_266 : i32
      %add3A_268 = arith.constant 80 : i32
      %add3A_269 = arith.addi %mul3A_267, %add3A_268 : i32
      %add3A_270 = arith.constant 15 : i32
      %add3A_271 = arith.addi %add3A_269, %add3A_270 : i32
      %run_scoped3A_272 = arith.constant 15 : i32
      "tpu.region"() ({
        %run_scoped3A_284 = tpu.sem_alloc : memref<!tpu.dma_semaphore, #tpu.memory_space<semaphore_mem>>
        %dma_start3A = arith.constant 0 : i32
        %dma_start3A_285 = arith.constant 0 : i32
        %dma_start3A_286 = tpu.memref_slice %arg6[%run_scoped3A_272, %dma_start3A, %dma_start3A_285] : memref<16x24x128xf32, #tpu.memory_space<vmem>> -> memref<1x24x128xf32, #tpu.memory_space<vmem>>
        %dma_start3A_287 = tpu.memref_squeeze %dma_start3A_286 : memref<1x24x128xf32, #tpu.memory_space<vmem>> -> memref<24x128xf32, #tpu.memory_space<vmem>>
        %dma_start3A_288 = arith.constant 0 : i32
        %dma_start3A_289 = tpu.memref_slice %arg3[%add3A_271, %multiple_of3A, %dma_start3A_288] : memref<384x1152x128xf32, #tpu.memory_space<hbm>> -> memref<1x24x128xf32, #tpu.memory_space<hbm>>
        %dma_start3A_290 = tpu.memref_squeeze %dma_start3A_289 : memref<1x24x128xf32, #tpu.memory_space<hbm>> -> memref<24x128xf32, #tpu.memory_space<hbm>>
        %dma_start3A_291 = arith.constant 0 : i32
        %dma_start3A_292 = arith.constant 0 : i32
        %dma_start3A_293 = tpu.memref_slice %arg6[%run_scoped3A_272, %dma_start3A_291, %dma_start3A_292] : memref<16x24x128xf32, #tpu.memory_space<vmem>> -> memref<1x24x128xf32, #tpu.memory_space<vmem>>
        %dma_start3A_294 = tpu.memref_squeeze %dma_start3A_293 : memref<1x24x128xf32, #tpu.memory_space<vmem>> -> memref<24x128xf32, #tpu.memory_space<vmem>>
        %dma_start3A_295 = arith.constant 0 : i32
        %dma_start3A_296 = tpu.memref_slice %arg3[%add3A_271, %multiple_of3A, %dma_start3A_295] : memref<384x1152x128xf32, #tpu.memory_space<hbm>> -> memref<1x24x128xf32, #tpu.memory_space<hbm>>
        %dma_start3A_297 = tpu.memref_squeeze %dma_start3A_296 : memref<1x24x128xf32, #tpu.memory_space<hbm>> -> memref<24x128xf32, #tpu.memory_space<hbm>>
        tpu.enqueue_dma source(%dma_start3A_297 : memref<24x128xf32, #tpu.memory_space<hbm>>) target(%dma_start3A_294 : memref<24x128xf32, #tpu.memory_space<vmem>>) target_semaphore(%run_scoped3A_284 : memref<!tpu.dma_semaphore, #tpu.memory_space<semaphore_mem>>)
        %dma_wait3A = arith.constant 0 : i32
        %dma_wait3A_298 = arith.constant 0 : i32
        %dma_wait3A_299 = tpu.memref_slice %arg6[%run_scoped3A_272, %dma_wait3A, %dma_wait3A_298] : memref<16x24x128xf32, #tpu.memory_space<vmem>> -> memref<1x24x128xf32, #tpu.memory_space<vmem>>
        %dma_wait3A_300 = tpu.memref_squeeze %dma_wait3A_299 : memref<1x24x128xf32, #tpu.memory_space<vmem>> -> memref<24x128xf32, #tpu.memory_space<vmem>>
        %dma_wait3A_301 = arith.constant 0 : i32
        %dma_wait3A_302 = tpu.memref_slice %arg3[%add3A_271, %multiple_of3A, %dma_wait3A_301] : memref<384x1152x128xf32, #tpu.memory_space<hbm>> -> memref<1x24x128xf32, #tpu.memory_space<hbm>>
        %dma_wait3A_303 = tpu.memref_squeeze %dma_wait3A_302 : memref<1x24x128xf32, #tpu.memory_space<hbm>> -> memref<24x128xf32, #tpu.memory_space<hbm>>
        %dma_wait3A_304 = arith.constant 0 : i32
        %dma_wait3A_305 = arith.constant 0 : i32
        %dma_wait3A_306 = tpu.memref_slice %arg6[%run_scoped3A_272, %dma_wait3A_304, %dma_wait3A_305] : memref<16x24x128xf32, #tpu.memory_space<vmem>> -> memref<1x24x128xf32, #tpu.memory_space<vmem>>
        %dma_wait3A_307 = tpu.memref_squeeze %dma_wait3A_306 : memref<1x24x128xf32, #tpu.memory_space<vmem>> -> memref<24x128xf32, #tpu.memory_space<vmem>>
        %dma_wait3A_308 = arith.constant 0 : i32
        %dma_wait3A_309 = tpu.memref_slice %arg3[%add3A_271, %multiple_of3A, %dma_wait3A_308] : memref<384x1152x128xf32, #tpu.memory_space<hbm>> -> memref<1x24x128xf32, #tpu.memory_space<hbm>>
        %dma_wait3A_310 = tpu.memref_squeeze %dma_wait3A_309 : memref<1x24x128xf32, #tpu.memory_space<hbm>> -> memref<24x128xf32, #tpu.memory_space<hbm>>
        tpu.wait_dma2 semaphore(%run_scoped3A_284 : memref<!tpu.dma_semaphore, #tpu.memory_space<semaphore_mem>>) src(%dma_wait3A_310 : memref<24x128xf32, #tpu.memory_space<hbm>>) dst(%dma_wait3A_307 : memref<24x128xf32, #tpu.memory_space<vmem>>)
        tpu.yield
      }) : () -> ()
      %scan3A_273 = arith.constant 0 : i32
      %scan3A_274 = arith.constant 0 : i32
      %scan3A_275 = arith.constant 24 : i32
      %scan3A_276 = arith.addi %scan3A_274, %scan3A_275 : i32
      %scan3A_277 = arith.constant 1 : i32
      %scan3A_278 = scf.for %scan3A_284 = %scan3A_274 to %scan3A_276 step %scan3A_277 iter_args(%scan3A_285 = %scan3A_273) -> (i32)  : i32 {
        %get3A = arith.constant 0 : i32
        %get3A_286 = arith.index_cast %get3A : i32 to index
        %get3A_287 = arith.index_cast %scan3A_284 : i32 to index
        %get3A_288 = arith.constant 0 : index
        %get3A_289 = tpu.vector_load %arg5[%get3A_286, %get3A_287, %get3A_288] {strides = array<i32>} : memref<16x24x128xf32, #tpu.memory_space<vmem>>, vector<1x1x16xf32>,
        %get3A_290 = vector.shape_cast %get3A_289 : vector<1x1x16xf32> to vector<16xf32>
        %get3A_291 = arith.constant 0 : i32
        %get3A_292 = arith.index_cast %get3A_291 : i32 to index
        %get3A_293 = arith.index_cast %scan3A_284 : i32 to index
        %get3A_294 = arith.constant 0 : index
        %get3A_295 = tpu.vector_load %arg6[%get3A_292, %get3A_293, %get3A_294] {strides = array<i32>} : memref<16x24x128xf32, #tpu.memory_space<vmem>>, vector<1x1x16xf32>,
        %get3A_296 = vector.shape_cast %get3A_295 : vector<1x1x16xf32> to vector<16xf32>
        %mul3A_297 = arith.mulf %get3A_290, %get3A_296 : vector<16xf32>
        %mul3A_298 = arith.mulf %get3A_290, %get3A_290 : vector<16xf32>
        %mul3A_299 = arith.mulf %get3A_296, %get3A_296 : vector<16xf32>
        %get3A_300 = arith.constant 1 : i32
        %get3A_301 = arith.index_cast %get3A_300 : i32 to index
        %get3A_302 = arith.index_cast %scan3A_284 : i32 to index
        %get3A_303 = arith.constant 0 : index
        %get3A_304 = tpu.vector_load %arg5[%get3A_301, %get3A_302, %get3A_303] {strides = array<i32>} : memref<16x24x128xf32, #tpu.memory_space<vmem>>, vector<1x1x16xf32>,
        %get3A_305 = vector.shape_cast %get3A_304 : vector<1x1x16xf32> to vector<16xf32>
        %get3A_306 = arith.constant 1 : i32
        %get3A_307 = arith.index_cast %get3A_306 : i32 to index
        %get3A_308 = arith.index_cast %scan3A_284 : i32 to index
        %get3A_309 = arith.constant 0 : index
        %get3A_310 = tpu.vector_load %arg6[%get3A_307, %get3A_308, %get3A_309] {strides = array<i32>} : memref<16x24x128xf32, #tpu.memory_space<vmem>>, vector<1x1x16xf32>,
        %get3A_311 = vector.shape_cast %get3A_310 : vector<1x1x16xf32> to vector<16xf32>
        %mul3A_312 = arith.mulf %get3A_305, %get3A_311 : vector<16xf32>
        %add3A_313 = arith.addf %mul3A_297, %mul3A_312 : vector<16xf32>
        %mul3A_314 = arith.mulf %get3A_305, %get3A_305 : vector<16xf32>
        %add3A_315 = arith.addf %mul3A_298, %mul3A_314 : vector<16xf32>
        %mul3A_316 = arith.mulf %get3A_311, %get3A_311 : vector<16xf32>
        %add3A_317 = arith.addf %mul3A_299, %mul3A_316 : vector<16xf32>
        %get3A_318 = arith.constant 2 : i32
        %get3A_319 = arith.index_cast %get3A_318 : i32 to index
        %get3A_320 = arith.index_cast %scan3A_284 : i32 to index
        %get3A_321 = arith.constant 0 : index
        %get3A_322 = tpu.vector_load %arg5[%get3A_319, %get3A_320, %get3A_321] {strides = array<i32>} : memref<16x24x128xf32, #tpu.memory_space<vmem>>, vector<1x1x16xf32>,
        %get3A_323 = vector.shape_cast %get3A_322 : vector<1x1x16xf32> to vector<16xf32>
        %get3A_324 = arith.constant 2 : i32
        %get3A_325 = arith.index_cast %get3A_324 : i32 to index
        %get3A_326 = arith.index_cast %scan3A_284 : i32 to index
        %get3A_327 = arith.constant 0 : index
        %get3A_328 = tpu.vector_load %arg6[%get3A_325, %get3A_326, %get3A_327] {strides = array<i32>} : memref<16x24x128xf32, #tpu.memory_space<vmem>>, vector<1x1x16xf32>,
        %get3A_329 = vector.shape_cast %get3A_328 : vector<1x1x16xf32> to vector<16xf32>
        %mul3A_330 = arith.mulf %get3A_323, %get3A_329 : vector<16xf32>
        %add3A_331 = arith.addf %add3A_313, %mul3A_330 : vector<16xf32>
        %mul3A_332 = arith.mulf %get3A_323, %get3A_323 : vector<16xf32>
        %add3A_333 = arith.addf %add3A_315, %mul3A_332 : vector<16xf32>
        %mul3A_334 = arith.mulf %get3A_329, %get3A_329 : vector<16xf32>
        %add3A_335 = arith.addf %add3A_317, %mul3A_334 : vector<16xf32>
        %get3A_336 = arith.constant 3 : i32
        %get3A_337 = arith.index_cast %get3A_336 : i32 to index
        %get3A_338 = arith.index_cast %scan3A_284 : i32 to index
        %get3A_339 = arith.constant 0 : index
        %get3A_340 = tpu.vector_load %arg5[%get3A_337, %get3A_338, %get3A_339] {strides = array<i32>} : memref<16x24x128xf32, #tpu.memory_space<vmem>>, vector<1x1x16xf32>,
        %get3A_341 = vector.shape_cast %get3A_340 : vector<1x1x16xf32> to vector<16xf32>
        %get3A_342 = arith.constant 3 : i32
        %get3A_343 = arith.index_cast %get3A_342 : i32 to index
        %get3A_344 = arith.index_cast %scan3A_284 : i32 to index
        %get3A_345 = arith.constant 0 : index
        %get3A_346 = tpu.vector_load %arg6[%get3A_343, %get3A_344, %get3A_345] {strides = array<i32>} : memref<16x24x128xf32, #tpu.memory_space<vmem>>, vector<1x1x16xf32>,
        %get3A_347 = vector.shape_cast %get3A_346 : vector<1x1x16xf32> to vector<16xf32>
        %mul3A_348 = arith.mulf %get3A_341, %get3A_347 : vector<16xf32>
        %add3A_349 = arith.addf %add3A_331, %mul3A_348 : vector<16xf32>
        %mul3A_350 = arith.mulf %get3A_341, %get3A_341 : vector<16xf32>
        %add3A_351 = arith.addf %add3A_333, %mul3A_350 : vector<16xf32>
        %mul3A_352 = arith.mulf %get3A_347, %get3A_347 : vector<16xf32>
        %add3A_353 = arith.addf %add3A_335, %mul3A_352 : vector<16xf32>
        %get3A_354 = arith.constant 4 : i32
        %get3A_355 = arith.index_cast %get3A_354 : i32 to index
        %get3A_356 = arith.index_cast %scan3A_284 : i32 to index
        %get3A_357 = arith.constant 0 : index
        %get3A_358 = tpu.vector_load %arg5[%get3A_355, %get3A_356, %get3A_357] {strides = array<i32>} : memref<16x24x128xf32, #tpu.memory_space<vmem>>, vector<1x1x16xf32>,
        %get3A_359 = vector.shape_cast %get3A_358 : vector<1x1x16xf32> to vector<16xf32>
        %get3A_360 = arith.constant 4 : i32
        %get3A_361 = arith.index_cast %get3A_360 : i32 to index
        %get3A_362 = arith.index_cast %scan3A_284 : i32 to index
        %get3A_363 = arith.constant 0 : index
        %get3A_364 = tpu.vector_load %arg6[%get3A_361, %get3A_362, %get3A_363] {strides = array<i32>} : memref<16x24x128xf32, #tpu.memory_space<vmem>>, vector<1x1x16xf32>,
        %get3A_365 = vector.shape_cast %get3A_364 : vector<1x1x16xf32> to vector<16xf32>
        %mul3A_366 = arith.mulf %get3A_359, %get3A_365 : vector<16xf32>
        %add3A_367 = arith.addf %add3A_349, %mul3A_366 : vector<16xf32>
        %mul3A_368 = arith.mulf %get3A_359, %get3A_359 : vector<16xf32>
        %add3A_369 = arith.addf %add3A_351, %mul3A_368 : vector<16xf32>
        %mul3A_370 = arith.mulf %get3A_365, %get3A_365 : vector<16xf32>
        %add3A_371 = arith.addf %add3A_353, %mul3A_370 : vector<16xf32>
        %get3A_372 = arith.constant 5 : i32
        %get3A_373 = arith.index_cast %get3A_372 : i32 to index
        %get3A_374 = arith.index_cast %scan3A_284 : i32 to index
        %get3A_375 = arith.constant 0 : index
        %get3A_376 = tpu.vector_load %arg5[%get3A_373, %get3A_374, %get3A_375] {strides = array<i32>} : memref<16x24x128xf32, #tpu.memory_space<vmem>>, vector<1x1x16xf32>,
        %get3A_377 = vector.shape_cast %get3A_376 : vector<1x1x16xf32> to vector<16xf32>
        %get3A_378 = arith.constant 5 : i32
        %get3A_379 = arith.index_cast %get3A_378 : i32 to index
        %get3A_380 = arith.index_cast %scan3A_284 : i32 to index
        %get3A_381 = arith.constant 0 : index
        %get3A_382 = tpu.vector_load %arg6[%get3A_379, %get3A_380, %get3A_381] {strides = array<i32>} : memref<16x24x128xf32, #tpu.memory_space<vmem>>, vector<1x1x16xf32>,
        %get3A_383 = vector.shape_cast %get3A_382 : vector<1x1x16xf32> to vector<16xf32>
        %mul3A_384 = arith.mulf %get3A_377, %get3A_383 : vector<16xf32>
        %add3A_385 = arith.addf %add3A_367, %mul3A_384 : vector<16xf32>
        %mul3A_386 = arith.mulf %get3A_377, %get3A_377 : vector<16xf32>
        %add3A_387 = arith.addf %add3A_369, %mul3A_386 : vector<16xf32>
        %mul3A_388 = arith.mulf %get3A_383, %get3A_383 : vector<16xf32>
        %add3A_389 = arith.addf %add3A_371, %mul3A_388 : vector<16xf32>
        %get3A_390 = arith.constant 6 : i32
        %get3A_391 = arith.index_cast %get3A_390 : i32 to index
        %get3A_392 = arith.index_cast %scan3A_284 : i32 to index
        %get3A_393 = arith.constant 0 : index
        %get3A_394 = tpu.vector_load %arg5[%get3A_391, %get3A_392, %get3A_393] {strides = array<i32>} : memref<16x24x128xf32, #tpu.memory_space<vmem>>, vector<1x1x16xf32>,
        %get3A_395 = vector.shape_cast %get3A_394 : vector<1x1x16xf32> to vector<16xf32>
        %get3A_396 = arith.constant 6 : i32
        %get3A_397 = arith.index_cast %get3A_396 : i32 to index
        %get3A_398 = arith.index_cast %scan3A_284 : i32 to index
        %get3A_399 = arith.constant 0 : index
        %get3A_400 = tpu.vector_load %arg6[%get3A_397, %get3A_398, %get3A_399] {strides = array<i32>} : memref<16x24x128xf32, #tpu.memory_space<vmem>>, vector<1x1x16xf32>,
        %get3A_401 = vector.shape_cast %get3A_400 : vector<1x1x16xf32> to vector<16xf32>
        %mul3A_402 = arith.mulf %get3A_395, %get3A_401 : vector<16xf32>
        %add3A_403 = arith.addf %add3A_385, %mul3A_402 : vector<16xf32>
        %mul3A_404 = arith.mulf %get3A_395, %get3A_395 : vector<16xf32>
        %add3A_405 = arith.addf %add3A_387, %mul3A_404 : vector<16xf32>
        %mul3A_406 = arith.mulf %get3A_401, %get3A_401 : vector<16xf32>
        %add3A_407 = arith.addf %add3A_389, %mul3A_406 : vector<16xf32>
        %get3A_408 = arith.constant 7 : i32
        %get3A_409 = arith.index_cast %get3A_408 : i32 to index
        %get3A_410 = arith.index_cast %scan3A_284 : i32 to index
        %get3A_411 = arith.constant 0 : index
        %get3A_412 = tpu.vector_load %arg5[%get3A_409, %get3A_410, %get3A_411] {strides = array<i32>} : memref<16x24x128xf32, #tpu.memory_space<vmem>>, vector<1x1x16xf32>,
        %get3A_413 = vector.shape_cast %get3A_412 : vector<1x1x16xf32> to vector<16xf32>
        %get3A_414 = arith.constant 7 : i32
        %get3A_415 = arith.index_cast %get3A_414 : i32 to index
        %get3A_416 = arith.index_cast %scan3A_284 : i32 to index
        %get3A_417 = arith.constant 0 : index
        %get3A_418 = tpu.vector_load %arg6[%get3A_415, %get3A_416, %get3A_417] {strides = array<i32>} : memref<16x24x128xf32, #tpu.memory_space<vmem>>, vector<1x1x16xf32>,
        %get3A_419 = vector.shape_cast %get3A_418 : vector<1x1x16xf32> to vector<16xf32>
        %mul3A_420 = arith.mulf %get3A_413, %get3A_419 : vector<16xf32>
        %add3A_421 = arith.addf %add3A_403, %mul3A_420 : vector<16xf32>
        %mul3A_422 = arith.mulf %get3A_413, %get3A_413 : vector<16xf32>
        %add3A_423 = arith.addf %add3A_405, %mul3A_422 : vector<16xf32>
        %mul3A_424 = arith.mulf %get3A_419, %get3A_419 : vector<16xf32>
        %add3A_425 = arith.addf %add3A_407, %mul3A_424 : vector<16xf32>
        %get3A_426 = arith.constant 8 : i32
        %get3A_427 = arith.index_cast %get3A_426 : i32 to index
        %get3A_428 = arith.index_cast %scan3A_284 : i32 to index
        %get3A_429 = arith.constant 0 : index
        %get3A_430 = tpu.vector_load %arg5[%get3A_427, %get3A_428, %get3A_429] {strides = array<i32>} : memref<16x24x128xf32, #tpu.memory_space<vmem>>, vector<1x1x16xf32>,
        %get3A_431 = vector.shape_cast %get3A_430 : vector<1x1x16xf32> to vector<16xf32>
        %get3A_432 = arith.constant 8 : i32
        %get3A_433 = arith.index_cast %get3A_432 : i32 to index
        %get3A_434 = arith.index_cast %scan3A_284 : i32 to index
        %get3A_435 = arith.constant 0 : index
        %get3A_436 = tpu.vector_load %arg6[%get3A_433, %get3A_434, %get3A_435] {strides = array<i32>} : memref<16x24x128xf32, #tpu.memory_space<vmem>>, vector<1x1x16xf32>,
        %get3A_437 = vector.shape_cast %get3A_436 : vector<1x1x16xf32> to vector<16xf32>
        %mul3A_438 = arith.mulf %get3A_431, %get3A_437 : vector<16xf32>
        %add3A_439 = arith.addf %add3A_421, %mul3A_438 : vector<16xf32>
        %mul3A_440 = arith.mulf %get3A_431, %get3A_431 : vector<16xf32>
        %add3A_441 = arith.addf %add3A_423, %mul3A_440 : vector<16xf32>
        %mul3A_442 = arith.mulf %get3A_437, %get3A_437 : vector<16xf32>
        %add3A_443 = arith.addf %add3A_425, %mul3A_442 : vector<16xf32>
        %get3A_444 = arith.constant 9 : i32
        %get3A_445 = arith.index_cast %get3A_444 : i32 to index
        %get3A_446 = arith.index_cast %scan3A_284 : i32 to index
        %get3A_447 = arith.constant 0 : index
        %get3A_448 = tpu.vector_load %arg5[%get3A_445, %get3A_446, %get3A_447] {strides = array<i32>} : memref<16x24x128xf32, #tpu.memory_space<vmem>>, vector<1x1x16xf32>,
        %get3A_449 = vector.shape_cast %get3A_448 : vector<1x1x16xf32> to vector<16xf32>
        %get3A_450 = arith.constant 9 : i32
        %get3A_451 = arith.index_cast %get3A_450 : i32 to index
        %get3A_452 = arith.index_cast %scan3A_284 : i32 to index
        %get3A_453 = arith.constant 0 : index
        %get3A_454 = tpu.vector_load %arg6[%get3A_451, %get3A_452, %get3A_453] {strides = array<i32>} : memref<16x24x128xf32, #tpu.memory_space<vmem>>, vector<1x1x16xf32>,
        %get3A_455 = vector.shape_cast %get3A_454 : vector<1x1x16xf32> to vector<16xf32>
        %mul3A_456 = arith.mulf %get3A_449, %get3A_455 : vector<16xf32>
        %add3A_457 = arith.addf %add3A_439, %mul3A_456 : vector<16xf32>
        %mul3A_458 = arith.mulf %get3A_449, %get3A_449 : vector<16xf32>
        %add3A_459 = arith.addf %add3A_441, %mul3A_458 : vector<16xf32>
        %mul3A_460 = arith.mulf %get3A_455, %get3A_455 : vector<16xf32>
        %add3A_461 = arith.addf %add3A_443, %mul3A_460 : vector<16xf32>
        %get3A_462 = arith.constant 10 : i32
        %get3A_463 = arith.index_cast %get3A_462 : i32 to index
        %get3A_464 = arith.index_cast %scan3A_284 : i32 to index
        %get3A_465 = arith.constant 0 : index
        %get3A_466 = tpu.vector_load %arg5[%get3A_463, %get3A_464, %get3A_465] {strides = array<i32>} : memref<16x24x128xf32, #tpu.memory_space<vmem>>, vector<1x1x16xf32>,
        %get3A_467 = vector.shape_cast %get3A_466 : vector<1x1x16xf32> to vector<16xf32>
        %get3A_468 = arith.constant 10 : i32
        %get3A_469 = arith.index_cast %get3A_468 : i32 to index
        %get3A_470 = arith.index_cast %scan3A_284 : i32 to index
        %get3A_471 = arith.constant 0 : index
        %get3A_472 = tpu.vector_load %arg6[%get3A_469, %get3A_470, %get3A_471] {strides = array<i32>} : memref<16x24x128xf32, #tpu.memory_space<vmem>>, vector<1x1x16xf32>,
        %get3A_473 = vector.shape_cast %get3A_472 : vector<1x1x16xf32> to vector<16xf32>
        %mul3A_474 = arith.mulf %get3A_467, %get3A_473 : vector<16xf32>
        %add3A_475 = arith.addf %add3A_457, %mul3A_474 : vector<16xf32>
        %mul3A_476 = arith.mulf %get3A_467, %get3A_467 : vector<16xf32>
        %add3A_477 = arith.addf %add3A_459, %mul3A_476 : vector<16xf32>
        %mul3A_478 = arith.mulf %get3A_473, %get3A_473 : vector<16xf32>
        %add3A_479 = arith.addf %add3A_461, %mul3A_478 : vector<16xf32>
        %get3A_480 = arith.constant 11 : i32
        %get3A_481 = arith.index_cast %get3A_480 : i32 to index
        %get3A_482 = arith.index_cast %scan3A_284 : i32 to index
        %get3A_483 = arith.constant 0 : index
        %get3A_484 = tpu.vector_load %arg5[%get3A_481, %get3A_482, %get3A_483] {strides = array<i32>} : memref<16x24x128xf32, #tpu.memory_space<vmem>>, vector<1x1x16xf32>,
        %get3A_485 = vector.shape_cast %get3A_484 : vector<1x1x16xf32> to vector<16xf32>
        %get3A_486 = arith.constant 11 : i32
        %get3A_487 = arith.index_cast %get3A_486 : i32 to index
        %get3A_488 = arith.index_cast %scan3A_284 : i32 to index
        %get3A_489 = arith.constant 0 : index
        %get3A_490 = tpu.vector_load %arg6[%get3A_487, %get3A_488, %get3A_489] {strides = array<i32>} : memref<16x24x128xf32, #tpu.memory_space<vmem>>, vector<1x1x16xf32>,
        %get3A_491 = vector.shape_cast %get3A_490 : vector<1x1x16xf32> to vector<16xf32>
        %mul3A_492 = arith.mulf %get3A_485, %get3A_491 : vector<16xf32>
        %add3A_493 = arith.addf %add3A_475, %mul3A_492 : vector<16xf32>
        %mul3A_494 = arith.mulf %get3A_485, %get3A_485 : vector<16xf32>
        %add3A_495 = arith.addf %add3A_477, %mul3A_494 : vector<16xf32>
        %mul3A_496 = arith.mulf %get3A_491, %get3A_491 : vector<16xf32>
        %add3A_497 = arith.addf %add3A_479, %mul3A_496 : vector<16xf32>
        %get3A_498 = arith.constant 12 : i32
        %get3A_499 = arith.index_cast %get3A_498 : i32 to index
        %get3A_500 = arith.index_cast %scan3A_284 : i32 to index
        %get3A_501 = arith.constant 0 : index
        %get3A_502 = tpu.vector_load %arg5[%get3A_499, %get3A_500, %get3A_501] {strides = array<i32>} : memref<16x24x128xf32, #tpu.memory_space<vmem>>, vector<1x1x16xf32>,
        %get3A_503 = vector.shape_cast %get3A_502 : vector<1x1x16xf32> to vector<16xf32>
        %get3A_504 = arith.constant 12 : i32
        %get3A_505 = arith.index_cast %get3A_504 : i32 to index
        %get3A_506 = arith.index_cast %scan3A_284 : i32 to index
        %get3A_507 = arith.constant 0 : index
        %get3A_508 = tpu.vector_load %arg6[%get3A_505, %get3A_506, %get3A_507] {strides = array<i32>} : memref<16x24x128xf32, #tpu.memory_space<vmem>>, vector<1x1x16xf32>,
        %get3A_509 = vector.shape_cast %get3A_508 : vector<1x1x16xf32> to vector<16xf32>
        %mul3A_510 = arith.mulf %get3A_503, %get3A_509 : vector<16xf32>
        %add3A_511 = arith.addf %add3A_493, %mul3A_510 : vector<16xf32>
        %mul3A_512 = arith.mulf %get3A_503, %get3A_503 : vector<16xf32>
        %add3A_513 = arith.addf %add3A_495, %mul3A_512 : vector<16xf32>
        %mul3A_514 = arith.mulf %get3A_509, %get3A_509 : vector<16xf32>
        %add3A_515 = arith.addf %add3A_497, %mul3A_514 : vector<16xf32>
        %get3A_516 = arith.constant 13 : i32
        %get3A_517 = arith.index_cast %get3A_516 : i32 to index
        %get3A_518 = arith.index_cast %scan3A_284 : i32 to index
        %get3A_519 = arith.constant 0 : index
        %get3A_520 = tpu.vector_load %arg5[%get3A_517, %get3A_518, %get3A_519] {strides = array<i32>} : memref<16x24x128xf32, #tpu.memory_space<vmem>>, vector<1x1x16xf32>,
        %get3A_521 = vector.shape_cast %get3A_520 : vector<1x1x16xf32> to vector<16xf32>
        %get3A_522 = arith.constant 13 : i32
        %get3A_523 = arith.index_cast %get3A_522 : i32 to index
        %get3A_524 = arith.index_cast %scan3A_284 : i32 to index
        %get3A_525 = arith.constant 0 : index
        %get3A_526 = tpu.vector_load %arg6[%get3A_523, %get3A_524, %get3A_525] {strides = array<i32>} : memref<16x24x128xf32, #tpu.memory_space<vmem>>, vector<1x1x16xf32>,
        %get3A_527 = vector.shape_cast %get3A_526 : vector<1x1x16xf32> to vector<16xf32>
        %mul3A_528 = arith.mulf %get3A_521, %get3A_527 : vector<16xf32>
        %add3A_529 = arith.addf %add3A_511, %mul3A_528 : vector<16xf32>
        %mul3A_530 = arith.mulf %get3A_521, %get3A_521 : vector<16xf32>
        %add3A_531 = arith.addf %add3A_513, %mul3A_530 : vector<16xf32>
        %mul3A_532 = arith.mulf %get3A_527, %get3A_527 : vector<16xf32>
        %add3A_533 = arith.addf %add3A_515, %mul3A_532 : vector<16xf32>
        %get3A_534 = arith.constant 14 : i32
        %get3A_535 = arith.index_cast %get3A_534 : i32 to index
        %get3A_536 = arith.index_cast %scan3A_284 : i32 to index
        %get3A_537 = arith.constant 0 : index
        %get3A_538 = tpu.vector_load %arg5[%get3A_535, %get3A_536, %get3A_537] {strides = array<i32>} : memref<16x24x128xf32, #tpu.memory_space<vmem>>, vector<1x1x16xf32>,
        %get3A_539 = vector.shape_cast %get3A_538 : vector<1x1x16xf32> to vector<16xf32>
        %get3A_540 = arith.constant 14 : i32
        %get3A_541 = arith.index_cast %get3A_540 : i32 to index
        %get3A_542 = arith.index_cast %scan3A_284 : i32 to index
        %get3A_543 = arith.constant 0 : index
        %get3A_544 = tpu.vector_load %arg6[%get3A_541, %get3A_542, %get3A_543] {strides = array<i32>} : memref<16x24x128xf32, #tpu.memory_space<vmem>>, vector<1x1x16xf32>,
        %get3A_545 = vector.shape_cast %get3A_544 : vector<1x1x16xf32> to vector<16xf32>
        %mul3A_546 = arith.mulf %get3A_539, %get3A_545 : vector<16xf32>
        %add3A_547 = arith.addf %add3A_529, %mul3A_546 : vector<16xf32>
        %mul3A_548 = arith.mulf %get3A_539, %get3A_539 : vector<16xf32>
        %add3A_549 = arith.addf %add3A_531, %mul3A_548 : vector<16xf32>
        %mul3A_550 = arith.mulf %get3A_545, %get3A_545 : vector<16xf32>
        %add3A_551 = arith.addf %add3A_533, %mul3A_550 : vector<16xf32>
        %get3A_552 = arith.constant 15 : i32
        %get3A_553 = arith.index_cast %get3A_552 : i32 to index
        %get3A_554 = arith.index_cast %scan3A_284 : i32 to index
        %get3A_555 = arith.constant 0 : index
        %get3A_556 = tpu.vector_load %arg5[%get3A_553, %get3A_554, %get3A_555] {strides = array<i32>} : memref<16x24x128xf32, #tpu.memory_space<vmem>>, vector<1x1x16xf32>,
        %get3A_557 = vector.shape_cast %get3A_556 : vector<1x1x16xf32> to vector<16xf32>
        %get3A_558 = arith.constant 15 : i32
        %get3A_559 = arith.index_cast %get3A_558 : i32 to index
        %get3A_560 = arith.index_cast %scan3A_284 : i32 to index
        %get3A_561 = arith.constant 0 : index
        %get3A_562 = tpu.vector_load %arg6[%get3A_559, %get3A_560, %get3A_561] {strides = array<i32>} : memref<16x24x128xf32, #tpu.memory_space<vmem>>, vector<1x1x16xf32>,
        %get3A_563 = vector.shape_cast %get3A_562 : vector<1x1x16xf32> to vector<16xf32>
        %mul3A_564 = arith.mulf %get3A_557, %get3A_563 : vector<16xf32>
        %add3A_565 = arith.addf %add3A_547, %mul3A_564 : vector<16xf32>
        %mul3A_566 = arith.mulf %get3A_557, %get3A_557 : vector<16xf32>
        %add3A_567 = arith.addf %add3A_549, %mul3A_566 : vector<16xf32>
        %mul3A_568 = arith.mulf %get3A_563, %get3A_563 : vector<16xf32>
        %add3A_569 = arith.addf %add3A_551, %mul3A_568 : vector<16xf32>
        %swap3A = arith.index_cast %scan3A_284 : i32 to index
        %swap3A_570 = arith.constant 0 : index
        %swap3A_571 = tpu.vector_load %arg7[%swap3A, %swap3A_570] {strides = array<i32>} : memref<24x128xf32, #tpu.memory_space<vmem>>, vector<1x16xf32>,
        %swap3A_572 = vector.shape_cast %swap3A_571 : vector<1x16xf32> to vector<16xf32>
        %swap3A_573 = vector.shape_cast %add3A_565 : vector<16xf32> to vector<1x16xf32>
        tpu.vector_store %arg7[%swap3A, %swap3A_570], %swap3A_573 {strides = array<i32>} : memref<24x128xf32, #tpu.memory_space<vmem>>, vector<1x16xf32>,
        %swap3A_574 = arith.index_cast %scan3A_284 : i32 to index
        %swap3A_575 = arith.constant 0 : index
        %swap3A_576 = tpu.vector_load %arg8[%swap3A_574, %swap3A_575] {strides = array<i32>} : memref<24x128xf32, #tpu.memory_space<vmem>>, vector<1x16xf32>,
        %swap3A_577 = vector.shape_cast %swap3A_576 : vector<1x16xf32> to vector<16xf32>
        %swap3A_578 = vector.shape_cast %add3A_567 : vector<16xf32> to vector<1x16xf32>
        tpu.vector_store %arg8[%swap3A_574, %swap3A_575], %swap3A_578 {strides = array<i32>} : memref<24x128xf32, #tpu.memory_space<vmem>>, vector<1x16xf32>,
        %swap3A_579 = arith.index_cast %scan3A_284 : i32 to index
        %swap3A_580 = arith.constant 0 : index
        %swap3A_581 = tpu.vector_load %arg9[%swap3A_579, %swap3A_580] {strides = array<i32>} : memref<24x128xf32, #tpu.memory_space<vmem>>, vector<1x16xf32>,
        %swap3A_582 = vector.shape_cast %swap3A_581 : vector<1x16xf32> to vector<16xf32>
        %swap3A_583 = vector.shape_cast %add3A_569 : vector<16xf32> to vector<1x16xf32>
        tpu.vector_store %arg9[%swap3A_579, %swap3A_580], %swap3A_583 {strides = array<i32>} : memref<24x128xf32, #tpu.memory_space<vmem>>, vector<1x16xf32>,
        %get3A_584 = arith.constant 0 : i32
        %get3A_585 = arith.index_cast %get3A_584 : i32 to index
        %get3A_586 = arith.index_cast %scan3A_284 : i32 to index
        %get3A_587 = arith.constant 16 : index
        %get3A_588 = tpu.vector_load %arg5[%get3A_585, %get3A_586, %get3A_587] {strides = array<i32>} : memref<16x24x128xf32, #tpu.memory_space<vmem>>, vector<1x1x16xf32>,
        %get3A_589 = vector.shape_cast %get3A_588 : vector<1x1x16xf32> to vector<16xf32>
        %get3A_590 = arith.constant 0 : i32
        %get3A_591 = arith.index_cast %get3A_590 : i32 to index
        %get3A_592 = arith.index_cast %scan3A_284 : i32 to index
        %get3A_593 = arith.constant 16 : index
        %get3A_594 = tpu.vector_load %arg6[%get3A_591, %get3A_592, %get3A_593] {strides = array<i32>} : memref<16x24x128xf32, #tpu.memory_space<vmem>>, vector<1x1x16xf32>,
        %get3A_595 = vector.shape_cast %get3A_594 : vector<1x1x16xf32> to vector<16xf32>
        %mul3A_596 = arith.mulf %get3A_589, %get3A_595 : vector<16xf32>
        %mul3A_597 = arith.mulf %get3A_589, %get3A_589 : vector<16xf32>
        %mul3A_598 = arith.mulf %get3A_595, %get3A_595 : vector<16xf32>
        %get3A_599 = arith.constant 1 : i32
        %get3A_600 = arith.index_cast %get3A_599 : i32 to index
        %get3A_601 = arith.index_cast %scan3A_284 : i32 to index
        %get3A_602 = arith.constant 16 : index
        %get3A_603 = tpu.vector_load %arg5[%get3A_600, %get3A_601, %get3A_602] {strides = array<i32>} : memref<16x24x128xf32, #tpu.memory_space<vmem>>, vector<1x1x16xf32>,
        %get3A_604 = vector.shape_cast %get3A_603 : vector<1x1x16xf32> to vector<16xf32>
        %get3A_605 = arith.constant 1 : i32
        %get3A_606 = arith.index_cast %get3A_605 : i32 to index
        %get3A_607 = arith.index_cast %scan3A_284 : i32 to index
        %get3A_608 = arith.constant 16 : index
        %get3A_609 = tpu.vector_load %arg6[%get3A_606, %get3A_607, %get3A_608] {strides = array<i32>} : memref<16x24x128xf32, #tpu.memory_space<vmem>>, vector<1x1x16xf32>,
        %get3A_610 = vector.shape_cast %get3A_609 : vector<1x1x16xf32> to vector<16xf32>
        %mul3A_611 = arith.mulf %get3A_604, %get3A_610 : vector<16xf32>
        %add3A_612 = arith.addf %mul3A_596, %mul3A_611 : vector<16xf32>
        %mul3A_613 = arith.mulf %get3A_604, %get3A_604 : vector<16xf32>
        %add3A_614 = arith.addf %mul3A_597, %mul3A_613 : vector<16xf32>
        %mul3A_615 = arith.mulf %get3A_610, %get3A_610 : vector<16xf32>
        %add3A_616 = arith.addf %mul3A_598, %mul3A_615 : vector<16xf32>
        %get3A_617 = arith.constant 2 : i32
        %get3A_618 = arith.index_cast %get3A_617 : i32 to index
        %get3A_619 = arith.index_cast %scan3A_284 : i32 to index
        %get3A_620 = arith.constant 16 : index
        %get3A_621 = tpu.vector_load %arg5[%get3A_618, %get3A_619, %get3A_620] {strides = array<i32>} : memref<16x24x128xf32, #tpu.memory_space<vmem>>, vector<1x1x16xf32>,
        %get3A_622 = vector.shape_cast %get3A_621 : vector<1x1x16xf32> to vector<16xf32>
        %get3A_623 = arith.constant 2 : i32
        %get3A_624 = arith.index_cast %get3A_623 : i32 to index
        %get3A_625 = arith.index_cast %scan3A_284 : i32 to index
        %get3A_626 = arith.constant 16 : index
        %get3A_627 = tpu.vector_load %arg6[%get3A_624, %get3A_625, %get3A_626] {strides = array<i32>} : memref<16x24x128xf32, #tpu.memory_space<vmem>>, vector<1x1x16xf32>,
        %get3A_628 = vector.shape_cast %get3A_627 : vector<1x1x16xf32> to vector<16xf32>
        %mul3A_629 = arith.mulf %get3A_622, %get3A_628 : vector<16xf32>
        %add3A_630 = arith.addf %add3A_612, %mul3A_629 : vector<16xf32>
        %mul3A_631 = arith.mulf %get3A_622, %get3A_622 : vector<16xf32>
        %add3A_632 = arith.addf %add3A_614, %mul3A_631 : vector<16xf32>
        %mul3A_633 = arith.mulf %get3A_628, %get3A_628 : vector<16xf32>
        %add3A_634 = arith.addf %add3A_616, %mul3A_633 : vector<16xf32>
        %get3A_635 = arith.constant 3 : i32
        %get3A_636 = arith.index_cast %get3A_635 : i32 to index
        %get3A_637 = arith.index_cast %scan3A_284 : i32 to index
        %get3A_638 = arith.constant 16 : index
        %get3A_639 = tpu.vector_load %arg5[%get3A_636, %get3A_637, %get3A_638] {strides = array<i32>} : memref<16x24x128xf32, #tpu.memory_space<vmem>>, vector<1x1x16xf32>,
        %get3A_640 = vector.shape_cast %get3A_639 : vector<1x1x16xf32> to vector<16xf32>
        %get3A_641 = arith.constant 3 : i32
        %get3A_642 = arith.index_cast %get3A_641 : i32 to index
        %get3A_643 = arith.index_cast %scan3A_284 : i32 to index
        %get3A_644 = arith.constant 16 : index
        %get3A_645 = tpu.vector_load %arg6[%get3A_642, %get3A_643, %get3A_644] {strides = array<i32>} : memref<16x24x128xf32, #tpu.memory_space<vmem>>, vector<1x1x16xf32>,
        %get3A_646 = vector.shape_cast %get3A_645 : vector<1x1x16xf32> to vector<16xf32>
        %mul3A_647 = arith.mulf %get3A_640, %get3A_646 : vector<16xf32>
        %add3A_648 = arith.addf %add3A_630, %mul3A_647 : vector<16xf32>
        %mul3A_649 = arith.mulf %get3A_640, %get3A_640 : vector<16xf32>
        %add3A_650 = arith.addf %add3A_632, %mul3A_649 : vector<16xf32>
        %mul3A_651 = arith.mulf %get3A_646, %get3A_646 : vector<16xf32>
        %add3A_652 = arith.addf %add3A_634, %mul3A_651 : vector<16xf32>
        %get3A_653 = arith.constant 4 : i32
        %get3A_654 = arith.index_cast %get3A_653 : i32 to index
        %get3A_655 = arith.index_cast %scan3A_284 : i32 to index
        %get3A_656 = arith.constant 16 : index
        %get3A_657 = tpu.vector_load %arg5[%get3A_654, %get3A_655, %get3A_656] {strides = array<i32>} : memref<16x24x128xf32, #tpu.memory_space<vmem>>, vector<1x1x16xf32>,
        %get3A_658 = vector.shape_cast %get3A_657 : vector<1x1x16xf32> to vector<16xf32>
        %get3A_659 = arith.constant 4 : i32
        %get3A_660 = arith.index_cast %get3A_659 : i32 to index
        %get3A_661 = arith.index_cast %scan3A_284 : i32 to index
        %get3A_662 = arith.constant 16 : index
        %get3A_663 = tpu.vector_load %arg6[%get3A_660, %get3A_661, %get3A_662] {strides = array<i32>} : memref<16x24x128xf32, #tpu.memory_space<vmem>>, vector<1x1x16xf32>,
        %get3A_664 = vector.shape_cast %get3A_663 : vector<1x1x16xf32> to vector<16xf32>
        %mul3A_665 = arith.mulf %get3A_658, %get3A_664 : vector<16xf32>
        %add3A_666 = arith.addf %add3A_648, %mul3A_665 : vector<16xf32>
        %mul3A_667 = arith.mulf %get3A_658, %get3A_658 : vector<16xf32>
        %add3A_668 = arith.addf %add3A_650, %mul3A_667 : vector<16xf32>
        %mul3A_669 = arith.mulf %get3A_664, %get3A_664 : vector<16xf32>
        %add3A_670 = arith.addf %add3A_652, %mul3A_669 : vector<16xf32>
        %get3A_671 = arith.constant 5 : i32
        %get3A_672 = arith.index_cast %get3A_671 : i32 to index
        %get3A_673 = arith.index_cast %scan3A_284 : i32 to index
        %get3A_674 = arith.constant 16 : index
        %get3A_675 = tpu.vector_load %arg5[%get3A_672, %get3A_673, %get3A_674] {strides = array<i32>} : memref<16x24x128xf32, #tpu.memory_space<vmem>>, vector<1x1x16xf32>,
        %get3A_676 = vector.shape_cast %get3A_675 : vector<1x1x16xf32> to vector<16xf32>
        %get3A_677 = arith.constant 5 : i32
        %get3A_678 = arith.index_cast %get3A_677 : i32 to index
        %get3A_679 = arith.index_cast %scan3A_284 : i32 to index
        %get3A_680 = arith.constant 16 : index
        %get3A_681 = tpu.vector_load %arg6[%get3A_678, %get3A_679, %get3A_680] {strides = array<i32>} : memref<16x24x128xf32, #tpu.memory_space<vmem>>, vector<1x1x16xf32>,
        %get3A_682 = vector.shape_cast %get3A_681 : vector<1x1x16xf32> to vector<16xf32>
        %mul3A_683 = arith.mulf %get3A_676, %get3A_682 : vector<16xf32>
        %add3A_684 = arith.addf %add3A_666, %mul3A_683 : vector<16xf32>
        %mul3A_685 = arith.mulf %get3A_676, %get3A_676 : vector<16xf32>
        %add3A_686 = arith.addf %add3A_668, %mul3A_685 : vector<16xf32>
        %mul3A_687 = arith.mulf %get3A_682, %get3A_682 : vector<16xf32>
        %add3A_688 = arith.addf %add3A_670, %mul3A_687 : vector<16xf32>
        %get3A_689 = arith.constant 6 : i32
        %get3A_690 = arith.index_cast %get3A_689 : i32 to index
        %get3A_691 = arith.index_cast %scan3A_284 : i32 to index
        %get3A_692 = arith.constant 16 : index
        %get3A_693 = tpu.vector_load %arg5[%get3A_690, %get3A_691, %get3A_692] {strides = array<i32>} : memref<16x24x128xf32, #tpu.memory_space<vmem>>, vector<1x1x16xf32>,
        %get3A_694 = vector.shape_cast %get3A_693 : vector<1x1x16xf32> to vector<16xf32>
        %get3A_695 = arith.constant 6 : i32
        %get3A_696 = arith.index_cast %get3A_695 : i32 to index
        %get3A_697 = arith.index_cast %scan3A_284 : i32 to index
        %get3A_698 = arith.constant 16 : index
        %get3A_699 = tpu.vector_load %arg6[%get3A_696, %get3A_697, %get3A_698] {strides = array<i32>} : memref<16x24x128xf32, #tpu.memory_space<vmem>>, vector<1x1x16xf32>,
        %get3A_700 = vector.shape_cast %get3A_699 : vector<1x1x16xf32> to vector<16xf32>
        %mul3A_701 = arith.mulf %get3A_694, %get3A_700 : vector<16xf32>
        %add3A_702 = arith.addf %add3A_684, %mul3A_701 : vector<16xf32>
        %mul3A_703 = arith.mulf %get3A_694, %get3A_694 : vector<16xf32>
        %add3A_704 = arith.addf %add3A_686, %mul3A_703 : vector<16xf32>
        %mul3A_705 = arith.mulf %get3A_700, %get3A_700 : vector<16xf32>
        %add3A_706 = arith.addf %add3A_688, %mul3A_705 : vector<16xf32>
        %get3A_707 = arith.constant 7 : i32
        %get3A_708 = arith.index_cast %get3A_707 : i32 to index
        %get3A_709 = arith.index_cast %scan3A_284 : i32 to index
        %get3A_710 = arith.constant 16 : index
        %get3A_711 = tpu.vector_load %arg5[%get3A_708, %get3A_709, %get3A_710] {strides = array<i32>} : memref<16x24x128xf32, #tpu.memory_space<vmem>>, vector<1x1x16xf32>,
        %get3A_712 = vector.shape_cast %get3A_711 : vector<1x1x16xf32> to vector<16xf32>
        %get3A_713 = arith.constant 7 : i32
        %get3A_714 = arith.index_cast %get3A_713 : i32 to index
        %get3A_715 = arith.index_cast %scan3A_284 : i32 to index
        %get3A_716 = arith.constant 16 : index
        %get3A_717 = tpu.vector_load %arg6[%get3A_714, %get3A_715, %get3A_716] {strides = array<i32>} : memref<16x24x128xf32, #tpu.memory_space<vmem>>, vector<1x1x16xf32>,
        %get3A_718 = vector.shape_cast %get3A_717 : vector<1x1x16xf32> to vector<16xf32>
        %mul3A_719 = arith.mulf %get3A_712, %get3A_718 : vector<16xf32>
        %add3A_720 = arith.addf %add3A_702, %mul3A_719 : vector<16xf32>
        %mul3A_721 = arith.mulf %get3A_712, %get3A_712 : vector<16xf32>
        %add3A_722 = arith.addf %add3A_704, %mul3A_721 : vector<16xf32>
        %mul3A_723 = arith.mulf %get3A_718, %get3A_718 : vector<16xf32>
        %add3A_724 = arith.addf %add3A_706, %mul3A_723 : vector<16xf32>
        %get3A_725 = arith.constant 8 : i32
        %get3A_726 = arith.index_cast %get3A_725 : i32 to index
        %get3A_727 = arith.index_cast %scan3A_284 : i32 to index
        %get3A_728 = arith.constant 16 : index
        %get3A_729 = tpu.vector_load %arg5[%get3A_726, %get3A_727, %get3A_728] {strides = array<i32>} : memref<16x24x128xf32, #tpu.memory_space<vmem>>, vector<1x1x16xf32>,
        %get3A_730 = vector.shape_cast %get3A_729 : vector<1x1x16xf32> to vector<16xf32>
        %get3A_731 = arith.constant 8 : i32
        %get3A_732 = arith.index_cast %get3A_731 : i32 to index
        %get3A_733 = arith.index_cast %scan3A_284 : i32 to index
        %get3A_734 = arith.constant 16 : index
        %get3A_735 = tpu.vector_load %arg6[%get3A_732, %get3A_733, %get3A_734] {strides = array<i32>} : memref<16x24x128xf32, #tpu.memory_space<vmem>>, vector<1x1x16xf32>,
        %get3A_736 = vector.shape_cast %get3A_735 : vector<1x1x16xf32> to vector<16xf32>
        %mul3A_737 = arith.mulf %get3A_730, %get3A_736 : vector<16xf32>
        %add3A_738 = arith.addf %add3A_720, %mul3A_737 : vector<16xf32>
        %mul3A_739 = arith.mulf %get3A_730, %get3A_730 : vector<16xf32>
        %add3A_740 = arith.addf %add3A_722, %mul3A_739 : vector<16xf32>
        %mul3A_741 = arith.mulf %get3A_736, %get3A_736 : vector<16xf32>
        %add3A_742 = arith.addf %add3A_724, %mul3A_741 : vector<16xf32>
        %get3A_743 = arith.constant 9 : i32
        %get3A_744 = arith.index_cast %get3A_743 : i32 to index
        %get3A_745 = arith.index_cast %scan3A_284 : i32 to index
        %get3A_746 = arith.constant 16 : index
        %get3A_747 = tpu.vector_load %arg5[%get3A_744, %get3A_745, %get3A_746] {strides = array<i32>} : memref<16x24x128xf32, #tpu.memory_space<vmem>>, vector<1x1x16xf32>,
        %get3A_748 = vector.shape_cast %get3A_747 : vector<1x1x16xf32> to vector<16xf32>
        %get3A_749 = arith.constant 9 : i32
        %get3A_750 = arith.index_cast %get3A_749 : i32 to index
        %get3A_751 = arith.index_cast %scan3A_284 : i32 to index
        %get3A_752 = arith.constant 16 : index
        %get3A_753 = tpu.vector_load %arg6[%get3A_750, %get3A_751, %get3A_752] {strides = array<i32>} : memref<16x24x128xf32, #tpu.memory_space<vmem>>, vector<1x1x16xf32>,
        %get3A_754 = vector.shape_cast %get3A_753 : vector<1x1x16xf32> to vector<16xf32>
        %mul3A_755 = arith.mulf %get3A_748, %get3A_754 : vector<16xf32>
        %add3A_756 = arith.addf %add3A_738, %mul3A_755 : vector<16xf32>
        %mul3A_757 = arith.mulf %get3A_748, %get3A_748 : vector<16xf32>
        %add3A_758 = arith.addf %add3A_740, %mul3A_757 : vector<16xf32>
        %mul3A_759 = arith.mulf %get3A_754, %get3A_754 : vector<16xf32>
        %add3A_760 = arith.addf %add3A_742, %mul3A_759 : vector<16xf32>
        %get3A_761 = arith.constant 10 : i32
        %get3A_762 = arith.index_cast %get3A_761 : i32 to index
        %get3A_763 = arith.index_cast %scan3A_284 : i32 to index
        %get3A_764 = arith.constant 16 : index
        %get3A_765 = tpu.vector_load %arg5[%get3A_762, %get3A_763, %get3A_764] {strides = array<i32>} : memref<16x24x128xf32, #tpu.memory_space<vmem>>, vector<1x1x16xf32>,
        %get3A_766 = vector.shape_cast %get3A_765 : vector<1x1x16xf32> to vector<16xf32>
        %get3A_767 = arith.constant 10 : i32
        %get3A_768 = arith.index_cast %get3A_767 : i32 to index
        %get3A_769 = arith.index_cast %scan3A_284 : i32 to index
        %get3A_770 = arith.constant 16 : index
        %get3A_771 = tpu.vector_load %arg6[%get3A_768, %get3A_769, %get3A_770] {strides = array<i32>} : memref<16x24x128xf32, #tpu.memory_space<vmem>>, vector<1x1x16xf32>,
        %get3A_772 = vector.shape_cast %get3A_771 : vector<1x1x16xf32> to vector<16xf32>
        %mul3A_773 = arith.mulf %get3A_766, %get3A_772 : vector<16xf32>
        %add3A_774 = arith.addf %add3A_756, %mul3A_773 : vector<16xf32>
        %mul3A_775 = arith.mulf %get3A_766, %get3A_766 : vector<16xf32>
        %add3A_776 = arith.addf %add3A_758, %mul3A_775 : vector<16xf32>
        %mul3A_777 = arith.mulf %get3A_772, %get3A_772 : vector<16xf32>
        %add3A_778 = arith.addf %add3A_760, %mul3A_777 : vector<16xf32>
        %get3A_779 = arith.constant 11 : i32
        %get3A_780 = arith.index_cast %get3A_779 : i32 to index
        %get3A_781 = arith.index_cast %scan3A_284 : i32 to index
        %get3A_782 = arith.constant 16 : index
        %get3A_783 = tpu.vector_load %arg5[%get3A_780, %get3A_781, %get3A_782] {strides = array<i32>} : memref<16x24x128xf32, #tpu.memory_space<vmem>>, vector<1x1x16xf32>,
        %get3A_784 = vector.shape_cast %get3A_783 : vector<1x1x16xf32> to vector<16xf32>
        %get3A_785 = arith.constant 11 : i32
        %get3A_786 = arith.index_cast %get3A_785 : i32 to index
        %get3A_787 = arith.index_cast %scan3A_284 : i32 to index
        %get3A_788 = arith.constant 16 : index
        %get3A_789 = tpu.vector_load %arg6[%get3A_786, %get3A_787, %get3A_788] {strides = array<i32>} : memref<16x24x128xf32, #tpu.memory_space<vmem>>, vector<1x1x16xf32>,
        %get3A_790 = vector.shape_cast %get3A_789 : vector<1x1x16xf32> to vector<16xf32>
        %mul3A_791 = arith.mulf %get3A_784, %get3A_790 : vector<16xf32>
        %add3A_792 = arith.addf %add3A_774, %mul3A_791 : vector<16xf32>
        %mul3A_793 = arith.mulf %get3A_784, %get3A_784 : vector<16xf32>
        %add3A_794 = arith.addf %add3A_776, %mul3A_793 : vector<16xf32>
        %mul3A_795 = arith.mulf %get3A_790, %get3A_790 : vector<16xf32>
        %add3A_796 = arith.addf %add3A_778, %mul3A_795 : vector<16xf32>
        %get3A_797 = arith.constant 12 : i32
        %get3A_798 = arith.index_cast %get3A_797 : i32 to index
        %get3A_799 = arith.index_cast %scan3A_284 : i32 to index
        %get3A_800 = arith.constant 16 : index
        %get3A_801 = tpu.vector_load %arg5[%get3A_798, %get3A_799, %get3A_800] {strides = array<i32>} : memref<16x24x128xf32, #tpu.memory_space<vmem>>, vector<1x1x16xf32>,
        %get3A_802 = vector.shape_cast %get3A_801 : vector<1x1x16xf32> to vector<16xf32>
        %get3A_803 = arith.constant 12 : i32
        %get3A_804 = arith.index_cast %get3A_803 : i32 to index
        %get3A_805 = arith.index_cast %scan3A_284 : i32 to index
        %get3A_806 = arith.constant 16 : index
        %get3A_807 = tpu.vector_load %arg6[%get3A_804, %get3A_805, %get3A_806] {strides = array<i32>} : memref<16x24x128xf32, #tpu.memory_space<vmem>>, vector<1x1x16xf32>,
        %get3A_808 = vector.shape_cast %get3A_807 : vector<1x1x16xf32> to vector<16xf32>
        %mul3A_809 = arith.mulf %get3A_802, %get3A_808 : vector<16xf32>
        %add3A_810 = arith.addf %add3A_792, %mul3A_809 : vector<16xf32>
        %mul3A_811 = arith.mulf %get3A_802, %get3A_802 : vector<16xf32>
        %add3A_812 = arith.addf %add3A_794, %mul3A_811 : vector<16xf32>
        %mul3A_813 = arith.mulf %get3A_808, %get3A_808 : vector<16xf32>
        %add3A_814 = arith.addf %add3A_796, %mul3A_813 : vector<16xf32>
        %get3A_815 = arith.constant 13 : i32
        %get3A_816 = arith.index_cast %get3A_815 : i32 to index
        %get3A_817 = arith.index_cast %scan3A_284 : i32 to index
        %get3A_818 = arith.constant 16 : index
        %get3A_819 = tpu.vector_load %arg5[%get3A_816, %get3A_817, %get3A_818] {strides = array<i32>} : memref<16x24x128xf32, #tpu.memory_space<vmem>>, vector<1x1x16xf32>,
        %get3A_820 = vector.shape_cast %get3A_819 : vector<1x1x16xf32> to vector<16xf32>
        %get3A_821 = arith.constant 13 : i32
        %get3A_822 = arith.index_cast %get3A_821 : i32 to index
        %get3A_823 = arith.index_cast %scan3A_284 : i32 to index
        %get3A_824 = arith.constant 16 : index
        %get3A_825 = tpu.vector_load %arg6[%get3A_822, %get3A_823, %get3A_824] {strides = array<i32>} : memref<16x24x128xf32, #tpu.memory_space<vmem>>, vector<1x1x16xf32>,
        %get3A_826 = vector.shape_cast %get3A_825 : vector<1x1x16xf32> to vector<16xf32>
        %mul3A_827 = arith.mulf %get3A_820, %get3A_826 : vector<16xf32>
        %add3A_828 = arith.addf %add3A_810, %mul3A_827 : vector<16xf32>
        %mul3A_829 = arith.mulf %get3A_820, %get3A_820 : vector<16xf32>
        %add3A_830 = arith.addf %add3A_812, %mul3A_829 : vector<16xf32>
        %mul3A_831 = arith.mulf %get3A_826, %get3A_826 : vector<16xf32>
        %add3A_832 = arith.addf %add3A_814, %mul3A_831 : vector<16xf32>
        %get3A_833 = arith.constant 14 : i32
        %get3A_834 = arith.index_cast %get3A_833 : i32 to index
        %get3A_835 = arith.index_cast %scan3A_284 : i32 to index
        %get3A_836 = arith.constant 16 : index
        %get3A_837 = tpu.vector_load %arg5[%get3A_834, %get3A_835, %get3A_836] {strides = array<i32>} : memref<16x24x128xf32, #tpu.memory_space<vmem>>, vector<1x1x16xf32>,
        %get3A_838 = vector.shape_cast %get3A_837 : vector<1x1x16xf32> to vector<16xf32>
        %get3A_839 = arith.constant 14 : i32
        %get3A_840 = arith.index_cast %get3A_839 : i32 to index
        %get3A_841 = arith.index_cast %scan3A_284 : i32 to index
        %get3A_842 = arith.constant 16 : index
        %get3A_843 = tpu.vector_load %arg6[%get3A_840, %get3A_841, %get3A_842] {strides = array<i32>} : memref<16x24x128xf32, #tpu.memory_space<vmem>>, vector<1x1x16xf32>,
        %get3A_844 = vector.shape_cast %get3A_843 : vector<1x1x16xf32> to vector<16xf32>
        %mul3A_845 = arith.mulf %get3A_838, %get3A_844 : vector<16xf32>
        %add3A_846 = arith.addf %add3A_828, %mul3A_845 : vector<16xf32>
        %mul3A_847 = arith.mulf %get3A_838, %get3A_838 : vector<16xf32>
        %add3A_848 = arith.addf %add3A_830, %mul3A_847 : vector<16xf32>
        %mul3A_849 = arith.mulf %get3A_844, %get3A_844 : vector<16xf32>
        %add3A_850 = arith.addf %add3A_832, %mul3A_849 : vector<16xf32>
        %get3A_851 = arith.constant 15 : i32
        %get3A_852 = arith.index_cast %get3A_851 : i32 to index
        %get3A_853 = arith.index_cast %scan3A_284 : i32 to index
        %get3A_854 = arith.constant 16 : index
        %get3A_855 = tpu.vector_load %arg5[%get3A_852, %get3A_853, %get3A_854] {strides = array<i32>} : memref<16x24x128xf32, #tpu.memory_space<vmem>>, vector<1x1x16xf32>,
        %get3A_856 = vector.shape_cast %get3A_855 : vector<1x1x16xf32> to vector<16xf32>
        %get3A_857 = arith.constant 15 : i32
        %get3A_858 = arith.index_cast %get3A_857 : i32 to index
        %get3A_859 = arith.index_cast %scan3A_284 : i32 to index
        %get3A_860 = arith.constant 16 : index
        %get3A_861 = tpu.vector_load %arg6[%get3A_858, %get3A_859, %get3A_860] {strides = array<i32>} : memref<16x24x128xf32, #tpu.memory_space<vmem>>, vector<1x1x16xf32>,
        %get3A_862 = vector.shape_cast %get3A_861 : vector<1x1x16xf32> to vector<16xf32>
        %mul3A_863 = arith.mulf %get3A_856, %get3A_862 : vector<16xf32>
        %add3A_864 = arith.addf %add3A_846, %mul3A_863 : vector<16xf32>
        %mul3A_865 = arith.mulf %get3A_856, %get3A_856 : vector<16xf32>
        %add3A_866 = arith.addf %add3A_848, %mul3A_865 : vector<16xf32>
        %mul3A_867 = arith.mulf %get3A_862, %get3A_862 : vector<16xf32>
        %add3A_868 = arith.addf %add3A_850, %mul3A_867 : vector<16xf32>
        %swap3A_869 = arith.index_cast %scan3A_284 : i32 to index
        %swap3A_870 = arith.constant 16 : index
        %swap3A_871 = tpu.vector_load %arg7[%swap3A_869, %swap3A_870] {strides = array<i32>} : memref<24x128xf32, #tpu.memory_space<vmem>>, vector<1x16xf32>,
        %swap3A_872 = vector.shape_cast %swap3A_871 : vector<1x16xf32> to vector<16xf32>
        %swap3A_873 = vector.shape_cast %add3A_864 : vector<16xf32> to vector<1x16xf32>
        tpu.vector_store %arg7[%swap3A_869, %swap3A_870], %swap3A_873 {strides = array<i32>} : memref<24x128xf32, #tpu.memory_space<vmem>>, vector<1x16xf32>,
        %swap3A_874 = arith.index_cast %scan3A_284 : i32 to index
        %swap3A_875 = arith.constant 16 : index
        %swap3A_876 = tpu.vector_load %arg8[%swap3A_874, %swap3A_875] {strides = array<i32>} : memref<24x128xf32, #tpu.memory_space<vmem>>, vector<1x16xf32>,
        %swap3A_877 = vector.shape_cast %swap3A_876 : vector<1x16xf32> to vector<16xf32>
        %swap3A_878 = vector.shape_cast %add3A_866 : vector<16xf32> to vector<1x16xf32>
        tpu.vector_store %arg8[%swap3A_874, %swap3A_875], %swap3A_878 {strides = array<i32>} : memref<24x128xf32, #tpu.memory_space<vmem>>, vector<1x16xf32>,
        %swap3A_879 = arith.index_cast %scan3A_284 : i32 to index
        %swap3A_880 = arith.constant 16 : index
        %swap3A_881 = tpu.vector_load %arg9[%swap3A_879, %swap3A_880] {strides = array<i32>} : memref<24x128xf32, #tpu.memory_space<vmem>>, vector<1x16xf32>,
        %swap3A_882 = vector.shape_cast %swap3A_881 : vector<1x16xf32> to vector<16xf32>
        %swap3A_883 = vector.shape_cast %add3A_868 : vector<16xf32> to vector<1x16xf32>
        tpu.vector_store %arg9[%swap3A_879, %swap3A_880], %swap3A_883 {strides = array<i32>} : memref<24x128xf32, #tpu.memory_space<vmem>>, vector<1x16xf32>,
        %get3A_884 = arith.constant 0 : i32
        %get3A_885 = arith.index_cast %get3A_884 : i32 to index
        %get3A_886 = arith.index_cast %scan3A_284 : i32 to index
        %get3A_887 = arith.constant 32 : index
        %get3A_888 = tpu.vector_load %arg5[%get3A_885, %get3A_886, %get3A_887] {strides = array<i32>} : memref<16x24x128xf32, #tpu.memory_space<vmem>>, vector<1x1x16xf32>,
        %get3A_889 = vector.shape_cast %get3A_888 : vector<1x1x16xf32> to vector<16xf32>
        %get3A_890 = arith.constant 0 : i32
        %get3A_891 = arith.index_cast %get3A_890 : i32 to index
        %get3A_892 = arith.index_cast %scan3A_284 : i32 to index
        %get3A_893 = arith.constant 32 : index
        %get3A_894 = tpu.vector_load %arg6[%get3A_891, %get3A_892, %get3A_893] {strides = array<i32>} : memref<16x24x128xf32, #tpu.memory_space<vmem>>, vector<1x1x16xf32>,
        %get3A_895 = vector.shape_cast %get3A_894 : vector<1x1x16xf32> to vector<16xf32>
        %mul3A_896 = arith.mulf %get3A_889, %get3A_895 : vector<16xf32>
        %mul3A_897 = arith.mulf %get3A_889, %get3A_889 : vector<16xf32>
        %mul3A_898 = arith.mulf %get3A_895, %get3A_895 : vector<16xf32>
        %get3A_899 = arith.constant 1 : i32
        %get3A_900 = arith.index_cast %get3A_899 : i32 to index
        %get3A_901 = arith.index_cast %scan3A_284 : i32 to index
        %get3A_902 = arith.constant 32 : index
        %get3A_903 = tpu.vector_load %arg5[%get3A_900, %get3A_901, %get3A_902] {strides = array<i32>} : memref<16x24x128xf32, #tpu.memory_space<vmem>>, vector<1x1x16xf32>,
        %get3A_904 = vector.shape_cast %get3A_903 : vector<1x1x16xf32> to vector<16xf32>
        %get3A_905 = arith.constant 1 : i32
        %get3A_906 = arith.index_cast %get3A_905 : i32 to index
        %get3A_907 = arith.index_cast %scan3A_284 : i32 to index
        %get3A_908 = arith.constant 32 : index
        %get3A_909 = tpu.vector_load %arg6[%get3A_906, %get3A_907, %get3A_908] {strides = array<i32>} : memref<16x24x128xf32, #tpu.memory_space<vmem>>, vector<1x1x16xf32>,
        %get3A_910 = vector.shape_cast %get3A_909 : vector<1x1x16xf32> to vector<16xf32>
        %mul3A_911 = arith.mulf %get3A_904, %get3A_910 : vector<16xf32>
        %add3A_912 = arith.addf %mul3A_896, %mul3A_911 : vector<16xf32>
        %mul3A_913 = arith.mulf %get3A_904, %get3A_904 : vector<16xf32>
        %add3A_914 = arith.addf %mul3A_897, %mul3A_913 : vector<16xf32>
        %mul3A_915 = arith.mulf %get3A_910, %get3A_910 : vector<16xf32>
        %add3A_916 = arith.addf %mul3A_898, %mul3A_915 : vector<16xf32>
        %get3A_917 = arith.constant 2 : i32
        %get3A_918 = arith.index_cast %get3A_917 : i32 to index
        %get3A_919 = arith.index_cast %scan3A_284 : i32 to index
        %get3A_920 = arith.constant 32 : index
        %get3A_921 = tpu.vector_load %arg5[%get3A_918, %get3A_919, %get3A_920] {strides = array<i32>} : memref<16x24x128xf32, #tpu.memory_space<vmem>>, vector<1x1x16xf32>,
        %get3A_922 = vector.shape_cast %get3A_921 : vector<1x1x16xf32> to vector<16xf32>
        %get3A_923 = arith.constant 2 : i32
        %get3A_924 = arith.index_cast %get3A_923 : i32 to index
        %get3A_925 = arith.index_cast %scan3A_284 : i32 to index
        %get3A_926 = arith.constant 32 : index
        %get3A_927 = tpu.vector_load %arg6[%get3A_924, %get3A_925, %get3A_926] {strides = array<i32>} : memref<16x24x128xf32, #tpu.memory_space<vmem>>, vector<1x1x16xf32>,
        %get3A_928 = vector.shape_cast %get3A_927 : vector<1x1x16xf32> to vector<16xf32>
        %mul3A_929 = arith.mulf %get3A_922, %get3A_928 : vector<16xf32>
        %add3A_930 = arith.addf %add3A_912, %mul3A_929 : vector<16xf32>
        %mul3A_931 = arith.mulf %get3A_922, %get3A_922 : vector<16xf32>
        %add3A_932 = arith.addf %add3A_914, %mul3A_931 : vector<16xf32>
        %mul3A_933 = arith.mulf %get3A_928, %get3A_928 : vector<16xf32>
        %add3A_934 = arith.addf %add3A_916, %mul3A_933 : vector<16xf32>
        %get3A_935 = arith.constant 3 : i32
        %get3A_936 = arith.index_cast %get3A_935 : i32 to index
        %get3A_937 = arith.index_cast %scan3A_284 : i32 to index
        %get3A_938 = arith.constant 32 : index
        %get3A_939 = tpu.vector_load %arg5[%get3A_936, %get3A_937, %get3A_938] {strides = array<i32>} : memref<16x24x128xf32, #tpu.memory_space<vmem>>, vector<1x1x16xf32>,
        %get3A_940 = vector.shape_cast %get3A_939 : vector<1x1x16xf32> to vector<16xf32>
        %get3A_941 = arith.constant 3 : i32
        %get3A_942 = arith.index_cast %get3A_941 : i32 to index
        %get3A_943 = arith.index_cast %scan3A_284 : i32 to index
        %get3A_944 = arith.constant 32 : index
        %get3A_945 = tpu.vector_load %arg6[%get3A_942, %get3A_943, %get3A_944] {strides = array<i32>} : memref<16x24x128xf32, #tpu.memory_space<vmem>>, vector<1x1x16xf32>,
        %get3A_946 = vector.shape_cast %get3A_945 : vector<1x1x16xf32> to vector<16xf32>
        %mul3A_947 = arith.mulf %get3A_940, %get3A_946 : vector<16xf32>
        %add3A_948 = arith.addf %add3A_930, %mul3A_947 : vector<16xf32>
        %mul3A_949 = arith.mulf %get3A_940, %get3A_940 : vector<16xf32>
        %add3A_950 = arith.addf %add3A_932, %mul3A_949 : vector<16xf32>
        %mul3A_951 = arith.mulf %get3A_946, %get3A_946 : vector<16xf32>
        %add3A_952 = arith.addf %add3A_934, %mul3A_951 : vector<16xf32>
        %get3A_953 = arith.constant 4 : i32
        %get3A_954 = arith.index_cast %get3A_953 : i32 to index
        %get3A_955 = arith.index_cast %scan3A_284 : i32 to index
        %get3A_956 = arith.constant 32 : index
        %get3A_957 = tpu.vector_load %arg5[%get3A_954, %get3A_955, %get3A_956] {strides = array<i32>} : memref<16x24x128xf32, #tpu.memory_space<vmem>>, vector<1x1x16xf32>,
        %get3A_958 = vector.shape_cast %get3A_957 : vector<1x1x16xf32> to vector<16xf32>
        %get3A_959 = arith.constant 4 : i32
        %get3A_960 = arith.index_cast %get3A_959 : i32 to index
        %get3A_961 = arith.index_cast %scan3A_284 : i32 to index
        %get3A_962 = arith.constant 32 : index
        %get3A_963 = tpu.vector_load %arg6[%get3A_960, %get3A_961, %get3A_962] {strides = array<i32>} : memref<16x24x128xf32, #tpu.memory_space<vmem>>, vector<1x1x16xf32>,
        %get3A_964 = vector.shape_cast %get3A_963 : vector<1x1x16xf32> to vector<16xf32>
        %mul3A_965 = arith.mulf %get3A_958, %get3A_964 : vector<16xf32>
        %add3A_966 = arith.addf %add3A_948, %mul3A_965 : vector<16xf32>
        %mul3A_967 = arith.mulf %get3A_958, %get3A_958 : vector<16xf32>
        %add3A_968 = arith.addf %add3A_950, %mul3A_967 : vector<16xf32>
        %mul3A_969 = arith.mulf %get3A_964, %get3A_964 : vector<16xf32>
        %add3A_970 = arith.addf %add3A_952, %mul3A_969 : vector<16xf32>
        %get3A_971 = arith.constant 5 : i32
        %get3A_972 = arith.index_cast %get3A_971 : i32 to index
        %get3A_973 = arith.index_cast %scan3A_284 : i32 to index
        %get3A_974 = arith.constant 32 : index
        %get3A_975 = tpu.vector_load %arg5[%get3A_972, %get3A_973, %get3A_974] {strides = array<i32>} : memref<16x24x128xf32, #tpu.memory_space<vmem>>, vector<1x1x16xf32>,
        %get3A_976 = vector.shape_cast %get3A_975 : vector<1x1x16xf32> to vector<16xf32>
        %get3A_977 = arith.constant 5 : i32
        %get3A_978 = arith.index_cast %get3A_977 : i32 to index
        %get3A_979 = arith.index_cast %scan3A_284 : i32 to index
        %get3A_980 = arith.constant 32 : index
        %get3A_981 = tpu.vector_load %arg6[%get3A_978, %get3A_979, %get3A_980] {strides = array<i32>} : memref<16x24x128xf32, #tpu.memory_space<vmem>>, vector<1x1x16xf32>,
        %get3A_982 = vector.shape_cast %get3A_981 : vector<1x1x16xf32> to vector<16xf32>
        %mul3A_983 = arith.mulf %get3A_976, %get3A_982 : vector<16xf32>
        %add3A_984 = arith.addf %add3A_966, %mul3A_983 : vector<16xf32>
        %mul3A_985 = arith.mulf %get3A_976, %get3A_976 : vector<16xf32>
        %add3A_986 = arith.addf %add3A_968, %mul3A_985 : vector<16xf32>
        %mul3A_987 = arith.mulf %get3A_982, %get3A_982 : vector<16xf32>
        %add3A_988 = arith.addf %add3A_970, %mul3A_987 : vector<16xf32>
        %get3A_989 = arith.constant 6 : i32
        %get3A_990 = arith.index_cast %get3A_989 : i32 to index
        %get3A_991 = arith.index_cast %scan3A_284 : i32 to index
        %get3A_992 = arith.constant 32 : index
        %get3A_993 = tpu.vector_load %arg5[%get3A_990, %get3A_991, %get3A_992] {strides = array<i32>} : memref<16x24x128xf32, #tpu.memory_space<vmem>>, vector<1x1x16xf32>,
        %get3A_994 = vector.shape_cast %get3A_993 : vector<1x1x16xf32> to vector<16xf32>
        %get3A_995 = arith.constant 6 : i32
        %get3A_996 = arith.index_cast %get3A_995 : i32 to index
        %get3A_997 = arith.index_cast %scan3A_284 : i32 to index
        %get3A_998 = arith.constant 32 : index
        %get3A_999 = tpu.vector_load %arg6[%get3A_996, %get3A_997, %get3A_998] {strides = array<i32>} : memref<16x24x128xf32, #tpu.memory_space<vmem>>, vector<1x1x16xf32>,
        %get3A_1000 = vector.shape_cast %get3A_999 : vector<1x1x16xf32> to vector<16xf32>
        %mul3A_1001 = arith.mulf %get3A_994, %get3A_1000 : vector<16xf32>
        %add3A_1002 = arith.addf %add3A_984, %mul3A_1001 : vector<16xf32>
        %mul3A_1003 = arith.mulf %get3A_994, %get3A_994 : vector<16xf32>
        %add3A_1004 = arith.addf %add3A_986, %mul3A_1003 : vector<16xf32>
        %mul3A_1005 = arith.mulf %get3A_1000, %get3A_1000 : vector<16xf32>
        %add3A_1006 = arith.addf %add3A_988, %mul3A_1005 : vector<16xf32>
        %get3A_1007 = arith.constant 7 : i32
        %get3A_1008 = arith.index_cast %get3A_1007 : i32 to index
        %get3A_1009 = arith.index_cast %scan3A_284 : i32 to index
        %get3A_1010 = arith.constant 32 : index
        %get3A_1011 = tpu.vector_load %arg5[%get3A_1008, %get3A_1009, %get3A_1010] {strides = array<i32>} : memref<16x24x128xf32, #tpu.memory_space<vmem>>, vector<1x1x16xf32>,
        %get3A_1012 = vector.shape_cast %get3A_1011 : vector<1x1x16xf32> to vector<16xf32>
        %get3A_1013 = arith.constant 7 : i32
        %get3A_1014 = arith.index_cast %get3A_1013 : i32 to index
        %get3A_1015 = arith.index_cast %scan3A_284 : i32 to index
        %get3A_1016 = arith.constant 32 : index
        %get3A_1017 = tpu.vector_load %arg6[%get3A_1014, %get3A_1015, %get3A_1016] {strides = array<i32>} : memref<16x24x128xf32, #tpu.memory_space<vmem>>, vector<1x1x16xf32>,
        %get3A_1018 = vector.shape_cast %get3A_1017 : vector<1x1x16xf32> to vector<16xf32>
        %mul3A_1019 = arith.mulf %get3A_1012, %get3A_1018 : vector<16xf32>
        %add3A_1020 = arith.addf %add3A_1002, %mul3A_1019 : vector<16xf32>
        %mul3A_1021 = arith.mulf %get3A_1012, %get3A_1012 : vector<16xf32>
        %add3A_1022 = arith.addf %add3A_1004, %mul3A_1021 : vector<16xf32>
        %mul3A_1023 = arith.mulf %get3A_1018, %get3A_1018 : vector<16xf32>
        %add3A_1024 = arith.addf %add3A_1006, %mul3A_1023 : vector<16xf32>
        %get3A_1025 = arith.constant 8 : i32
        %get3A_1026 = arith.index_cast %get3A_1025 : i32 to index
        %get3A_1027 = arith.index_cast %scan3A_284 : i32 to index
        %get3A_1028 = arith.constant 32 : index
        %get3A_1029 = tpu.vector_load %arg5[%get3A_1026, %get3A_1027, %get3A_1028] {strides = array<i32>} : memref<16x24x128xf32, #tpu.memory_space<vmem>>, vector<1x1x16xf32>,
        %get3A_1030 = vector.shape_cast %get3A_1029 : vector<1x1x16xf32> to vector<16xf32>
        %get3A_1031 = arith.constant 8 : i32
        %get3A_1032 = arith.index_cast %get3A_1031 : i32 to index
        %get3A_1033 = arith.index_cast %scan3A_284 : i32 to index
        %get3A_1034 = arith.constant 32 : index
        %get3A_1035 = tpu.vector_load %arg6[%get3A_1032, %get3A_1033, %get3A_1034] {strides = array<i32>} : memref<16x24x128xf32, #tpu.memory_space<vmem>>, vector<1x1x16xf32>,
        %get3A_1036 = vector.shape_cast %get3A_1035 : vector<1x1x16xf32> to vector<16xf32>
        %mul3A_1037 = arith.mulf %get3A_1030, %get3A_1036 : vector<16xf32>
        %add3A_1038 = arith.addf %add3A_1020, %mul3A_1037 : vector<16xf32>
        %mul3A_1039 = arith.mulf %get3A_1030, %get3A_1030 : vector<16xf32>
        %add3A_1040 = arith.addf %add3A_1022, %mul3A_1039 : vector<16xf32>
        %mul3A_1041 = arith.mulf %get3A_1036, %get3A_1036 : vector<16xf32>
        %add3A_1042 = arith.addf %add3A_1024, %mul3A_1041 : vector<16xf32>
        %get3A_1043 = arith.constant 9 : i32
        %get3A_1044 = arith.index_cast %get3A_1043 : i32 to index
        %get3A_1045 = arith.index_cast %scan3A_284 : i32 to index
        %get3A_1046 = arith.constant 32 : index
        %get3A_1047 = tpu.vector_load %arg5[%get3A_1044, %get3A_1045, %get3A_1046] {strides = array<i32>} : memref<16x24x128xf32, #tpu.memory_space<vmem>>, vector<1x1x16xf32>,
        %get3A_1048 = vector.shape_cast %get3A_1047 : vector<1x1x16xf32> to vector<16xf32>
        %get3A_1049 = arith.constant 9 : i32
        %get3A_1050 = arith.index_cast %get3A_1049 : i32 to index
        %get3A_1051 = arith.index_cast %scan3A_284 : i32 to index
        %get3A_1052 = arith.constant 32 : index
        %get3A_1053 = tpu.vector_load %arg6[%get3A_1050, %get3A_1051, %get3A_1052] {strides = array<i32>} : memref<16x24x128xf32, #tpu.memory_space<vmem>>, vector<1x1x16xf32>,
        %get3A_1054 = vector.shape_cast %get3A_1053 : vector<1x1x16xf32> to vector<16xf32>
        %mul3A_1055 = arith.mulf %get3A_1048, %get3A_1054 : vector<16xf32>
        %add3A_1056 = arith.addf %add3A_1038, %mul3A_1055 : vector<16xf32>
        %mul3A_1057 = arith.mulf %get3A_1048, %get3A_1048 : vector<16xf32>
        %add3A_1058 = arith.addf %add3A_1040, %mul3A_1057 : vector<16xf32>
        %mul3A_1059 = arith.mulf %get3A_1054, %get3A_1054 : vector<16xf32>
        %add3A_1060 = arith.addf %add3A_1042, %mul3A_1059 : vector<16xf32>
        %get3A_1061 = arith.constant 10 : i32
        %get3A_1062 = arith.index_cast %get3A_1061 : i32 to index
        %get3A_1063 = arith.index_cast %scan3A_284 : i32 to index
        %get3A_1064 = arith.constant 32 : index
        %get3A_1065 = tpu.vector_load %arg5[%get3A_1062, %get3A_1063, %get3A_1064] {strides = array<i32>} : memref<16x24x128xf32, #tpu.memory_space<vmem>>, vector<1x1x16xf32>,
        %get3A_1066 = vector.shape_cast %get3A_1065 : vector<1x1x16xf32> to vector<16xf32>
        %get3A_1067 = arith.constant 10 : i32
        %get3A_1068 = arith.index_cast %get3A_1067 : i32 to index
        %get3A_1069 = arith.index_cast %scan3A_284 : i32 to index
        %get3A_1070 = arith.constant 32 : index
        %get3A_1071 = tpu.vector_load %arg6[%get3A_1068, %get3A_1069, %get3A_1070] {strides = array<i32>} : memref<16x24x128xf32, #tpu.memory_space<vmem>>, vector<1x1x16xf32>,
        %get3A_1072 = vector.shape_cast %get3A_1071 : vector<1x1x16xf32> to vector<16xf32>
        %mul3A_1073 = arith.mulf %get3A_1066, %get3A_1072 : vector<16xf32>
        %add3A_1074 = arith.addf %add3A_1056, %mul3A_1073 : vector<16xf32>
        %mul3A_1075 = arith.mulf %get3A_1066, %get3A_1066 : vector<16xf32>
        %add3A_1076 = arith.addf %add3A_1058, %mul3A_1075 : vector<16xf32>
        %mul3A_1077 = arith.mulf %get3A_1072, %get3A_1072 : vector<16xf32>
        %add3A_1078 = arith.addf %add3A_1060, %mul3A_1077 : vector<16xf32>
        %get3A_1079 = arith.constant 11 : i32
        %get3A_1080 = arith.index_cast %get3A_1079 : i32 to index
        %get3A_1081 = arith.index_cast %scan3A_284 : i32 to index
        %get3A_1082 = arith.constant 32 : index
        %get3A_1083 = tpu.vector_load %arg5[%get3A_1080, %get3A_1081, %get3A_1082] {strides = array<i32>} : memref<16x24x128xf32, #tpu.memory_space<vmem>>, vector<1x1x16xf32>,
        %get3A_1084 = vector.shape_cast %get3A_1083 : vector<1x1x16xf32> to vector<16xf32>
        %get3A_1085 = arith.constant 11 : i32
        %get3A_1086 = arith.index_cast %get3A_1085 : i32 to index
        %get3A_1087 = arith.index_cast %scan3A_284 : i32 to index
        %get3A_1088 = arith.constant 32 : index
        %get3A_1089 = tpu.vector_load %arg6[%get3A_1086, %get3A_1087, %get3A_1088] {strides = array<i32>} : memref<16x24x128xf32, #tpu.memory_space<vmem>>, vector<1x1x16xf32>,
        %get3A_1090 = vector.shape_cast %get3A_1089 : vector<1x1x16xf32> to vector<16xf32>
        %mul3A_1091 = arith.mulf %get3A_1084, %get3A_1090 : vector<16xf32>
        %add3A_1092 = arith.addf %add3A_1074, %mul3A_1091 : vector<16xf32>
        %mul3A_1093 = arith.mulf %get3A_1084, %get3A_1084 : vector<16xf32>
        %add3A_1094 = arith.addf %add3A_1076, %mul3A_1093 : vector<16xf32>
        %mul3A_1095 = arith.mulf %get3A_1090, %get3A_1090 : vector<16xf32>
        %add3A_1096 = arith.addf %add3A_1078, %mul3A_1095 : vector<16xf32>
        %get3A_1097 = arith.constant 12 : i32
        %get3A_1098 = arith.index_cast %get3A_1097 : i32 to index
        %get3A_1099 = arith.index_cast %scan3A_284 : i32 to index
        %get3A_1100 = arith.constant 32 : index
        %get3A_1101 = tpu.vector_load %arg5[%get3A_1098, %get3A_1099, %get3A_1100] {strides = array<i32>} : memref<16x24x128xf32, #tpu.memory_space<vmem>>, vector<1x1x16xf32>,
        %get3A_1102 = vector.shape_cast %get3A_1101 : vector<1x1x16xf32> to vector<16xf32>
        %get3A_1103 = arith.constant 12 : i32
        %get3A_1104 = arith.index_cast %get3A_1103 : i32 to index
        %get3A_1105 = arith.index_cast %scan3A_284 : i32 to index
        %get3A_1106 = arith.constant 32 : index
        %get3A_1107 = tpu.vector_load %arg6[%get3A_1104, %get3A_1105, %get3A_1106] {strides = array<i32>} : memref<16x24x128xf32, #tpu.memory_space<vmem>>, vector<1x1x16xf32>,
        %get3A_1108 = vector.shape_cast %get3A_1107 : vector<1x1x16xf32> to vector<16xf32>
        %mul3A_1109 = arith.mulf %get3A_1102, %get3A_1108 : vector<16xf32>
        %add3A_1110 = arith.addf %add3A_1092, %mul3A_1109 : vector<16xf32>
        %mul3A_1111 = arith.mulf %get3A_1102, %get3A_1102 : vector<16xf32>
        %add3A_1112 = arith.addf %add3A_1094, %mul3A_1111 : vector<16xf32>
        %mul3A_1113 = arith.mulf %get3A_1108, %get3A_1108 : vector<16xf32>
        %add3A_1114 = arith.addf %add3A_1096, %mul3A_1113 : vector<16xf32>
        %get3A_1115 = arith.constant 13 : i32
        %get3A_1116 = arith.index_cast %get3A_1115 : i32 to index
        %get3A_1117 = arith.index_cast %scan3A_284 : i32 to index
        %get3A_1118 = arith.constant 32 : index
        %get3A_1119 = tpu.vector_load %arg5[%get3A_1116, %get3A_1117, %get3A_1118] {strides = array<i32>} : memref<16x24x128xf32, #tpu.memory_space<vmem>>, vector<1x1x16xf32>,
        %get3A_1120 = vector.shape_cast %get3A_1119 : vector<1x1x16xf32> to vector<16xf32>
        %get3A_1121 = arith.constant 13 : i32
        %get3A_1122 = arith.index_cast %get3A_1121 : i32 to index
        %get3A_1123 = arith.index_cast %scan3A_284 : i32 to index
        %get3A_1124 = arith.constant 32 : index
        %get3A_1125 = tpu.vector_load %arg6[%get3A_1122, %get3A_1123, %get3A_1124] {strides = array<i32>} : memref<16x24x128xf32, #tpu.memory_space<vmem>>, vector<1x1x16xf32>,
        %get3A_1126 = vector.shape_cast %get3A_1125 : vector<1x1x16xf32> to vector<16xf32>
        %mul3A_1127 = arith.mulf %get3A_1120, %get3A_1126 : vector<16xf32>
        %add3A_1128 = arith.addf %add3A_1110, %mul3A_1127 : vector<16xf32>
        %mul3A_1129 = arith.mulf %get3A_1120, %get3A_1120 : vector<16xf32>
        %add3A_1130 = arith.addf %add3A_1112, %mul3A_1129 : vector<16xf32>
        %mul3A_1131 = arith.mulf %get3A_1126, %get3A_1126 : vector<16xf32>
        %add3A_1132 = arith.addf %add3A_1114, %mul3A_1131 : vector<16xf32>
        %get3A_1133 = arith.constant 14 : i32
        %get3A_1134 = arith.index_cast %get3A_1133 : i32 to index
        %get3A_1135 = arith.index_cast %scan3A_284 : i32 to index
        %get3A_1136 = arith.constant 32 : index
        %get3A_1137 = tpu.vector_load %arg5[%get3A_1134, %get3A_1135, %get3A_1136] {strides = array<i32>} : memref<16x24x128xf32, #tpu.memory_space<vmem>>, vector<1x1x16xf32>,
        %get3A_1138 = vector.shape_cast %get3A_1137 : vector<1x1x16xf32> to vector<16xf32>
        %get3A_1139 = arith.constant 14 : i32
        %get3A_1140 = arith.index_cast %get3A_1139 : i32 to index
        %get3A_1141 = arith.index_cast %scan3A_284 : i32 to index
        %get3A_1142 = arith.constant 32 : index
        %get3A_1143 = tpu.vector_load %arg6[%get3A_1140, %get3A_1141, %get3A_1142] {strides = array<i32>} : memref<16x24x128xf32, #tpu.memory_space<vmem>>, vector<1x1x16xf32>,
        %get3A_1144 = vector.shape_cast %get3A_1143 : vector<1x1x16xf32> to vector<16xf32>
        %mul3A_1145 = arith.mulf %get3A_1138, %get3A_1144 : vector<16xf32>
        %add3A_1146 = arith.addf %add3A_1128, %mul3A_1145 : vector<16xf32>
        %mul3A_1147 = arith.mulf %get3A_1138, %get3A_1138 : vector<16xf32>
        %add3A_1148 = arith.addf %add3A_1130, %mul3A_1147 : vector<16xf32>
        %mul3A_1149 = arith.mulf %get3A_1144, %get3A_1144 : vector<16xf32>
        %add3A_1150 = arith.addf %add3A_1132, %mul3A_1149 : vector<16xf32>
        %get3A_1151 = arith.constant 15 : i32
        %get3A_1152 = arith.index_cast %get3A_1151 : i32 to index
        %get3A_1153 = arith.index_cast %scan3A_284 : i32 to index
        %get3A_1154 = arith.constant 32 : index
        %get3A_1155 = tpu.vector_load %arg5[%get3A_1152, %get3A_1153, %get3A_1154] {strides = array<i32>} : memref<16x24x128xf32, #tpu.memory_space<vmem>>, vector<1x1x16xf32>,
        %get3A_1156 = vector.shape_cast %get3A_1155 : vector<1x1x16xf32> to vector<16xf32>
        %get3A_1157 = arith.constant 15 : i32
        %get3A_1158 = arith.index_cast %get3A_1157 : i32 to index
        %get3A_1159 = arith.index_cast %scan3A_284 : i32 to index
        %get3A_1160 = arith.constant 32 : index
        %get3A_1161 = tpu.vector_load %arg6[%get3A_1158, %get3A_1159, %get3A_1160] {strides = array<i32>} : memref<16x24x128xf32, #tpu.memory_space<vmem>>, vector<1x1x16xf32>,
        %get3A_1162 = vector.shape_cast %get3A_1161 : vector<1x1x16xf32> to vector<16xf32>
        %mul3A_1163 = arith.mulf %get3A_1156, %get3A_1162 : vector<16xf32>
        %add3A_1164 = arith.addf %add3A_1146, %mul3A_1163 : vector<16xf32>
        %mul3A_1165 = arith.mulf %get3A_1156, %get3A_1156 : vector<16xf32>
        %add3A_1166 = arith.addf %add3A_1148, %mul3A_1165 : vector<16xf32>
        %mul3A_1167 = arith.mulf %get3A_1162, %get3A_1162 : vector<16xf32>
        %add3A_1168 = arith.addf %add3A_1150, %mul3A_1167 : vector<16xf32>
        %swap3A_1169 = arith.index_cast %scan3A_284 : i32 to index
        %swap3A_1170 = arith.constant 32 : index
        %swap3A_1171 = tpu.vector_load %arg7[%swap3A_1169, %swap3A_1170] {strides = array<i32>} : memref<24x128xf32, #tpu.memory_space<vmem>>, vector<1x16xf32>,
        %swap3A_1172 = vector.shape_cast %swap3A_1171 : vector<1x16xf32> to vector<16xf32>
        %swap3A_1173 = vector.shape_cast %add3A_1164 : vector<16xf32> to vector<1x16xf32>
        tpu.vector_store %arg7[%swap3A_1169, %swap3A_1170], %swap3A_1173 {strides = array<i32>} : memref<24x128xf32, #tpu.memory_space<vmem>>, vector<1x16xf32>,
        %swap3A_1174 = arith.index_cast %scan3A_284 : i32 to index
        %swap3A_1175 = arith.constant 32 : index
        %swap3A_1176 = tpu.vector_load %arg8[%swap3A_1174, %swap3A_1175] {strides = array<i32>} : memref<24x128xf32, #tpu.memory_space<vmem>>, vector<1x16xf32>,
        %swap3A_1177 = vector.shape_cast %swap3A_1176 : vector<1x16xf32> to vector<16xf32>
        %swap3A_1178 = vector.shape_cast %add3A_1166 : vector<16xf32> to vector<1x16xf32>
        tpu.vector_store %arg8[%swap3A_1174, %swap3A_1175], %swap3A_1178 {strides = array<i32>} : memref<24x128xf32, #tpu.memory_space<vmem>>, vector<1x16xf32>,
        %swap3A_1179 = arith.index_cast %scan3A_284 : i32 to index
        %swap3A_1180 = arith.constant 32 : index
        %swap3A_1181 = tpu.vector_load %arg9[%swap3A_1179, %swap3A_1180] {strides = array<i32>} : memref<24x128xf32, #tpu.memory_space<vmem>>, vector<1x16xf32>,
        %swap3A_1182 = vector.shape_cast %swap3A_1181 : vector<1x16xf32> to vector<16xf32>
        %swap3A_1183 = vector.shape_cast %add3A_1168 : vector<16xf32> to vector<1x16xf32>
        tpu.vector_store %arg9[%swap3A_1179, %swap3A_1180], %swap3A_1183 {strides = array<i32>} : memref<24x128xf32, #tpu.memory_space<vmem>>, vector<1x16xf32>,
        %get3A_1184 = arith.constant 0 : i32
        %get3A_1185 = arith.index_cast %get3A_1184 : i32 to index
        %get3A_1186 = arith.index_cast %scan3A_284 : i32 to index
        %get3A_1187 = arith.constant 48 : index
        %get3A_1188 = tpu.vector_load %arg5[%get3A_1185, %get3A_1186, %get3A_1187] {strides = array<i32>} : memref<16x24x128xf32, #tpu.memory_space<vmem>>, vector<1x1x16xf32>,
        %get3A_1189 = vector.shape_cast %get3A_1188 : vector<1x1x16xf32> to vector<16xf32>
        %get3A_1190 = arith.constant 0 : i32
        %get3A_1191 = arith.index_cast %get3A_1190 : i32 to index
        %get3A_1192 = arith.index_cast %scan3A_284 : i32 to index
        %get3A_1193 = arith.constant 48 : index
        %get3A_1194 = tpu.vector_load %arg6[%get3A_1191, %get3A_1192, %get3A_1193] {strides = array<i32>} : memref<16x24x128xf32, #tpu.memory_space<vmem>>, vector<1x1x16xf32>,
        %get3A_1195 = vector.shape_cast %get3A_1194 : vector<1x1x16xf32> to vector<16xf32>
        %mul3A_1196 = arith.mulf %get3A_1189, %get3A_1195 : vector<16xf32>
        %mul3A_1197 = arith.mulf %get3A_1189, %get3A_1189 : vector<16xf32>
        %mul3A_1198 = arith.mulf %get3A_1195, %get3A_1195 : vector<16xf32>
        %get3A_1199 = arith.constant 1 : i32
        %get3A_1200 = arith.index_cast %get3A_1199 : i32 to index
        %get3A_1201 = arith.index_cast %scan3A_284 : i32 to index
        %get3A_1202 = arith.constant 48 : index
        %get3A_1203 = tpu.vector_load %arg5[%get3A_1200, %get3A_1201, %get3A_1202] {strides = array<i32>} : memref<16x24x128xf32, #tpu.memory_space<vmem>>, vector<1x1x16xf32>,
        %get3A_1204 = vector.shape_cast %get3A_1203 : vector<1x1x16xf32> to vector<16xf32>
        %get3A_1205 = arith.constant 1 : i32
        %get3A_1206 = arith.index_cast %get3A_1205 : i32 to index
        %get3A_1207 = arith.index_cast %scan3A_284 : i32 to index
        %get3A_1208 = arith.constant 48 : index
        %get3A_1209 = tpu.vector_load %arg6[%get3A_1206, %get3A_1207, %get3A_1208] {strides = array<i32>} : memref<16x24x128xf32, #tpu.memory_space<vmem>>, vector<1x1x16xf32>,
        %get3A_1210 = vector.shape_cast %get3A_1209 : vector<1x1x16xf32> to vector<16xf32>
        %mul3A_1211 = arith.mulf %get3A_1204, %get3A_1210 : vector<16xf32>
        %add3A_1212 = arith.addf %mul3A_1196, %mul3A_1211 : vector<16xf32>
        %mul3A_1213 = arith.mulf %get3A_1204, %get3A_1204 : vector<16xf32>
        %add3A_1214 = arith.addf %mul3A_1197, %mul3A_1213 : vector<16xf32>
        %mul3A_1215 = arith.mulf %get3A_1210, %get3A_1210 : vector<16xf32>
        %add3A_1216 = arith.addf %mul3A_1198, %mul3A_1215 : vector<16xf32>
        %get3A_1217 = arith.constant 2 : i32
        %get3A_1218 = arith.index_cast %get3A_1217 : i32 to index
        %get3A_1219 = arith.index_cast %scan3A_284 : i32 to index
        %get3A_1220 = arith.constant 48 : index
        %get3A_1221 = tpu.vector_load %arg5[%get3A_1218, %get3A_1219, %get3A_1220] {strides = array<i32>} : memref<16x24x128xf32, #tpu.memory_space<vmem>>, vector<1x1x16xf32>,
        %get3A_1222 = vector.shape_cast %get3A_1221 : vector<1x1x16xf32> to vector<16xf32>
        %get3A_1223 = arith.constant 2 : i32
        %get3A_1224 = arith.index_cast %get3A_1223 : i32 to index
        %get3A_1225 = arith.index_cast %scan3A_284 : i32 to index
        %get3A_1226 = arith.constant 48 : index
        %get3A_1227 = tpu.vector_load %arg6[%get3A_1224, %get3A_1225, %get3A_1226] {strides = array<i32>} : memref<16x24x128xf32, #tpu.memory_space<vmem>>, vector<1x1x16xf32>,
        %get3A_1228 = vector.shape_cast %get3A_1227 : vector<1x1x16xf32> to vector<16xf32>
        %mul3A_1229 = arith.mulf %get3A_1222, %get3A_1228 : vector<16xf32>
        %add3A_1230 = arith.addf %add3A_1212, %mul3A_1229 : vector<16xf32>
        %mul3A_1231 = arith.mulf %get3A_1222, %get3A_1222 : vector<16xf32>
        %add3A_1232 = arith.addf %add3A_1214, %mul3A_1231 : vector<16xf32>
        %mul3A_1233 = arith.mulf %get3A_1228, %get3A_1228 : vector<16xf32>
        %add3A_1234 = arith.addf %add3A_1216, %mul3A_1233 : vector<16xf32>
        %get3A_1235 = arith.constant 3 : i32
        %get3A_1236 = arith.index_cast %get3A_1235 : i32 to index
        %get3A_1237 = arith.index_cast %scan3A_284 : i32 to index
        %get3A_1238 = arith.constant 48 : index
        %get3A_1239 = tpu.vector_load %arg5[%get3A_1236, %get3A_1237, %get3A_1238] {strides = array<i32>} : memref<16x24x128xf32, #tpu.memory_space<vmem>>, vector<1x1x16xf32>,
        %get3A_1240 = vector.shape_cast %get3A_1239 : vector<1x1x16xf32> to vector<16xf32>
        %get3A_1241 = arith.constant 3 : i32
        %get3A_1242 = arith.index_cast %get3A_1241 : i32 to index
        %get3A_1243 = arith.index_cast %scan3A_284 : i32 to index
        %get3A_1244 = arith.constant 48 : index
        %get3A_1245 = tpu.vector_load %arg6[%get3A_1242, %get3A_1243, %get3A_1244] {strides = array<i32>} : memref<16x24x128xf32, #tpu.memory_space<vmem>>, vector<1x1x16xf32>,
        %get3A_1246 = vector.shape_cast %get3A_1245 : vector<1x1x16xf32> to vector<16xf32>
        %mul3A_1247 = arith.mulf %get3A_1240, %get3A_1246 : vector<16xf32>
        %add3A_1248 = arith.addf %add3A_1230, %mul3A_1247 : vector<16xf32>
        %mul3A_1249 = arith.mulf %get3A_1240, %get3A_1240 : vector<16xf32>
        %add3A_1250 = arith.addf %add3A_1232, %mul3A_1249 : vector<16xf32>
        %mul3A_1251 = arith.mulf %get3A_1246, %get3A_1246 : vector<16xf32>
        %add3A_1252 = arith.addf %add3A_1234, %mul3A_1251 : vector<16xf32>
        %get3A_1253 = arith.constant 4 : i32
        %get3A_1254 = arith.index_cast %get3A_1253 : i32 to index
        %get3A_1255 = arith.index_cast %scan3A_284 : i32 to index
        %get3A_1256 = arith.constant 48 : index
        %get3A_1257 = tpu.vector_load %arg5[%get3A_1254, %get3A_1255, %get3A_1256] {strides = array<i32>} : memref<16x24x128xf32, #tpu.memory_space<vmem>>, vector<1x1x16xf32>,
        %get3A_1258 = vector.shape_cast %get3A_1257 : vector<1x1x16xf32> to vector<16xf32>
        %get3A_1259 = arith.constant 4 : i32
        %get3A_1260 = arith.index_cast %get3A_1259 : i32 to index
        %get3A_1261 = arith.index_cast %scan3A_284 : i32 to index
        %get3A_1262 = arith.constant 48 : index
        %get3A_1263 = tpu.vector_load %arg6[%get3A_1260, %get3A_1261, %get3A_1262] {strides = array<i32>} : memref<16x24x128xf32, #tpu.memory_space<vmem>>, vector<1x1x16xf32>,
        %get3A_1264 = vector.shape_cast %get3A_1263 : vector<1x1x16xf32> to vector<16xf32>
        %mul3A_1265 = arith.mulf %get3A_1258, %get3A_1264 : vector<16xf32>
        %add3A_1266 = arith.addf %add3A_1248, %mul3A_1265 : vector<16xf32>
        %mul3A_1267 = arith.mulf %get3A_1258, %get3A_1258 : vector<16xf32>
        %add3A_1268 = arith.addf %add3A_1250, %mul3A_1267 : vector<16xf32>
        %mul3A_1269 = arith.mulf %get3A_1264, %get3A_1264 : vector<16xf32>
        %add3A_1270 = arith.addf %add3A_1252, %mul3A_1269 : vector<16xf32>
        %get3A_1271 = arith.constant 5 : i32
        %get3A_1272 = arith.index_cast %get3A_1271 : i32 to index
        %get3A_1273 = arith.index_cast %scan3A_284 : i32 to index
        %get3A_1274 = arith.constant 48 : index
        %get3A_1275 = tpu.vector_load %arg5[%get3A_1272, %get3A_1273, %get3A_1274] {strides = array<i32>} : memref<16x24x128xf32, #tpu.memory_space<vmem>>, vector<1x1x16xf32>,
        %get3A_1276 = vector.shape_cast %get3A_1275 : vector<1x1x16xf32> to vector<16xf32>
        %get3A_1277 = arith.constant 5 : i32
        %get3A_1278 = arith.index_cast %get3A_1277 : i32 to index
        %get3A_1279 = arith.index_cast %scan3A_284 : i32 to index
        %get3A_1280 = arith.constant 48 : index
        %get3A_1281 = tpu.vector_load %arg6[%get3A_1278, %get3A_1279, %get3A_1280] {strides = array<i32>} : memref<16x24x128xf32, #tpu.memory_space<vmem>>, vector<1x1x16xf32>,
        %get3A_1282 = vector.shape_cast %get3A_1281 : vector<1x1x16xf32> to vector<16xf32>
        %mul3A_1283 = arith.mulf %get3A_1276, %get3A_1282 : vector<16xf32>
        %add3A_1284 = arith.addf %add3A_1266, %mul3A_1283 : vector<16xf32>
        %mul3A_1285 = arith.mulf %get3A_1276, %get3A_1276 : vector<16xf32>
        %add3A_1286 = arith.addf %add3A_1268, %mul3A_1285 : vector<16xf32>
        %mul3A_1287 = arith.mulf %get3A_1282, %get3A_1282 : vector<16xf32>
        %add3A_1288 = arith.addf %add3A_1270, %mul3A_1287 : vector<16xf32>
        %get3A_1289 = arith.constant 6 : i32
        %get3A_1290 = arith.index_cast %get3A_1289 : i32 to index
        %get3A_1291 = arith.index_cast %scan3A_284 : i32 to index
        %get3A_1292 = arith.constant 48 : index
        %get3A_1293 = tpu.vector_load %arg5[%get3A_1290, %get3A_1291, %get3A_1292] {strides = array<i32>} : memref<16x24x128xf32, #tpu.memory_space<vmem>>, vector<1x1x16xf32>,
        %get3A_1294 = vector.shape_cast %get3A_1293 : vector<1x1x16xf32> to vector<16xf32>
        %get3A_1295 = arith.constant 6 : i32
        %get3A_1296 = arith.index_cast %get3A_1295 : i32 to index
        %get3A_1297 = arith.index_cast %scan3A_284 : i32 to index
        %get3A_1298 = arith.constant 48 : index
        %get3A_1299 = tpu.vector_load %arg6[%get3A_1296, %get3A_1297, %get3A_1298] {strides = array<i32>} : memref<16x24x128xf32, #tpu.memory_space<vmem>>, vector<1x1x16xf32>,
        %get3A_1300 = vector.shape_cast %get3A_1299 : vector<1x1x16xf32> to vector<16xf32>
        %mul3A_1301 = arith.mulf %get3A_1294, %get3A_1300 : vector<16xf32>
        %add3A_1302 = arith.addf %add3A_1284, %mul3A_1301 : vector<16xf32>
        %mul3A_1303 = arith.mulf %get3A_1294, %get3A_1294 : vector<16xf32>
        %add3A_1304 = arith.addf %add3A_1286, %mul3A_1303 : vector<16xf32>
        %mul3A_1305 = arith.mulf %get3A_1300, %get3A_1300 : vector<16xf32>
        %add3A_1306 = arith.addf %add3A_1288, %mul3A_1305 : vector<16xf32>
        %get3A_1307 = arith.constant 7 : i32
        %get3A_1308 = arith.index_cast %get3A_1307 : i32 to index
        %get3A_1309 = arith.index_cast %scan3A_284 : i32 to index
        %get3A_1310 = arith.constant 48 : index
        %get3A_1311 = tpu.vector_load %arg5[%get3A_1308, %get3A_1309, %get3A_1310] {strides = array<i32>} : memref<16x24x128xf32, #tpu.memory_space<vmem>>, vector<1x1x16xf32>,
        %get3A_1312 = vector.shape_cast %get3A_1311 : vector<1x1x16xf32> to vector<16xf32>
        %get3A_1313 = arith.constant 7 : i32
        %get3A_1314 = arith.index_cast %get3A_1313 : i32 to index
        %get3A_1315 = arith.index_cast %scan3A_284 : i32 to index
        %get3A_1316 = arith.constant 48 : index
        %get3A_1317 = tpu.vector_load %arg6[%get3A_1314, %get3A_1315, %get3A_1316] {strides = array<i32>} : memref<16x24x128xf32, #tpu.memory_space<vmem>>, vector<1x1x16xf32>,
        %get3A_1318 = vector.shape_cast %get3A_1317 : vector<1x1x16xf32> to vector<16xf32>
        %mul3A_1319 = arith.mulf %get3A_1312, %get3A_1318 : vector<16xf32>
        %add3A_1320 = arith.addf %add3A_1302, %mul3A_1319 : vector<16xf32>
        %mul3A_1321 = arith.mulf %get3A_1312, %get3A_1312 : vector<16xf32>
        %add3A_1322 = arith.addf %add3A_1304, %mul3A_1321 : vector<16xf32>
        %mul3A_1323 = arith.mulf %get3A_1318, %get3A_1318 : vector<16xf32>
        %add3A_1324 = arith.addf %add3A_1306, %mul3A_1323 : vector<16xf32>
        %get3A_1325 = arith.constant 8 : i32
        %get3A_1326 = arith.index_cast %get3A_1325 : i32 to index
        %get3A_1327 = arith.index_cast %scan3A_284 : i32 to index
        %get3A_1328 = arith.constant 48 : index
        %get3A_1329 = tpu.vector_load %arg5[%get3A_1326, %get3A_1327, %get3A_1328] {strides = array<i32>} : memref<16x24x128xf32, #tpu.memory_space<vmem>>, vector<1x1x16xf32>,
        %get3A_1330 = vector.shape_cast %get3A_1329 : vector<1x1x16xf32> to vector<16xf32>
        %get3A_1331 = arith.constant 8 : i32
        %get3A_1332 = arith.index_cast %get3A_1331 : i32 to index
        %get3A_1333 = arith.index_cast %scan3A_284 : i32 to index
        %get3A_1334 = arith.constant 48 : index
        %get3A_1335 = tpu.vector_load %arg6[%get3A_1332, %get3A_1333, %get3A_1334] {strides = array<i32>} : memref<16x24x128xf32, #tpu.memory_space<vmem>>, vector<1x1x16xf32>,
        %get3A_1336 = vector.shape_cast %get3A_1335 : vector<1x1x16xf32> to vector<16xf32>
        %mul3A_1337 = arith.mulf %get3A_1330, %get3A_1336 : vector<16xf32>
        %add3A_1338 = arith.addf %add3A_1320, %mul3A_1337 : vector<16xf32>
        %mul3A_1339 = arith.mulf %get3A_1330, %get3A_1330 : vector<16xf32>
        %add3A_1340 = arith.addf %add3A_1322, %mul3A_1339 : vector<16xf32>
        %mul3A_1341 = arith.mulf %get3A_1336, %get3A_1336 : vector<16xf32>
        %add3A_1342 = arith.addf %add3A_1324, %mul3A_1341 : vector<16xf32>
        %get3A_1343 = arith.constant 9 : i32
        %get3A_1344 = arith.index_cast %get3A_1343 : i32 to index
        %get3A_1345 = arith.index_cast %scan3A_284 : i32 to index
        %get3A_1346 = arith.constant 48 : index
        %get3A_1347 = tpu.vector_load %arg5[%get3A_1344, %get3A_1345, %get3A_1346] {strides = array<i32>} : memref<16x24x128xf32, #tpu.memory_space<vmem>>, vector<1x1x16xf32>,
        %get3A_1348 = vector.shape_cast %get3A_1347 : vector<1x1x16xf32> to vector<16xf32>
        %get3A_1349 = arith.constant 9 : i32
        %get3A_1350 = arith.index_cast %get3A_1349 : i32 to index
        %get3A_1351 = arith.index_cast %scan3A_284 : i32 to index
        %get3A_1352 = arith.constant 48 : index
        %get3A_1353 = tpu.vector_load %arg6[%get3A_1350, %get3A_1351, %get3A_1352] {strides = array<i32>} : memref<16x24x128xf32, #tpu.memory_space<vmem>>, vector<1x1x16xf32>,
        %get3A_1354 = vector.shape_cast %get3A_1353 : vector<1x1x16xf32> to vector<16xf32>
        %mul3A_1355 = arith.mulf %get3A_1348, %get3A_1354 : vector<16xf32>
        %add3A_1356 = arith.addf %add3A_1338, %mul3A_1355 : vector<16xf32>
        %mul3A_1357 = arith.mulf %get3A_1348, %get3A_1348 : vector<16xf32>
        %add3A_1358 = arith.addf %add3A_1340, %mul3A_1357 : vector<16xf32>
        %mul3A_1359 = arith.mulf %get3A_1354, %get3A_1354 : vector<16xf32>
        %add3A_1360 = arith.addf %add3A_1342, %mul3A_1359 : vector<16xf32>
        %get3A_1361 = arith.constant 10 : i32
        %get3A_1362 = arith.index_cast %get3A_1361 : i32 to index
        %get3A_1363 = arith.index_cast %scan3A_284 : i32 to index
        %get3A_1364 = arith.constant 48 : index
        %get3A_1365 = tpu.vector_load %arg5[%get3A_1362, %get3A_1363, %get3A_1364] {strides = array<i32>} : memref<16x24x128xf32, #tpu.memory_space<vmem>>, vector<1x1x16xf32>,
        %get3A_1366 = vector.shape_cast %get3A_1365 : vector<1x1x16xf32> to vector<16xf32>
        %get3A_1367 = arith.constant 10 : i32
        %get3A_1368 = arith.index_cast %get3A_1367 : i32 to index
        %get3A_1369 = arith.index_cast %scan3A_284 : i32 to index
        %get3A_1370 = arith.constant 48 : index
        %get3A_1371 = tpu.vector_load %arg6[%get3A_1368, %get3A_1369, %get3A_1370] {strides = array<i32>} : memref<16x24x128xf32, #tpu.memory_space<vmem>>, vector<1x1x16xf32>,
        %get3A_1372 = vector.shape_cast %get3A_1371 : vector<1x1x16xf32> to vector<16xf32>
        %mul3A_1373 = arith.mulf %get3A_1366, %get3A_1372 : vector<16xf32>
        %add3A_1374 = arith.addf %add3A_1356, %mul3A_1373 : vector<16xf32>
        %mul3A_1375 = arith.mulf %get3A_1366, %get3A_1366 : vector<16xf32>
        %add3A_1376 = arith.addf %add3A_1358, %mul3A_1375 : vector<16xf32>
        %mul3A_1377 = arith.mulf %get3A_1372, %get3A_1372 : vector<16xf32>
        %add3A_1378 = arith.addf %add3A_1360, %mul3A_1377 : vector<16xf32>
        %get3A_1379 = arith.constant 11 : i32
        %get3A_1380 = arith.index_cast %get3A_1379 : i32 to index
        %get3A_1381 = arith.index_cast %scan3A_284 : i32 to index
        %get3A_1382 = arith.constant 48 : index
        %get3A_1383 = tpu.vector_load %arg5[%get3A_1380, %get3A_1381, %get3A_1382] {strides = array<i32>} : memref<16x24x128xf32, #tpu.memory_space<vmem>>, vector<1x1x16xf32>,
        %get3A_1384 = vector.shape_cast %get3A_1383 : vector<1x1x16xf32> to vector<16xf32>
        %get3A_1385 = arith.constant 11 : i32
        %get3A_1386 = arith.index_cast %get3A_1385 : i32 to index
        %get3A_1387 = arith.index_cast %scan3A_284 : i32 to index
        %get3A_1388 = arith.constant 48 : index
        %get3A_1389 = tpu.vector_load %arg6[%get3A_1386, %get3A_1387, %get3A_1388] {strides = array<i32>} : memref<16x24x128xf32, #tpu.memory_space<vmem>>, vector<1x1x16xf32>,
        %get3A_1390 = vector.shape_cast %get3A_1389 : vector<1x1x16xf32> to vector<16xf32>
        %mul3A_1391 = arith.mulf %get3A_1384, %get3A_1390 : vector<16xf32>
        %add3A_1392 = arith.addf %add3A_1374, %mul3A_1391 : vector<16xf32>
        %mul3A_1393 = arith.mulf %get3A_1384, %get3A_1384 : vector<16xf32>
        %add3A_1394 = arith.addf %add3A_1376, %mul3A_1393 : vector<16xf32>
        %mul3A_1395 = arith.mulf %get3A_1390, %get3A_1390 : vector<16xf32>
        %add3A_1396 = arith.addf %add3A_1378, %mul3A_1395 : vector<16xf32>
        %get3A_1397 = arith.constant 12 : i32
        %get3A_1398 = arith.index_cast %get3A_1397 : i32 to index
        %get3A_1399 = arith.index_cast %scan3A_284 : i32 to index
        %get3A_1400 = arith.constant 48 : index
        %get3A_1401 = tpu.vector_load %arg5[%get3A_1398, %get3A_1399, %get3A_1400] {strides = array<i32>} : memref<16x24x128xf32, #tpu.memory_space<vmem>>, vector<1x1x16xf32>,
        %get3A_1402 = vector.shape_cast %get3A_1401 : vector<1x1x16xf32> to vector<16xf32>
        %get3A_1403 = arith.constant 12 : i32
        %get3A_1404 = arith.index_cast %get3A_1403 : i32 to index
        %get3A_1405 = arith.index_cast %scan3A_284 : i32 to index
        %get3A_1406 = arith.constant 48 : index
        %get3A_1407 = tpu.vector_load %arg6[%get3A_1404, %get3A_1405, %get3A_1406] {strides = array<i32>} : memref<16x24x128xf32, #tpu.memory_space<vmem>>, vector<1x1x16xf32>,
        %get3A_1408 = vector.shape_cast %get3A_1407 : vector<1x1x16xf32> to vector<16xf32>
        %mul3A_1409 = arith.mulf %get3A_1402, %get3A_1408 : vector<16xf32>
        %add3A_1410 = arith.addf %add3A_1392, %mul3A_1409 : vector<16xf32>
        %mul3A_1411 = arith.mulf %get3A_1402, %get3A_1402 : vector<16xf32>
        %add3A_1412 = arith.addf %add3A_1394, %mul3A_1411 : vector<16xf32>
        %mul3A_1413 = arith.mulf %get3A_1408, %get3A_1408 : vector<16xf32>
        %add3A_1414 = arith.addf %add3A_1396, %mul3A_1413 : vector<16xf32>
        %get3A_1415 = arith.constant 13 : i32
        %get3A_1416 = arith.index_cast %get3A_1415 : i32 to index
        %get3A_1417 = arith.index_cast %scan3A_284 : i32 to index
        %get3A_1418 = arith.constant 48 : index
        %get3A_1419 = tpu.vector_load %arg5[%get3A_1416, %get3A_1417, %get3A_1418] {strides = array<i32>} : memref<16x24x128xf32, #tpu.memory_space<vmem>>, vector<1x1x16xf32>,
        %get3A_1420 = vector.shape_cast %get3A_1419 : vector<1x1x16xf32> to vector<16xf32>
        %get3A_1421 = arith.constant 13 : i32
        %get3A_1422 = arith.index_cast %get3A_1421 : i32 to index
        %get3A_1423 = arith.index_cast %scan3A_284 : i32 to index
        %get3A_1424 = arith.constant 48 : index
        %get3A_1425 = tpu.vector_load %arg6[%get3A_1422, %get3A_1423, %get3A_1424] {strides = array<i32>} : memref<16x24x128xf32, #tpu.memory_space<vmem>>, vector<1x1x16xf32>,
        %get3A_1426 = vector.shape_cast %get3A_1425 : vector<1x1x16xf32> to vector<16xf32>
        %mul3A_1427 = arith.mulf %get3A_1420, %get3A_1426 : vector<16xf32>
        %add3A_1428 = arith.addf %add3A_1410, %mul3A_1427 : vector<16xf32>
        %mul3A_1429 = arith.mulf %get3A_1420, %get3A_1420 : vector<16xf32>
        %add3A_1430 = arith.addf %add3A_1412, %mul3A_1429 : vector<16xf32>
        %mul3A_1431 = arith.mulf %get3A_1426, %get3A_1426 : vector<16xf32>
        %add3A_1432 = arith.addf %add3A_1414, %mul3A_1431 : vector<16xf32>
        %get3A_1433 = arith.constant 14 : i32
        %get3A_1434 = arith.index_cast %get3A_1433 : i32 to index
        %get3A_1435 = arith.index_cast %scan3A_284 : i32 to index
        %get3A_1436 = arith.constant 48 : index
        %get3A_1437 = tpu.vector_load %arg5[%get3A_1434, %get3A_1435, %get3A_1436] {strides = array<i32>} : memref<16x24x128xf32, #tpu.memory_space<vmem>>, vector<1x1x16xf32>,
        %get3A_1438 = vector.shape_cast %get3A_1437 : vector<1x1x16xf32> to vector<16xf32>
        %get3A_1439 = arith.constant 14 : i32
        %get3A_1440 = arith.index_cast %get3A_1439 : i32 to index
        %get3A_1441 = arith.index_cast %scan3A_284 : i32 to index
        %get3A_1442 = arith.constant 48 : index
        %get3A_1443 = tpu.vector_load %arg6[%get3A_1440, %get3A_1441, %get3A_1442] {strides = array<i32>} : memref<16x24x128xf32, #tpu.memory_space<vmem>>, vector<1x1x16xf32>,
        %get3A_1444 = vector.shape_cast %get3A_1443 : vector<1x1x16xf32> to vector<16xf32>
        %mul3A_1445 = arith.mulf %get3A_1438, %get3A_1444 : vector<16xf32>
        %add3A_1446 = arith.addf %add3A_1428, %mul3A_1445 : vector<16xf32>
        %mul3A_1447 = arith.mulf %get3A_1438, %get3A_1438 : vector<16xf32>
        %add3A_1448 = arith.addf %add3A_1430, %mul3A_1447 : vector<16xf32>
        %mul3A_1449 = arith.mulf %get3A_1444, %get3A_1444 : vector<16xf32>
        %add3A_1450 = arith.addf %add3A_1432, %mul3A_1449 : vector<16xf32>
        %get3A_1451 = arith.constant 15 : i32
        %get3A_1452 = arith.index_cast %get3A_1451 : i32 to index
        %get3A_1453 = arith.index_cast %scan3A_284 : i32 to index
        %get3A_1454 = arith.constant 48 : index
        %get3A_1455 = tpu.vector_load %arg5[%get3A_1452, %get3A_1453, %get3A_1454] {strides = array<i32>} : memref<16x24x128xf32, #tpu.memory_space<vmem>>, vector<1x1x16xf32>,
        %get3A_1456 = vector.shape_cast %get3A_1455 : vector<1x1x16xf32> to vector<16xf32>
        %get3A_1457 = arith.constant 15 : i32
        %get3A_1458 = arith.index_cast %get3A_1457 : i32 to index
        %get3A_1459 = arith.index_cast %scan3A_284 : i32 to index
        %get3A_1460 = arith.constant 48 : index
        %get3A_1461 = tpu.vector_load %arg6[%get3A_1458, %get3A_1459, %get3A_1460] {strides = array<i32>} : memref<16x24x128xf32, #tpu.memory_space<vmem>>, vector<1x1x16xf32>,
        %get3A_1462 = vector.shape_cast %get3A_1461 : vector<1x1x16xf32> to vector<16xf32>
        %mul3A_1463 = arith.mulf %get3A_1456, %get3A_1462 : vector<16xf32>
        %add3A_1464 = arith.addf %add3A_1446, %mul3A_1463 : vector<16xf32>
        %mul3A_1465 = arith.mulf %get3A_1456, %get3A_1456 : vector<16xf32>
        %add3A_1466 = arith.addf %add3A_1448, %mul3A_1465 : vector<16xf32>
        %mul3A_1467 = arith.mulf %get3A_1462, %get3A_1462 : vector<16xf32>
        %add3A_1468 = arith.addf %add3A_1450, %mul3A_1467 : vector<16xf32>
        %swap3A_1469 = arith.index_cast %scan3A_284 : i32 to index
        %swap3A_1470 = arith.constant 48 : index
        %swap3A_1471 = tpu.vector_load %arg7[%swap3A_1469, %swap3A_1470] {strides = array<i32>} : memref<24x128xf32, #tpu.memory_space<vmem>>, vector<1x16xf32>,
        %swap3A_1472 = vector.shape_cast %swap3A_1471 : vector<1x16xf32> to vector<16xf32>
        %swap3A_1473 = vector.shape_cast %add3A_1464 : vector<16xf32> to vector<1x16xf32>
        tpu.vector_store %arg7[%swap3A_1469, %swap3A_1470], %swap3A_1473 {strides = array<i32>} : memref<24x128xf32, #tpu.memory_space<vmem>>, vector<1x16xf32>,
        %swap3A_1474 = arith.index_cast %scan3A_284 : i32 to index
        %swap3A_1475 = arith.constant 48 : index
        %swap3A_1476 = tpu.vector_load %arg8[%swap3A_1474, %swap3A_1475] {strides = array<i32>} : memref<24x128xf32, #tpu.memory_space<vmem>>, vector<1x16xf32>,
        %swap3A_1477 = vector.shape_cast %swap3A_1476 : vector<1x16xf32> to vector<16xf32>
        %swap3A_1478 = vector.shape_cast %add3A_1466 : vector<16xf32> to vector<1x16xf32>
        tpu.vector_store %arg8[%swap3A_1474, %swap3A_1475], %swap3A_1478 {strides = array<i32>} : memref<24x128xf32, #tpu.memory_space<vmem>>, vector<1x16xf32>,
        %swap3A_1479 = arith.index_cast %scan3A_284 : i32 to index
        %swap3A_1480 = arith.constant 48 : index
        %swap3A_1481 = tpu.vector_load %arg9[%swap3A_1479, %swap3A_1480] {strides = array<i32>} : memref<24x128xf32, #tpu.memory_space<vmem>>, vector<1x16xf32>,
        %swap3A_1482 = vector.shape_cast %swap3A_1481 : vector<1x16xf32> to vector<16xf32>
        %swap3A_1483 = vector.shape_cast %add3A_1468 : vector<16xf32> to vector<1x16xf32>
        tpu.vector_store %arg9[%swap3A_1479, %swap3A_1480], %swap3A_1483 {strides = array<i32>} : memref<24x128xf32, #tpu.memory_space<vmem>>, vector<1x16xf32>,
        %get3A_1484 = arith.constant 0 : i32
        %get3A_1485 = arith.index_cast %get3A_1484 : i32 to index
        %get3A_1486 = arith.index_cast %scan3A_284 : i32 to index
        %get3A_1487 = arith.constant 64 : index
        %get3A_1488 = tpu.vector_load %arg5[%get3A_1485, %get3A_1486, %get3A_1487] {strides = array<i32>} : memref<16x24x128xf32, #tpu.memory_space<vmem>>, vector<1x1x16xf32>,
        %get3A_1489 = vector.shape_cast %get3A_1488 : vector<1x1x16xf32> to vector<16xf32>
        %get3A_1490 = arith.constant 0 : i32
        %get3A_1491 = arith.index_cast %get3A_1490 : i32 to index
        %get3A_1492 = arith.index_cast %scan3A_284 : i32 to index
        %get3A_1493 = arith.constant 64 : index
        %get3A_1494 = tpu.vector_load %arg6[%get3A_1491, %get3A_1492, %get3A_1493] {strides = array<i32>} : memref<16x24x128xf32, #tpu.memory_space<vmem>>, vector<1x1x16xf32>,
        %get3A_1495 = vector.shape_cast %get3A_1494 : vector<1x1x16xf32> to vector<16xf32>
        %mul3A_1496 = arith.mulf %get3A_1489, %get3A_1495 : vector<16xf32>
        %mul3A_1497 = arith.mulf %get3A_1489, %get3A_1489 : vector<16xf32>
        %mul3A_1498 = arith.mulf %get3A_1495, %get3A_1495 : vector<16xf32>
        %get3A_1499 = arith.constant 1 : i32
        %get3A_1500 = arith.index_cast %get3A_1499 : i32 to index
        %get3A_1501 = arith.index_cast %scan3A_284 : i32 to index
        %get3A_1502 = arith.constant 64 : index
        %get3A_1503 = tpu.vector_load %arg5[%get3A_1500, %get3A_1501, %get3A_1502] {strides = array<i32>} : memref<16x24x128xf32, #tpu.memory_space<vmem>>, vector<1x1x16xf32>,
        %get3A_1504 = vector.shape_cast %get3A_1503 : vector<1x1x16xf32> to vector<16xf32>
        %get3A_1505 = arith.constant 1 : i32
        %get3A_1506 = arith.index_cast %get3A_1505 : i32 to index
        %get3A_1507 = arith.index_cast %scan3A_284 : i32 to index
        %get3A_1508 = arith.constant 64 : index
        %get3A_1509 = tpu.vector_load %arg6[%get3A_1506, %get3A_1507, %get3A_1508] {strides = array<i32>} : memref<16x24x128xf32, #tpu.memory_space<vmem>>, vector<1x1x16xf32>,
        %get3A_1510 = vector.shape_cast %get3A_1509 : vector<1x1x16xf32> to vector<16xf32>
        %mul3A_1511 = arith.mulf %get3A_1504, %get3A_1510 : vector<16xf32>
        %add3A_1512 = arith.addf %mul3A_1496, %mul3A_1511 : vector<16xf32>
        %mul3A_1513 = arith.mulf %get3A_1504, %get3A_1504 : vector<16xf32>
        %add3A_1514 = arith.addf %mul3A_1497, %mul3A_1513 : vector<16xf32>
        %mul3A_1515 = arith.mulf %get3A_1510, %get3A_1510 : vector<16xf32>
        %add3A_1516 = arith.addf %mul3A_1498, %mul3A_1515 : vector<16xf32>
        %get3A_1517 = arith.constant 2 : i32
        %get3A_1518 = arith.index_cast %get3A_1517 : i32 to index
        %get3A_1519 = arith.index_cast %scan3A_284 : i32 to index
        %get3A_1520 = arith.constant 64 : index
        %get3A_1521 = tpu.vector_load %arg5[%get3A_1518, %get3A_1519, %get3A_1520] {strides = array<i32>} : memref<16x24x128xf32, #tpu.memory_space<vmem>>, vector<1x1x16xf32>,
        %get3A_1522 = vector.shape_cast %get3A_1521 : vector<1x1x16xf32> to vector<16xf32>
        %get3A_1523 = arith.constant 2 : i32
        %get3A_1524 = arith.index_cast %get3A_1523 : i32 to index
        %get3A_1525 = arith.index_cast %scan3A_284 : i32 to index
        %get3A_1526 = arith.constant 64 : index
        %get3A_1527 = tpu.vector_load %arg6[%get3A_1524, %get3A_1525, %get3A_1526] {strides = array<i32>} : memref<16x24x128xf32, #tpu.memory_space<vmem>>, vector<1x1x16xf32>,
        %get3A_1528 = vector.shape_cast %get3A_1527 : vector<1x1x16xf32> to vector<16xf32>
        %mul3A_1529 = arith.mulf %get3A_1522, %get3A_1528 : vector<16xf32>
        %add3A_1530 = arith.addf %add3A_1512, %mul3A_1529 : vector<16xf32>
        %mul3A_1531 = arith.mulf %get3A_1522, %get3A_1522 : vector<16xf32>
        %add3A_1532 = arith.addf %add3A_1514, %mul3A_1531 : vector<16xf32>
        %mul3A_1533 = arith.mulf %get3A_1528, %get3A_1528 : vector<16xf32>
        %add3A_1534 = arith.addf %add3A_1516, %mul3A_1533 : vector<16xf32>
        %get3A_1535 = arith.constant 3 : i32
        %get3A_1536 = arith.index_cast %get3A_1535 : i32 to index
        %get3A_1537 = arith.index_cast %scan3A_284 : i32 to index
        %get3A_1538 = arith.constant 64 : index
        %get3A_1539 = tpu.vector_load %arg5[%get3A_1536, %get3A_1537, %get3A_1538] {strides = array<i32>} : memref<16x24x128xf32, #tpu.memory_space<vmem>>, vector<1x1x16xf32>,
        %get3A_1540 = vector.shape_cast %get3A_1539 : vector<1x1x16xf32> to vector<16xf32>
        %get3A_1541 = arith.constant 3 : i32
        %get3A_1542 = arith.index_cast %get3A_1541 : i32 to index
        %get3A_1543 = arith.index_cast %scan3A_284 : i32 to index
        %get3A_1544 = arith.constant 64 : index
        %get3A_1545 = tpu.vector_load %arg6[%get3A_1542, %get3A_1543, %get3A_1544] {strides = array<i32>} : memref<16x24x128xf32, #tpu.memory_space<vmem>>, vector<1x1x16xf32>,
        %get3A_1546 = vector.shape_cast %get3A_1545 : vector<1x1x16xf32> to vector<16xf32>
        %mul3A_1547 = arith.mulf %get3A_1540, %get3A_1546 : vector<16xf32>
        %add3A_1548 = arith.addf %add3A_1530, %mul3A_1547 : vector<16xf32>
        %mul3A_1549 = arith.mulf %get3A_1540, %get3A_1540 : vector<16xf32>
        %add3A_1550 = arith.addf %add3A_1532, %mul3A_1549 : vector<16xf32>
        %mul3A_1551 = arith.mulf %get3A_1546, %get3A_1546 : vector<16xf32>
        %add3A_1552 = arith.addf %add3A_1534, %mul3A_1551 : vector<16xf32>
        %get3A_1553 = arith.constant 4 : i32
        %get3A_1554 = arith.index_cast %get3A_1553 : i32 to index
        %get3A_1555 = arith.index_cast %scan3A_284 : i32 to index
        %get3A_1556 = arith.constant 64 : index
        %get3A_1557 = tpu.vector_load %arg5[%get3A_1554, %get3A_1555, %get3A_1556] {strides = array<i32>} : memref<16x24x128xf32, #tpu.memory_space<vmem>>, vector<1x1x16xf32>,
        %get3A_1558 = vector.shape_cast %get3A_1557 : vector<1x1x16xf32> to vector<16xf32>
        %get3A_1559 = arith.constant 4 : i32
        %get3A_1560 = arith.index_cast %get3A_1559 : i32 to index
        %get3A_1561 = arith.index_cast %scan3A_284 : i32 to index
        %get3A_1562 = arith.constant 64 : index
        %get3A_1563 = tpu.vector_load %arg6[%get3A_1560, %get3A_1561, %get3A_1562] {strides = array<i32>} : memref<16x24x128xf32, #tpu.memory_space<vmem>>, vector<1x1x16xf32>,
        %get3A_1564 = vector.shape_cast %get3A_1563 : vector<1x1x16xf32> to vector<16xf32>
        %mul3A_1565 = arith.mulf %get3A_1558, %get3A_1564 : vector<16xf32>
        %add3A_1566 = arith.addf %add3A_1548, %mul3A_1565 : vector<16xf32>
        %mul3A_1567 = arith.mulf %get3A_1558, %get3A_1558 : vector<16xf32>
        %add3A_1568 = arith.addf %add3A_1550, %mul3A_1567 : vector<16xf32>
        %mul3A_1569 = arith.mulf %get3A_1564, %get3A_1564 : vector<16xf32>
        %add3A_1570 = arith.addf %add3A_1552, %mul3A_1569 : vector<16xf32>
        %get3A_1571 = arith.constant 5 : i32
        %get3A_1572 = arith.index_cast %get3A_1571 : i32 to index
        %get3A_1573 = arith.index_cast %scan3A_284 : i32 to index
        %get3A_1574 = arith.constant 64 : index
        %get3A_1575 = tpu.vector_load %arg5[%get3A_1572, %get3A_1573, %get3A_1574] {strides = array<i32>} : memref<16x24x128xf32, #tpu.memory_space<vmem>>, vector<1x1x16xf32>,
        %get3A_1576 = vector.shape_cast %get3A_1575 : vector<1x1x16xf32> to vector<16xf32>
        %get3A_1577 = arith.constant 5 : i32
        %get3A_1578 = arith.index_cast %get3A_1577 : i32 to index
        %get3A_1579 = arith.index_cast %scan3A_284 : i32 to index
        %get3A_1580 = arith.constant 64 : index
        %get3A_1581 = tpu.vector_load %arg6[%get3A_1578, %get3A_1579, %get3A_1580] {strides = array<i32>} : memref<16x24x128xf32, #tpu.memory_space<vmem>>, vector<1x1x16xf32>,
        %get3A_1582 = vector.shape_cast %get3A_1581 : vector<1x1x16xf32> to vector<16xf32>
        %mul3A_1583 = arith.mulf %get3A_1576, %get3A_1582 : vector<16xf32>
        %add3A_1584 = arith.addf %add3A_1566, %mul3A_1583 : vector<16xf32>
        %mul3A_1585 = arith.mulf %get3A_1576, %get3A_1576 : vector<16xf32>
        %add3A_1586 = arith.addf %add3A_1568, %mul3A_1585 : vector<16xf32>
        %mul3A_1587 = arith.mulf %get3A_1582, %get3A_1582 : vector<16xf32>
        %add3A_1588 = arith.addf %add3A_1570, %mul3A_1587 : vector<16xf32>
        %get3A_1589 = arith.constant 6 : i32
        %get3A_1590 = arith.index_cast %get3A_1589 : i32 to index
        %get3A_1591 = arith.index_cast %scan3A_284 : i32 to index
        %get3A_1592 = arith.constant 64 : index
        %get3A_1593 = tpu.vector_load %arg5[%get3A_1590, %get3A_1591, %get3A_1592] {strides = array<i32>} : memref<16x24x128xf32, #tpu.memory_space<vmem>>, vector<1x1x16xf32>,
        %get3A_1594 = vector.shape_cast %get3A_1593 : vector<1x1x16xf32> to vector<16xf32>
        %get3A_1595 = arith.constant 6 : i32
        %get3A_1596 = arith.index_cast %get3A_1595 : i32 to index
        %get3A_1597 = arith.index_cast %scan3A_284 : i32 to index
        %get3A_1598 = arith.constant 64 : index
        %get3A_1599 = tpu.vector_load %arg6[%get3A_1596, %get3A_1597, %get3A_1598] {strides = array<i32>} : memref<16x24x128xf32, #tpu.memory_space<vmem>>, vector<1x1x16xf32>,
        %get3A_1600 = vector.shape_cast %get3A_1599 : vector<1x1x16xf32> to vector<16xf32>
        %mul3A_1601 = arith.mulf %get3A_1594, %get3A_1600 : vector<16xf32>
        %add3A_1602 = arith.addf %add3A_1584, %mul3A_1601 : vector<16xf32>
        %mul3A_1603 = arith.mulf %get3A_1594, %get3A_1594 : vector<16xf32>
        %add3A_1604 = arith.addf %add3A_1586, %mul3A_1603 : vector<16xf32>
        %mul3A_1605 = arith.mulf %get3A_1600, %get3A_1600 : vector<16xf32>
        %add3A_1606 = arith.addf %add3A_1588, %mul3A_1605 : vector<16xf32>
        %get3A_1607 = arith.constant 7 : i32
        %get3A_1608 = arith.index_cast %get3A_1607 : i32 to index
        %get3A_1609 = arith.index_cast %scan3A_284 : i32 to index
        %get3A_1610 = arith.constant 64 : index
        %get3A_1611 = tpu.vector_load %arg5[%get3A_1608, %get3A_1609, %get3A_1610] {strides = array<i32>} : memref<16x24x128xf32, #tpu.memory_space<vmem>>, vector<1x1x16xf32>,
        %get3A_1612 = vector.shape_cast %get3A_1611 : vector<1x1x16xf32> to vector<16xf32>
        %get3A_1613 = arith.constant 7 : i32
        %get3A_1614 = arith.index_cast %get3A_1613 : i32 to index
        %get3A_1615 = arith.index_cast %scan3A_284 : i32 to index
        %get3A_1616 = arith.constant 64 : index
        %get3A_1617 = tpu.vector_load %arg6[%get3A_1614, %get3A_1615, %get3A_1616] {strides = array<i32>} : memref<16x24x128xf32, #tpu.memory_space<vmem>>, vector<1x1x16xf32>,
        %get3A_1618 = vector.shape_cast %get3A_1617 : vector<1x1x16xf32> to vector<16xf32>
        %mul3A_1619 = arith.mulf %get3A_1612, %get3A_1618 : vector<16xf32>
        %add3A_1620 = arith.addf %add3A_1602, %mul3A_1619 : vector<16xf32>
        %mul3A_1621 = arith.mulf %get3A_1612, %get3A_1612 : vector<16xf32>
        %add3A_1622 = arith.addf %add3A_1604, %mul3A_1621 : vector<16xf32>
        %mul3A_1623 = arith.mulf %get3A_1618, %get3A_1618 : vector<16xf32>
        %add3A_1624 = arith.addf %add3A_1606, %mul3A_1623 : vector<16xf32>
        %get3A_1625 = arith.constant 8 : i32
        %get3A_1626 = arith.index_cast %get3A_1625 : i32 to index
        %get3A_1627 = arith.index_cast %scan3A_284 : i32 to index
        %get3A_1628 = arith.constant 64 : index
        %get3A_1629 = tpu.vector_load %arg5[%get3A_1626, %get3A_1627, %get3A_1628] {strides = array<i32>} : memref<16x24x128xf32, #tpu.memory_space<vmem>>, vector<1x1x16xf32>,
        %get3A_1630 = vector.shape_cast %get3A_1629 : vector<1x1x16xf32> to vector<16xf32>
        %get3A_1631 = arith.constant 8 : i32
        %get3A_1632 = arith.index_cast %get3A_1631 : i32 to index
        %get3A_1633 = arith.index_cast %scan3A_284 : i32 to index
        %get3A_1634 = arith.constant 64 : index
        %get3A_1635 = tpu.vector_load %arg6[%get3A_1632, %get3A_1633, %get3A_1634] {strides = array<i32>} : memref<16x24x128xf32, #tpu.memory_space<vmem>>, vector<1x1x16xf32>,
        %get3A_1636 = vector.shape_cast %get3A_1635 : vector<1x1x16xf32> to vector<16xf32>
        %mul3A_1637 = arith.mulf %get3A_1630, %get3A_1636 : vector<16xf32>
        %add3A_1638 = arith.addf %add3A_1620, %mul3A_1637 : vector<16xf32>
        %mul3A_1639 = arith.mulf %get3A_1630, %get3A_1630 : vector<16xf32>
        %add3A_1640 = arith.addf %add3A_1622, %mul3A_1639 : vector<16xf32>
        %mul3A_1641 = arith.mulf %get3A_1636, %get3A_1636 : vector<16xf32>
        %add3A_1642 = arith.addf %add3A_1624, %mul3A_1641 : vector<16xf32>
        %get3A_1643 = arith.constant 9 : i32
        %get3A_1644 = arith.index_cast %get3A_1643 : i32 to index
        %get3A_1645 = arith.index_cast %scan3A_284 : i32 to index
        %get3A_1646 = arith.constant 64 : index
        %get3A_1647 = tpu.vector_load %arg5[%get3A_1644, %get3A_1645, %get3A_1646] {strides = array<i32>} : memref<16x24x128xf32, #tpu.memory_space<vmem>>, vector<1x1x16xf32>,
        %get3A_1648 = vector.shape_cast %get3A_1647 : vector<1x1x16xf32> to vector<16xf32>
        %get3A_1649 = arith.constant 9 : i32
        %get3A_1650 = arith.index_cast %get3A_1649 : i32 to index
        %get3A_1651 = arith.index_cast %scan3A_284 : i32 to index
        %get3A_1652 = arith.constant 64 : index
        %get3A_1653 = tpu.vector_load %arg6[%get3A_1650, %get3A_1651, %get3A_1652] {strides = array<i32>} : memref<16x24x128xf32, #tpu.memory_space<vmem>>, vector<1x1x16xf32>,
        %get3A_1654 = vector.shape_cast %get3A_1653 : vector<1x1x16xf32> to vector<16xf32>
        %mul3A_1655 = arith.mulf %get3A_1648, %get3A_1654 : vector<16xf32>
        %add3A_1656 = arith.addf %add3A_1638, %mul3A_1655 : vector<16xf32>
        %mul3A_1657 = arith.mulf %get3A_1648, %get3A_1648 : vector<16xf32>
        %add3A_1658 = arith.addf %add3A_1640, %mul3A_1657 : vector<16xf32>
        %mul3A_1659 = arith.mulf %get3A_1654, %get3A_1654 : vector<16xf32>
        %add3A_1660 = arith.addf %add3A_1642, %mul3A_1659 : vector<16xf32>
        %get3A_1661 = arith.constant 10 : i32
        %get3A_1662 = arith.index_cast %get3A_1661 : i32 to index
        %get3A_1663 = arith.index_cast %scan3A_284 : i32 to index
        %get3A_1664 = arith.constant 64 : index
        %get3A_1665 = tpu.vector_load %arg5[%get3A_1662, %get3A_1663, %get3A_1664] {strides = array<i32>} : memref<16x24x128xf32, #tpu.memory_space<vmem>>, vector<1x1x16xf32>,
        %get3A_1666 = vector.shape_cast %get3A_1665 : vector<1x1x16xf32> to vector<16xf32>
        %get3A_1667 = arith.constant 10 : i32
        %get3A_1668 = arith.index_cast %get3A_1667 : i32 to index
        %get3A_1669 = arith.index_cast %scan3A_284 : i32 to index
        %get3A_1670 = arith.constant 64 : index
        %get3A_1671 = tpu.vector_load %arg6[%get3A_1668, %get3A_1669, %get3A_1670] {strides = array<i32>} : memref<16x24x128xf32, #tpu.memory_space<vmem>>, vector<1x1x16xf32>,
        %get3A_1672 = vector.shape_cast %get3A_1671 : vector<1x1x16xf32> to vector<16xf32>
        %mul3A_1673 = arith.mulf %get3A_1666, %get3A_1672 : vector<16xf32>
        %add3A_1674 = arith.addf %add3A_1656, %mul3A_1673 : vector<16xf32>
        %mul3A_1675 = arith.mulf %get3A_1666, %get3A_1666 : vector<16xf32>
        %add3A_1676 = arith.addf %add3A_1658, %mul3A_1675 : vector<16xf32>
        %mul3A_1677 = arith.mulf %get3A_1672, %get3A_1672 : vector<16xf32>
        %add3A_1678 = arith.addf %add3A_1660, %mul3A_1677 : vector<16xf32>
        %get3A_1679 = arith.constant 11 : i32
        %get3A_1680 = arith.index_cast %get3A_1679 : i32 to index
        %get3A_1681 = arith.index_cast %scan3A_284 : i32 to index
        %get3A_1682 = arith.constant 64 : index
        %get3A_1683 = tpu.vector_load %arg5[%get3A_1680, %get3A_1681, %get3A_1682] {strides = array<i32>} : memref<16x24x128xf32, #tpu.memory_space<vmem>>, vector<1x1x16xf32>,
        %get3A_1684 = vector.shape_cast %get3A_1683 : vector<1x1x16xf32> to vector<16xf32>
        %get3A_1685 = arith.constant 11 : i32
        %get3A_1686 = arith.index_cast %get3A_1685 : i32 to index
        %get3A_1687 = arith.index_cast %scan3A_284 : i32 to index
        %get3A_1688 = arith.constant 64 : index
        %get3A_1689 = tpu.vector_load %arg6[%get3A_1686, %get3A_1687, %get3A_1688] {strides = array<i32>} : memref<16x24x128xf32, #tpu.memory_space<vmem>>, vector<1x1x16xf32>,
        %get3A_1690 = vector.shape_cast %get3A_1689 : vector<1x1x16xf32> to vector<16xf32>
        %mul3A_1691 = arith.mulf %get3A_1684, %get3A_1690 : vector<16xf32>
        %add3A_1692 = arith.addf %add3A_1674, %mul3A_1691 : vector<16xf32>
        %mul3A_1693 = arith.mulf %get3A_1684, %get3A_1684 : vector<16xf32>
        %add3A_1694 = arith.addf %add3A_1676, %mul3A_1693 : vector<16xf32>
        %mul3A_1695 = arith.mulf %get3A_1690, %get3A_1690 : vector<16xf32>
        %add3A_1696 = arith.addf %add3A_1678, %mul3A_1695 : vector<16xf32>
        %get3A_1697 = arith.constant 12 : i32
        %get3A_1698 = arith.index_cast %get3A_1697 : i32 to index
        %get3A_1699 = arith.index_cast %scan3A_284 : i32 to index
        %get3A_1700 = arith.constant 64 : index
        %get3A_1701 = tpu.vector_load %arg5[%get3A_1698, %get3A_1699, %get3A_1700] {strides = array<i32>} : memref<16x24x128xf32, #tpu.memory_space<vmem>>, vector<1x1x16xf32>,
        %get3A_1702 = vector.shape_cast %get3A_1701 : vector<1x1x16xf32> to vector<16xf32>
        %get3A_1703 = arith.constant 12 : i32
        %get3A_1704 = arith.index_cast %get3A_1703 : i32 to index
        %get3A_1705 = arith.index_cast %scan3A_284 : i32 to index
        %get3A_1706 = arith.constant 64 : index
        %get3A_1707 = tpu.vector_load %arg6[%get3A_1704, %get3A_1705, %get3A_1706] {strides = array<i32>} : memref<16x24x128xf32, #tpu.memory_space<vmem>>, vector<1x1x16xf32>,
        %get3A_1708 = vector.shape_cast %get3A_1707 : vector<1x1x16xf32> to vector<16xf32>
        %mul3A_1709 = arith.mulf %get3A_1702, %get3A_1708 : vector<16xf32>
        %add3A_1710 = arith.addf %add3A_1692, %mul3A_1709 : vector<16xf32>
        %mul3A_1711 = arith.mulf %get3A_1702, %get3A_1702 : vector<16xf32>
        %add3A_1712 = arith.addf %add3A_1694, %mul3A_1711 : vector<16xf32>
        %mul3A_1713 = arith.mulf %get3A_1708, %get3A_1708 : vector<16xf32>
        %add3A_1714 = arith.addf %add3A_1696, %mul3A_1713 : vector<16xf32>
        %get3A_1715 = arith.constant 13 : i32
        %get3A_1716 = arith.index_cast %get3A_1715 : i32 to index
        %get3A_1717 = arith.index_cast %scan3A_284 : i32 to index
        %get3A_1718 = arith.constant 64 : index
        %get3A_1719 = tpu.vector_load %arg5[%get3A_1716, %get3A_1717, %get3A_1718] {strides = array<i32>} : memref<16x24x128xf32, #tpu.memory_space<vmem>>, vector<1x1x16xf32>,
        %get3A_1720 = vector.shape_cast %get3A_1719 : vector<1x1x16xf32> to vector<16xf32>
        %get3A_1721 = arith.constant 13 : i32
        %get3A_1722 = arith.index_cast %get3A_1721 : i32 to index
        %get3A_1723 = arith.index_cast %scan3A_284 : i32 to index
        %get3A_1724 = arith.constant 64 : index
        %get3A_1725 = tpu.vector_load %arg6[%get3A_1722, %get3A_1723, %get3A_1724] {strides = array<i32>} : memref<16x24x128xf32, #tpu.memory_space<vmem>>, vector<1x1x16xf32>,
        %get3A_1726 = vector.shape_cast %get3A_1725 : vector<1x1x16xf32> to vector<16xf32>
        %mul3A_1727 = arith.mulf %get3A_1720, %get3A_1726 : vector<16xf32>
        %add3A_1728 = arith.addf %add3A_1710, %mul3A_1727 : vector<16xf32>
        %mul3A_1729 = arith.mulf %get3A_1720, %get3A_1720 : vector<16xf32>
        %add3A_1730 = arith.addf %add3A_1712, %mul3A_1729 : vector<16xf32>
        %mul3A_1731 = arith.mulf %get3A_1726, %get3A_1726 : vector<16xf32>
        %add3A_1732 = arith.addf %add3A_1714, %mul3A_1731 : vector<16xf32>
        %get3A_1733 = arith.constant 14 : i32
        %get3A_1734 = arith.index_cast %get3A_1733 : i32 to index
        %get3A_1735 = arith.index_cast %scan3A_284 : i32 to index
        %get3A_1736 = arith.constant 64 : index
        %get3A_1737 = tpu.vector_load %arg5[%get3A_1734, %get3A_1735, %get3A_1736] {strides = array<i32>} : memref<16x24x128xf32, #tpu.memory_space<vmem>>, vector<1x1x16xf32>,
        %get3A_1738 = vector.shape_cast %get3A_1737 : vector<1x1x16xf32> to vector<16xf32>
        %get3A_1739 = arith.constant 14 : i32
        %get3A_1740 = arith.index_cast %get3A_1739 : i32 to index
        %get3A_1741 = arith.index_cast %scan3A_284 : i32 to index
        %get3A_1742 = arith.constant 64 : index
        %get3A_1743 = tpu.vector_load %arg6[%get3A_1740, %get3A_1741, %get3A_1742] {strides = array<i32>} : memref<16x24x128xf32, #tpu.memory_space<vmem>>, vector<1x1x16xf32>,
        %get3A_1744 = vector.shape_cast %get3A_1743 : vector<1x1x16xf32> to vector<16xf32>
        %mul3A_1745 = arith.mulf %get3A_1738, %get3A_1744 : vector<16xf32>
        %add3A_1746 = arith.addf %add3A_1728, %mul3A_1745 : vector<16xf32>
        %mul3A_1747 = arith.mulf %get3A_1738, %get3A_1738 : vector<16xf32>
        %add3A_1748 = arith.addf %add3A_1730, %mul3A_1747 : vector<16xf32>
        %mul3A_1749 = arith.mulf %get3A_1744, %get3A_1744 : vector<16xf32>
        %add3A_1750 = arith.addf %add3A_1732, %mul3A_1749 : vector<16xf32>
        %get3A_1751 = arith.constant 15 : i32
        %get3A_1752 = arith.index_cast %get3A_1751 : i32 to index
        %get3A_1753 = arith.index_cast %scan3A_284 : i32 to index
        %get3A_1754 = arith.constant 64 : index
        %get3A_1755 = tpu.vector_load %arg5[%get3A_1752, %get3A_1753, %get3A_1754] {strides = array<i32>} : memref<16x24x128xf32, #tpu.memory_space<vmem>>, vector<1x1x16xf32>,
        %get3A_1756 = vector.shape_cast %get3A_1755 : vector<1x1x16xf32> to vector<16xf32>
        %get3A_1757 = arith.constant 15 : i32
        %get3A_1758 = arith.index_cast %get3A_1757 : i32 to index
        %get3A_1759 = arith.index_cast %scan3A_284 : i32 to index
        %get3A_1760 = arith.constant 64 : index
        %get3A_1761 = tpu.vector_load %arg6[%get3A_1758, %get3A_1759, %get3A_1760] {strides = array<i32>} : memref<16x24x128xf32, #tpu.memory_space<vmem>>, vector<1x1x16xf32>,
        %get3A_1762 = vector.shape_cast %get3A_1761 : vector<1x1x16xf32> to vector<16xf32>
        %mul3A_1763 = arith.mulf %get3A_1756, %get3A_1762 : vector<16xf32>
        %add3A_1764 = arith.addf %add3A_1746, %mul3A_1763 : vector<16xf32>
        %mul3A_1765 = arith.mulf %get3A_1756, %get3A_1756 : vector<16xf32>
        %add3A_1766 = arith.addf %add3A_1748, %mul3A_1765 : vector<16xf32>
        %mul3A_1767 = arith.mulf %get3A_1762, %get3A_1762 : vector<16xf32>
        %add3A_1768 = arith.addf %add3A_1750, %mul3A_1767 : vector<16xf32>
        %swap3A_1769 = arith.index_cast %scan3A_284 : i32 to index
        %swap3A_1770 = arith.constant 64 : index
        %swap3A_1771 = tpu.vector_load %arg7[%swap3A_1769, %swap3A_1770] {strides = array<i32>} : memref<24x128xf32, #tpu.memory_space<vmem>>, vector<1x16xf32>,
        %swap3A_1772 = vector.shape_cast %swap3A_1771 : vector<1x16xf32> to vector<16xf32>
        %swap3A_1773 = vector.shape_cast %add3A_1764 : vector<16xf32> to vector<1x16xf32>
        tpu.vector_store %arg7[%swap3A_1769, %swap3A_1770], %swap3A_1773 {strides = array<i32>} : memref<24x128xf32, #tpu.memory_space<vmem>>, vector<1x16xf32>,
        %swap3A_1774 = arith.index_cast %scan3A_284 : i32 to index
        %swap3A_1775 = arith.constant 64 : index
        %swap3A_1776 = tpu.vector_load %arg8[%swap3A_1774, %swap3A_1775] {strides = array<i32>} : memref<24x128xf32, #tpu.memory_space<vmem>>, vector<1x16xf32>,
        %swap3A_1777 = vector.shape_cast %swap3A_1776 : vector<1x16xf32> to vector<16xf32>
        %swap3A_1778 = vector.shape_cast %add3A_1766 : vector<16xf32> to vector<1x16xf32>
        tpu.vector_store %arg8[%swap3A_1774, %swap3A_1775], %swap3A_1778 {strides = array<i32>} : memref<24x128xf32, #tpu.memory_space<vmem>>, vector<1x16xf32>,
        %swap3A_1779 = arith.index_cast %scan3A_284 : i32 to index
        %swap3A_1780 = arith.constant 64 : index
        %swap3A_1781 = tpu.vector_load %arg9[%swap3A_1779, %swap3A_1780] {strides = array<i32>} : memref<24x128xf32, #tpu.memory_space<vmem>>, vector<1x16xf32>,
        %swap3A_1782 = vector.shape_cast %swap3A_1781 : vector<1x16xf32> to vector<16xf32>
        %swap3A_1783 = vector.shape_cast %add3A_1768 : vector<16xf32> to vector<1x16xf32>
        tpu.vector_store %arg9[%swap3A_1779, %swap3A_1780], %swap3A_1783 {strides = array<i32>} : memref<24x128xf32, #tpu.memory_space<vmem>>, vector<1x16xf32>,
        %get3A_1784 = arith.constant 0 : i32
        %get3A_1785 = arith.index_cast %get3A_1784 : i32 to index
        %get3A_1786 = arith.index_cast %scan3A_284 : i32 to index
        %get3A_1787 = arith.constant 80 : index
        %get3A_1788 = tpu.vector_load %arg5[%get3A_1785, %get3A_1786, %get3A_1787] {strides = array<i32>} : memref<16x24x128xf32, #tpu.memory_space<vmem>>, vector<1x1x16xf32>,
        %get3A_1789 = vector.shape_cast %get3A_1788 : vector<1x1x16xf32> to vector<16xf32>
        %get3A_1790 = arith.constant 0 : i32
        %get3A_1791 = arith.index_cast %get3A_1790 : i32 to index
        %get3A_1792 = arith.index_cast %scan3A_284 : i32 to index
        %get3A_1793 = arith.constant 80 : index
        %get3A_1794 = tpu.vector_load %arg6[%get3A_1791, %get3A_1792, %get3A_1793] {strides = array<i32>} : memref<16x24x128xf32, #tpu.memory_space<vmem>>, vector<1x1x16xf32>,
        %get3A_1795 = vector.shape_cast %get3A_1794 : vector<1x1x16xf32> to vector<16xf32>
        %mul3A_1796 = arith.mulf %get3A_1789, %get3A_1795 : vector<16xf32>
        %mul3A_1797 = arith.mulf %get3A_1789, %get3A_1789 : vector<16xf32>
        %mul3A_1798 = arith.mulf %get3A_1795, %get3A_1795 : vector<16xf32>
        %get3A_1799 = arith.constant 1 : i32
        %get3A_1800 = arith.index_cast %get3A_1799 : i32 to index
        %get3A_1801 = arith.index_cast %scan3A_284 : i32 to index
        %get3A_1802 = arith.constant 80 : index
        %get3A_1803 = tpu.vector_load %arg5[%get3A_1800, %get3A_1801, %get3A_1802] {strides = array<i32>} : memref<16x24x128xf32, #tpu.memory_space<vmem>>, vector<1x1x16xf32>,
        %get3A_1804 = vector.shape_cast %get3A_1803 : vector<1x1x16xf32> to vector<16xf32>
        %get3A_1805 = arith.constant 1 : i32
        %get3A_1806 = arith.index_cast %get3A_1805 : i32 to index
        %get3A_1807 = arith.index_cast %scan3A_284 : i32 to index
        %get3A_1808 = arith.constant 80 : index
        %get3A_1809 = tpu.vector_load %arg6[%get3A_1806, %get3A_1807, %get3A_1808] {strides = array<i32>} : memref<16x24x128xf32, #tpu.memory_space<vmem>>, vector<1x1x16xf32>,
        %get3A_1810 = vector.shape_cast %get3A_1809 : vector<1x1x16xf32> to vector<16xf32>
        %mul3A_1811 = arith.mulf %get3A_1804, %get3A_1810 : vector<16xf32>
        %add3A_1812 = arith.addf %mul3A_1796, %mul3A_1811 : vector<16xf32>
        %mul3A_1813 = arith.mulf %get3A_1804, %get3A_1804 : vector<16xf32>
        %add3A_1814 = arith.addf %mul3A_1797, %mul3A_1813 : vector<16xf32>
        %mul3A_1815 = arith.mulf %get3A_1810, %get3A_1810 : vector<16xf32>
        %add3A_1816 = arith.addf %mul3A_1798, %mul3A_1815 : vector<16xf32>
        %get3A_1817 = arith.constant 2 : i32
        %get3A_1818 = arith.index_cast %get3A_1817 : i32 to index
        %get3A_1819 = arith.index_cast %scan3A_284 : i32 to index
        %get3A_1820 = arith.constant 80 : index
        %get3A_1821 = tpu.vector_load %arg5[%get3A_1818, %get3A_1819, %get3A_1820] {strides = array<i32>} : memref<16x24x128xf32, #tpu.memory_space<vmem>>, vector<1x1x16xf32>,
        %get3A_1822 = vector.shape_cast %get3A_1821 : vector<1x1x16xf32> to vector<16xf32>
        %get3A_1823 = arith.constant 2 : i32
        %get3A_1824 = arith.index_cast %get3A_1823 : i32 to index
        %get3A_1825 = arith.index_cast %scan3A_284 : i32 to index
        %get3A_1826 = arith.constant 80 : index
        %get3A_1827 = tpu.vector_load %arg6[%get3A_1824, %get3A_1825, %get3A_1826] {strides = array<i32>} : memref<16x24x128xf32, #tpu.memory_space<vmem>>, vector<1x1x16xf32>,
        %get3A_1828 = vector.shape_cast %get3A_1827 : vector<1x1x16xf32> to vector<16xf32>
        %mul3A_1829 = arith.mulf %get3A_1822, %get3A_1828 : vector<16xf32>
        %add3A_1830 = arith.addf %add3A_1812, %mul3A_1829 : vector<16xf32>
        %mul3A_1831 = arith.mulf %get3A_1822, %get3A_1822 : vector<16xf32>
        %add3A_1832 = arith.addf %add3A_1814, %mul3A_1831 : vector<16xf32>
        %mul3A_1833 = arith.mulf %get3A_1828, %get3A_1828 : vector<16xf32>
        %add3A_1834 = arith.addf %add3A_1816, %mul3A_1833 : vector<16xf32>
        %get3A_1835 = arith.constant 3 : i32
        %get3A_1836 = arith.index_cast %get3A_1835 : i32 to index
        %get3A_1837 = arith.index_cast %scan3A_284 : i32 to index
        %get3A_1838 = arith.constant 80 : index
        %get3A_1839 = tpu.vector_load %arg5[%get3A_1836, %get3A_1837, %get3A_1838] {strides = array<i32>} : memref<16x24x128xf32, #tpu.memory_space<vmem>>, vector<1x1x16xf32>,
        %get3A_1840 = vector.shape_cast %get3A_1839 : vector<1x1x16xf32> to vector<16xf32>
        %get3A_1841 = arith.constant 3 : i32
        %get3A_1842 = arith.index_cast %get3A_1841 : i32 to index
        %get3A_1843 = arith.index_cast %scan3A_284 : i32 to index
        %get3A_1844 = arith.constant 80 : index
        %get3A_1845 = tpu.vector_load %arg6[%get3A_1842, %get3A_1843, %get3A_1844] {strides = array<i32>} : memref<16x24x128xf32, #tpu.memory_space<vmem>>, vector<1x1x16xf32>,
        %get3A_1846 = vector.shape_cast %get3A_1845 : vector<1x1x16xf32> to vector<16xf32>
        %mul3A_1847 = arith.mulf %get3A_1840, %get3A_1846 : vector<16xf32>
        %add3A_1848 = arith.addf %add3A_1830, %mul3A_1847 : vector<16xf32>
        %mul3A_1849 = arith.mulf %get3A_1840, %get3A_1840 : vector<16xf32>
        %add3A_1850 = arith.addf %add3A_1832, %mul3A_1849 : vector<16xf32>
        %mul3A_1851 = arith.mulf %get3A_1846, %get3A_1846 : vector<16xf32>
        %add3A_1852 = arith.addf %add3A_1834, %mul3A_1851 : vector<16xf32>
        %get3A_1853 = arith.constant 4 : i32
        %get3A_1854 = arith.index_cast %get3A_1853 : i32 to index
        %get3A_1855 = arith.index_cast %scan3A_284 : i32 to index
        %get3A_1856 = arith.constant 80 : index
        %get3A_1857 = tpu.vector_load %arg5[%get3A_1854, %get3A_1855, %get3A_1856] {strides = array<i32>} : memref<16x24x128xf32, #tpu.memory_space<vmem>>, vector<1x1x16xf32>,
        %get3A_1858 = vector.shape_cast %get3A_1857 : vector<1x1x16xf32> to vector<16xf32>
        %get3A_1859 = arith.constant 4 : i32
        %get3A_1860 = arith.index_cast %get3A_1859 : i32 to index
        %get3A_1861 = arith.index_cast %scan3A_284 : i32 to index
        %get3A_1862 = arith.constant 80 : index
        %get3A_1863 = tpu.vector_load %arg6[%get3A_1860, %get3A_1861, %get3A_1862] {strides = array<i32>} : memref<16x24x128xf32, #tpu.memory_space<vmem>>, vector<1x1x16xf32>,
        %get3A_1864 = vector.shape_cast %get3A_1863 : vector<1x1x16xf32> to vector<16xf32>
        %mul3A_1865 = arith.mulf %get3A_1858, %get3A_1864 : vector<16xf32>
        %add3A_1866 = arith.addf %add3A_1848, %mul3A_1865 : vector<16xf32>
        %mul3A_1867 = arith.mulf %get3A_1858, %get3A_1858 : vector<16xf32>
        %add3A_1868 = arith.addf %add3A_1850, %mul3A_1867 : vector<16xf32>
        %mul3A_1869 = arith.mulf %get3A_1864, %get3A_1864 : vector<16xf32>
        %add3A_1870 = arith.addf %add3A_1852, %mul3A_1869 : vector<16xf32>
        %get3A_1871 = arith.constant 5 : i32
        %get3A_1872 = arith.index_cast %get3A_1871 : i32 to index
        %get3A_1873 = arith.index_cast %scan3A_284 : i32 to index
        %get3A_1874 = arith.constant 80 : index
        %get3A_1875 = tpu.vector_load %arg5[%get3A_1872, %get3A_1873, %get3A_1874] {strides = array<i32>} : memref<16x24x128xf32, #tpu.memory_space<vmem>>, vector<1x1x16xf32>,
        %get3A_1876 = vector.shape_cast %get3A_1875 : vector<1x1x16xf32> to vector<16xf32>
        %get3A_1877 = arith.constant 5 : i32
        %get3A_1878 = arith.index_cast %get3A_1877 : i32 to index
        %get3A_1879 = arith.index_cast %scan3A_284 : i32 to index
        %get3A_1880 = arith.constant 80 : index
        %get3A_1881 = tpu.vector_load %arg6[%get3A_1878, %get3A_1879, %get3A_1880] {strides = array<i32>} : memref<16x24x128xf32, #tpu.memory_space<vmem>>, vector<1x1x16xf32>,
        %get3A_1882 = vector.shape_cast %get3A_1881 : vector<1x1x16xf32> to vector<16xf32>
        %mul3A_1883 = arith.mulf %get3A_1876, %get3A_1882 : vector<16xf32>
        %add3A_1884 = arith.addf %add3A_1866, %mul3A_1883 : vector<16xf32>
        %mul3A_1885 = arith.mulf %get3A_1876, %get3A_1876 : vector<16xf32>
        %add3A_1886 = arith.addf %add3A_1868, %mul3A_1885 : vector<16xf32>
        %mul3A_1887 = arith.mulf %get3A_1882, %get3A_1882 : vector<16xf32>
        %add3A_1888 = arith.addf %add3A_1870, %mul3A_1887 : vector<16xf32>
        %get3A_1889 = arith.constant 6 : i32
        %get3A_1890 = arith.index_cast %get3A_1889 : i32 to index
        %get3A_1891 = arith.index_cast %scan3A_284 : i32 to index
        %get3A_1892 = arith.constant 80 : index
        %get3A_1893 = tpu.vector_load %arg5[%get3A_1890, %get3A_1891, %get3A_1892] {strides = array<i32>} : memref<16x24x128xf32, #tpu.memory_space<vmem>>, vector<1x1x16xf32>,
        %get3A_1894 = vector.shape_cast %get3A_1893 : vector<1x1x16xf32> to vector<16xf32>
        %get3A_1895 = arith.constant 6 : i32
        %get3A_1896 = arith.index_cast %get3A_1895 : i32 to index
        %get3A_1897 = arith.index_cast %scan3A_284 : i32 to index
        %get3A_1898 = arith.constant 80 : index
        %get3A_1899 = tpu.vector_load %arg6[%get3A_1896, %get3A_1897, %get3A_1898] {strides = array<i32>} : memref<16x24x128xf32, #tpu.memory_space<vmem>>, vector<1x1x16xf32>,
        %get3A_1900 = vector.shape_cast %get3A_1899 : vector<1x1x16xf32> to vector<16xf32>
        %mul3A_1901 = arith.mulf %get3A_1894, %get3A_1900 : vector<16xf32>
        %add3A_1902 = arith.addf %add3A_1884, %mul3A_1901 : vector<16xf32>
        %mul3A_1903 = arith.mulf %get3A_1894, %get3A_1894 : vector<16xf32>
        %add3A_1904 = arith.addf %add3A_1886, %mul3A_1903 : vector<16xf32>
        %mul3A_1905 = arith.mulf %get3A_1900, %get3A_1900 : vector<16xf32>
        %add3A_1906 = arith.addf %add3A_1888, %mul3A_1905 : vector<16xf32>
        %get3A_1907 = arith.constant 7 : i32
        %get3A_1908 = arith.index_cast %get3A_1907 : i32 to index
        %get3A_1909 = arith.index_cast %scan3A_284 : i32 to index
        %get3A_1910 = arith.constant 80 : index
        %get3A_1911 = tpu.vector_load %arg5[%get3A_1908, %get3A_1909, %get3A_1910] {strides = array<i32>} : memref<16x24x128xf32, #tpu.memory_space<vmem>>, vector<1x1x16xf32>,
        %get3A_1912 = vector.shape_cast %get3A_1911 : vector<1x1x16xf32> to vector<16xf32>
        %get3A_1913 = arith.constant 7 : i32
        %get3A_1914 = arith.index_cast %get3A_1913 : i32 to index
        %get3A_1915 = arith.index_cast %scan3A_284 : i32 to index
        %get3A_1916 = arith.constant 80 : index
        %get3A_1917 = tpu.vector_load %arg6[%get3A_1914, %get3A_1915, %get3A_1916] {strides = array<i32>} : memref<16x24x128xf32, #tpu.memory_space<vmem>>, vector<1x1x16xf32>,
        %get3A_1918 = vector.shape_cast %get3A_1917 : vector<1x1x16xf32> to vector<16xf32>
        %mul3A_1919 = arith.mulf %get3A_1912, %get3A_1918 : vector<16xf32>
        %add3A_1920 = arith.addf %add3A_1902, %mul3A_1919 : vector<16xf32>
        %mul3A_1921 = arith.mulf %get3A_1912, %get3A_1912 : vector<16xf32>
        %add3A_1922 = arith.addf %add3A_1904, %mul3A_1921 : vector<16xf32>
        %mul3A_1923 = arith.mulf %get3A_1918, %get3A_1918 : vector<16xf32>
        %add3A_1924 = arith.addf %add3A_1906, %mul3A_1923 : vector<16xf32>
        %get3A_1925 = arith.constant 8 : i32
        %get3A_1926 = arith.index_cast %get3A_1925 : i32 to index
        %get3A_1927 = arith.index_cast %scan3A_284 : i32 to index
        %get3A_1928 = arith.constant 80 : index
        %get3A_1929 = tpu.vector_load %arg5[%get3A_1926, %get3A_1927, %get3A_1928] {strides = array<i32>} : memref<16x24x128xf32, #tpu.memory_space<vmem>>, vector<1x1x16xf32>,
        %get3A_1930 = vector.shape_cast %get3A_1929 : vector<1x1x16xf32> to vector<16xf32>
        %get3A_1931 = arith.constant 8 : i32
        %get3A_1932 = arith.index_cast %get3A_1931 : i32 to index
        %get3A_1933 = arith.index_cast %scan3A_284 : i32 to index
        %get3A_1934 = arith.constant 80 : index
        %get3A_1935 = tpu.vector_load %arg6[%get3A_1932, %get3A_1933, %get3A_1934] {strides = array<i32>} : memref<16x24x128xf32, #tpu.memory_space<vmem>>, vector<1x1x16xf32>,
        %get3A_1936 = vector.shape_cast %get3A_1935 : vector<1x1x16xf32> to vector<16xf32>
        %mul3A_1937 = arith.mulf %get3A_1930, %get3A_1936 : vector<16xf32>
        %add3A_1938 = arith.addf %add3A_1920, %mul3A_1937 : vector<16xf32>
        %mul3A_1939 = arith.mulf %get3A_1930, %get3A_1930 : vector<16xf32>
        %add3A_1940 = arith.addf %add3A_1922, %mul3A_1939 : vector<16xf32>
        %mul3A_1941 = arith.mulf %get3A_1936, %get3A_1936 : vector<16xf32>
        %add3A_1942 = arith.addf %add3A_1924, %mul3A_1941 : vector<16xf32>
        %get3A_1943 = arith.constant 9 : i32
        %get3A_1944 = arith.index_cast %get3A_1943 : i32 to index
        %get3A_1945 = arith.index_cast %scan3A_284 : i32 to index
        %get3A_1946 = arith.constant 80 : index
        %get3A_1947 = tpu.vector_load %arg5[%get3A_1944, %get3A_1945, %get3A_1946] {strides = array<i32>} : memref<16x24x128xf32, #tpu.memory_space<vmem>>, vector<1x1x16xf32>,
        %get3A_1948 = vector.shape_cast %get3A_1947 : vector<1x1x16xf32> to vector<16xf32>
        %get3A_1949 = arith.constant 9 : i32
        %get3A_1950 = arith.index_cast %get3A_1949 : i32 to index
        %get3A_1951 = arith.index_cast %scan3A_284 : i32 to index
        %get3A_1952 = arith.constant 80 : index
        %get3A_1953 = tpu.vector_load %arg6[%get3A_1950, %get3A_1951, %get3A_1952] {strides = array<i32>} : memref<16x24x128xf32, #tpu.memory_space<vmem>>, vector<1x1x16xf32>,
        %get3A_1954 = vector.shape_cast %get3A_1953 : vector<1x1x16xf32> to vector<16xf32>
        %mul3A_1955 = arith.mulf %get3A_1948, %get3A_1954 : vector<16xf32>
        %add3A_1956 = arith.addf %add3A_1938, %mul3A_1955 : vector<16xf32>
        %mul3A_1957 = arith.mulf %get3A_1948, %get3A_1948 : vector<16xf32>
        %add3A_1958 = arith.addf %add3A_1940, %mul3A_1957 : vector<16xf32>
        %mul3A_1959 = arith.mulf %get3A_1954, %get3A_1954 : vector<16xf32>
        %add3A_1960 = arith.addf %add3A_1942, %mul3A_1959 : vector<16xf32>
        %get3A_1961 = arith.constant 10 : i32
        %get3A_1962 = arith.index_cast %get3A_1961 : i32 to index
        %get3A_1963 = arith.index_cast %scan3A_284 : i32 to index
        %get3A_1964 = arith.constant 80 : index
        %get3A_1965 = tpu.vector_load %arg5[%get3A_1962, %get3A_1963, %get3A_1964] {strides = array<i32>} : memref<16x24x128xf32, #tpu.memory_space<vmem>>, vector<1x1x16xf32>,
        %get3A_1966 = vector.shape_cast %get3A_1965 : vector<1x1x16xf32> to vector<16xf32>
        %get3A_1967 = arith.constant 10 : i32
        %get3A_1968 = arith.index_cast %get3A_1967 : i32 to index
        %get3A_1969 = arith.index_cast %scan3A_284 : i32 to index
        %get3A_1970 = arith.constant 80 : index
        %get3A_1971 = tpu.vector_load %arg6[%get3A_1968, %get3A_1969, %get3A_1970] {strides = array<i32>} : memref<16x24x128xf32, #tpu.memory_space<vmem>>, vector<1x1x16xf32>,
        %get3A_1972 = vector.shape_cast %get3A_1971 : vector<1x1x16xf32> to vector<16xf32>
        %mul3A_1973 = arith.mulf %get3A_1966, %get3A_1972 : vector<16xf32>
        %add3A_1974 = arith.addf %add3A_1956, %mul3A_1973 : vector<16xf32>
        %mul3A_1975 = arith.mulf %get3A_1966, %get3A_1966 : vector<16xf32>
        %add3A_1976 = arith.addf %add3A_1958, %mul3A_1975 : vector<16xf32>
        %mul3A_1977 = arith.mulf %get3A_1972, %get3A_1972 : vector<16xf32>
        %add3A_1978 = arith.addf %add3A_1960, %mul3A_1977 : vector<16xf32>
        %get3A_1979 = arith.constant 11 : i32
        %get3A_1980 = arith.index_cast %get3A_1979 : i32 to index
        %get3A_1981 = arith.index_cast %scan3A_284 : i32 to index
        %get3A_1982 = arith.constant 80 : index
        %get3A_1983 = tpu.vector_load %arg5[%get3A_1980, %get3A_1981, %get3A_1982] {strides = array<i32>} : memref<16x24x128xf32, #tpu.memory_space<vmem>>, vector<1x1x16xf32>,
        %get3A_1984 = vector.shape_cast %get3A_1983 : vector<1x1x16xf32> to vector<16xf32>
        %get3A_1985 = arith.constant 11 : i32
        %get3A_1986 = arith.index_cast %get3A_1985 : i32 to index
        %get3A_1987 = arith.index_cast %scan3A_284 : i32 to index
        %get3A_1988 = arith.constant 80 : index
        %get3A_1989 = tpu.vector_load %arg6[%get3A_1986, %get3A_1987, %get3A_1988] {strides = array<i32>} : memref<16x24x128xf32, #tpu.memory_space<vmem>>, vector<1x1x16xf32>,
        %get3A_1990 = vector.shape_cast %get3A_1989 : vector<1x1x16xf32> to vector<16xf32>
        %mul3A_1991 = arith.mulf %get3A_1984, %get3A_1990 : vector<16xf32>
        %add3A_1992 = arith.addf %add3A_1974, %mul3A_1991 : vector<16xf32>
        %mul3A_1993 = arith.mulf %get3A_1984, %get3A_1984 : vector<16xf32>
        %add3A_1994 = arith.addf %add3A_1976, %mul3A_1993 : vector<16xf32>
        %mul3A_1995 = arith.mulf %get3A_1990, %get3A_1990 : vector<16xf32>
        %add3A_1996 = arith.addf %add3A_1978, %mul3A_1995 : vector<16xf32>
        %get3A_1997 = arith.constant 12 : i32
        %get3A_1998 = arith.index_cast %get3A_1997 : i32 to index
        %get3A_1999 = arith.index_cast %scan3A_284 : i32 to index
        %get3A_2000 = arith.constant 80 : index
        %get3A_2001 = tpu.vector_load %arg5[%get3A_1998, %get3A_1999, %get3A_2000] {strides = array<i32>} : memref<16x24x128xf32, #tpu.memory_space<vmem>>, vector<1x1x16xf32>,
        %get3A_2002 = vector.shape_cast %get3A_2001 : vector<1x1x16xf32> to vector<16xf32>
        %get3A_2003 = arith.constant 12 : i32
        %get3A_2004 = arith.index_cast %get3A_2003 : i32 to index
        %get3A_2005 = arith.index_cast %scan3A_284 : i32 to index
        %get3A_2006 = arith.constant 80 : index
        %get3A_2007 = tpu.vector_load %arg6[%get3A_2004, %get3A_2005, %get3A_2006] {strides = array<i32>} : memref<16x24x128xf32, #tpu.memory_space<vmem>>, vector<1x1x16xf32>,
        %get3A_2008 = vector.shape_cast %get3A_2007 : vector<1x1x16xf32> to vector<16xf32>
        %mul3A_2009 = arith.mulf %get3A_2002, %get3A_2008 : vector<16xf32>
        %add3A_2010 = arith.addf %add3A_1992, %mul3A_2009 : vector<16xf32>
        %mul3A_2011 = arith.mulf %get3A_2002, %get3A_2002 : vector<16xf32>
        %add3A_2012 = arith.addf %add3A_1994, %mul3A_2011 : vector<16xf32>
        %mul3A_2013 = arith.mulf %get3A_2008, %get3A_2008 : vector<16xf32>
        %add3A_2014 = arith.addf %add3A_1996, %mul3A_2013 : vector<16xf32>
        %get3A_2015 = arith.constant 13 : i32
        %get3A_2016 = arith.index_cast %get3A_2015 : i32 to index
        %get3A_2017 = arith.index_cast %scan3A_284 : i32 to index
        %get3A_2018 = arith.constant 80 : index
        %get3A_2019 = tpu.vector_load %arg5[%get3A_2016, %get3A_2017, %get3A_2018] {strides = array<i32>} : memref<16x24x128xf32, #tpu.memory_space<vmem>>, vector<1x1x16xf32>,
        %get3A_2020 = vector.shape_cast %get3A_2019 : vector<1x1x16xf32> to vector<16xf32>
        %get3A_2021 = arith.constant 13 : i32
        %get3A_2022 = arith.index_cast %get3A_2021 : i32 to index
        %get3A_2023 = arith.index_cast %scan3A_284 : i32 to index
        %get3A_2024 = arith.constant 80 : index
        %get3A_2025 = tpu.vector_load %arg6[%get3A_2022, %get3A_2023, %get3A_2024] {strides = array<i32>} : memref<16x24x128xf32, #tpu.memory_space<vmem>>, vector<1x1x16xf32>,
        %get3A_2026 = vector.shape_cast %get3A_2025 : vector<1x1x16xf32> to vector<16xf32>
        %mul3A_2027 = arith.mulf %get3A_2020, %get3A_2026 : vector<16xf32>
        %add3A_2028 = arith.addf %add3A_2010, %mul3A_2027 : vector<16xf32>
        %mul3A_2029 = arith.mulf %get3A_2020, %get3A_2020 : vector<16xf32>
        %add3A_2030 = arith.addf %add3A_2012, %mul3A_2029 : vector<16xf32>
        %mul3A_2031 = arith.mulf %get3A_2026, %get3A_2026 : vector<16xf32>
        %add3A_2032 = arith.addf %add3A_2014, %mul3A_2031 : vector<16xf32>
        %get3A_2033 = arith.constant 14 : i32
        %get3A_2034 = arith.index_cast %get3A_2033 : i32 to index
        %get3A_2035 = arith.index_cast %scan3A_284 : i32 to index
        %get3A_2036 = arith.constant 80 : index
        %get3A_2037 = tpu.vector_load %arg5[%get3A_2034, %get3A_2035, %get3A_2036] {strides = array<i32>} : memref<16x24x128xf32, #tpu.memory_space<vmem>>, vector<1x1x16xf32>,
        %get3A_2038 = vector.shape_cast %get3A_2037 : vector<1x1x16xf32> to vector<16xf32>
        %get3A_2039 = arith.constant 14 : i32
        %get3A_2040 = arith.index_cast %get3A_2039 : i32 to index
        %get3A_2041 = arith.index_cast %scan3A_284 : i32 to index
        %get3A_2042 = arith.constant 80 : index
        %get3A_2043 = tpu.vector_load %arg6[%get3A_2040, %get3A_2041, %get3A_2042] {strides = array<i32>} : memref<16x24x128xf32, #tpu.memory_space<vmem>>, vector<1x1x16xf32>,
        %get3A_2044 = vector.shape_cast %get3A_2043 : vector<1x1x16xf32> to vector<16xf32>
        %mul3A_2045 = arith.mulf %get3A_2038, %get3A_2044 : vector<16xf32>
        %add3A_2046 = arith.addf %add3A_2028, %mul3A_2045 : vector<16xf32>
        %mul3A_2047 = arith.mulf %get3A_2038, %get3A_2038 : vector<16xf32>
        %add3A_2048 = arith.addf %add3A_2030, %mul3A_2047 : vector<16xf32>
        %mul3A_2049 = arith.mulf %get3A_2044, %get3A_2044 : vector<16xf32>
        %add3A_2050 = arith.addf %add3A_2032, %mul3A_2049 : vector<16xf32>
        %get3A_2051 = arith.constant 15 : i32
        %get3A_2052 = arith.index_cast %get3A_2051 : i32 to index
        %get3A_2053 = arith.index_cast %scan3A_284 : i32 to index
        %get3A_2054 = arith.constant 80 : index
        %get3A_2055 = tpu.vector_load %arg5[%get3A_2052, %get3A_2053, %get3A_2054] {strides = array<i32>} : memref<16x24x128xf32, #tpu.memory_space<vmem>>, vector<1x1x16xf32>,
        %get3A_2056 = vector.shape_cast %get3A_2055 : vector<1x1x16xf32> to vector<16xf32>
        %get3A_2057 = arith.constant 15 : i32
        %get3A_2058 = arith.index_cast %get3A_2057 : i32 to index
        %get3A_2059 = arith.index_cast %scan3A_284 : i32 to index
        %get3A_2060 = arith.constant 80 : index
        %get3A_2061 = tpu.vector_load %arg6[%get3A_2058, %get3A_2059, %get3A_2060] {strides = array<i32>} : memref<16x24x128xf32, #tpu.memory_space<vmem>>, vector<1x1x16xf32>,
        %get3A_2062 = vector.shape_cast %get3A_2061 : vector<1x1x16xf32> to vector<16xf32>
        %mul3A_2063 = arith.mulf %get3A_2056, %get3A_2062 : vector<16xf32>
        %add3A_2064 = arith.addf %add3A_2046, %mul3A_2063 : vector<16xf32>
        %mul3A_2065 = arith.mulf %get3A_2056, %get3A_2056 : vector<16xf32>
        %add3A_2066 = arith.addf %add3A_2048, %mul3A_2065 : vector<16xf32>
        %mul3A_2067 = arith.mulf %get3A_2062, %get3A_2062 : vector<16xf32>
        %add3A_2068 = arith.addf %add3A_2050, %mul3A_2067 : vector<16xf32>
        %swap3A_2069 = arith.index_cast %scan3A_284 : i32 to index
        %swap3A_2070 = arith.constant 80 : index
        %swap3A_2071 = tpu.vector_load %arg7[%swap3A_2069, %swap3A_2070] {strides = array<i32>} : memref<24x128xf32, #tpu.memory_space<vmem>>, vector<1x16xf32>,
        %swap3A_2072 = vector.shape_cast %swap3A_2071 : vector<1x16xf32> to vector<16xf32>
        %swap3A_2073 = vector.shape_cast %add3A_2064 : vector<16xf32> to vector<1x16xf32>
        tpu.vector_store %arg7[%swap3A_2069, %swap3A_2070], %swap3A_2073 {strides = array<i32>} : memref<24x128xf32, #tpu.memory_space<vmem>>, vector<1x16xf32>,
        %swap3A_2074 = arith.index_cast %scan3A_284 : i32 to index
        %swap3A_2075 = arith.constant 80 : index
        %swap3A_2076 = tpu.vector_load %arg8[%swap3A_2074, %swap3A_2075] {strides = array<i32>} : memref<24x128xf32, #tpu.memory_space<vmem>>, vector<1x16xf32>,
        %swap3A_2077 = vector.shape_cast %swap3A_2076 : vector<1x16xf32> to vector<16xf32>
        %swap3A_2078 = vector.shape_cast %add3A_2066 : vector<16xf32> to vector<1x16xf32>
        tpu.vector_store %arg8[%swap3A_2074, %swap3A_2075], %swap3A_2078 {strides = array<i32>} : memref<24x128xf32, #tpu.memory_space<vmem>>, vector<1x16xf32>,
        %swap3A_2079 = arith.index_cast %scan3A_284 : i32 to index
        %swap3A_2080 = arith.constant 80 : index
        %swap3A_2081 = tpu.vector_load %arg9[%swap3A_2079, %swap3A_2080] {strides = array<i32>} : memref<24x128xf32, #tpu.memory_space<vmem>>, vector<1x16xf32>,
        %swap3A_2082 = vector.shape_cast %swap3A_2081 : vector<1x16xf32> to vector<16xf32>
        %swap3A_2083 = vector.shape_cast %add3A_2068 : vector<16xf32> to vector<1x16xf32>
        tpu.vector_store %arg9[%swap3A_2079, %swap3A_2080], %swap3A_2083 {strides = array<i32>} : memref<24x128xf32, #tpu.memory_space<vmem>>, vector<1x16xf32>,
        %get3A_2084 = arith.constant 0 : i32
        %get3A_2085 = arith.index_cast %get3A_2084 : i32 to index
        %get3A_2086 = arith.index_cast %scan3A_284 : i32 to index
        %get3A_2087 = arith.constant 96 : index
        %get3A_2088 = tpu.vector_load %arg5[%get3A_2085, %get3A_2086, %get3A_2087] {strides = array<i32>} : memref<16x24x128xf32, #tpu.memory_space<vmem>>, vector<1x1x16xf32>,
        %get3A_2089 = vector.shape_cast %get3A_2088 : vector<1x1x16xf32> to vector<16xf32>
        %get3A_2090 = arith.constant 0 : i32
        %get3A_2091 = arith.index_cast %get3A_2090 : i32 to index
        %get3A_2092 = arith.index_cast %scan3A_284 : i32 to index
        %get3A_2093 = arith.constant 96 : index
        %get3A_2094 = tpu.vector_load %arg6[%get3A_2091, %get3A_2092, %get3A_2093] {strides = array<i32>} : memref<16x24x128xf32, #tpu.memory_space<vmem>>, vector<1x1x16xf32>,
        %get3A_2095 = vector.shape_cast %get3A_2094 : vector<1x1x16xf32> to vector<16xf32>
        %mul3A_2096 = arith.mulf %get3A_2089, %get3A_2095 : vector<16xf32>
        %mul3A_2097 = arith.mulf %get3A_2089, %get3A_2089 : vector<16xf32>
        %mul3A_2098 = arith.mulf %get3A_2095, %get3A_2095 : vector<16xf32>
        %get3A_2099 = arith.constant 1 : i32
        %get3A_2100 = arith.index_cast %get3A_2099 : i32 to index
        %get3A_2101 = arith.index_cast %scan3A_284 : i32 to index
        %get3A_2102 = arith.constant 96 : index
        %get3A_2103 = tpu.vector_load %arg5[%get3A_2100, %get3A_2101, %get3A_2102] {strides = array<i32>} : memref<16x24x128xf32, #tpu.memory_space<vmem>>, vector<1x1x16xf32>,
        %get3A_2104 = vector.shape_cast %get3A_2103 : vector<1x1x16xf32> to vector<16xf32>
        %get3A_2105 = arith.constant 1 : i32
        %get3A_2106 = arith.index_cast %get3A_2105 : i32 to index
        %get3A_2107 = arith.index_cast %scan3A_284 : i32 to index
        %get3A_2108 = arith.constant 96 : index
        %get3A_2109 = tpu.vector_load %arg6[%get3A_2106, %get3A_2107, %get3A_2108] {strides = array<i32>} : memref<16x24x128xf32, #tpu.memory_space<vmem>>, vector<1x1x16xf32>,
        %get3A_2110 = vector.shape_cast %get3A_2109 : vector<1x1x16xf32> to vector<16xf32>
        %mul3A_2111 = arith.mulf %get3A_2104, %get3A_2110 : vector<16xf32>
        %add3A_2112 = arith.addf %mul3A_2096, %mul3A_2111 : vector<16xf32>
        %mul3A_2113 = arith.mulf %get3A_2104, %get3A_2104 : vector<16xf32>
        %add3A_2114 = arith.addf %mul3A_2097, %mul3A_2113 : vector<16xf32>
        %mul3A_2115 = arith.mulf %get3A_2110, %get3A_2110 : vector<16xf32>
        %add3A_2116 = arith.addf %mul3A_2098, %mul3A_2115 : vector<16xf32>
        %get3A_2117 = arith.constant 2 : i32
        %get3A_2118 = arith.index_cast %get3A_2117 : i32 to index
        %get3A_2119 = arith.index_cast %scan3A_284 : i32 to index
        %get3A_2120 = arith.constant 96 : index
        %get3A_2121 = tpu.vector_load %arg5[%get3A_2118, %get3A_2119, %get3A_2120] {strides = array<i32>} : memref<16x24x128xf32, #tpu.memory_space<vmem>>, vector<1x1x16xf32>,
        %get3A_2122 = vector.shape_cast %get3A_2121 : vector<1x1x16xf32> to vector<16xf32>
        %get3A_2123 = arith.constant 2 : i32
        %get3A_2124 = arith.index_cast %get3A_2123 : i32 to index
        %get3A_2125 = arith.index_cast %scan3A_284 : i32 to index
        %get3A_2126 = arith.constant 96 : index
        %get3A_2127 = tpu.vector_load %arg6[%get3A_2124, %get3A_2125, %get3A_2126] {strides = array<i32>} : memref<16x24x128xf32, #tpu.memory_space<vmem>>, vector<1x1x16xf32>,
        %get3A_2128 = vector.shape_cast %get3A_2127 : vector<1x1x16xf32> to vector<16xf32>
        %mul3A_2129 = arith.mulf %get3A_2122, %get3A_2128 : vector<16xf32>
        %add3A_2130 = arith.addf %add3A_2112, %mul3A_2129 : vector<16xf32>
        %mul3A_2131 = arith.mulf %get3A_2122, %get3A_2122 : vector<16xf32>
        %add3A_2132 = arith.addf %add3A_2114, %mul3A_2131 : vector<16xf32>
        %mul3A_2133 = arith.mulf %get3A_2128, %get3A_2128 : vector<16xf32>
        %add3A_2134 = arith.addf %add3A_2116, %mul3A_2133 : vector<16xf32>
        %get3A_2135 = arith.constant 3 : i32
        %get3A_2136 = arith.index_cast %get3A_2135 : i32 to index
        %get3A_2137 = arith.index_cast %scan3A_284 : i32 to index
        %get3A_2138 = arith.constant 96 : index
        %get3A_2139 = tpu.vector_load %arg5[%get3A_2136, %get3A_2137, %get3A_2138] {strides = array<i32>} : memref<16x24x128xf32, #tpu.memory_space<vmem>>, vector<1x1x16xf32>,
        %get3A_2140 = vector.shape_cast %get3A_2139 : vector<1x1x16xf32> to vector<16xf32>
        %get3A_2141 = arith.constant 3 : i32
        %get3A_2142 = arith.index_cast %get3A_2141 : i32 to index
        %get3A_2143 = arith.index_cast %scan3A_284 : i32 to index
        %get3A_2144 = arith.constant 96 : index
        %get3A_2145 = tpu.vector_load %arg6[%get3A_2142, %get3A_2143, %get3A_2144] {strides = array<i32>} : memref<16x24x128xf32, #tpu.memory_space<vmem>>, vector<1x1x16xf32>,
        %get3A_2146 = vector.shape_cast %get3A_2145 : vector<1x1x16xf32> to vector<16xf32>
        %mul3A_2147 = arith.mulf %get3A_2140, %get3A_2146 : vector<16xf32>
        %add3A_2148 = arith.addf %add3A_2130, %mul3A_2147 : vector<16xf32>
        %mul3A_2149 = arith.mulf %get3A_2140, %get3A_2140 : vector<16xf32>
        %add3A_2150 = arith.addf %add3A_2132, %mul3A_2149 : vector<16xf32>
        %mul3A_2151 = arith.mulf %get3A_2146, %get3A_2146 : vector<16xf32>
        %add3A_2152 = arith.addf %add3A_2134, %mul3A_2151 : vector<16xf32>
        %get3A_2153 = arith.constant 4 : i32
        %get3A_2154 = arith.index_cast %get3A_2153 : i32 to index
        %get3A_2155 = arith.index_cast %scan3A_284 : i32 to index
        %get3A_2156 = arith.constant 96 : index
        %get3A_2157 = tpu.vector_load %arg5[%get3A_2154, %get3A_2155, %get3A_2156] {strides = array<i32>} : memref<16x24x128xf32, #tpu.memory_space<vmem>>, vector<1x1x16xf32>,
        %get3A_2158 = vector.shape_cast %get3A_2157 : vector<1x1x16xf32> to vector<16xf32>
        %get3A_2159 = arith.constant 4 : i32
        %get3A_2160 = arith.index_cast %get3A_2159 : i32 to index
        %get3A_2161 = arith.index_cast %scan3A_284 : i32 to index
        %get3A_2162 = arith.constant 96 : index
        %get3A_2163 = tpu.vector_load %arg6[%get3A_2160, %get3A_2161, %get3A_2162] {strides = array<i32>} : memref<16x24x128xf32, #tpu.memory_space<vmem>>, vector<1x1x16xf32>,
        %get3A_2164 = vector.shape_cast %get3A_2163 : vector<1x1x16xf32> to vector<16xf32>
        %mul3A_2165 = arith.mulf %get3A_2158, %get3A_2164 : vector<16xf32>
        %add3A_2166 = arith.addf %add3A_2148, %mul3A_2165 : vector<16xf32>
        %mul3A_2167 = arith.mulf %get3A_2158, %get3A_2158 : vector<16xf32>
        %add3A_2168 = arith.addf %add3A_2150, %mul3A_2167 : vector<16xf32>
        %mul3A_2169 = arith.mulf %get3A_2164, %get3A_2164 : vector<16xf32>
        %add3A_2170 = arith.addf %add3A_2152, %mul3A_2169 : vector<16xf32>
        %get3A_2171 = arith.constant 5 : i32
        %get3A_2172 = arith.index_cast %get3A_2171 : i32 to index
        %get3A_2173 = arith.index_cast %scan3A_284 : i32 to index
        %get3A_2174 = arith.constant 96 : index
        %get3A_2175 = tpu.vector_load %arg5[%get3A_2172, %get3A_2173, %get3A_2174] {strides = array<i32>} : memref<16x24x128xf32, #tpu.memory_space<vmem>>, vector<1x1x16xf32>,
        %get3A_2176 = vector.shape_cast %get3A_2175 : vector<1x1x16xf32> to vector<16xf32>
        %get3A_2177 = arith.constant 5 : i32
        %get3A_2178 = arith.index_cast %get3A_2177 : i32 to index
        %get3A_2179 = arith.index_cast %scan3A_284 : i32 to index
        %get3A_2180 = arith.constant 96 : index
        %get3A_2181 = tpu.vector_load %arg6[%get3A_2178, %get3A_2179, %get3A_2180] {strides = array<i32>} : memref<16x24x128xf32, #tpu.memory_space<vmem>>, vector<1x1x16xf32>,
        %get3A_2182 = vector.shape_cast %get3A_2181 : vector<1x1x16xf32> to vector<16xf32>
        %mul3A_2183 = arith.mulf %get3A_2176, %get3A_2182 : vector<16xf32>
        %add3A_2184 = arith.addf %add3A_2166, %mul3A_2183 : vector<16xf32>
        %mul3A_2185 = arith.mulf %get3A_2176, %get3A_2176 : vector<16xf32>
        %add3A_2186 = arith.addf %add3A_2168, %mul3A_2185 : vector<16xf32>
        %mul3A_2187 = arith.mulf %get3A_2182, %get3A_2182 : vector<16xf32>
        %add3A_2188 = arith.addf %add3A_2170, %mul3A_2187 : vector<16xf32>
        %get3A_2189 = arith.constant 6 : i32
        %get3A_2190 = arith.index_cast %get3A_2189 : i32 to index
        %get3A_2191 = arith.index_cast %scan3A_284 : i32 to index
        %get3A_2192 = arith.constant 96 : index
        %get3A_2193 = tpu.vector_load %arg5[%get3A_2190, %get3A_2191, %get3A_2192] {strides = array<i32>} : memref<16x24x128xf32, #tpu.memory_space<vmem>>, vector<1x1x16xf32>,
        %get3A_2194 = vector.shape_cast %get3A_2193 : vector<1x1x16xf32> to vector<16xf32>
        %get3A_2195 = arith.constant 6 : i32
        %get3A_2196 = arith.index_cast %get3A_2195 : i32 to index
        %get3A_2197 = arith.index_cast %scan3A_284 : i32 to index
        %get3A_2198 = arith.constant 96 : index
        %get3A_2199 = tpu.vector_load %arg6[%get3A_2196, %get3A_2197, %get3A_2198] {strides = array<i32>} : memref<16x24x128xf32, #tpu.memory_space<vmem>>, vector<1x1x16xf32>,
        %get3A_2200 = vector.shape_cast %get3A_2199 : vector<1x1x16xf32> to vector<16xf32>
        %mul3A_2201 = arith.mulf %get3A_2194, %get3A_2200 : vector<16xf32>
        %add3A_2202 = arith.addf %add3A_2184, %mul3A_2201 : vector<16xf32>
        %mul3A_2203 = arith.mulf %get3A_2194, %get3A_2194 : vector<16xf32>
        %add3A_2204 = arith.addf %add3A_2186, %mul3A_2203 : vector<16xf32>
        %mul3A_2205 = arith.mulf %get3A_2200, %get3A_2200 : vector<16xf32>
        %add3A_2206 = arith.addf %add3A_2188, %mul3A_2205 : vector<16xf32>
        %get3A_2207 = arith.constant 7 : i32
        %get3A_2208 = arith.index_cast %get3A_2207 : i32 to index
        %get3A_2209 = arith.index_cast %scan3A_284 : i32 to index
        %get3A_2210 = arith.constant 96 : index
        %get3A_2211 = tpu.vector_load %arg5[%get3A_2208, %get3A_2209, %get3A_2210] {strides = array<i32>} : memref<16x24x128xf32, #tpu.memory_space<vmem>>, vector<1x1x16xf32>,
        %get3A_2212 = vector.shape_cast %get3A_2211 : vector<1x1x16xf32> to vector<16xf32>
        %get3A_2213 = arith.constant 7 : i32
        %get3A_2214 = arith.index_cast %get3A_2213 : i32 to index
        %get3A_2215 = arith.index_cast %scan3A_284 : i32 to index
        %get3A_2216 = arith.constant 96 : index
        %get3A_2217 = tpu.vector_load %arg6[%get3A_2214, %get3A_2215, %get3A_2216] {strides = array<i32>} : memref<16x24x128xf32, #tpu.memory_space<vmem>>, vector<1x1x16xf32>,
        %get3A_2218 = vector.shape_cast %get3A_2217 : vector<1x1x16xf32> to vector<16xf32>
        %mul3A_2219 = arith.mulf %get3A_2212, %get3A_2218 : vector<16xf32>
        %add3A_2220 = arith.addf %add3A_2202, %mul3A_2219 : vector<16xf32>
        %mul3A_2221 = arith.mulf %get3A_2212, %get3A_2212 : vector<16xf32>
        %add3A_2222 = arith.addf %add3A_2204, %mul3A_2221 : vector<16xf32>
        %mul3A_2223 = arith.mulf %get3A_2218, %get3A_2218 : vector<16xf32>
        %add3A_2224 = arith.addf %add3A_2206, %mul3A_2223 : vector<16xf32>
        %get3A_2225 = arith.constant 8 : i32
        %get3A_2226 = arith.index_cast %get3A_2225 : i32 to index
        %get3A_2227 = arith.index_cast %scan3A_284 : i32 to index
        %get3A_2228 = arith.constant 96 : index
        %get3A_2229 = tpu.vector_load %arg5[%get3A_2226, %get3A_2227, %get3A_2228] {strides = array<i32>} : memref<16x24x128xf32, #tpu.memory_space<vmem>>, vector<1x1x16xf32>,
        %get3A_2230 = vector.shape_cast %get3A_2229 : vector<1x1x16xf32> to vector<16xf32>
        %get3A_2231 = arith.constant 8 : i32
        %get3A_2232 = arith.index_cast %get3A_2231 : i32 to index
        %get3A_2233 = arith.index_cast %scan3A_284 : i32 to index
        %get3A_2234 = arith.constant 96 : index
        %get3A_2235 = tpu.vector_load %arg6[%get3A_2232, %get3A_2233, %get3A_2234] {strides = array<i32>} : memref<16x24x128xf32, #tpu.memory_space<vmem>>, vector<1x1x16xf32>,
        %get3A_2236 = vector.shape_cast %get3A_2235 : vector<1x1x16xf32> to vector<16xf32>
        %mul3A_2237 = arith.mulf %get3A_2230, %get3A_2236 : vector<16xf32>
        %add3A_2238 = arith.addf %add3A_2220, %mul3A_2237 : vector<16xf32>
        %mul3A_2239 = arith.mulf %get3A_2230, %get3A_2230 : vector<16xf32>
        %add3A_2240 = arith.addf %add3A_2222, %mul3A_2239 : vector<16xf32>
        %mul3A_2241 = arith.mulf %get3A_2236, %get3A_2236 : vector<16xf32>
        %add3A_2242 = arith.addf %add3A_2224, %mul3A_2241 : vector<16xf32>
        %get3A_2243 = arith.constant 9 : i32
        %get3A_2244 = arith.index_cast %get3A_2243 : i32 to index
        %get3A_2245 = arith.index_cast %scan3A_284 : i32 to index
        %get3A_2246 = arith.constant 96 : index
        %get3A_2247 = tpu.vector_load %arg5[%get3A_2244, %get3A_2245, %get3A_2246] {strides = array<i32>} : memref<16x24x128xf32, #tpu.memory_space<vmem>>, vector<1x1x16xf32>,
        %get3A_2248 = vector.shape_cast %get3A_2247 : vector<1x1x16xf32> to vector<16xf32>
        %get3A_2249 = arith.constant 9 : i32
        %get3A_2250 = arith.index_cast %get3A_2249 : i32 to index
        %get3A_2251 = arith.index_cast %scan3A_284 : i32 to index
        %get3A_2252 = arith.constant 96 : index
        %get3A_2253 = tpu.vector_load %arg6[%get3A_2250, %get3A_2251, %get3A_2252] {strides = array<i32>} : memref<16x24x128xf32, #tpu.memory_space<vmem>>, vector<1x1x16xf32>,
        %get3A_2254 = vector.shape_cast %get3A_2253 : vector<1x1x16xf32> to vector<16xf32>
        %mul3A_2255 = arith.mulf %get3A_2248, %get3A_2254 : vector<16xf32>
        %add3A_2256 = arith.addf %add3A_2238, %mul3A_2255 : vector<16xf32>
        %mul3A_2257 = arith.mulf %get3A_2248, %get3A_2248 : vector<16xf32>
        %add3A_2258 = arith.addf %add3A_2240, %mul3A_2257 : vector<16xf32>
        %mul3A_2259 = arith.mulf %get3A_2254, %get3A_2254 : vector<16xf32>
        %add3A_2260 = arith.addf %add3A_2242, %mul3A_2259 : vector<16xf32>
        %get3A_2261 = arith.constant 10 : i32
        %get3A_2262 = arith.index_cast %get3A_2261 : i32 to index
        %get3A_2263 = arith.index_cast %scan3A_284 : i32 to index
        %get3A_2264 = arith.constant 96 : index
        %get3A_2265 = tpu.vector_load %arg5[%get3A_2262, %get3A_2263, %get3A_2264] {strides = array<i32>} : memref<16x24x128xf32, #tpu.memory_space<vmem>>, vector<1x1x16xf32>,
        %get3A_2266 = vector.shape_cast %get3A_2265 : vector<1x1x16xf32> to vector<16xf32>
        %get3A_2267 = arith.constant 10 : i32
        %get3A_2268 = arith.index_cast %get3A_2267 : i32 to index
        %get3A_2269 = arith.index_cast %scan3A_284 : i32 to index
        %get3A_2270 = arith.constant 96 : index
        %get3A_2271 = tpu.vector_load %arg6[%get3A_2268, %get3A_2269, %get3A_2270] {strides = array<i32>} : memref<16x24x128xf32, #tpu.memory_space<vmem>>, vector<1x1x16xf32>,
        %get3A_2272 = vector.shape_cast %get3A_2271 : vector<1x1x16xf32> to vector<16xf32>
        %mul3A_2273 = arith.mulf %get3A_2266, %get3A_2272 : vector<16xf32>
        %add3A_2274 = arith.addf %add3A_2256, %mul3A_2273 : vector<16xf32>
        %mul3A_2275 = arith.mulf %get3A_2266, %get3A_2266 : vector<16xf32>
        %add3A_2276 = arith.addf %add3A_2258, %mul3A_2275 : vector<16xf32>
        %mul3A_2277 = arith.mulf %get3A_2272, %get3A_2272 : vector<16xf32>
        %add3A_2278 = arith.addf %add3A_2260, %mul3A_2277 : vector<16xf32>
        %get3A_2279 = arith.constant 11 : i32
        %get3A_2280 = arith.index_cast %get3A_2279 : i32 to index
        %get3A_2281 = arith.index_cast %scan3A_284 : i32 to index
        %get3A_2282 = arith.constant 96 : index
        %get3A_2283 = tpu.vector_load %arg5[%get3A_2280, %get3A_2281, %get3A_2282] {strides = array<i32>} : memref<16x24x128xf32, #tpu.memory_space<vmem>>, vector<1x1x16xf32>,
        %get3A_2284 = vector.shape_cast %get3A_2283 : vector<1x1x16xf32> to vector<16xf32>
        %get3A_2285 = arith.constant 11 : i32
        %get3A_2286 = arith.index_cast %get3A_2285 : i32 to index
        %get3A_2287 = arith.index_cast %scan3A_284 : i32 to index
        %get3A_2288 = arith.constant 96 : index
        %get3A_2289 = tpu.vector_load %arg6[%get3A_2286, %get3A_2287, %get3A_2288] {strides = array<i32>} : memref<16x24x128xf32, #tpu.memory_space<vmem>>, vector<1x1x16xf32>,
        %get3A_2290 = vector.shape_cast %get3A_2289 : vector<1x1x16xf32> to vector<16xf32>
        %mul3A_2291 = arith.mulf %get3A_2284, %get3A_2290 : vector<16xf32>
        %add3A_2292 = arith.addf %add3A_2274, %mul3A_2291 : vector<16xf32>
        %mul3A_2293 = arith.mulf %get3A_2284, %get3A_2284 : vector<16xf32>
        %add3A_2294 = arith.addf %add3A_2276, %mul3A_2293 : vector<16xf32>
        %mul3A_2295 = arith.mulf %get3A_2290, %get3A_2290 : vector<16xf32>
        %add3A_2296 = arith.addf %add3A_2278, %mul3A_2295 : vector<16xf32>
        %get3A_2297 = arith.constant 12 : i32
        %get3A_2298 = arith.index_cast %get3A_2297 : i32 to index
        %get3A_2299 = arith.index_cast %scan3A_284 : i32 to index
        %get3A_2300 = arith.constant 96 : index
        %get3A_2301 = tpu.vector_load %arg5[%get3A_2298, %get3A_2299, %get3A_2300] {strides = array<i32>} : memref<16x24x128xf32, #tpu.memory_space<vmem>>, vector<1x1x16xf32>,
        %get3A_2302 = vector.shape_cast %get3A_2301 : vector<1x1x16xf32> to vector<16xf32>
        %get3A_2303 = arith.constant 12 : i32
        %get3A_2304 = arith.index_cast %get3A_2303 : i32 to index
        %get3A_2305 = arith.index_cast %scan3A_284 : i32 to index
        %get3A_2306 = arith.constant 96 : index
        %get3A_2307 = tpu.vector_load %arg6[%get3A_2304, %get3A_2305, %get3A_2306] {strides = array<i32>} : memref<16x24x128xf32, #tpu.memory_space<vmem>>, vector<1x1x16xf32>,
        %get3A_2308 = vector.shape_cast %get3A_2307 : vector<1x1x16xf32> to vector<16xf32>
        %mul3A_2309 = arith.mulf %get3A_2302, %get3A_2308 : vector<16xf32>
        %add3A_2310 = arith.addf %add3A_2292, %mul3A_2309 : vector<16xf32>
        %mul3A_2311 = arith.mulf %get3A_2302, %get3A_2302 : vector<16xf32>
        %add3A_2312 = arith.addf %add3A_2294, %mul3A_2311 : vector<16xf32>
        %mul3A_2313 = arith.mulf %get3A_2308, %get3A_2308 : vector<16xf32>
        %add3A_2314 = arith.addf %add3A_2296, %mul3A_2313 : vector<16xf32>
        %get3A_2315 = arith.constant 13 : i32
        %get3A_2316 = arith.index_cast %get3A_2315 : i32 to index
        %get3A_2317 = arith.index_cast %scan3A_284 : i32 to index
        %get3A_2318 = arith.constant 96 : index
        %get3A_2319 = tpu.vector_load %arg5[%get3A_2316, %get3A_2317, %get3A_2318] {strides = array<i32>} : memref<16x24x128xf32, #tpu.memory_space<vmem>>, vector<1x1x16xf32>,
        %get3A_2320 = vector.shape_cast %get3A_2319 : vector<1x1x16xf32> to vector<16xf32>
        %get3A_2321 = arith.constant 13 : i32
        %get3A_2322 = arith.index_cast %get3A_2321 : i32 to index
        %get3A_2323 = arith.index_cast %scan3A_284 : i32 to index
        %get3A_2324 = arith.constant 96 : index
        %get3A_2325 = tpu.vector_load %arg6[%get3A_2322, %get3A_2323, %get3A_2324] {strides = array<i32>} : memref<16x24x128xf32, #tpu.memory_space<vmem>>, vector<1x1x16xf32>,
        %get3A_2326 = vector.shape_cast %get3A_2325 : vector<1x1x16xf32> to vector<16xf32>
        %mul3A_2327 = arith.mulf %get3A_2320, %get3A_2326 : vector<16xf32>
        %add3A_2328 = arith.addf %add3A_2310, %mul3A_2327 : vector<16xf32>
        %mul3A_2329 = arith.mulf %get3A_2320, %get3A_2320 : vector<16xf32>
        %add3A_2330 = arith.addf %add3A_2312, %mul3A_2329 : vector<16xf32>
        %mul3A_2331 = arith.mulf %get3A_2326, %get3A_2326 : vector<16xf32>
        %add3A_2332 = arith.addf %add3A_2314, %mul3A_2331 : vector<16xf32>
        %get3A_2333 = arith.constant 14 : i32
        %get3A_2334 = arith.index_cast %get3A_2333 : i32 to index
        %get3A_2335 = arith.index_cast %scan3A_284 : i32 to index
        %get3A_2336 = arith.constant 96 : index
        %get3A_2337 = tpu.vector_load %arg5[%get3A_2334, %get3A_2335, %get3A_2336] {strides = array<i32>} : memref<16x24x128xf32, #tpu.memory_space<vmem>>, vector<1x1x16xf32>,
        %get3A_2338 = vector.shape_cast %get3A_2337 : vector<1x1x16xf32> to vector<16xf32>
        %get3A_2339 = arith.constant 14 : i32
        %get3A_2340 = arith.index_cast %get3A_2339 : i32 to index
        %get3A_2341 = arith.index_cast %scan3A_284 : i32 to index
        %get3A_2342 = arith.constant 96 : index
        %get3A_2343 = tpu.vector_load %arg6[%get3A_2340, %get3A_2341, %get3A_2342] {strides = array<i32>} : memref<16x24x128xf32, #tpu.memory_space<vmem>>, vector<1x1x16xf32>,
        %get3A_2344 = vector.shape_cast %get3A_2343 : vector<1x1x16xf32> to vector<16xf32>
        %mul3A_2345 = arith.mulf %get3A_2338, %get3A_2344 : vector<16xf32>
        %add3A_2346 = arith.addf %add3A_2328, %mul3A_2345 : vector<16xf32>
        %mul3A_2347 = arith.mulf %get3A_2338, %get3A_2338 : vector<16xf32>
        %add3A_2348 = arith.addf %add3A_2330, %mul3A_2347 : vector<16xf32>
        %mul3A_2349 = arith.mulf %get3A_2344, %get3A_2344 : vector<16xf32>
        %add3A_2350 = arith.addf %add3A_2332, %mul3A_2349 : vector<16xf32>
        %get3A_2351 = arith.constant 15 : i32
        %get3A_2352 = arith.index_cast %get3A_2351 : i32 to index
        %get3A_2353 = arith.index_cast %scan3A_284 : i32 to index
        %get3A_2354 = arith.constant 96 : index
        %get3A_2355 = tpu.vector_load %arg5[%get3A_2352, %get3A_2353, %get3A_2354] {strides = array<i32>} : memref<16x24x128xf32, #tpu.memory_space<vmem>>, vector<1x1x16xf32>,
        %get3A_2356 = vector.shape_cast %get3A_2355 : vector<1x1x16xf32> to vector<16xf32>
        %get3A_2357 = arith.constant 15 : i32
        %get3A_2358 = arith.index_cast %get3A_2357 : i32 to index
        %get3A_2359 = arith.index_cast %scan3A_284 : i32 to index
        %get3A_2360 = arith.constant 96 : index
        %get3A_2361 = tpu.vector_load %arg6[%get3A_2358, %get3A_2359, %get3A_2360] {strides = array<i32>} : memref<16x24x128xf32, #tpu.memory_space<vmem>>, vector<1x1x16xf32>,
        %get3A_2362 = vector.shape_cast %get3A_2361 : vector<1x1x16xf32> to vector<16xf32>
        %mul3A_2363 = arith.mulf %get3A_2356, %get3A_2362 : vector<16xf32>
        %add3A_2364 = arith.addf %add3A_2346, %mul3A_2363 : vector<16xf32>
        %mul3A_2365 = arith.mulf %get3A_2356, %get3A_2356 : vector<16xf32>
        %add3A_2366 = arith.addf %add3A_2348, %mul3A_2365 : vector<16xf32>
        %mul3A_2367 = arith.mulf %get3A_2362, %get3A_2362 : vector<16xf32>
        %add3A_2368 = arith.addf %add3A_2350, %mul3A_2367 : vector<16xf32>
        %swap3A_2369 = arith.index_cast %scan3A_284 : i32 to index
        %swap3A_2370 = arith.constant 96 : index
        %swap3A_2371 = tpu.vector_load %arg7[%swap3A_2369, %swap3A_2370] {strides = array<i32>} : memref<24x128xf32, #tpu.memory_space<vmem>>, vector<1x16xf32>,
        %swap3A_2372 = vector.shape_cast %swap3A_2371 : vector<1x16xf32> to vector<16xf32>
        %swap3A_2373 = vector.shape_cast %add3A_2364 : vector<16xf32> to vector<1x16xf32>
        tpu.vector_store %arg7[%swap3A_2369, %swap3A_2370], %swap3A_2373 {strides = array<i32>} : memref<24x128xf32, #tpu.memory_space<vmem>>, vector<1x16xf32>,
        %swap3A_2374 = arith.index_cast %scan3A_284 : i32 to index
        %swap3A_2375 = arith.constant 96 : index
        %swap3A_2376 = tpu.vector_load %arg8[%swap3A_2374, %swap3A_2375] {strides = array<i32>} : memref<24x128xf32, #tpu.memory_space<vmem>>, vector<1x16xf32>,
        %swap3A_2377 = vector.shape_cast %swap3A_2376 : vector<1x16xf32> to vector<16xf32>
        %swap3A_2378 = vector.shape_cast %add3A_2366 : vector<16xf32> to vector<1x16xf32>
        tpu.vector_store %arg8[%swap3A_2374, %swap3A_2375], %swap3A_2378 {strides = array<i32>} : memref<24x128xf32, #tpu.memory_space<vmem>>, vector<1x16xf32>,
        %swap3A_2379 = arith.index_cast %scan3A_284 : i32 to index
        %swap3A_2380 = arith.constant 96 : index
        %swap3A_2381 = tpu.vector_load %arg9[%swap3A_2379, %swap3A_2380] {strides = array<i32>} : memref<24x128xf32, #tpu.memory_space<vmem>>, vector<1x16xf32>,
        %swap3A_2382 = vector.shape_cast %swap3A_2381 : vector<1x16xf32> to vector<16xf32>
        %swap3A_2383 = vector.shape_cast %add3A_2368 : vector<16xf32> to vector<1x16xf32>
        tpu.vector_store %arg9[%swap3A_2379, %swap3A_2380], %swap3A_2383 {strides = array<i32>} : memref<24x128xf32, #tpu.memory_space<vmem>>, vector<1x16xf32>,
        %get3A_2384 = arith.constant 0 : i32
        %get3A_2385 = arith.index_cast %get3A_2384 : i32 to index
        %get3A_2386 = arith.index_cast %scan3A_284 : i32 to index
        %get3A_2387 = arith.constant 112 : index
        %get3A_2388 = tpu.vector_load %arg5[%get3A_2385, %get3A_2386, %get3A_2387] {strides = array<i32>} : memref<16x24x128xf32, #tpu.memory_space<vmem>>, vector<1x1x16xf32>,
        %get3A_2389 = vector.shape_cast %get3A_2388 : vector<1x1x16xf32> to vector<16xf32>
        %get3A_2390 = arith.constant 0 : i32
        %get3A_2391 = arith.index_cast %get3A_2390 : i32 to index
        %get3A_2392 = arith.index_cast %scan3A_284 : i32 to index
        %get3A_2393 = arith.constant 112 : index
        %get3A_2394 = tpu.vector_load %arg6[%get3A_2391, %get3A_2392, %get3A_2393] {strides = array<i32>} : memref<16x24x128xf32, #tpu.memory_space<vmem>>, vector<1x1x16xf32>,
        %get3A_2395 = vector.shape_cast %get3A_2394 : vector<1x1x16xf32> to vector<16xf32>
        %mul3A_2396 = arith.mulf %get3A_2389, %get3A_2395 : vector<16xf32>
        %mul3A_2397 = arith.mulf %get3A_2389, %get3A_2389 : vector<16xf32>
        %mul3A_2398 = arith.mulf %get3A_2395, %get3A_2395 : vector<16xf32>
        %get3A_2399 = arith.constant 1 : i32
        %get3A_2400 = arith.index_cast %get3A_2399 : i32 to index
        %get3A_2401 = arith.index_cast %scan3A_284 : i32 to index
        %get3A_2402 = arith.constant 112 : index
        %get3A_2403 = tpu.vector_load %arg5[%get3A_2400, %get3A_2401, %get3A_2402] {strides = array<i32>} : memref<16x24x128xf32, #tpu.memory_space<vmem>>, vector<1x1x16xf32>,
        %get3A_2404 = vector.shape_cast %get3A_2403 : vector<1x1x16xf32> to vector<16xf32>
        %get3A_2405 = arith.constant 1 : i32
        %get3A_2406 = arith.index_cast %get3A_2405 : i32 to index
        %get3A_2407 = arith.index_cast %scan3A_284 : i32 to index
        %get3A_2408 = arith.constant 112 : index
        %get3A_2409 = tpu.vector_load %arg6[%get3A_2406, %get3A_2407, %get3A_2408] {strides = array<i32>} : memref<16x24x128xf32, #tpu.memory_space<vmem>>, vector<1x1x16xf32>,
        %get3A_2410 = vector.shape_cast %get3A_2409 : vector<1x1x16xf32> to vector<16xf32>
        %mul3A_2411 = arith.mulf %get3A_2404, %get3A_2410 : vector<16xf32>
        %add3A_2412 = arith.addf %mul3A_2396, %mul3A_2411 : vector<16xf32>
        %mul3A_2413 = arith.mulf %get3A_2404, %get3A_2404 : vector<16xf32>
        %add3A_2414 = arith.addf %mul3A_2397, %mul3A_2413 : vector<16xf32>
        %mul3A_2415 = arith.mulf %get3A_2410, %get3A_2410 : vector<16xf32>
        %add3A_2416 = arith.addf %mul3A_2398, %mul3A_2415 : vector<16xf32>
        %get3A_2417 = arith.constant 2 : i32
        %get3A_2418 = arith.index_cast %get3A_2417 : i32 to index
        %get3A_2419 = arith.index_cast %scan3A_284 : i32 to index
        %get3A_2420 = arith.constant 112 : index
        %get3A_2421 = tpu.vector_load %arg5[%get3A_2418, %get3A_2419, %get3A_2420] {strides = array<i32>} : memref<16x24x128xf32, #tpu.memory_space<vmem>>, vector<1x1x16xf32>,
        %get3A_2422 = vector.shape_cast %get3A_2421 : vector<1x1x16xf32> to vector<16xf32>
        %get3A_2423 = arith.constant 2 : i32
        %get3A_2424 = arith.index_cast %get3A_2423 : i32 to index
        %get3A_2425 = arith.index_cast %scan3A_284 : i32 to index
        %get3A_2426 = arith.constant 112 : index
        %get3A_2427 = tpu.vector_load %arg6[%get3A_2424, %get3A_2425, %get3A_2426] {strides = array<i32>} : memref<16x24x128xf32, #tpu.memory_space<vmem>>, vector<1x1x16xf32>,
        %get3A_2428 = vector.shape_cast %get3A_2427 : vector<1x1x16xf32> to vector<16xf32>
        %mul3A_2429 = arith.mulf %get3A_2422, %get3A_2428 : vector<16xf32>
        %add3A_2430 = arith.addf %add3A_2412, %mul3A_2429 : vector<16xf32>
        %mul3A_2431 = arith.mulf %get3A_2422, %get3A_2422 : vector<16xf32>
        %add3A_2432 = arith.addf %add3A_2414, %mul3A_2431 : vector<16xf32>
        %mul3A_2433 = arith.mulf %get3A_2428, %get3A_2428 : vector<16xf32>
        %add3A_2434 = arith.addf %add3A_2416, %mul3A_2433 : vector<16xf32>
        %get3A_2435 = arith.constant 3 : i32
        %get3A_2436 = arith.index_cast %get3A_2435 : i32 to index
        %get3A_2437 = arith.index_cast %scan3A_284 : i32 to index
        %get3A_2438 = arith.constant 112 : index
        %get3A_2439 = tpu.vector_load %arg5[%get3A_2436, %get3A_2437, %get3A_2438] {strides = array<i32>} : memref<16x24x128xf32, #tpu.memory_space<vmem>>, vector<1x1x16xf32>,
        %get3A_2440 = vector.shape_cast %get3A_2439 : vector<1x1x16xf32> to vector<16xf32>
        %get3A_2441 = arith.constant 3 : i32
        %get3A_2442 = arith.index_cast %get3A_2441 : i32 to index
        %get3A_2443 = arith.index_cast %scan3A_284 : i32 to index
        %get3A_2444 = arith.constant 112 : index
        %get3A_2445 = tpu.vector_load %arg6[%get3A_2442, %get3A_2443, %get3A_2444] {strides = array<i32>} : memref<16x24x128xf32, #tpu.memory_space<vmem>>, vector<1x1x16xf32>,
        %get3A_2446 = vector.shape_cast %get3A_2445 : vector<1x1x16xf32> to vector<16xf32>
        %mul3A_2447 = arith.mulf %get3A_2440, %get3A_2446 : vector<16xf32>
        %add3A_2448 = arith.addf %add3A_2430, %mul3A_2447 : vector<16xf32>
        %mul3A_2449 = arith.mulf %get3A_2440, %get3A_2440 : vector<16xf32>
        %add3A_2450 = arith.addf %add3A_2432, %mul3A_2449 : vector<16xf32>
        %mul3A_2451 = arith.mulf %get3A_2446, %get3A_2446 : vector<16xf32>
        %add3A_2452 = arith.addf %add3A_2434, %mul3A_2451 : vector<16xf32>
        %get3A_2453 = arith.constant 4 : i32
        %get3A_2454 = arith.index_cast %get3A_2453 : i32 to index
        %get3A_2455 = arith.index_cast %scan3A_284 : i32 to index
        %get3A_2456 = arith.constant 112 : index
        %get3A_2457 = tpu.vector_load %arg5[%get3A_2454, %get3A_2455, %get3A_2456] {strides = array<i32>} : memref<16x24x128xf32, #tpu.memory_space<vmem>>, vector<1x1x16xf32>,
        %get3A_2458 = vector.shape_cast %get3A_2457 : vector<1x1x16xf32> to vector<16xf32>
        %get3A_2459 = arith.constant 4 : i32
        %get3A_2460 = arith.index_cast %get3A_2459 : i32 to index
        %get3A_2461 = arith.index_cast %scan3A_284 : i32 to index
        %get3A_2462 = arith.constant 112 : index
        %get3A_2463 = tpu.vector_load %arg6[%get3A_2460, %get3A_2461, %get3A_2462] {strides = array<i32>} : memref<16x24x128xf32, #tpu.memory_space<vmem>>, vector<1x1x16xf32>,
        %get3A_2464 = vector.shape_cast %get3A_2463 : vector<1x1x16xf32> to vector<16xf32>
        %mul3A_2465 = arith.mulf %get3A_2458, %get3A_2464 : vector<16xf32>
        %add3A_2466 = arith.addf %add3A_2448, %mul3A_2465 : vector<16xf32>
        %mul3A_2467 = arith.mulf %get3A_2458, %get3A_2458 : vector<16xf32>
        %add3A_2468 = arith.addf %add3A_2450, %mul3A_2467 : vector<16xf32>
        %mul3A_2469 = arith.mulf %get3A_2464, %get3A_2464 : vector<16xf32>
        %add3A_2470 = arith.addf %add3A_2452, %mul3A_2469 : vector<16xf32>
        %get3A_2471 = arith.constant 5 : i32
        %get3A_2472 = arith.index_cast %get3A_2471 : i32 to index
        %get3A_2473 = arith.index_cast %scan3A_284 : i32 to index
        %get3A_2474 = arith.constant 112 : index
        %get3A_2475 = tpu.vector_load %arg5[%get3A_2472, %get3A_2473, %get3A_2474] {strides = array<i32>} : memref<16x24x128xf32, #tpu.memory_space<vmem>>, vector<1x1x16xf32>,
        %get3A_2476 = vector.shape_cast %get3A_2475 : vector<1x1x16xf32> to vector<16xf32>
        %get3A_2477 = arith.constant 5 : i32
        %get3A_2478 = arith.index_cast %get3A_2477 : i32 to index
        %get3A_2479 = arith.index_cast %scan3A_284 : i32 to index
        %get3A_2480 = arith.constant 112 : index
        %get3A_2481 = tpu.vector_load %arg6[%get3A_2478, %get3A_2479, %get3A_2480] {strides = array<i32>} : memref<16x24x128xf32, #tpu.memory_space<vmem>>, vector<1x1x16xf32>,
        %get3A_2482 = vector.shape_cast %get3A_2481 : vector<1x1x16xf32> to vector<16xf32>
        %mul3A_2483 = arith.mulf %get3A_2476, %get3A_2482 : vector<16xf32>
        %add3A_2484 = arith.addf %add3A_2466, %mul3A_2483 : vector<16xf32>
        %mul3A_2485 = arith.mulf %get3A_2476, %get3A_2476 : vector<16xf32>
        %add3A_2486 = arith.addf %add3A_2468, %mul3A_2485 : vector<16xf32>
        %mul3A_2487 = arith.mulf %get3A_2482, %get3A_2482 : vector<16xf32>
        %add3A_2488 = arith.addf %add3A_2470, %mul3A_2487 : vector<16xf32>
        %get3A_2489 = arith.constant 6 : i32
        %get3A_2490 = arith.index_cast %get3A_2489 : i32 to index
        %get3A_2491 = arith.index_cast %scan3A_284 : i32 to index
        %get3A_2492 = arith.constant 112 : index
        %get3A_2493 = tpu.vector_load %arg5[%get3A_2490, %get3A_2491, %get3A_2492] {strides = array<i32>} : memref<16x24x128xf32, #tpu.memory_space<vmem>>, vector<1x1x16xf32>,
        %get3A_2494 = vector.shape_cast %get3A_2493 : vector<1x1x16xf32> to vector<16xf32>
        %get3A_2495 = arith.constant 6 : i32
        %get3A_2496 = arith.index_cast %get3A_2495 : i32 to index
        %get3A_2497 = arith.index_cast %scan3A_284 : i32 to index
        %get3A_2498 = arith.constant 112 : index
        %get3A_2499 = tpu.vector_load %arg6[%get3A_2496, %get3A_2497, %get3A_2498] {strides = array<i32>} : memref<16x24x128xf32, #tpu.memory_space<vmem>>, vector<1x1x16xf32>,
        %get3A_2500 = vector.shape_cast %get3A_2499 : vector<1x1x16xf32> to vector<16xf32>
        %mul3A_2501 = arith.mulf %get3A_2494, %get3A_2500 : vector<16xf32>
        %add3A_2502 = arith.addf %add3A_2484, %mul3A_2501 : vector<16xf32>
        %mul3A_2503 = arith.mulf %get3A_2494, %get3A_2494 : vector<16xf32>
        %add3A_2504 = arith.addf %add3A_2486, %mul3A_2503 : vector<16xf32>
        %mul3A_2505 = arith.mulf %get3A_2500, %get3A_2500 : vector<16xf32>
        %add3A_2506 = arith.addf %add3A_2488, %mul3A_2505 : vector<16xf32>
        %get3A_2507 = arith.constant 7 : i32
        %get3A_2508 = arith.index_cast %get3A_2507 : i32 to index
        %get3A_2509 = arith.index_cast %scan3A_284 : i32 to index
        %get3A_2510 = arith.constant 112 : index
        %get3A_2511 = tpu.vector_load %arg5[%get3A_2508, %get3A_2509, %get3A_2510] {strides = array<i32>} : memref<16x24x128xf32, #tpu.memory_space<vmem>>, vector<1x1x16xf32>,
        %get3A_2512 = vector.shape_cast %get3A_2511 : vector<1x1x16xf32> to vector<16xf32>
        %get3A_2513 = arith.constant 7 : i32
        %get3A_2514 = arith.index_cast %get3A_2513 : i32 to index
        %get3A_2515 = arith.index_cast %scan3A_284 : i32 to index
        %get3A_2516 = arith.constant 112 : index
        %get3A_2517 = tpu.vector_load %arg6[%get3A_2514, %get3A_2515, %get3A_2516] {strides = array<i32>} : memref<16x24x128xf32, #tpu.memory_space<vmem>>, vector<1x1x16xf32>,
        %get3A_2518 = vector.shape_cast %get3A_2517 : vector<1x1x16xf32> to vector<16xf32>
        %mul3A_2519 = arith.mulf %get3A_2512, %get3A_2518 : vector<16xf32>
        %add3A_2520 = arith.addf %add3A_2502, %mul3A_2519 : vector<16xf32>
        %mul3A_2521 = arith.mulf %get3A_2512, %get3A_2512 : vector<16xf32>
        %add3A_2522 = arith.addf %add3A_2504, %mul3A_2521 : vector<16xf32>
        %mul3A_2523 = arith.mulf %get3A_2518, %get3A_2518 : vector<16xf32>
        %add3A_2524 = arith.addf %add3A_2506, %mul3A_2523 : vector<16xf32>
        %get3A_2525 = arith.constant 8 : i32
        %get3A_2526 = arith.index_cast %get3A_2525 : i32 to index
        %get3A_2527 = arith.index_cast %scan3A_284 : i32 to index
        %get3A_2528 = arith.constant 112 : index
        %get3A_2529 = tpu.vector_load %arg5[%get3A_2526, %get3A_2527, %get3A_2528] {strides = array<i32>} : memref<16x24x128xf32, #tpu.memory_space<vmem>>, vector<1x1x16xf32>,
        %get3A_2530 = vector.shape_cast %get3A_2529 : vector<1x1x16xf32> to vector<16xf32>
        %get3A_2531 = arith.constant 8 : i32
        %get3A_2532 = arith.index_cast %get3A_2531 : i32 to index
        %get3A_2533 = arith.index_cast %scan3A_284 : i32 to index
        %get3A_2534 = arith.constant 112 : index
        %get3A_2535 = tpu.vector_load %arg6[%get3A_2532, %get3A_2533, %get3A_2534] {strides = array<i32>} : memref<16x24x128xf32, #tpu.memory_space<vmem>>, vector<1x1x16xf32>,
        %get3A_2536 = vector.shape_cast %get3A_2535 : vector<1x1x16xf32> to vector<16xf32>
        %mul3A_2537 = arith.mulf %get3A_2530, %get3A_2536 : vector<16xf32>
        %add3A_2538 = arith.addf %add3A_2520, %mul3A_2537 : vector<16xf32>
        %mul3A_2539 = arith.mulf %get3A_2530, %get3A_2530 : vector<16xf32>
        %add3A_2540 = arith.addf %add3A_2522, %mul3A_2539 : vector<16xf32>
        %mul3A_2541 = arith.mulf %get3A_2536, %get3A_2536 : vector<16xf32>
        %add3A_2542 = arith.addf %add3A_2524, %mul3A_2541 : vector<16xf32>
        %get3A_2543 = arith.constant 9 : i32
        %get3A_2544 = arith.index_cast %get3A_2543 : i32 to index
        %get3A_2545 = arith.index_cast %scan3A_284 : i32 to index
        %get3A_2546 = arith.constant 112 : index
        %get3A_2547 = tpu.vector_load %arg5[%get3A_2544, %get3A_2545, %get3A_2546] {strides = array<i32>} : memref<16x24x128xf32, #tpu.memory_space<vmem>>, vector<1x1x16xf32>,
        %get3A_2548 = vector.shape_cast %get3A_2547 : vector<1x1x16xf32> to vector<16xf32>
        %get3A_2549 = arith.constant 9 : i32
        %get3A_2550 = arith.index_cast %get3A_2549 : i32 to index
        %get3A_2551 = arith.index_cast %scan3A_284 : i32 to index
        %get3A_2552 = arith.constant 112 : index
        %get3A_2553 = tpu.vector_load %arg6[%get3A_2550, %get3A_2551, %get3A_2552] {strides = array<i32>} : memref<16x24x128xf32, #tpu.memory_space<vmem>>, vector<1x1x16xf32>,
        %get3A_2554 = vector.shape_cast %get3A_2553 : vector<1x1x16xf32> to vector<16xf32>
        %mul3A_2555 = arith.mulf %get3A_2548, %get3A_2554 : vector<16xf32>
        %add3A_2556 = arith.addf %add3A_2538, %mul3A_2555 : vector<16xf32>
        %mul3A_2557 = arith.mulf %get3A_2548, %get3A_2548 : vector<16xf32>
        %add3A_2558 = arith.addf %add3A_2540, %mul3A_2557 : vector<16xf32>
        %mul3A_2559 = arith.mulf %get3A_2554, %get3A_2554 : vector<16xf32>
        %add3A_2560 = arith.addf %add3A_2542, %mul3A_2559 : vector<16xf32>
        %get3A_2561 = arith.constant 10 : i32
        %get3A_2562 = arith.index_cast %get3A_2561 : i32 to index
        %get3A_2563 = arith.index_cast %scan3A_284 : i32 to index
        %get3A_2564 = arith.constant 112 : index
        %get3A_2565 = tpu.vector_load %arg5[%get3A_2562, %get3A_2563, %get3A_2564] {strides = array<i32>} : memref<16x24x128xf32, #tpu.memory_space<vmem>>, vector<1x1x16xf32>,
        %get3A_2566 = vector.shape_cast %get3A_2565 : vector<1x1x16xf32> to vector<16xf32>
        %get3A_2567 = arith.constant 10 : i32
        %get3A_2568 = arith.index_cast %get3A_2567 : i32 to index
        %get3A_2569 = arith.index_cast %scan3A_284 : i32 to index
        %get3A_2570 = arith.constant 112 : index
        %get3A_2571 = tpu.vector_load %arg6[%get3A_2568, %get3A_2569, %get3A_2570] {strides = array<i32>} : memref<16x24x128xf32, #tpu.memory_space<vmem>>, vector<1x1x16xf32>,
        %get3A_2572 = vector.shape_cast %get3A_2571 : vector<1x1x16xf32> to vector<16xf32>
        %mul3A_2573 = arith.mulf %get3A_2566, %get3A_2572 : vector<16xf32>
        %add3A_2574 = arith.addf %add3A_2556, %mul3A_2573 : vector<16xf32>
        %mul3A_2575 = arith.mulf %get3A_2566, %get3A_2566 : vector<16xf32>
        %add3A_2576 = arith.addf %add3A_2558, %mul3A_2575 : vector<16xf32>
        %mul3A_2577 = arith.mulf %get3A_2572, %get3A_2572 : vector<16xf32>
        %add3A_2578 = arith.addf %add3A_2560, %mul3A_2577 : vector<16xf32>
        %get3A_2579 = arith.constant 11 : i32
        %get3A_2580 = arith.index_cast %get3A_2579 : i32 to index
        %get3A_2581 = arith.index_cast %scan3A_284 : i32 to index
        %get3A_2582 = arith.constant 112 : index
        %get3A_2583 = tpu.vector_load %arg5[%get3A_2580, %get3A_2581, %get3A_2582] {strides = array<i32>} : memref<16x24x128xf32, #tpu.memory_space<vmem>>, vector<1x1x16xf32>,
        %get3A_2584 = vector.shape_cast %get3A_2583 : vector<1x1x16xf32> to vector<16xf32>
        %get3A_2585 = arith.constant 11 : i32
        %get3A_2586 = arith.index_cast %get3A_2585 : i32 to index
        %get3A_2587 = arith.index_cast %scan3A_284 : i32 to index
        %get3A_2588 = arith.constant 112 : index
        %get3A_2589 = tpu.vector_load %arg6[%get3A_2586, %get3A_2587, %get3A_2588] {strides = array<i32>} : memref<16x24x128xf32, #tpu.memory_space<vmem>>, vector<1x1x16xf32>,
        %get3A_2590 = vector.shape_cast %get3A_2589 : vector<1x1x16xf32> to vector<16xf32>
        %mul3A_2591 = arith.mulf %get3A_2584, %get3A_2590 : vector<16xf32>
        %add3A_2592 = arith.addf %add3A_2574, %mul3A_2591 : vector<16xf32>
        %mul3A_2593 = arith.mulf %get3A_2584, %get3A_2584 : vector<16xf32>
        %add3A_2594 = arith.addf %add3A_2576, %mul3A_2593 : vector<16xf32>
        %mul3A_2595 = arith.mulf %get3A_2590, %get3A_2590 : vector<16xf32>
        %add3A_2596 = arith.addf %add3A_2578, %mul3A_2595 : vector<16xf32>
        %get3A_2597 = arith.constant 12 : i32
        %get3A_2598 = arith.index_cast %get3A_2597 : i32 to index
        %get3A_2599 = arith.index_cast %scan3A_284 : i32 to index
        %get3A_2600 = arith.constant 112 : index
        %get3A_2601 = tpu.vector_load %arg5[%get3A_2598, %get3A_2599, %get3A_2600] {strides = array<i32>} : memref<16x24x128xf32, #tpu.memory_space<vmem>>, vector<1x1x16xf32>,
        %get3A_2602 = vector.shape_cast %get3A_2601 : vector<1x1x16xf32> to vector<16xf32>
        %get3A_2603 = arith.constant 12 : i32
        %get3A_2604 = arith.index_cast %get3A_2603 : i32 to index
        %get3A_2605 = arith.index_cast %scan3A_284 : i32 to index
        %get3A_2606 = arith.constant 112 : index
        %get3A_2607 = tpu.vector_load %arg6[%get3A_2604, %get3A_2605, %get3A_2606] {strides = array<i32>} : memref<16x24x128xf32, #tpu.memory_space<vmem>>, vector<1x1x16xf32>,
        %get3A_2608 = vector.shape_cast %get3A_2607 : vector<1x1x16xf32> to vector<16xf32>
        %mul3A_2609 = arith.mulf %get3A_2602, %get3A_2608 : vector<16xf32>
        %add3A_2610 = arith.addf %add3A_2592, %mul3A_2609 : vector<16xf32>
        %mul3A_2611 = arith.mulf %get3A_2602, %get3A_2602 : vector<16xf32>
        %add3A_2612 = arith.addf %add3A_2594, %mul3A_2611 : vector<16xf32>
        %mul3A_2613 = arith.mulf %get3A_2608, %get3A_2608 : vector<16xf32>
        %add3A_2614 = arith.addf %add3A_2596, %mul3A_2613 : vector<16xf32>
        %get3A_2615 = arith.constant 13 : i32
        %get3A_2616 = arith.index_cast %get3A_2615 : i32 to index
        %get3A_2617 = arith.index_cast %scan3A_284 : i32 to index
        %get3A_2618 = arith.constant 112 : index
        %get3A_2619 = tpu.vector_load %arg5[%get3A_2616, %get3A_2617, %get3A_2618] {strides = array<i32>} : memref<16x24x128xf32, #tpu.memory_space<vmem>>, vector<1x1x16xf32>,
        %get3A_2620 = vector.shape_cast %get3A_2619 : vector<1x1x16xf32> to vector<16xf32>
        %get3A_2621 = arith.constant 13 : i32
        %get3A_2622 = arith.index_cast %get3A_2621 : i32 to index
        %get3A_2623 = arith.index_cast %scan3A_284 : i32 to index
        %get3A_2624 = arith.constant 112 : index
        %get3A_2625 = tpu.vector_load %arg6[%get3A_2622, %get3A_2623, %get3A_2624] {strides = array<i32>} : memref<16x24x128xf32, #tpu.memory_space<vmem>>, vector<1x1x16xf32>,
        %get3A_2626 = vector.shape_cast %get3A_2625 : vector<1x1x16xf32> to vector<16xf32>
        %mul3A_2627 = arith.mulf %get3A_2620, %get3A_2626 : vector<16xf32>
        %add3A_2628 = arith.addf %add3A_2610, %mul3A_2627 : vector<16xf32>
        %mul3A_2629 = arith.mulf %get3A_2620, %get3A_2620 : vector<16xf32>
        %add3A_2630 = arith.addf %add3A_2612, %mul3A_2629 : vector<16xf32>
        %mul3A_2631 = arith.mulf %get3A_2626, %get3A_2626 : vector<16xf32>
        %add3A_2632 = arith.addf %add3A_2614, %mul3A_2631 : vector<16xf32>
        %get3A_2633 = arith.constant 14 : i32
        %get3A_2634 = arith.index_cast %get3A_2633 : i32 to index
        %get3A_2635 = arith.index_cast %scan3A_284 : i32 to index
        %get3A_2636 = arith.constant 112 : index
        %get3A_2637 = tpu.vector_load %arg5[%get3A_2634, %get3A_2635, %get3A_2636] {strides = array<i32>} : memref<16x24x128xf32, #tpu.memory_space<vmem>>, vector<1x1x16xf32>,
        %get3A_2638 = vector.shape_cast %get3A_2637 : vector<1x1x16xf32> to vector<16xf32>
        %get3A_2639 = arith.constant 14 : i32
        %get3A_2640 = arith.index_cast %get3A_2639 : i32 to index
        %get3A_2641 = arith.index_cast %scan3A_284 : i32 to index
        %get3A_2642 = arith.constant 112 : index
        %get3A_2643 = tpu.vector_load %arg6[%get3A_2640, %get3A_2641, %get3A_2642] {strides = array<i32>} : memref<16x24x128xf32, #tpu.memory_space<vmem>>, vector<1x1x16xf32>,
        %get3A_2644 = vector.shape_cast %get3A_2643 : vector<1x1x16xf32> to vector<16xf32>
        %mul3A_2645 = arith.mulf %get3A_2638, %get3A_2644 : vector<16xf32>
        %add3A_2646 = arith.addf %add3A_2628, %mul3A_2645 : vector<16xf32>
        %mul3A_2647 = arith.mulf %get3A_2638, %get3A_2638 : vector<16xf32>
        %add3A_2648 = arith.addf %add3A_2630, %mul3A_2647 : vector<16xf32>
        %mul3A_2649 = arith.mulf %get3A_2644, %get3A_2644 : vector<16xf32>
        %add3A_2650 = arith.addf %add3A_2632, %mul3A_2649 : vector<16xf32>
        %get3A_2651 = arith.constant 15 : i32
        %get3A_2652 = arith.index_cast %get3A_2651 : i32 to index
        %get3A_2653 = arith.index_cast %scan3A_284 : i32 to index
        %get3A_2654 = arith.constant 112 : index
        %get3A_2655 = tpu.vector_load %arg5[%get3A_2652, %get3A_2653, %get3A_2654] {strides = array<i32>} : memref<16x24x128xf32, #tpu.memory_space<vmem>>, vector<1x1x16xf32>,
        %get3A_2656 = vector.shape_cast %get3A_2655 : vector<1x1x16xf32> to vector<16xf32>
        %get3A_2657 = arith.constant 15 : i32
        %get3A_2658 = arith.index_cast %get3A_2657 : i32 to index
        %get3A_2659 = arith.index_cast %scan3A_284 : i32 to index
        %get3A_2660 = arith.constant 112 : index
        %get3A_2661 = tpu.vector_load %arg6[%get3A_2658, %get3A_2659, %get3A_2660] {strides = array<i32>} : memref<16x24x128xf32, #tpu.memory_space<vmem>>, vector<1x1x16xf32>,
        %get3A_2662 = vector.shape_cast %get3A_2661 : vector<1x1x16xf32> to vector<16xf32>
        %mul3A_2663 = arith.mulf %get3A_2656, %get3A_2662 : vector<16xf32>
        %add3A_2664 = arith.addf %add3A_2646, %mul3A_2663 : vector<16xf32>
        %mul3A_2665 = arith.mulf %get3A_2656, %get3A_2656 : vector<16xf32>
        %add3A_2666 = arith.addf %add3A_2648, %mul3A_2665 : vector<16xf32>
        %mul3A_2667 = arith.mulf %get3A_2662, %get3A_2662 : vector<16xf32>
        %add3A_2668 = arith.addf %add3A_2650, %mul3A_2667 : vector<16xf32>
        %swap3A_2669 = arith.index_cast %scan3A_284 : i32 to index
        %swap3A_2670 = arith.constant 112 : index
        %swap3A_2671 = tpu.vector_load %arg7[%swap3A_2669, %swap3A_2670] {strides = array<i32>} : memref<24x128xf32, #tpu.memory_space<vmem>>, vector<1x16xf32>,
        %swap3A_2672 = vector.shape_cast %swap3A_2671 : vector<1x16xf32> to vector<16xf32>
        %swap3A_2673 = vector.shape_cast %add3A_2664 : vector<16xf32> to vector<1x16xf32>
        tpu.vector_store %arg7[%swap3A_2669, %swap3A_2670], %swap3A_2673 {strides = array<i32>} : memref<24x128xf32, #tpu.memory_space<vmem>>, vector<1x16xf32>,
        %swap3A_2674 = arith.index_cast %scan3A_284 : i32 to index
        %swap3A_2675 = arith.constant 112 : index
        %swap3A_2676 = tpu.vector_load %arg8[%swap3A_2674, %swap3A_2675] {strides = array<i32>} : memref<24x128xf32, #tpu.memory_space<vmem>>, vector<1x16xf32>,
        %swap3A_2677 = vector.shape_cast %swap3A_2676 : vector<1x16xf32> to vector<16xf32>
        %swap3A_2678 = vector.shape_cast %add3A_2666 : vector<16xf32> to vector<1x16xf32>
        tpu.vector_store %arg8[%swap3A_2674, %swap3A_2675], %swap3A_2678 {strides = array<i32>} : memref<24x128xf32, #tpu.memory_space<vmem>>, vector<1x16xf32>,
        %swap3A_2679 = arith.index_cast %scan3A_284 : i32 to index
        %swap3A_2680 = arith.constant 112 : index
        %swap3A_2681 = tpu.vector_load %arg9[%swap3A_2679, %swap3A_2680] {strides = array<i32>} : memref<24x128xf32, #tpu.memory_space<vmem>>, vector<1x16xf32>,
        %swap3A_2682 = vector.shape_cast %swap3A_2681 : vector<1x16xf32> to vector<16xf32>
        %swap3A_2683 = vector.shape_cast %add3A_2668 : vector<16xf32> to vector<1x16xf32>
        tpu.vector_store %arg9[%swap3A_2679, %swap3A_2680], %swap3A_2683 {strides = array<i32>} : memref<24x128xf32, #tpu.memory_space<vmem>>, vector<1x16xf32>,
        %scan3A_2684 = arith.constant 0 : i32
        scf.yield %scan3A_2684 : i32
      }
      %scan3A_279 = arith.constant 24 : i32
      %run_scoped3A_280 = arith.constant 0 : i32
      "tpu.region"() ({
        %run_scoped3A_284 = tpu.sem_alloc : memref<!tpu.dma_semaphore, #tpu.memory_space<semaphore_mem>>
        %dma_start3A = arith.constant 0 : i32
        %dma_start3A_285 = tpu.memref_slice %arg4[%run_scoped3A_280, %multiple_of3A_49, %dma_start3A] : memref<3x4608x128xf32, #tpu.memory_space<hbm>> -> memref<1x24x128xf32, #tpu.memory_space<hbm>>
        %dma_start3A_286 = tpu.memref_squeeze %dma_start3A_285 : memref<1x24x128xf32, #tpu.memory_space<hbm>> -> memref<24x128xf32, #tpu.memory_space<hbm>>
        %dma_start3A_287 = arith.constant 0 : i32
        %dma_start3A_288 = tpu.memref_slice %arg4[%run_scoped3A_280, %multiple_of3A_49, %dma_start3A_287] : memref<3x4608x128xf32, #tpu.memory_space<hbm>> -> memref<1x24x128xf32, #tpu.memory_space<hbm>>
        %dma_start3A_289 = tpu.memref_squeeze %dma_start3A_288 : memref<1x24x128xf32, #tpu.memory_space<hbm>> -> memref<24x128xf32, #tpu.memory_space<hbm>>
        tpu.enqueue_dma source(%arg7 : memref<24x128xf32, #tpu.memory_space<vmem>>) target(%dma_start3A_289 : memref<24x128xf32, #tpu.memory_space<hbm>>) target_semaphore(%run_scoped3A_284 : memref<!tpu.dma_semaphore, #tpu.memory_space<semaphore_mem>>)
        %dma_wait3A = arith.constant 0 : i32
        %dma_wait3A_290 = tpu.memref_slice %arg4[%run_scoped3A_280, %multiple_of3A_49, %dma_wait3A] : memref<3x4608x128xf32, #tpu.memory_space<hbm>> -> memref<1x24x128xf32, #tpu.memory_space<hbm>>
        %dma_wait3A_291 = tpu.memref_squeeze %dma_wait3A_290 : memref<1x24x128xf32, #tpu.memory_space<hbm>> -> memref<24x128xf32, #tpu.memory_space<hbm>>
        %dma_wait3A_292 = arith.constant 0 : i32
        %dma_wait3A_293 = tpu.memref_slice %arg4[%run_scoped3A_280, %multiple_of3A_49, %dma_wait3A_292] : memref<3x4608x128xf32, #tpu.memory_space<hbm>> -> memref<1x24x128xf32, #tpu.memory_space<hbm>>
        %dma_wait3A_294 = tpu.memref_squeeze %dma_wait3A_293 : memref<1x24x128xf32, #tpu.memory_space<hbm>> -> memref<24x128xf32, #tpu.memory_space<hbm>>
        tpu.wait_dma2 semaphore(%run_scoped3A_284 : memref<!tpu.dma_semaphore, #tpu.memory_space<semaphore_mem>>) src(%arg7 : memref<24x128xf32, #tpu.memory_space<vmem>>) dst(%dma_wait3A_294 : memref<24x128xf32, #tpu.memory_space<hbm>>)
        tpu.yield
      }) : () -> ()
      %run_scoped3A_281 = arith.constant 1 : i32
      "tpu.region"() ({
        %run_scoped3A_284 = tpu.sem_alloc : memref<!tpu.dma_semaphore, #tpu.memory_space<semaphore_mem>>
        %dma_start3A = arith.constant 0 : i32
        %dma_start3A_285 = tpu.memref_slice %arg4[%run_scoped3A_281, %multiple_of3A_49, %dma_start3A] : memref<3x4608x128xf32, #tpu.memory_space<hbm>> -> memref<1x24x128xf32, #tpu.memory_space<hbm>>
        %dma_start3A_286 = tpu.memref_squeeze %dma_start3A_285 : memref<1x24x128xf32, #tpu.memory_space<hbm>> -> memref<24x128xf32, #tpu.memory_space<hbm>>
        %dma_start3A_287 = arith.constant 0 : i32
        %dma_start3A_288 = tpu.memref_slice %arg4[%run_scoped3A_281, %multiple_of3A_49, %dma_start3A_287] : memref<3x4608x128xf32, #tpu.memory_space<hbm>> -> memref<1x24x128xf32, #tpu.memory_space<hbm>>
        %dma_start3A_289 = tpu.memref_squeeze %dma_start3A_288 : memref<1x24x128xf32, #tpu.memory_space<hbm>> -> memref<24x128xf32, #tpu.memory_space<hbm>>
        tpu.enqueue_dma source(%arg8 : memref<24x128xf32, #tpu.memory_space<vmem>>) target(%dma_start3A_289 : memref<24x128xf32, #tpu.memory_space<hbm>>) target_semaphore(%run_scoped3A_284 : memref<!tpu.dma_semaphore, #tpu.memory_space<semaphore_mem>>)
        %dma_wait3A = arith.constant 0 : i32
        %dma_wait3A_290 = tpu.memref_slice %arg4[%run_scoped3A_281, %multiple_of3A_49, %dma_wait3A] : memref<3x4608x128xf32, #tpu.memory_space<hbm>> -> memref<1x24x128xf32, #tpu.memory_space<hbm>>
        %dma_wait3A_291 = tpu.memref_squeeze %dma_wait3A_290 : memref<1x24x128xf32, #tpu.memory_space<hbm>> -> memref<24x128xf32, #tpu.memory_space<hbm>>
        %dma_wait3A_292 = arith.constant 0 : i32
        %dma_wait3A_293 = tpu.memref_slice %arg4[%run_scoped3A_281, %multiple_of3A_49, %dma_wait3A_292] : memref<3x4608x128xf32, #tpu.memory_space<hbm>> -> memref<1x24x128xf32, #tpu.memory_space<hbm>>
        %dma_wait3A_294 = tpu.memref_squeeze %dma_wait3A_293 : memref<1x24x128xf32, #tpu.memory_space<hbm>> -> memref<24x128xf32, #tpu.memory_space<hbm>>
        tpu.wait_dma2 semaphore(%run_scoped3A_284 : memref<!tpu.dma_semaphore, #tpu.memory_space<semaphore_mem>>) src(%arg8 : memref<24x128xf32, #tpu.memory_space<vmem>>) dst(%dma_wait3A_294 : memref<24x128xf32, #tpu.memory_space<hbm>>)
        tpu.yield
      }) : () -> ()
      %run_scoped3A_282 = arith.constant 2 : i32
      "tpu.region"() ({
        %run_scoped3A_284 = tpu.sem_alloc : memref<!tpu.dma_semaphore, #tpu.memory_space<semaphore_mem>>
        %dma_start3A = arith.constant 0 : i32
        %dma_start3A_285 = tpu.memref_slice %arg4[%run_scoped3A_282, %multiple_of3A_49, %dma_start3A] : memref<3x4608x128xf32, #tpu.memory_space<hbm>> -> memref<1x24x128xf32, #tpu.memory_space<hbm>>
        %dma_start3A_286 = tpu.memref_squeeze %dma_start3A_285 : memref<1x24x128xf32, #tpu.memory_space<hbm>> -> memref<24x128xf32, #tpu.memory_space<hbm>>
        %dma_start3A_287 = arith.constant 0 : i32
        %dma_start3A_288 = tpu.memref_slice %arg4[%run_scoped3A_282, %multiple_of3A_49, %dma_start3A_287] : memref<3x4608x128xf32, #tpu.memory_space<hbm>> -> memref<1x24x128xf32, #tpu.memory_space<hbm>>
        %dma_start3A_289 = tpu.memref_squeeze %dma_start3A_288 : memref<1x24x128xf32, #tpu.memory_space<hbm>> -> memref<24x128xf32, #tpu.memory_space<hbm>>
        tpu.enqueue_dma source(%arg9 : memref<24x128xf32, #tpu.memory_space<vmem>>) target(%dma_start3A_289 : memref<24x128xf32, #tpu.memory_space<hbm>>) target_semaphore(%run_scoped3A_284 : memref<!tpu.dma_semaphore, #tpu.memory_space<semaphore_mem>>)
        %dma_wait3A = arith.constant 0 : i32
        %dma_wait3A_290 = tpu.memref_slice %arg4[%run_scoped3A_282, %multiple_of3A_49, %dma_wait3A] : memref<3x4608x128xf32, #tpu.memory_space<hbm>> -> memref<1x24x128xf32, #tpu.memory_space<hbm>>
        %dma_wait3A_291 = tpu.memref_squeeze %dma_wait3A_290 : memref<1x24x128xf32, #tpu.memory_space<hbm>> -> memref<24x128xf32, #tpu.memory_space<hbm>>
        %dma_wait3A_292 = arith.constant 0 : i32
        %dma_wait3A_293 = tpu.memref_slice %arg4[%run_scoped3A_282, %multiple_of3A_49, %dma_wait3A_292] : memref<3x4608x128xf32, #tpu.memory_space<hbm>> -> memref<1x24x128xf32, #tpu.memory_space<hbm>>
        %dma_wait3A_294 = tpu.memref_squeeze %dma_wait3A_293 : memref<1x24x128xf32, #tpu.memory_space<hbm>> -> memref<24x128xf32, #tpu.memory_space<hbm>>
        tpu.wait_dma2 semaphore(%run_scoped3A_284 : memref<!tpu.dma_semaphore, #tpu.memory_space<semaphore_mem>>) src(%arg9 : memref<24x128xf32, #tpu.memory_space<vmem>>) dst(%dma_wait3A_294 : memref<24x128xf32, #tpu.memory_space<hbm>>)
        tpu.yield
      }) : () -> ()
      %scan3A_283 = arith.constant 0 : i32
      scf.yield %scan3A_283 : i32
    }
    %scan3A_38 = arith.constant 6 : i32
    return
  }
}

module attributes {stable_mosaic.version = 14 : i64} {
  func.func @_tc_body(%arg0: i32, %arg1: i32, %arg2: memref<1x80x32x384xf32, #tpu.memory_space<vmem>>, %arg3: memref<1x80x32x384xf32, #tpu.memory_space<vmem>>, %arg4: memref<1x32x384xf32, #tpu.memory_space<vmem>>, %arg5: memref<1x32x384xf32, #tpu.memory_space<vmem>>, %arg6: memref<1x32x384xf32, #tpu.memory_space<vmem>>) attributes {dimension_semantics = [#tpu.dimension_semantics<arbitrary>, #tpu.dimension_semantics<arbitrary>], iteration_bounds = array<i64: 4, 12>, scalar_prefetch = 0 : i64, scratch_operands = 0 : i64, tpu.core_type = #tpu.core_type<tc>, window_params = [{transform_indices = @transform_0, window_bounds = array<i64: 1, 80, 32, 384>}, {transform_indices = @transform_1, window_bounds = array<i64: 1, 80, 32, 384>}, {transform_indices = @transform_2, window_bounds = array<i64: 1, 32, 384>}, {transform_indices = @transform_3, window_bounds = array<i64: 1, 32, 384>}, {transform_indices = @transform_4, window_bounds = array<i64: 1, 32, 384>}]} {
    %get3A = arith.constant 0 : index
    %get3A_0 = arith.constant 0 : index
    %get3A_1 = arith.constant 0 : index
    %get3A_2 = arith.constant 0 : index
    %get3A_3 = vector.load %arg2[%get3A, %get3A_0, %get3A_1, %get3A_2] : memref<1x80x32x384xf32, #tpu.memory_space<vmem>>, vector<1x1x32x384xf32>
    %get3A_4 = vector.shape_cast %get3A_3 : vector<1x1x32x384xf32> to vector<32x384xf32>
    %get3A_5 = arith.constant 0 : index
    %get3A_6 = arith.constant 0 : index
    %get3A_7 = arith.constant 0 : index
    %get3A_8 = arith.constant 0 : index
    %get3A_9 = vector.load %arg3[%get3A_5, %get3A_6, %get3A_7, %get3A_8] : memref<1x80x32x384xf32, #tpu.memory_space<vmem>>, vector<1x1x32x384xf32>
    %get3A_10 = vector.shape_cast %get3A_9 : vector<1x1x32x384xf32> to vector<32x384xf32>
    %mul3A = arith.mulf %get3A_4, %get3A_10 : vector<32x384xf32>
    %mul3A_11 = arith.mulf %get3A_4, %get3A_4 : vector<32x384xf32>
    %mul3A_12 = arith.mulf %get3A_10, %get3A_10 : vector<32x384xf32>
    %get3A_13 = arith.constant 0 : index
    %get3A_14 = arith.constant 1 : index
    %get3A_15 = arith.constant 0 : index
    %get3A_16 = arith.constant 0 : index
    %get3A_17 = vector.load %arg2[%get3A_13, %get3A_14, %get3A_15, %get3A_16] : memref<1x80x32x384xf32, #tpu.memory_space<vmem>>, vector<1x1x32x384xf32>
    %get3A_18 = vector.shape_cast %get3A_17 : vector<1x1x32x384xf32> to vector<32x384xf32>
    %get3A_19 = arith.constant 0 : index
    %get3A_20 = arith.constant 1 : index
    %get3A_21 = arith.constant 0 : index
    %get3A_22 = arith.constant 0 : index
    %get3A_23 = vector.load %arg3[%get3A_19, %get3A_20, %get3A_21, %get3A_22] : memref<1x80x32x384xf32, #tpu.memory_space<vmem>>, vector<1x1x32x384xf32>
    %get3A_24 = vector.shape_cast %get3A_23 : vector<1x1x32x384xf32> to vector<32x384xf32>
    %mul3A_25 = arith.mulf %get3A_18, %get3A_24 : vector<32x384xf32>
    %add3A = arith.addf %mul3A, %mul3A_25 : vector<32x384xf32>
    %mul3A_26 = arith.mulf %get3A_18, %get3A_18 : vector<32x384xf32>
    %add3A_27 = arith.addf %mul3A_11, %mul3A_26 : vector<32x384xf32>
    %mul3A_28 = arith.mulf %get3A_24, %get3A_24 : vector<32x384xf32>
    %add3A_29 = arith.addf %mul3A_12, %mul3A_28 : vector<32x384xf32>
    %get3A_30 = arith.constant 0 : index
    %get3A_31 = arith.constant 2 : index
    %get3A_32 = arith.constant 0 : index
    %get3A_33 = arith.constant 0 : index
    %get3A_34 = vector.load %arg2[%get3A_30, %get3A_31, %get3A_32, %get3A_33] : memref<1x80x32x384xf32, #tpu.memory_space<vmem>>, vector<1x1x32x384xf32>
    %get3A_35 = vector.shape_cast %get3A_34 : vector<1x1x32x384xf32> to vector<32x384xf32>
    %get3A_36 = arith.constant 0 : index
    %get3A_37 = arith.constant 2 : index
    %get3A_38 = arith.constant 0 : index
    %get3A_39 = arith.constant 0 : index
    %get3A_40 = vector.load %arg3[%get3A_36, %get3A_37, %get3A_38, %get3A_39] : memref<1x80x32x384xf32, #tpu.memory_space<vmem>>, vector<1x1x32x384xf32>
    %get3A_41 = vector.shape_cast %get3A_40 : vector<1x1x32x384xf32> to vector<32x384xf32>
    %mul3A_42 = arith.mulf %get3A_35, %get3A_41 : vector<32x384xf32>
    %add3A_43 = arith.addf %add3A, %mul3A_42 : vector<32x384xf32>
    %mul3A_44 = arith.mulf %get3A_35, %get3A_35 : vector<32x384xf32>
    %add3A_45 = arith.addf %add3A_27, %mul3A_44 : vector<32x384xf32>
    %mul3A_46 = arith.mulf %get3A_41, %get3A_41 : vector<32x384xf32>
    %add3A_47 = arith.addf %add3A_29, %mul3A_46 : vector<32x384xf32>
    %get3A_48 = arith.constant 0 : index
    %get3A_49 = arith.constant 3 : index
    %get3A_50 = arith.constant 0 : index
    %get3A_51 = arith.constant 0 : index
    %get3A_52 = vector.load %arg2[%get3A_48, %get3A_49, %get3A_50, %get3A_51] : memref<1x80x32x384xf32, #tpu.memory_space<vmem>>, vector<1x1x32x384xf32>
    %get3A_53 = vector.shape_cast %get3A_52 : vector<1x1x32x384xf32> to vector<32x384xf32>
    %get3A_54 = arith.constant 0 : index
    %get3A_55 = arith.constant 3 : index
    %get3A_56 = arith.constant 0 : index
    %get3A_57 = arith.constant 0 : index
    %get3A_58 = vector.load %arg3[%get3A_54, %get3A_55, %get3A_56, %get3A_57] : memref<1x80x32x384xf32, #tpu.memory_space<vmem>>, vector<1x1x32x384xf32>
    %get3A_59 = vector.shape_cast %get3A_58 : vector<1x1x32x384xf32> to vector<32x384xf32>
    %mul3A_60 = arith.mulf %get3A_53, %get3A_59 : vector<32x384xf32>
    %add3A_61 = arith.addf %add3A_43, %mul3A_60 : vector<32x384xf32>
    %mul3A_62 = arith.mulf %get3A_53, %get3A_53 : vector<32x384xf32>
    %add3A_63 = arith.addf %add3A_45, %mul3A_62 : vector<32x384xf32>
    %mul3A_64 = arith.mulf %get3A_59, %get3A_59 : vector<32x384xf32>
    %add3A_65 = arith.addf %add3A_47, %mul3A_64 : vector<32x384xf32>
    %get3A_66 = arith.constant 0 : index
    %get3A_67 = arith.constant 4 : index
    %get3A_68 = arith.constant 0 : index
    %get3A_69 = arith.constant 0 : index
    %get3A_70 = vector.load %arg2[%get3A_66, %get3A_67, %get3A_68, %get3A_69] : memref<1x80x32x384xf32, #tpu.memory_space<vmem>>, vector<1x1x32x384xf32>
    %get3A_71 = vector.shape_cast %get3A_70 : vector<1x1x32x384xf32> to vector<32x384xf32>
    %get3A_72 = arith.constant 0 : index
    %get3A_73 = arith.constant 4 : index
    %get3A_74 = arith.constant 0 : index
    %get3A_75 = arith.constant 0 : index
    %get3A_76 = vector.load %arg3[%get3A_72, %get3A_73, %get3A_74, %get3A_75] : memref<1x80x32x384xf32, #tpu.memory_space<vmem>>, vector<1x1x32x384xf32>
    %get3A_77 = vector.shape_cast %get3A_76 : vector<1x1x32x384xf32> to vector<32x384xf32>
    %mul3A_78 = arith.mulf %get3A_71, %get3A_77 : vector<32x384xf32>
    %add3A_79 = arith.addf %add3A_61, %mul3A_78 : vector<32x384xf32>
    %mul3A_80 = arith.mulf %get3A_71, %get3A_71 : vector<32x384xf32>
    %add3A_81 = arith.addf %add3A_63, %mul3A_80 : vector<32x384xf32>
    %mul3A_82 = arith.mulf %get3A_77, %get3A_77 : vector<32x384xf32>
    %add3A_83 = arith.addf %add3A_65, %mul3A_82 : vector<32x384xf32>
    %get3A_84 = arith.constant 0 : index
    %get3A_85 = arith.constant 5 : index
    %get3A_86 = arith.constant 0 : index
    %get3A_87 = arith.constant 0 : index
    %get3A_88 = vector.load %arg2[%get3A_84, %get3A_85, %get3A_86, %get3A_87] : memref<1x80x32x384xf32, #tpu.memory_space<vmem>>, vector<1x1x32x384xf32>
    %get3A_89 = vector.shape_cast %get3A_88 : vector<1x1x32x384xf32> to vector<32x384xf32>
    %get3A_90 = arith.constant 0 : index
    %get3A_91 = arith.constant 5 : index
    %get3A_92 = arith.constant 0 : index
    %get3A_93 = arith.constant 0 : index
    %get3A_94 = vector.load %arg3[%get3A_90, %get3A_91, %get3A_92, %get3A_93] : memref<1x80x32x384xf32, #tpu.memory_space<vmem>>, vector<1x1x32x384xf32>
    %get3A_95 = vector.shape_cast %get3A_94 : vector<1x1x32x384xf32> to vector<32x384xf32>
    %mul3A_96 = arith.mulf %get3A_89, %get3A_95 : vector<32x384xf32>
    %add3A_97 = arith.addf %add3A_79, %mul3A_96 : vector<32x384xf32>
    %mul3A_98 = arith.mulf %get3A_89, %get3A_89 : vector<32x384xf32>
    %add3A_99 = arith.addf %add3A_81, %mul3A_98 : vector<32x384xf32>
    %mul3A_100 = arith.mulf %get3A_95, %get3A_95 : vector<32x384xf32>
    %add3A_101 = arith.addf %add3A_83, %mul3A_100 : vector<32x384xf32>
    %get3A_102 = arith.constant 0 : index
    %get3A_103 = arith.constant 6 : index
    %get3A_104 = arith.constant 0 : index
    %get3A_105 = arith.constant 0 : index
    %get3A_106 = vector.load %arg2[%get3A_102, %get3A_103, %get3A_104, %get3A_105] : memref<1x80x32x384xf32, #tpu.memory_space<vmem>>, vector<1x1x32x384xf32>
    %get3A_107 = vector.shape_cast %get3A_106 : vector<1x1x32x384xf32> to vector<32x384xf32>
    %get3A_108 = arith.constant 0 : index
    %get3A_109 = arith.constant 6 : index
    %get3A_110 = arith.constant 0 : index
    %get3A_111 = arith.constant 0 : index
    %get3A_112 = vector.load %arg3[%get3A_108, %get3A_109, %get3A_110, %get3A_111] : memref<1x80x32x384xf32, #tpu.memory_space<vmem>>, vector<1x1x32x384xf32>
    %get3A_113 = vector.shape_cast %get3A_112 : vector<1x1x32x384xf32> to vector<32x384xf32>
    %mul3A_114 = arith.mulf %get3A_107, %get3A_113 : vector<32x384xf32>
    %add3A_115 = arith.addf %add3A_97, %mul3A_114 : vector<32x384xf32>
    %mul3A_116 = arith.mulf %get3A_107, %get3A_107 : vector<32x384xf32>
    %add3A_117 = arith.addf %add3A_99, %mul3A_116 : vector<32x384xf32>
    %mul3A_118 = arith.mulf %get3A_113, %get3A_113 : vector<32x384xf32>
    %add3A_119 = arith.addf %add3A_101, %mul3A_118 : vector<32x384xf32>
    %get3A_120 = arith.constant 0 : index
    %get3A_121 = arith.constant 7 : index
    %get3A_122 = arith.constant 0 : index
    %get3A_123 = arith.constant 0 : index
    %get3A_124 = vector.load %arg2[%get3A_120, %get3A_121, %get3A_122, %get3A_123] : memref<1x80x32x384xf32, #tpu.memory_space<vmem>>, vector<1x1x32x384xf32>
    %get3A_125 = vector.shape_cast %get3A_124 : vector<1x1x32x384xf32> to vector<32x384xf32>
    %get3A_126 = arith.constant 0 : index
    %get3A_127 = arith.constant 7 : index
    %get3A_128 = arith.constant 0 : index
    %get3A_129 = arith.constant 0 : index
    %get3A_130 = vector.load %arg3[%get3A_126, %get3A_127, %get3A_128, %get3A_129] : memref<1x80x32x384xf32, #tpu.memory_space<vmem>>, vector<1x1x32x384xf32>
    %get3A_131 = vector.shape_cast %get3A_130 : vector<1x1x32x384xf32> to vector<32x384xf32>
    %mul3A_132 = arith.mulf %get3A_125, %get3A_131 : vector<32x384xf32>
    %add3A_133 = arith.addf %add3A_115, %mul3A_132 : vector<32x384xf32>
    %mul3A_134 = arith.mulf %get3A_125, %get3A_125 : vector<32x384xf32>
    %add3A_135 = arith.addf %add3A_117, %mul3A_134 : vector<32x384xf32>
    %mul3A_136 = arith.mulf %get3A_131, %get3A_131 : vector<32x384xf32>
    %add3A_137 = arith.addf %add3A_119, %mul3A_136 : vector<32x384xf32>
    %get3A_138 = arith.constant 0 : index
    %get3A_139 = arith.constant 8 : index
    %get3A_140 = arith.constant 0 : index
    %get3A_141 = arith.constant 0 : index
    %get3A_142 = vector.load %arg2[%get3A_138, %get3A_139, %get3A_140, %get3A_141] : memref<1x80x32x384xf32, #tpu.memory_space<vmem>>, vector<1x1x32x384xf32>
    %get3A_143 = vector.shape_cast %get3A_142 : vector<1x1x32x384xf32> to vector<32x384xf32>
    %get3A_144 = arith.constant 0 : index
    %get3A_145 = arith.constant 8 : index
    %get3A_146 = arith.constant 0 : index
    %get3A_147 = arith.constant 0 : index
    %get3A_148 = vector.load %arg3[%get3A_144, %get3A_145, %get3A_146, %get3A_147] : memref<1x80x32x384xf32, #tpu.memory_space<vmem>>, vector<1x1x32x384xf32>
    %get3A_149 = vector.shape_cast %get3A_148 : vector<1x1x32x384xf32> to vector<32x384xf32>
    %mul3A_150 = arith.mulf %get3A_143, %get3A_149 : vector<32x384xf32>
    %add3A_151 = arith.addf %add3A_133, %mul3A_150 : vector<32x384xf32>
    %mul3A_152 = arith.mulf %get3A_143, %get3A_143 : vector<32x384xf32>
    %add3A_153 = arith.addf %add3A_135, %mul3A_152 : vector<32x384xf32>
    %mul3A_154 = arith.mulf %get3A_149, %get3A_149 : vector<32x384xf32>
    %add3A_155 = arith.addf %add3A_137, %mul3A_154 : vector<32x384xf32>
    %get3A_156 = arith.constant 0 : index
    %get3A_157 = arith.constant 9 : index
    %get3A_158 = arith.constant 0 : index
    %get3A_159 = arith.constant 0 : index
    %get3A_160 = vector.load %arg2[%get3A_156, %get3A_157, %get3A_158, %get3A_159] : memref<1x80x32x384xf32, #tpu.memory_space<vmem>>, vector<1x1x32x384xf32>
    %get3A_161 = vector.shape_cast %get3A_160 : vector<1x1x32x384xf32> to vector<32x384xf32>
    %get3A_162 = arith.constant 0 : index
    %get3A_163 = arith.constant 9 : index
    %get3A_164 = arith.constant 0 : index
    %get3A_165 = arith.constant 0 : index
    %get3A_166 = vector.load %arg3[%get3A_162, %get3A_163, %get3A_164, %get3A_165] : memref<1x80x32x384xf32, #tpu.memory_space<vmem>>, vector<1x1x32x384xf32>
    %get3A_167 = vector.shape_cast %get3A_166 : vector<1x1x32x384xf32> to vector<32x384xf32>
    %mul3A_168 = arith.mulf %get3A_161, %get3A_167 : vector<32x384xf32>
    %add3A_169 = arith.addf %add3A_151, %mul3A_168 : vector<32x384xf32>
    %mul3A_170 = arith.mulf %get3A_161, %get3A_161 : vector<32x384xf32>
    %add3A_171 = arith.addf %add3A_153, %mul3A_170 : vector<32x384xf32>
    %mul3A_172 = arith.mulf %get3A_167, %get3A_167 : vector<32x384xf32>
    %add3A_173 = arith.addf %add3A_155, %mul3A_172 : vector<32x384xf32>
    %get3A_174 = arith.constant 0 : index
    %get3A_175 = arith.constant 10 : index
    %get3A_176 = arith.constant 0 : index
    %get3A_177 = arith.constant 0 : index
    %get3A_178 = vector.load %arg2[%get3A_174, %get3A_175, %get3A_176, %get3A_177] : memref<1x80x32x384xf32, #tpu.memory_space<vmem>>, vector<1x1x32x384xf32>
    %get3A_179 = vector.shape_cast %get3A_178 : vector<1x1x32x384xf32> to vector<32x384xf32>
    %get3A_180 = arith.constant 0 : index
    %get3A_181 = arith.constant 10 : index
    %get3A_182 = arith.constant 0 : index
    %get3A_183 = arith.constant 0 : index
    %get3A_184 = vector.load %arg3[%get3A_180, %get3A_181, %get3A_182, %get3A_183] : memref<1x80x32x384xf32, #tpu.memory_space<vmem>>, vector<1x1x32x384xf32>
    %get3A_185 = vector.shape_cast %get3A_184 : vector<1x1x32x384xf32> to vector<32x384xf32>
    %mul3A_186 = arith.mulf %get3A_179, %get3A_185 : vector<32x384xf32>
    %add3A_187 = arith.addf %add3A_169, %mul3A_186 : vector<32x384xf32>
    %mul3A_188 = arith.mulf %get3A_179, %get3A_179 : vector<32x384xf32>
    %add3A_189 = arith.addf %add3A_171, %mul3A_188 : vector<32x384xf32>
    %mul3A_190 = arith.mulf %get3A_185, %get3A_185 : vector<32x384xf32>
    %add3A_191 = arith.addf %add3A_173, %mul3A_190 : vector<32x384xf32>
    %get3A_192 = arith.constant 0 : index
    %get3A_193 = arith.constant 11 : index
    %get3A_194 = arith.constant 0 : index
    %get3A_195 = arith.constant 0 : index
    %get3A_196 = vector.load %arg2[%get3A_192, %get3A_193, %get3A_194, %get3A_195] : memref<1x80x32x384xf32, #tpu.memory_space<vmem>>, vector<1x1x32x384xf32>
    %get3A_197 = vector.shape_cast %get3A_196 : vector<1x1x32x384xf32> to vector<32x384xf32>
    %get3A_198 = arith.constant 0 : index
    %get3A_199 = arith.constant 11 : index
    %get3A_200 = arith.constant 0 : index
    %get3A_201 = arith.constant 0 : index
    %get3A_202 = vector.load %arg3[%get3A_198, %get3A_199, %get3A_200, %get3A_201] : memref<1x80x32x384xf32, #tpu.memory_space<vmem>>, vector<1x1x32x384xf32>
    %get3A_203 = vector.shape_cast %get3A_202 : vector<1x1x32x384xf32> to vector<32x384xf32>
    %mul3A_204 = arith.mulf %get3A_197, %get3A_203 : vector<32x384xf32>
    %add3A_205 = arith.addf %add3A_187, %mul3A_204 : vector<32x384xf32>
    %mul3A_206 = arith.mulf %get3A_197, %get3A_197 : vector<32x384xf32>
    %add3A_207 = arith.addf %add3A_189, %mul3A_206 : vector<32x384xf32>
    %mul3A_208 = arith.mulf %get3A_203, %get3A_203 : vector<32x384xf32>
    %add3A_209 = arith.addf %add3A_191, %mul3A_208 : vector<32x384xf32>
    %get3A_210 = arith.constant 0 : index
    %get3A_211 = arith.constant 12 : index
    %get3A_212 = arith.constant 0 : index
    %get3A_213 = arith.constant 0 : index
    %get3A_214 = vector.load %arg2[%get3A_210, %get3A_211, %get3A_212, %get3A_213] : memref<1x80x32x384xf32, #tpu.memory_space<vmem>>, vector<1x1x32x384xf32>
    %get3A_215 = vector.shape_cast %get3A_214 : vector<1x1x32x384xf32> to vector<32x384xf32>
    %get3A_216 = arith.constant 0 : index
    %get3A_217 = arith.constant 12 : index
    %get3A_218 = arith.constant 0 : index
    %get3A_219 = arith.constant 0 : index
    %get3A_220 = vector.load %arg3[%get3A_216, %get3A_217, %get3A_218, %get3A_219] : memref<1x80x32x384xf32, #tpu.memory_space<vmem>>, vector<1x1x32x384xf32>
    %get3A_221 = vector.shape_cast %get3A_220 : vector<1x1x32x384xf32> to vector<32x384xf32>
    %mul3A_222 = arith.mulf %get3A_215, %get3A_221 : vector<32x384xf32>
    %add3A_223 = arith.addf %add3A_205, %mul3A_222 : vector<32x384xf32>
    %mul3A_224 = arith.mulf %get3A_215, %get3A_215 : vector<32x384xf32>
    %add3A_225 = arith.addf %add3A_207, %mul3A_224 : vector<32x384xf32>
    %mul3A_226 = arith.mulf %get3A_221, %get3A_221 : vector<32x384xf32>
    %add3A_227 = arith.addf %add3A_209, %mul3A_226 : vector<32x384xf32>
    %get3A_228 = arith.constant 0 : index
    %get3A_229 = arith.constant 13 : index
    %get3A_230 = arith.constant 0 : index
    %get3A_231 = arith.constant 0 : index
    %get3A_232 = vector.load %arg2[%get3A_228, %get3A_229, %get3A_230, %get3A_231] : memref<1x80x32x384xf32, #tpu.memory_space<vmem>>, vector<1x1x32x384xf32>
    %get3A_233 = vector.shape_cast %get3A_232 : vector<1x1x32x384xf32> to vector<32x384xf32>
    %get3A_234 = arith.constant 0 : index
    %get3A_235 = arith.constant 13 : index
    %get3A_236 = arith.constant 0 : index
    %get3A_237 = arith.constant 0 : index
    %get3A_238 = vector.load %arg3[%get3A_234, %get3A_235, %get3A_236, %get3A_237] : memref<1x80x32x384xf32, #tpu.memory_space<vmem>>, vector<1x1x32x384xf32>
    %get3A_239 = vector.shape_cast %get3A_238 : vector<1x1x32x384xf32> to vector<32x384xf32>
    %mul3A_240 = arith.mulf %get3A_233, %get3A_239 : vector<32x384xf32>
    %add3A_241 = arith.addf %add3A_223, %mul3A_240 : vector<32x384xf32>
    %mul3A_242 = arith.mulf %get3A_233, %get3A_233 : vector<32x384xf32>
    %add3A_243 = arith.addf %add3A_225, %mul3A_242 : vector<32x384xf32>
    %mul3A_244 = arith.mulf %get3A_239, %get3A_239 : vector<32x384xf32>
    %add3A_245 = arith.addf %add3A_227, %mul3A_244 : vector<32x384xf32>
    %get3A_246 = arith.constant 0 : index
    %get3A_247 = arith.constant 14 : index
    %get3A_248 = arith.constant 0 : index
    %get3A_249 = arith.constant 0 : index
    %get3A_250 = vector.load %arg2[%get3A_246, %get3A_247, %get3A_248, %get3A_249] : memref<1x80x32x384xf32, #tpu.memory_space<vmem>>, vector<1x1x32x384xf32>
    %get3A_251 = vector.shape_cast %get3A_250 : vector<1x1x32x384xf32> to vector<32x384xf32>
    %get3A_252 = arith.constant 0 : index
    %get3A_253 = arith.constant 14 : index
    %get3A_254 = arith.constant 0 : index
    %get3A_255 = arith.constant 0 : index
    %get3A_256 = vector.load %arg3[%get3A_252, %get3A_253, %get3A_254, %get3A_255] : memref<1x80x32x384xf32, #tpu.memory_space<vmem>>, vector<1x1x32x384xf32>
    %get3A_257 = vector.shape_cast %get3A_256 : vector<1x1x32x384xf32> to vector<32x384xf32>
    %mul3A_258 = arith.mulf %get3A_251, %get3A_257 : vector<32x384xf32>
    %add3A_259 = arith.addf %add3A_241, %mul3A_258 : vector<32x384xf32>
    %mul3A_260 = arith.mulf %get3A_251, %get3A_251 : vector<32x384xf32>
    %add3A_261 = arith.addf %add3A_243, %mul3A_260 : vector<32x384xf32>
    %mul3A_262 = arith.mulf %get3A_257, %get3A_257 : vector<32x384xf32>
    %add3A_263 = arith.addf %add3A_245, %mul3A_262 : vector<32x384xf32>
    %get3A_264 = arith.constant 0 : index
    %get3A_265 = arith.constant 15 : index
    %get3A_266 = arith.constant 0 : index
    %get3A_267 = arith.constant 0 : index
    %get3A_268 = vector.load %arg2[%get3A_264, %get3A_265, %get3A_266, %get3A_267] : memref<1x80x32x384xf32, #tpu.memory_space<vmem>>, vector<1x1x32x384xf32>
    %get3A_269 = vector.shape_cast %get3A_268 : vector<1x1x32x384xf32> to vector<32x384xf32>
    %get3A_270 = arith.constant 0 : index
    %get3A_271 = arith.constant 15 : index
    %get3A_272 = arith.constant 0 : index
    %get3A_273 = arith.constant 0 : index
    %get3A_274 = vector.load %arg3[%get3A_270, %get3A_271, %get3A_272, %get3A_273] : memref<1x80x32x384xf32, #tpu.memory_space<vmem>>, vector<1x1x32x384xf32>
    %get3A_275 = vector.shape_cast %get3A_274 : vector<1x1x32x384xf32> to vector<32x384xf32>
    %mul3A_276 = arith.mulf %get3A_269, %get3A_275 : vector<32x384xf32>
    %add3A_277 = arith.addf %add3A_259, %mul3A_276 : vector<32x384xf32>
    %mul3A_278 = arith.mulf %get3A_269, %get3A_269 : vector<32x384xf32>
    %add3A_279 = arith.addf %add3A_261, %mul3A_278 : vector<32x384xf32>
    %mul3A_280 = arith.mulf %get3A_275, %get3A_275 : vector<32x384xf32>
    %add3A_281 = arith.addf %add3A_263, %mul3A_280 : vector<32x384xf32>
    %get3A_282 = arith.constant 0 : index
    %get3A_283 = arith.constant 16 : index
    %get3A_284 = arith.constant 0 : index
    %get3A_285 = arith.constant 0 : index
    %get3A_286 = vector.load %arg2[%get3A_282, %get3A_283, %get3A_284, %get3A_285] : memref<1x80x32x384xf32, #tpu.memory_space<vmem>>, vector<1x1x32x384xf32>
    %get3A_287 = vector.shape_cast %get3A_286 : vector<1x1x32x384xf32> to vector<32x384xf32>
    %get3A_288 = arith.constant 0 : index
    %get3A_289 = arith.constant 16 : index
    %get3A_290 = arith.constant 0 : index
    %get3A_291 = arith.constant 0 : index
    %get3A_292 = vector.load %arg3[%get3A_288, %get3A_289, %get3A_290, %get3A_291] : memref<1x80x32x384xf32, #tpu.memory_space<vmem>>, vector<1x1x32x384xf32>
    %get3A_293 = vector.shape_cast %get3A_292 : vector<1x1x32x384xf32> to vector<32x384xf32>
    %mul3A_294 = arith.mulf %get3A_287, %get3A_293 : vector<32x384xf32>
    %add3A_295 = arith.addf %add3A_277, %mul3A_294 : vector<32x384xf32>
    %mul3A_296 = arith.mulf %get3A_287, %get3A_287 : vector<32x384xf32>
    %add3A_297 = arith.addf %add3A_279, %mul3A_296 : vector<32x384xf32>
    %mul3A_298 = arith.mulf %get3A_293, %get3A_293 : vector<32x384xf32>
    %add3A_299 = arith.addf %add3A_281, %mul3A_298 : vector<32x384xf32>
    %get3A_300 = arith.constant 0 : index
    %get3A_301 = arith.constant 17 : index
    %get3A_302 = arith.constant 0 : index
    %get3A_303 = arith.constant 0 : index
    %get3A_304 = vector.load %arg2[%get3A_300, %get3A_301, %get3A_302, %get3A_303] : memref<1x80x32x384xf32, #tpu.memory_space<vmem>>, vector<1x1x32x384xf32>
    %get3A_305 = vector.shape_cast %get3A_304 : vector<1x1x32x384xf32> to vector<32x384xf32>
    %get3A_306 = arith.constant 0 : index
    %get3A_307 = arith.constant 17 : index
    %get3A_308 = arith.constant 0 : index
    %get3A_309 = arith.constant 0 : index
    %get3A_310 = vector.load %arg3[%get3A_306, %get3A_307, %get3A_308, %get3A_309] : memref<1x80x32x384xf32, #tpu.memory_space<vmem>>, vector<1x1x32x384xf32>
    %get3A_311 = vector.shape_cast %get3A_310 : vector<1x1x32x384xf32> to vector<32x384xf32>
    %mul3A_312 = arith.mulf %get3A_305, %get3A_311 : vector<32x384xf32>
    %add3A_313 = arith.addf %add3A_295, %mul3A_312 : vector<32x384xf32>
    %mul3A_314 = arith.mulf %get3A_305, %get3A_305 : vector<32x384xf32>
    %add3A_315 = arith.addf %add3A_297, %mul3A_314 : vector<32x384xf32>
    %mul3A_316 = arith.mulf %get3A_311, %get3A_311 : vector<32x384xf32>
    %add3A_317 = arith.addf %add3A_299, %mul3A_316 : vector<32x384xf32>
    %get3A_318 = arith.constant 0 : index
    %get3A_319 = arith.constant 18 : index
    %get3A_320 = arith.constant 0 : index
    %get3A_321 = arith.constant 0 : index
    %get3A_322 = vector.load %arg2[%get3A_318, %get3A_319, %get3A_320, %get3A_321] : memref<1x80x32x384xf32, #tpu.memory_space<vmem>>, vector<1x1x32x384xf32>
    %get3A_323 = vector.shape_cast %get3A_322 : vector<1x1x32x384xf32> to vector<32x384xf32>
    %get3A_324 = arith.constant 0 : index
    %get3A_325 = arith.constant 18 : index
    %get3A_326 = arith.constant 0 : index
    %get3A_327 = arith.constant 0 : index
    %get3A_328 = vector.load %arg3[%get3A_324, %get3A_325, %get3A_326, %get3A_327] : memref<1x80x32x384xf32, #tpu.memory_space<vmem>>, vector<1x1x32x384xf32>
    %get3A_329 = vector.shape_cast %get3A_328 : vector<1x1x32x384xf32> to vector<32x384xf32>
    %mul3A_330 = arith.mulf %get3A_323, %get3A_329 : vector<32x384xf32>
    %add3A_331 = arith.addf %add3A_313, %mul3A_330 : vector<32x384xf32>
    %mul3A_332 = arith.mulf %get3A_323, %get3A_323 : vector<32x384xf32>
    %add3A_333 = arith.addf %add3A_315, %mul3A_332 : vector<32x384xf32>
    %mul3A_334 = arith.mulf %get3A_329, %get3A_329 : vector<32x384xf32>
    %add3A_335 = arith.addf %add3A_317, %mul3A_334 : vector<32x384xf32>
    %get3A_336 = arith.constant 0 : index
    %get3A_337 = arith.constant 19 : index
    %get3A_338 = arith.constant 0 : index
    %get3A_339 = arith.constant 0 : index
    %get3A_340 = vector.load %arg2[%get3A_336, %get3A_337, %get3A_338, %get3A_339] : memref<1x80x32x384xf32, #tpu.memory_space<vmem>>, vector<1x1x32x384xf32>
    %get3A_341 = vector.shape_cast %get3A_340 : vector<1x1x32x384xf32> to vector<32x384xf32>
    %get3A_342 = arith.constant 0 : index
    %get3A_343 = arith.constant 19 : index
    %get3A_344 = arith.constant 0 : index
    %get3A_345 = arith.constant 0 : index
    %get3A_346 = vector.load %arg3[%get3A_342, %get3A_343, %get3A_344, %get3A_345] : memref<1x80x32x384xf32, #tpu.memory_space<vmem>>, vector<1x1x32x384xf32>
    %get3A_347 = vector.shape_cast %get3A_346 : vector<1x1x32x384xf32> to vector<32x384xf32>
    %mul3A_348 = arith.mulf %get3A_341, %get3A_347 : vector<32x384xf32>
    %add3A_349 = arith.addf %add3A_331, %mul3A_348 : vector<32x384xf32>
    %mul3A_350 = arith.mulf %get3A_341, %get3A_341 : vector<32x384xf32>
    %add3A_351 = arith.addf %add3A_333, %mul3A_350 : vector<32x384xf32>
    %mul3A_352 = arith.mulf %get3A_347, %get3A_347 : vector<32x384xf32>
    %add3A_353 = arith.addf %add3A_335, %mul3A_352 : vector<32x384xf32>
    %get3A_354 = arith.constant 0 : index
    %get3A_355 = arith.constant 20 : index
    %get3A_356 = arith.constant 0 : index
    %get3A_357 = arith.constant 0 : index
    %get3A_358 = vector.load %arg2[%get3A_354, %get3A_355, %get3A_356, %get3A_357] : memref<1x80x32x384xf32, #tpu.memory_space<vmem>>, vector<1x1x32x384xf32>
    %get3A_359 = vector.shape_cast %get3A_358 : vector<1x1x32x384xf32> to vector<32x384xf32>
    %get3A_360 = arith.constant 0 : index
    %get3A_361 = arith.constant 20 : index
    %get3A_362 = arith.constant 0 : index
    %get3A_363 = arith.constant 0 : index
    %get3A_364 = vector.load %arg3[%get3A_360, %get3A_361, %get3A_362, %get3A_363] : memref<1x80x32x384xf32, #tpu.memory_space<vmem>>, vector<1x1x32x384xf32>
    %get3A_365 = vector.shape_cast %get3A_364 : vector<1x1x32x384xf32> to vector<32x384xf32>
    %mul3A_366 = arith.mulf %get3A_359, %get3A_365 : vector<32x384xf32>
    %add3A_367 = arith.addf %add3A_349, %mul3A_366 : vector<32x384xf32>
    %mul3A_368 = arith.mulf %get3A_359, %get3A_359 : vector<32x384xf32>
    %add3A_369 = arith.addf %add3A_351, %mul3A_368 : vector<32x384xf32>
    %mul3A_370 = arith.mulf %get3A_365, %get3A_365 : vector<32x384xf32>
    %add3A_371 = arith.addf %add3A_353, %mul3A_370 : vector<32x384xf32>
    %get3A_372 = arith.constant 0 : index
    %get3A_373 = arith.constant 21 : index
    %get3A_374 = arith.constant 0 : index
    %get3A_375 = arith.constant 0 : index
    %get3A_376 = vector.load %arg2[%get3A_372, %get3A_373, %get3A_374, %get3A_375] : memref<1x80x32x384xf32, #tpu.memory_space<vmem>>, vector<1x1x32x384xf32>
    %get3A_377 = vector.shape_cast %get3A_376 : vector<1x1x32x384xf32> to vector<32x384xf32>
    %get3A_378 = arith.constant 0 : index
    %get3A_379 = arith.constant 21 : index
    %get3A_380 = arith.constant 0 : index
    %get3A_381 = arith.constant 0 : index
    %get3A_382 = vector.load %arg3[%get3A_378, %get3A_379, %get3A_380, %get3A_381] : memref<1x80x32x384xf32, #tpu.memory_space<vmem>>, vector<1x1x32x384xf32>
    %get3A_383 = vector.shape_cast %get3A_382 : vector<1x1x32x384xf32> to vector<32x384xf32>
    %mul3A_384 = arith.mulf %get3A_377, %get3A_383 : vector<32x384xf32>
    %add3A_385 = arith.addf %add3A_367, %mul3A_384 : vector<32x384xf32>
    %mul3A_386 = arith.mulf %get3A_377, %get3A_377 : vector<32x384xf32>
    %add3A_387 = arith.addf %add3A_369, %mul3A_386 : vector<32x384xf32>
    %mul3A_388 = arith.mulf %get3A_383, %get3A_383 : vector<32x384xf32>
    %add3A_389 = arith.addf %add3A_371, %mul3A_388 : vector<32x384xf32>
    %get3A_390 = arith.constant 0 : index
    %get3A_391 = arith.constant 22 : index
    %get3A_392 = arith.constant 0 : index
    %get3A_393 = arith.constant 0 : index
    %get3A_394 = vector.load %arg2[%get3A_390, %get3A_391, %get3A_392, %get3A_393] : memref<1x80x32x384xf32, #tpu.memory_space<vmem>>, vector<1x1x32x384xf32>
    %get3A_395 = vector.shape_cast %get3A_394 : vector<1x1x32x384xf32> to vector<32x384xf32>
    %get3A_396 = arith.constant 0 : index
    %get3A_397 = arith.constant 22 : index
    %get3A_398 = arith.constant 0 : index
    %get3A_399 = arith.constant 0 : index
    %get3A_400 = vector.load %arg3[%get3A_396, %get3A_397, %get3A_398, %get3A_399] : memref<1x80x32x384xf32, #tpu.memory_space<vmem>>, vector<1x1x32x384xf32>
    %get3A_401 = vector.shape_cast %get3A_400 : vector<1x1x32x384xf32> to vector<32x384xf32>
    %mul3A_402 = arith.mulf %get3A_395, %get3A_401 : vector<32x384xf32>
    %add3A_403 = arith.addf %add3A_385, %mul3A_402 : vector<32x384xf32>
    %mul3A_404 = arith.mulf %get3A_395, %get3A_395 : vector<32x384xf32>
    %add3A_405 = arith.addf %add3A_387, %mul3A_404 : vector<32x384xf32>
    %mul3A_406 = arith.mulf %get3A_401, %get3A_401 : vector<32x384xf32>
    %add3A_407 = arith.addf %add3A_389, %mul3A_406 : vector<32x384xf32>
    %get3A_408 = arith.constant 0 : index
    %get3A_409 = arith.constant 23 : index
    %get3A_410 = arith.constant 0 : index
    %get3A_411 = arith.constant 0 : index
    %get3A_412 = vector.load %arg2[%get3A_408, %get3A_409, %get3A_410, %get3A_411] : memref<1x80x32x384xf32, #tpu.memory_space<vmem>>, vector<1x1x32x384xf32>
    %get3A_413 = vector.shape_cast %get3A_412 : vector<1x1x32x384xf32> to vector<32x384xf32>
    %get3A_414 = arith.constant 0 : index
    %get3A_415 = arith.constant 23 : index
    %get3A_416 = arith.constant 0 : index
    %get3A_417 = arith.constant 0 : index
    %get3A_418 = vector.load %arg3[%get3A_414, %get3A_415, %get3A_416, %get3A_417] : memref<1x80x32x384xf32, #tpu.memory_space<vmem>>, vector<1x1x32x384xf32>
    %get3A_419 = vector.shape_cast %get3A_418 : vector<1x1x32x384xf32> to vector<32x384xf32>
    %mul3A_420 = arith.mulf %get3A_413, %get3A_419 : vector<32x384xf32>
    %add3A_421 = arith.addf %add3A_403, %mul3A_420 : vector<32x384xf32>
    %mul3A_422 = arith.mulf %get3A_413, %get3A_413 : vector<32x384xf32>
    %add3A_423 = arith.addf %add3A_405, %mul3A_422 : vector<32x384xf32>
    %mul3A_424 = arith.mulf %get3A_419, %get3A_419 : vector<32x384xf32>
    %add3A_425 = arith.addf %add3A_407, %mul3A_424 : vector<32x384xf32>
    %get3A_426 = arith.constant 0 : index
    %get3A_427 = arith.constant 24 : index
    %get3A_428 = arith.constant 0 : index
    %get3A_429 = arith.constant 0 : index
    %get3A_430 = vector.load %arg2[%get3A_426, %get3A_427, %get3A_428, %get3A_429] : memref<1x80x32x384xf32, #tpu.memory_space<vmem>>, vector<1x1x32x384xf32>
    %get3A_431 = vector.shape_cast %get3A_430 : vector<1x1x32x384xf32> to vector<32x384xf32>
    %get3A_432 = arith.constant 0 : index
    %get3A_433 = arith.constant 24 : index
    %get3A_434 = arith.constant 0 : index
    %get3A_435 = arith.constant 0 : index
    %get3A_436 = vector.load %arg3[%get3A_432, %get3A_433, %get3A_434, %get3A_435] : memref<1x80x32x384xf32, #tpu.memory_space<vmem>>, vector<1x1x32x384xf32>
    %get3A_437 = vector.shape_cast %get3A_436 : vector<1x1x32x384xf32> to vector<32x384xf32>
    %mul3A_438 = arith.mulf %get3A_431, %get3A_437 : vector<32x384xf32>
    %add3A_439 = arith.addf %add3A_421, %mul3A_438 : vector<32x384xf32>
    %mul3A_440 = arith.mulf %get3A_431, %get3A_431 : vector<32x384xf32>
    %add3A_441 = arith.addf %add3A_423, %mul3A_440 : vector<32x384xf32>
    %mul3A_442 = arith.mulf %get3A_437, %get3A_437 : vector<32x384xf32>
    %add3A_443 = arith.addf %add3A_425, %mul3A_442 : vector<32x384xf32>
    %get3A_444 = arith.constant 0 : index
    %get3A_445 = arith.constant 25 : index
    %get3A_446 = arith.constant 0 : index
    %get3A_447 = arith.constant 0 : index
    %get3A_448 = vector.load %arg2[%get3A_444, %get3A_445, %get3A_446, %get3A_447] : memref<1x80x32x384xf32, #tpu.memory_space<vmem>>, vector<1x1x32x384xf32>
    %get3A_449 = vector.shape_cast %get3A_448 : vector<1x1x32x384xf32> to vector<32x384xf32>
    %get3A_450 = arith.constant 0 : index
    %get3A_451 = arith.constant 25 : index
    %get3A_452 = arith.constant 0 : index
    %get3A_453 = arith.constant 0 : index
    %get3A_454 = vector.load %arg3[%get3A_450, %get3A_451, %get3A_452, %get3A_453] : memref<1x80x32x384xf32, #tpu.memory_space<vmem>>, vector<1x1x32x384xf32>
    %get3A_455 = vector.shape_cast %get3A_454 : vector<1x1x32x384xf32> to vector<32x384xf32>
    %mul3A_456 = arith.mulf %get3A_449, %get3A_455 : vector<32x384xf32>
    %add3A_457 = arith.addf %add3A_439, %mul3A_456 : vector<32x384xf32>
    %mul3A_458 = arith.mulf %get3A_449, %get3A_449 : vector<32x384xf32>
    %add3A_459 = arith.addf %add3A_441, %mul3A_458 : vector<32x384xf32>
    %mul3A_460 = arith.mulf %get3A_455, %get3A_455 : vector<32x384xf32>
    %add3A_461 = arith.addf %add3A_443, %mul3A_460 : vector<32x384xf32>
    %get3A_462 = arith.constant 0 : index
    %get3A_463 = arith.constant 26 : index
    %get3A_464 = arith.constant 0 : index
    %get3A_465 = arith.constant 0 : index
    %get3A_466 = vector.load %arg2[%get3A_462, %get3A_463, %get3A_464, %get3A_465] : memref<1x80x32x384xf32, #tpu.memory_space<vmem>>, vector<1x1x32x384xf32>
    %get3A_467 = vector.shape_cast %get3A_466 : vector<1x1x32x384xf32> to vector<32x384xf32>
    %get3A_468 = arith.constant 0 : index
    %get3A_469 = arith.constant 26 : index
    %get3A_470 = arith.constant 0 : index
    %get3A_471 = arith.constant 0 : index
    %get3A_472 = vector.load %arg3[%get3A_468, %get3A_469, %get3A_470, %get3A_471] : memref<1x80x32x384xf32, #tpu.memory_space<vmem>>, vector<1x1x32x384xf32>
    %get3A_473 = vector.shape_cast %get3A_472 : vector<1x1x32x384xf32> to vector<32x384xf32>
    %mul3A_474 = arith.mulf %get3A_467, %get3A_473 : vector<32x384xf32>
    %add3A_475 = arith.addf %add3A_457, %mul3A_474 : vector<32x384xf32>
    %mul3A_476 = arith.mulf %get3A_467, %get3A_467 : vector<32x384xf32>
    %add3A_477 = arith.addf %add3A_459, %mul3A_476 : vector<32x384xf32>
    %mul3A_478 = arith.mulf %get3A_473, %get3A_473 : vector<32x384xf32>
    %add3A_479 = arith.addf %add3A_461, %mul3A_478 : vector<32x384xf32>
    %get3A_480 = arith.constant 0 : index
    %get3A_481 = arith.constant 27 : index
    %get3A_482 = arith.constant 0 : index
    %get3A_483 = arith.constant 0 : index
    %get3A_484 = vector.load %arg2[%get3A_480, %get3A_481, %get3A_482, %get3A_483] : memref<1x80x32x384xf32, #tpu.memory_space<vmem>>, vector<1x1x32x384xf32>
    %get3A_485 = vector.shape_cast %get3A_484 : vector<1x1x32x384xf32> to vector<32x384xf32>
    %get3A_486 = arith.constant 0 : index
    %get3A_487 = arith.constant 27 : index
    %get3A_488 = arith.constant 0 : index
    %get3A_489 = arith.constant 0 : index
    %get3A_490 = vector.load %arg3[%get3A_486, %get3A_487, %get3A_488, %get3A_489] : memref<1x80x32x384xf32, #tpu.memory_space<vmem>>, vector<1x1x32x384xf32>
    %get3A_491 = vector.shape_cast %get3A_490 : vector<1x1x32x384xf32> to vector<32x384xf32>
    %mul3A_492 = arith.mulf %get3A_485, %get3A_491 : vector<32x384xf32>
    %add3A_493 = arith.addf %add3A_475, %mul3A_492 : vector<32x384xf32>
    %mul3A_494 = arith.mulf %get3A_485, %get3A_485 : vector<32x384xf32>
    %add3A_495 = arith.addf %add3A_477, %mul3A_494 : vector<32x384xf32>
    %mul3A_496 = arith.mulf %get3A_491, %get3A_491 : vector<32x384xf32>
    %add3A_497 = arith.addf %add3A_479, %mul3A_496 : vector<32x384xf32>
    %get3A_498 = arith.constant 0 : index
    %get3A_499 = arith.constant 28 : index
    %get3A_500 = arith.constant 0 : index
    %get3A_501 = arith.constant 0 : index
    %get3A_502 = vector.load %arg2[%get3A_498, %get3A_499, %get3A_500, %get3A_501] : memref<1x80x32x384xf32, #tpu.memory_space<vmem>>, vector<1x1x32x384xf32>
    %get3A_503 = vector.shape_cast %get3A_502 : vector<1x1x32x384xf32> to vector<32x384xf32>
    %get3A_504 = arith.constant 0 : index
    %get3A_505 = arith.constant 28 : index
    %get3A_506 = arith.constant 0 : index
    %get3A_507 = arith.constant 0 : index
    %get3A_508 = vector.load %arg3[%get3A_504, %get3A_505, %get3A_506, %get3A_507] : memref<1x80x32x384xf32, #tpu.memory_space<vmem>>, vector<1x1x32x384xf32>
    %get3A_509 = vector.shape_cast %get3A_508 : vector<1x1x32x384xf32> to vector<32x384xf32>
    %mul3A_510 = arith.mulf %get3A_503, %get3A_509 : vector<32x384xf32>
    %add3A_511 = arith.addf %add3A_493, %mul3A_510 : vector<32x384xf32>
    %mul3A_512 = arith.mulf %get3A_503, %get3A_503 : vector<32x384xf32>
    %add3A_513 = arith.addf %add3A_495, %mul3A_512 : vector<32x384xf32>
    %mul3A_514 = arith.mulf %get3A_509, %get3A_509 : vector<32x384xf32>
    %add3A_515 = arith.addf %add3A_497, %mul3A_514 : vector<32x384xf32>
    %get3A_516 = arith.constant 0 : index
    %get3A_517 = arith.constant 29 : index
    %get3A_518 = arith.constant 0 : index
    %get3A_519 = arith.constant 0 : index
    %get3A_520 = vector.load %arg2[%get3A_516, %get3A_517, %get3A_518, %get3A_519] : memref<1x80x32x384xf32, #tpu.memory_space<vmem>>, vector<1x1x32x384xf32>
    %get3A_521 = vector.shape_cast %get3A_520 : vector<1x1x32x384xf32> to vector<32x384xf32>
    %get3A_522 = arith.constant 0 : index
    %get3A_523 = arith.constant 29 : index
    %get3A_524 = arith.constant 0 : index
    %get3A_525 = arith.constant 0 : index
    %get3A_526 = vector.load %arg3[%get3A_522, %get3A_523, %get3A_524, %get3A_525] : memref<1x80x32x384xf32, #tpu.memory_space<vmem>>, vector<1x1x32x384xf32>
    %get3A_527 = vector.shape_cast %get3A_526 : vector<1x1x32x384xf32> to vector<32x384xf32>
    %mul3A_528 = arith.mulf %get3A_521, %get3A_527 : vector<32x384xf32>
    %add3A_529 = arith.addf %add3A_511, %mul3A_528 : vector<32x384xf32>
    %mul3A_530 = arith.mulf %get3A_521, %get3A_521 : vector<32x384xf32>
    %add3A_531 = arith.addf %add3A_513, %mul3A_530 : vector<32x384xf32>
    %mul3A_532 = arith.mulf %get3A_527, %get3A_527 : vector<32x384xf32>
    %add3A_533 = arith.addf %add3A_515, %mul3A_532 : vector<32x384xf32>
    %get3A_534 = arith.constant 0 : index
    %get3A_535 = arith.constant 30 : index
    %get3A_536 = arith.constant 0 : index
    %get3A_537 = arith.constant 0 : index
    %get3A_538 = vector.load %arg2[%get3A_534, %get3A_535, %get3A_536, %get3A_537] : memref<1x80x32x384xf32, #tpu.memory_space<vmem>>, vector<1x1x32x384xf32>
    %get3A_539 = vector.shape_cast %get3A_538 : vector<1x1x32x384xf32> to vector<32x384xf32>
    %get3A_540 = arith.constant 0 : index
    %get3A_541 = arith.constant 30 : index
    %get3A_542 = arith.constant 0 : index
    %get3A_543 = arith.constant 0 : index
    %get3A_544 = vector.load %arg3[%get3A_540, %get3A_541, %get3A_542, %get3A_543] : memref<1x80x32x384xf32, #tpu.memory_space<vmem>>, vector<1x1x32x384xf32>
    %get3A_545 = vector.shape_cast %get3A_544 : vector<1x1x32x384xf32> to vector<32x384xf32>
    %mul3A_546 = arith.mulf %get3A_539, %get3A_545 : vector<32x384xf32>
    %add3A_547 = arith.addf %add3A_529, %mul3A_546 : vector<32x384xf32>
    %mul3A_548 = arith.mulf %get3A_539, %get3A_539 : vector<32x384xf32>
    %add3A_549 = arith.addf %add3A_531, %mul3A_548 : vector<32x384xf32>
    %mul3A_550 = arith.mulf %get3A_545, %get3A_545 : vector<32x384xf32>
    %add3A_551 = arith.addf %add3A_533, %mul3A_550 : vector<32x384xf32>
    %get3A_552 = arith.constant 0 : index
    %get3A_553 = arith.constant 31 : index
    %get3A_554 = arith.constant 0 : index
    %get3A_555 = arith.constant 0 : index
    %get3A_556 = vector.load %arg2[%get3A_552, %get3A_553, %get3A_554, %get3A_555] : memref<1x80x32x384xf32, #tpu.memory_space<vmem>>, vector<1x1x32x384xf32>
    %get3A_557 = vector.shape_cast %get3A_556 : vector<1x1x32x384xf32> to vector<32x384xf32>
    %get3A_558 = arith.constant 0 : index
    %get3A_559 = arith.constant 31 : index
    %get3A_560 = arith.constant 0 : index
    %get3A_561 = arith.constant 0 : index
    %get3A_562 = vector.load %arg3[%get3A_558, %get3A_559, %get3A_560, %get3A_561] : memref<1x80x32x384xf32, #tpu.memory_space<vmem>>, vector<1x1x32x384xf32>
    %get3A_563 = vector.shape_cast %get3A_562 : vector<1x1x32x384xf32> to vector<32x384xf32>
    %mul3A_564 = arith.mulf %get3A_557, %get3A_563 : vector<32x384xf32>
    %add3A_565 = arith.addf %add3A_547, %mul3A_564 : vector<32x384xf32>
    %mul3A_566 = arith.mulf %get3A_557, %get3A_557 : vector<32x384xf32>
    %add3A_567 = arith.addf %add3A_549, %mul3A_566 : vector<32x384xf32>
    %mul3A_568 = arith.mulf %get3A_563, %get3A_563 : vector<32x384xf32>
    %add3A_569 = arith.addf %add3A_551, %mul3A_568 : vector<32x384xf32>
    %get3A_570 = arith.constant 0 : index
    %get3A_571 = arith.constant 32 : index
    %get3A_572 = arith.constant 0 : index
    %get3A_573 = arith.constant 0 : index
    %get3A_574 = vector.load %arg2[%get3A_570, %get3A_571, %get3A_572, %get3A_573] : memref<1x80x32x384xf32, #tpu.memory_space<vmem>>, vector<1x1x32x384xf32>
    %get3A_575 = vector.shape_cast %get3A_574 : vector<1x1x32x384xf32> to vector<32x384xf32>
    %get3A_576 = arith.constant 0 : index
    %get3A_577 = arith.constant 32 : index
    %get3A_578 = arith.constant 0 : index
    %get3A_579 = arith.constant 0 : index
    %get3A_580 = vector.load %arg3[%get3A_576, %get3A_577, %get3A_578, %get3A_579] : memref<1x80x32x384xf32, #tpu.memory_space<vmem>>, vector<1x1x32x384xf32>
    %get3A_581 = vector.shape_cast %get3A_580 : vector<1x1x32x384xf32> to vector<32x384xf32>
    %mul3A_582 = arith.mulf %get3A_575, %get3A_581 : vector<32x384xf32>
    %add3A_583 = arith.addf %add3A_565, %mul3A_582 : vector<32x384xf32>
    %mul3A_584 = arith.mulf %get3A_575, %get3A_575 : vector<32x384xf32>
    %add3A_585 = arith.addf %add3A_567, %mul3A_584 : vector<32x384xf32>
    %mul3A_586 = arith.mulf %get3A_581, %get3A_581 : vector<32x384xf32>
    %add3A_587 = arith.addf %add3A_569, %mul3A_586 : vector<32x384xf32>
    %get3A_588 = arith.constant 0 : index
    %get3A_589 = arith.constant 33 : index
    %get3A_590 = arith.constant 0 : index
    %get3A_591 = arith.constant 0 : index
    %get3A_592 = vector.load %arg2[%get3A_588, %get3A_589, %get3A_590, %get3A_591] : memref<1x80x32x384xf32, #tpu.memory_space<vmem>>, vector<1x1x32x384xf32>
    %get3A_593 = vector.shape_cast %get3A_592 : vector<1x1x32x384xf32> to vector<32x384xf32>
    %get3A_594 = arith.constant 0 : index
    %get3A_595 = arith.constant 33 : index
    %get3A_596 = arith.constant 0 : index
    %get3A_597 = arith.constant 0 : index
    %get3A_598 = vector.load %arg3[%get3A_594, %get3A_595, %get3A_596, %get3A_597] : memref<1x80x32x384xf32, #tpu.memory_space<vmem>>, vector<1x1x32x384xf32>
    %get3A_599 = vector.shape_cast %get3A_598 : vector<1x1x32x384xf32> to vector<32x384xf32>
    %mul3A_600 = arith.mulf %get3A_593, %get3A_599 : vector<32x384xf32>
    %add3A_601 = arith.addf %add3A_583, %mul3A_600 : vector<32x384xf32>
    %mul3A_602 = arith.mulf %get3A_593, %get3A_593 : vector<32x384xf32>
    %add3A_603 = arith.addf %add3A_585, %mul3A_602 : vector<32x384xf32>
    %mul3A_604 = arith.mulf %get3A_599, %get3A_599 : vector<32x384xf32>
    %add3A_605 = arith.addf %add3A_587, %mul3A_604 : vector<32x384xf32>
    %get3A_606 = arith.constant 0 : index
    %get3A_607 = arith.constant 34 : index
    %get3A_608 = arith.constant 0 : index
    %get3A_609 = arith.constant 0 : index
    %get3A_610 = vector.load %arg2[%get3A_606, %get3A_607, %get3A_608, %get3A_609] : memref<1x80x32x384xf32, #tpu.memory_space<vmem>>, vector<1x1x32x384xf32>
    %get3A_611 = vector.shape_cast %get3A_610 : vector<1x1x32x384xf32> to vector<32x384xf32>
    %get3A_612 = arith.constant 0 : index
    %get3A_613 = arith.constant 34 : index
    %get3A_614 = arith.constant 0 : index
    %get3A_615 = arith.constant 0 : index
    %get3A_616 = vector.load %arg3[%get3A_612, %get3A_613, %get3A_614, %get3A_615] : memref<1x80x32x384xf32, #tpu.memory_space<vmem>>, vector<1x1x32x384xf32>
    %get3A_617 = vector.shape_cast %get3A_616 : vector<1x1x32x384xf32> to vector<32x384xf32>
    %mul3A_618 = arith.mulf %get3A_611, %get3A_617 : vector<32x384xf32>
    %add3A_619 = arith.addf %add3A_601, %mul3A_618 : vector<32x384xf32>
    %mul3A_620 = arith.mulf %get3A_611, %get3A_611 : vector<32x384xf32>
    %add3A_621 = arith.addf %add3A_603, %mul3A_620 : vector<32x384xf32>
    %mul3A_622 = arith.mulf %get3A_617, %get3A_617 : vector<32x384xf32>
    %add3A_623 = arith.addf %add3A_605, %mul3A_622 : vector<32x384xf32>
    %get3A_624 = arith.constant 0 : index
    %get3A_625 = arith.constant 35 : index
    %get3A_626 = arith.constant 0 : index
    %get3A_627 = arith.constant 0 : index
    %get3A_628 = vector.load %arg2[%get3A_624, %get3A_625, %get3A_626, %get3A_627] : memref<1x80x32x384xf32, #tpu.memory_space<vmem>>, vector<1x1x32x384xf32>
    %get3A_629 = vector.shape_cast %get3A_628 : vector<1x1x32x384xf32> to vector<32x384xf32>
    %get3A_630 = arith.constant 0 : index
    %get3A_631 = arith.constant 35 : index
    %get3A_632 = arith.constant 0 : index
    %get3A_633 = arith.constant 0 : index
    %get3A_634 = vector.load %arg3[%get3A_630, %get3A_631, %get3A_632, %get3A_633] : memref<1x80x32x384xf32, #tpu.memory_space<vmem>>, vector<1x1x32x384xf32>
    %get3A_635 = vector.shape_cast %get3A_634 : vector<1x1x32x384xf32> to vector<32x384xf32>
    %mul3A_636 = arith.mulf %get3A_629, %get3A_635 : vector<32x384xf32>
    %add3A_637 = arith.addf %add3A_619, %mul3A_636 : vector<32x384xf32>
    %mul3A_638 = arith.mulf %get3A_629, %get3A_629 : vector<32x384xf32>
    %add3A_639 = arith.addf %add3A_621, %mul3A_638 : vector<32x384xf32>
    %mul3A_640 = arith.mulf %get3A_635, %get3A_635 : vector<32x384xf32>
    %add3A_641 = arith.addf %add3A_623, %mul3A_640 : vector<32x384xf32>
    %get3A_642 = arith.constant 0 : index
    %get3A_643 = arith.constant 36 : index
    %get3A_644 = arith.constant 0 : index
    %get3A_645 = arith.constant 0 : index
    %get3A_646 = vector.load %arg2[%get3A_642, %get3A_643, %get3A_644, %get3A_645] : memref<1x80x32x384xf32, #tpu.memory_space<vmem>>, vector<1x1x32x384xf32>
    %get3A_647 = vector.shape_cast %get3A_646 : vector<1x1x32x384xf32> to vector<32x384xf32>
    %get3A_648 = arith.constant 0 : index
    %get3A_649 = arith.constant 36 : index
    %get3A_650 = arith.constant 0 : index
    %get3A_651 = arith.constant 0 : index
    %get3A_652 = vector.load %arg3[%get3A_648, %get3A_649, %get3A_650, %get3A_651] : memref<1x80x32x384xf32, #tpu.memory_space<vmem>>, vector<1x1x32x384xf32>
    %get3A_653 = vector.shape_cast %get3A_652 : vector<1x1x32x384xf32> to vector<32x384xf32>
    %mul3A_654 = arith.mulf %get3A_647, %get3A_653 : vector<32x384xf32>
    %add3A_655 = arith.addf %add3A_637, %mul3A_654 : vector<32x384xf32>
    %mul3A_656 = arith.mulf %get3A_647, %get3A_647 : vector<32x384xf32>
    %add3A_657 = arith.addf %add3A_639, %mul3A_656 : vector<32x384xf32>
    %mul3A_658 = arith.mulf %get3A_653, %get3A_653 : vector<32x384xf32>
    %add3A_659 = arith.addf %add3A_641, %mul3A_658 : vector<32x384xf32>
    %get3A_660 = arith.constant 0 : index
    %get3A_661 = arith.constant 37 : index
    %get3A_662 = arith.constant 0 : index
    %get3A_663 = arith.constant 0 : index
    %get3A_664 = vector.load %arg2[%get3A_660, %get3A_661, %get3A_662, %get3A_663] : memref<1x80x32x384xf32, #tpu.memory_space<vmem>>, vector<1x1x32x384xf32>
    %get3A_665 = vector.shape_cast %get3A_664 : vector<1x1x32x384xf32> to vector<32x384xf32>
    %get3A_666 = arith.constant 0 : index
    %get3A_667 = arith.constant 37 : index
    %get3A_668 = arith.constant 0 : index
    %get3A_669 = arith.constant 0 : index
    %get3A_670 = vector.load %arg3[%get3A_666, %get3A_667, %get3A_668, %get3A_669] : memref<1x80x32x384xf32, #tpu.memory_space<vmem>>, vector<1x1x32x384xf32>
    %get3A_671 = vector.shape_cast %get3A_670 : vector<1x1x32x384xf32> to vector<32x384xf32>
    %mul3A_672 = arith.mulf %get3A_665, %get3A_671 : vector<32x384xf32>
    %add3A_673 = arith.addf %add3A_655, %mul3A_672 : vector<32x384xf32>
    %mul3A_674 = arith.mulf %get3A_665, %get3A_665 : vector<32x384xf32>
    %add3A_675 = arith.addf %add3A_657, %mul3A_674 : vector<32x384xf32>
    %mul3A_676 = arith.mulf %get3A_671, %get3A_671 : vector<32x384xf32>
    %add3A_677 = arith.addf %add3A_659, %mul3A_676 : vector<32x384xf32>
    %get3A_678 = arith.constant 0 : index
    %get3A_679 = arith.constant 38 : index
    %get3A_680 = arith.constant 0 : index
    %get3A_681 = arith.constant 0 : index
    %get3A_682 = vector.load %arg2[%get3A_678, %get3A_679, %get3A_680, %get3A_681] : memref<1x80x32x384xf32, #tpu.memory_space<vmem>>, vector<1x1x32x384xf32>
    %get3A_683 = vector.shape_cast %get3A_682 : vector<1x1x32x384xf32> to vector<32x384xf32>
    %get3A_684 = arith.constant 0 : index
    %get3A_685 = arith.constant 38 : index
    %get3A_686 = arith.constant 0 : index
    %get3A_687 = arith.constant 0 : index
    %get3A_688 = vector.load %arg3[%get3A_684, %get3A_685, %get3A_686, %get3A_687] : memref<1x80x32x384xf32, #tpu.memory_space<vmem>>, vector<1x1x32x384xf32>
    %get3A_689 = vector.shape_cast %get3A_688 : vector<1x1x32x384xf32> to vector<32x384xf32>
    %mul3A_690 = arith.mulf %get3A_683, %get3A_689 : vector<32x384xf32>
    %add3A_691 = arith.addf %add3A_673, %mul3A_690 : vector<32x384xf32>
    %mul3A_692 = arith.mulf %get3A_683, %get3A_683 : vector<32x384xf32>
    %add3A_693 = arith.addf %add3A_675, %mul3A_692 : vector<32x384xf32>
    %mul3A_694 = arith.mulf %get3A_689, %get3A_689 : vector<32x384xf32>
    %add3A_695 = arith.addf %add3A_677, %mul3A_694 : vector<32x384xf32>
    %get3A_696 = arith.constant 0 : index
    %get3A_697 = arith.constant 39 : index
    %get3A_698 = arith.constant 0 : index
    %get3A_699 = arith.constant 0 : index
    %get3A_700 = vector.load %arg2[%get3A_696, %get3A_697, %get3A_698, %get3A_699] : memref<1x80x32x384xf32, #tpu.memory_space<vmem>>, vector<1x1x32x384xf32>
    %get3A_701 = vector.shape_cast %get3A_700 : vector<1x1x32x384xf32> to vector<32x384xf32>
    %get3A_702 = arith.constant 0 : index
    %get3A_703 = arith.constant 39 : index
    %get3A_704 = arith.constant 0 : index
    %get3A_705 = arith.constant 0 : index
    %get3A_706 = vector.load %arg3[%get3A_702, %get3A_703, %get3A_704, %get3A_705] : memref<1x80x32x384xf32, #tpu.memory_space<vmem>>, vector<1x1x32x384xf32>
    %get3A_707 = vector.shape_cast %get3A_706 : vector<1x1x32x384xf32> to vector<32x384xf32>
    %mul3A_708 = arith.mulf %get3A_701, %get3A_707 : vector<32x384xf32>
    %add3A_709 = arith.addf %add3A_691, %mul3A_708 : vector<32x384xf32>
    %mul3A_710 = arith.mulf %get3A_701, %get3A_701 : vector<32x384xf32>
    %add3A_711 = arith.addf %add3A_693, %mul3A_710 : vector<32x384xf32>
    %mul3A_712 = arith.mulf %get3A_707, %get3A_707 : vector<32x384xf32>
    %add3A_713 = arith.addf %add3A_695, %mul3A_712 : vector<32x384xf32>
    %get3A_714 = arith.constant 0 : index
    %get3A_715 = arith.constant 40 : index
    %get3A_716 = arith.constant 0 : index
    %get3A_717 = arith.constant 0 : index
    %get3A_718 = vector.load %arg2[%get3A_714, %get3A_715, %get3A_716, %get3A_717] : memref<1x80x32x384xf32, #tpu.memory_space<vmem>>, vector<1x1x32x384xf32>
    %get3A_719 = vector.shape_cast %get3A_718 : vector<1x1x32x384xf32> to vector<32x384xf32>
    %get3A_720 = arith.constant 0 : index
    %get3A_721 = arith.constant 40 : index
    %get3A_722 = arith.constant 0 : index
    %get3A_723 = arith.constant 0 : index
    %get3A_724 = vector.load %arg3[%get3A_720, %get3A_721, %get3A_722, %get3A_723] : memref<1x80x32x384xf32, #tpu.memory_space<vmem>>, vector<1x1x32x384xf32>
    %get3A_725 = vector.shape_cast %get3A_724 : vector<1x1x32x384xf32> to vector<32x384xf32>
    %mul3A_726 = arith.mulf %get3A_719, %get3A_725 : vector<32x384xf32>
    %add3A_727 = arith.addf %add3A_709, %mul3A_726 : vector<32x384xf32>
    %mul3A_728 = arith.mulf %get3A_719, %get3A_719 : vector<32x384xf32>
    %add3A_729 = arith.addf %add3A_711, %mul3A_728 : vector<32x384xf32>
    %mul3A_730 = arith.mulf %get3A_725, %get3A_725 : vector<32x384xf32>
    %add3A_731 = arith.addf %add3A_713, %mul3A_730 : vector<32x384xf32>
    %get3A_732 = arith.constant 0 : index
    %get3A_733 = arith.constant 41 : index
    %get3A_734 = arith.constant 0 : index
    %get3A_735 = arith.constant 0 : index
    %get3A_736 = vector.load %arg2[%get3A_732, %get3A_733, %get3A_734, %get3A_735] : memref<1x80x32x384xf32, #tpu.memory_space<vmem>>, vector<1x1x32x384xf32>
    %get3A_737 = vector.shape_cast %get3A_736 : vector<1x1x32x384xf32> to vector<32x384xf32>
    %get3A_738 = arith.constant 0 : index
    %get3A_739 = arith.constant 41 : index
    %get3A_740 = arith.constant 0 : index
    %get3A_741 = arith.constant 0 : index
    %get3A_742 = vector.load %arg3[%get3A_738, %get3A_739, %get3A_740, %get3A_741] : memref<1x80x32x384xf32, #tpu.memory_space<vmem>>, vector<1x1x32x384xf32>
    %get3A_743 = vector.shape_cast %get3A_742 : vector<1x1x32x384xf32> to vector<32x384xf32>
    %mul3A_744 = arith.mulf %get3A_737, %get3A_743 : vector<32x384xf32>
    %add3A_745 = arith.addf %add3A_727, %mul3A_744 : vector<32x384xf32>
    %mul3A_746 = arith.mulf %get3A_737, %get3A_737 : vector<32x384xf32>
    %add3A_747 = arith.addf %add3A_729, %mul3A_746 : vector<32x384xf32>
    %mul3A_748 = arith.mulf %get3A_743, %get3A_743 : vector<32x384xf32>
    %add3A_749 = arith.addf %add3A_731, %mul3A_748 : vector<32x384xf32>
    %get3A_750 = arith.constant 0 : index
    %get3A_751 = arith.constant 42 : index
    %get3A_752 = arith.constant 0 : index
    %get3A_753 = arith.constant 0 : index
    %get3A_754 = vector.load %arg2[%get3A_750, %get3A_751, %get3A_752, %get3A_753] : memref<1x80x32x384xf32, #tpu.memory_space<vmem>>, vector<1x1x32x384xf32>
    %get3A_755 = vector.shape_cast %get3A_754 : vector<1x1x32x384xf32> to vector<32x384xf32>
    %get3A_756 = arith.constant 0 : index
    %get3A_757 = arith.constant 42 : index
    %get3A_758 = arith.constant 0 : index
    %get3A_759 = arith.constant 0 : index
    %get3A_760 = vector.load %arg3[%get3A_756, %get3A_757, %get3A_758, %get3A_759] : memref<1x80x32x384xf32, #tpu.memory_space<vmem>>, vector<1x1x32x384xf32>
    %get3A_761 = vector.shape_cast %get3A_760 : vector<1x1x32x384xf32> to vector<32x384xf32>
    %mul3A_762 = arith.mulf %get3A_755, %get3A_761 : vector<32x384xf32>
    %add3A_763 = arith.addf %add3A_745, %mul3A_762 : vector<32x384xf32>
    %mul3A_764 = arith.mulf %get3A_755, %get3A_755 : vector<32x384xf32>
    %add3A_765 = arith.addf %add3A_747, %mul3A_764 : vector<32x384xf32>
    %mul3A_766 = arith.mulf %get3A_761, %get3A_761 : vector<32x384xf32>
    %add3A_767 = arith.addf %add3A_749, %mul3A_766 : vector<32x384xf32>
    %get3A_768 = arith.constant 0 : index
    %get3A_769 = arith.constant 43 : index
    %get3A_770 = arith.constant 0 : index
    %get3A_771 = arith.constant 0 : index
    %get3A_772 = vector.load %arg2[%get3A_768, %get3A_769, %get3A_770, %get3A_771] : memref<1x80x32x384xf32, #tpu.memory_space<vmem>>, vector<1x1x32x384xf32>
    %get3A_773 = vector.shape_cast %get3A_772 : vector<1x1x32x384xf32> to vector<32x384xf32>
    %get3A_774 = arith.constant 0 : index
    %get3A_775 = arith.constant 43 : index
    %get3A_776 = arith.constant 0 : index
    %get3A_777 = arith.constant 0 : index
    %get3A_778 = vector.load %arg3[%get3A_774, %get3A_775, %get3A_776, %get3A_777] : memref<1x80x32x384xf32, #tpu.memory_space<vmem>>, vector<1x1x32x384xf32>
    %get3A_779 = vector.shape_cast %get3A_778 : vector<1x1x32x384xf32> to vector<32x384xf32>
    %mul3A_780 = arith.mulf %get3A_773, %get3A_779 : vector<32x384xf32>
    %add3A_781 = arith.addf %add3A_763, %mul3A_780 : vector<32x384xf32>
    %mul3A_782 = arith.mulf %get3A_773, %get3A_773 : vector<32x384xf32>
    %add3A_783 = arith.addf %add3A_765, %mul3A_782 : vector<32x384xf32>
    %mul3A_784 = arith.mulf %get3A_779, %get3A_779 : vector<32x384xf32>
    %add3A_785 = arith.addf %add3A_767, %mul3A_784 : vector<32x384xf32>
    %get3A_786 = arith.constant 0 : index
    %get3A_787 = arith.constant 44 : index
    %get3A_788 = arith.constant 0 : index
    %get3A_789 = arith.constant 0 : index
    %get3A_790 = vector.load %arg2[%get3A_786, %get3A_787, %get3A_788, %get3A_789] : memref<1x80x32x384xf32, #tpu.memory_space<vmem>>, vector<1x1x32x384xf32>
    %get3A_791 = vector.shape_cast %get3A_790 : vector<1x1x32x384xf32> to vector<32x384xf32>
    %get3A_792 = arith.constant 0 : index
    %get3A_793 = arith.constant 44 : index
    %get3A_794 = arith.constant 0 : index
    %get3A_795 = arith.constant 0 : index
    %get3A_796 = vector.load %arg3[%get3A_792, %get3A_793, %get3A_794, %get3A_795] : memref<1x80x32x384xf32, #tpu.memory_space<vmem>>, vector<1x1x32x384xf32>
    %get3A_797 = vector.shape_cast %get3A_796 : vector<1x1x32x384xf32> to vector<32x384xf32>
    %mul3A_798 = arith.mulf %get3A_791, %get3A_797 : vector<32x384xf32>
    %add3A_799 = arith.addf %add3A_781, %mul3A_798 : vector<32x384xf32>
    %mul3A_800 = arith.mulf %get3A_791, %get3A_791 : vector<32x384xf32>
    %add3A_801 = arith.addf %add3A_783, %mul3A_800 : vector<32x384xf32>
    %mul3A_802 = arith.mulf %get3A_797, %get3A_797 : vector<32x384xf32>
    %add3A_803 = arith.addf %add3A_785, %mul3A_802 : vector<32x384xf32>
    %get3A_804 = arith.constant 0 : index
    %get3A_805 = arith.constant 45 : index
    %get3A_806 = arith.constant 0 : index
    %get3A_807 = arith.constant 0 : index
    %get3A_808 = vector.load %arg2[%get3A_804, %get3A_805, %get3A_806, %get3A_807] : memref<1x80x32x384xf32, #tpu.memory_space<vmem>>, vector<1x1x32x384xf32>
    %get3A_809 = vector.shape_cast %get3A_808 : vector<1x1x32x384xf32> to vector<32x384xf32>
    %get3A_810 = arith.constant 0 : index
    %get3A_811 = arith.constant 45 : index
    %get3A_812 = arith.constant 0 : index
    %get3A_813 = arith.constant 0 : index
    %get3A_814 = vector.load %arg3[%get3A_810, %get3A_811, %get3A_812, %get3A_813] : memref<1x80x32x384xf32, #tpu.memory_space<vmem>>, vector<1x1x32x384xf32>
    %get3A_815 = vector.shape_cast %get3A_814 : vector<1x1x32x384xf32> to vector<32x384xf32>
    %mul3A_816 = arith.mulf %get3A_809, %get3A_815 : vector<32x384xf32>
    %add3A_817 = arith.addf %add3A_799, %mul3A_816 : vector<32x384xf32>
    %mul3A_818 = arith.mulf %get3A_809, %get3A_809 : vector<32x384xf32>
    %add3A_819 = arith.addf %add3A_801, %mul3A_818 : vector<32x384xf32>
    %mul3A_820 = arith.mulf %get3A_815, %get3A_815 : vector<32x384xf32>
    %add3A_821 = arith.addf %add3A_803, %mul3A_820 : vector<32x384xf32>
    %get3A_822 = arith.constant 0 : index
    %get3A_823 = arith.constant 46 : index
    %get3A_824 = arith.constant 0 : index
    %get3A_825 = arith.constant 0 : index
    %get3A_826 = vector.load %arg2[%get3A_822, %get3A_823, %get3A_824, %get3A_825] : memref<1x80x32x384xf32, #tpu.memory_space<vmem>>, vector<1x1x32x384xf32>
    %get3A_827 = vector.shape_cast %get3A_826 : vector<1x1x32x384xf32> to vector<32x384xf32>
    %get3A_828 = arith.constant 0 : index
    %get3A_829 = arith.constant 46 : index
    %get3A_830 = arith.constant 0 : index
    %get3A_831 = arith.constant 0 : index
    %get3A_832 = vector.load %arg3[%get3A_828, %get3A_829, %get3A_830, %get3A_831] : memref<1x80x32x384xf32, #tpu.memory_space<vmem>>, vector<1x1x32x384xf32>
    %get3A_833 = vector.shape_cast %get3A_832 : vector<1x1x32x384xf32> to vector<32x384xf32>
    %mul3A_834 = arith.mulf %get3A_827, %get3A_833 : vector<32x384xf32>
    %add3A_835 = arith.addf %add3A_817, %mul3A_834 : vector<32x384xf32>
    %mul3A_836 = arith.mulf %get3A_827, %get3A_827 : vector<32x384xf32>
    %add3A_837 = arith.addf %add3A_819, %mul3A_836 : vector<32x384xf32>
    %mul3A_838 = arith.mulf %get3A_833, %get3A_833 : vector<32x384xf32>
    %add3A_839 = arith.addf %add3A_821, %mul3A_838 : vector<32x384xf32>
    %get3A_840 = arith.constant 0 : index
    %get3A_841 = arith.constant 47 : index
    %get3A_842 = arith.constant 0 : index
    %get3A_843 = arith.constant 0 : index
    %get3A_844 = vector.load %arg2[%get3A_840, %get3A_841, %get3A_842, %get3A_843] : memref<1x80x32x384xf32, #tpu.memory_space<vmem>>, vector<1x1x32x384xf32>
    %get3A_845 = vector.shape_cast %get3A_844 : vector<1x1x32x384xf32> to vector<32x384xf32>
    %get3A_846 = arith.constant 0 : index
    %get3A_847 = arith.constant 47 : index
    %get3A_848 = arith.constant 0 : index
    %get3A_849 = arith.constant 0 : index
    %get3A_850 = vector.load %arg3[%get3A_846, %get3A_847, %get3A_848, %get3A_849] : memref<1x80x32x384xf32, #tpu.memory_space<vmem>>, vector<1x1x32x384xf32>
    %get3A_851 = vector.shape_cast %get3A_850 : vector<1x1x32x384xf32> to vector<32x384xf32>
    %mul3A_852 = arith.mulf %get3A_845, %get3A_851 : vector<32x384xf32>
    %add3A_853 = arith.addf %add3A_835, %mul3A_852 : vector<32x384xf32>
    %mul3A_854 = arith.mulf %get3A_845, %get3A_845 : vector<32x384xf32>
    %add3A_855 = arith.addf %add3A_837, %mul3A_854 : vector<32x384xf32>
    %mul3A_856 = arith.mulf %get3A_851, %get3A_851 : vector<32x384xf32>
    %add3A_857 = arith.addf %add3A_839, %mul3A_856 : vector<32x384xf32>
    %get3A_858 = arith.constant 0 : index
    %get3A_859 = arith.constant 48 : index
    %get3A_860 = arith.constant 0 : index
    %get3A_861 = arith.constant 0 : index
    %get3A_862 = vector.load %arg2[%get3A_858, %get3A_859, %get3A_860, %get3A_861] : memref<1x80x32x384xf32, #tpu.memory_space<vmem>>, vector<1x1x32x384xf32>
    %get3A_863 = vector.shape_cast %get3A_862 : vector<1x1x32x384xf32> to vector<32x384xf32>
    %get3A_864 = arith.constant 0 : index
    %get3A_865 = arith.constant 48 : index
    %get3A_866 = arith.constant 0 : index
    %get3A_867 = arith.constant 0 : index
    %get3A_868 = vector.load %arg3[%get3A_864, %get3A_865, %get3A_866, %get3A_867] : memref<1x80x32x384xf32, #tpu.memory_space<vmem>>, vector<1x1x32x384xf32>
    %get3A_869 = vector.shape_cast %get3A_868 : vector<1x1x32x384xf32> to vector<32x384xf32>
    %mul3A_870 = arith.mulf %get3A_863, %get3A_869 : vector<32x384xf32>
    %add3A_871 = arith.addf %add3A_853, %mul3A_870 : vector<32x384xf32>
    %mul3A_872 = arith.mulf %get3A_863, %get3A_863 : vector<32x384xf32>
    %add3A_873 = arith.addf %add3A_855, %mul3A_872 : vector<32x384xf32>
    %mul3A_874 = arith.mulf %get3A_869, %get3A_869 : vector<32x384xf32>
    %add3A_875 = arith.addf %add3A_857, %mul3A_874 : vector<32x384xf32>
    %get3A_876 = arith.constant 0 : index
    %get3A_877 = arith.constant 49 : index
    %get3A_878 = arith.constant 0 : index
    %get3A_879 = arith.constant 0 : index
    %get3A_880 = vector.load %arg2[%get3A_876, %get3A_877, %get3A_878, %get3A_879] : memref<1x80x32x384xf32, #tpu.memory_space<vmem>>, vector<1x1x32x384xf32>
    %get3A_881 = vector.shape_cast %get3A_880 : vector<1x1x32x384xf32> to vector<32x384xf32>
    %get3A_882 = arith.constant 0 : index
    %get3A_883 = arith.constant 49 : index
    %get3A_884 = arith.constant 0 : index
    %get3A_885 = arith.constant 0 : index
    %get3A_886 = vector.load %arg3[%get3A_882, %get3A_883, %get3A_884, %get3A_885] : memref<1x80x32x384xf32, #tpu.memory_space<vmem>>, vector<1x1x32x384xf32>
    %get3A_887 = vector.shape_cast %get3A_886 : vector<1x1x32x384xf32> to vector<32x384xf32>
    %mul3A_888 = arith.mulf %get3A_881, %get3A_887 : vector<32x384xf32>
    %add3A_889 = arith.addf %add3A_871, %mul3A_888 : vector<32x384xf32>
    %mul3A_890 = arith.mulf %get3A_881, %get3A_881 : vector<32x384xf32>
    %add3A_891 = arith.addf %add3A_873, %mul3A_890 : vector<32x384xf32>
    %mul3A_892 = arith.mulf %get3A_887, %get3A_887 : vector<32x384xf32>
    %add3A_893 = arith.addf %add3A_875, %mul3A_892 : vector<32x384xf32>
    %get3A_894 = arith.constant 0 : index
    %get3A_895 = arith.constant 50 : index
    %get3A_896 = arith.constant 0 : index
    %get3A_897 = arith.constant 0 : index
    %get3A_898 = vector.load %arg2[%get3A_894, %get3A_895, %get3A_896, %get3A_897] : memref<1x80x32x384xf32, #tpu.memory_space<vmem>>, vector<1x1x32x384xf32>
    %get3A_899 = vector.shape_cast %get3A_898 : vector<1x1x32x384xf32> to vector<32x384xf32>
    %get3A_900 = arith.constant 0 : index
    %get3A_901 = arith.constant 50 : index
    %get3A_902 = arith.constant 0 : index
    %get3A_903 = arith.constant 0 : index
    %get3A_904 = vector.load %arg3[%get3A_900, %get3A_901, %get3A_902, %get3A_903] : memref<1x80x32x384xf32, #tpu.memory_space<vmem>>, vector<1x1x32x384xf32>
    %get3A_905 = vector.shape_cast %get3A_904 : vector<1x1x32x384xf32> to vector<32x384xf32>
    %mul3A_906 = arith.mulf %get3A_899, %get3A_905 : vector<32x384xf32>
    %add3A_907 = arith.addf %add3A_889, %mul3A_906 : vector<32x384xf32>
    %mul3A_908 = arith.mulf %get3A_899, %get3A_899 : vector<32x384xf32>
    %add3A_909 = arith.addf %add3A_891, %mul3A_908 : vector<32x384xf32>
    %mul3A_910 = arith.mulf %get3A_905, %get3A_905 : vector<32x384xf32>
    %add3A_911 = arith.addf %add3A_893, %mul3A_910 : vector<32x384xf32>
    %get3A_912 = arith.constant 0 : index
    %get3A_913 = arith.constant 51 : index
    %get3A_914 = arith.constant 0 : index
    %get3A_915 = arith.constant 0 : index
    %get3A_916 = vector.load %arg2[%get3A_912, %get3A_913, %get3A_914, %get3A_915] : memref<1x80x32x384xf32, #tpu.memory_space<vmem>>, vector<1x1x32x384xf32>
    %get3A_917 = vector.shape_cast %get3A_916 : vector<1x1x32x384xf32> to vector<32x384xf32>
    %get3A_918 = arith.constant 0 : index
    %get3A_919 = arith.constant 51 : index
    %get3A_920 = arith.constant 0 : index
    %get3A_921 = arith.constant 0 : index
    %get3A_922 = vector.load %arg3[%get3A_918, %get3A_919, %get3A_920, %get3A_921] : memref<1x80x32x384xf32, #tpu.memory_space<vmem>>, vector<1x1x32x384xf32>
    %get3A_923 = vector.shape_cast %get3A_922 : vector<1x1x32x384xf32> to vector<32x384xf32>
    %mul3A_924 = arith.mulf %get3A_917, %get3A_923 : vector<32x384xf32>
    %add3A_925 = arith.addf %add3A_907, %mul3A_924 : vector<32x384xf32>
    %mul3A_926 = arith.mulf %get3A_917, %get3A_917 : vector<32x384xf32>
    %add3A_927 = arith.addf %add3A_909, %mul3A_926 : vector<32x384xf32>
    %mul3A_928 = arith.mulf %get3A_923, %get3A_923 : vector<32x384xf32>
    %add3A_929 = arith.addf %add3A_911, %mul3A_928 : vector<32x384xf32>
    %get3A_930 = arith.constant 0 : index
    %get3A_931 = arith.constant 52 : index
    %get3A_932 = arith.constant 0 : index
    %get3A_933 = arith.constant 0 : index
    %get3A_934 = vector.load %arg2[%get3A_930, %get3A_931, %get3A_932, %get3A_933] : memref<1x80x32x384xf32, #tpu.memory_space<vmem>>, vector<1x1x32x384xf32>
    %get3A_935 = vector.shape_cast %get3A_934 : vector<1x1x32x384xf32> to vector<32x384xf32>
    %get3A_936 = arith.constant 0 : index
    %get3A_937 = arith.constant 52 : index
    %get3A_938 = arith.constant 0 : index
    %get3A_939 = arith.constant 0 : index
    %get3A_940 = vector.load %arg3[%get3A_936, %get3A_937, %get3A_938, %get3A_939] : memref<1x80x32x384xf32, #tpu.memory_space<vmem>>, vector<1x1x32x384xf32>
    %get3A_941 = vector.shape_cast %get3A_940 : vector<1x1x32x384xf32> to vector<32x384xf32>
    %mul3A_942 = arith.mulf %get3A_935, %get3A_941 : vector<32x384xf32>
    %add3A_943 = arith.addf %add3A_925, %mul3A_942 : vector<32x384xf32>
    %mul3A_944 = arith.mulf %get3A_935, %get3A_935 : vector<32x384xf32>
    %add3A_945 = arith.addf %add3A_927, %mul3A_944 : vector<32x384xf32>
    %mul3A_946 = arith.mulf %get3A_941, %get3A_941 : vector<32x384xf32>
    %add3A_947 = arith.addf %add3A_929, %mul3A_946 : vector<32x384xf32>
    %get3A_948 = arith.constant 0 : index
    %get3A_949 = arith.constant 53 : index
    %get3A_950 = arith.constant 0 : index
    %get3A_951 = arith.constant 0 : index
    %get3A_952 = vector.load %arg2[%get3A_948, %get3A_949, %get3A_950, %get3A_951] : memref<1x80x32x384xf32, #tpu.memory_space<vmem>>, vector<1x1x32x384xf32>
    %get3A_953 = vector.shape_cast %get3A_952 : vector<1x1x32x384xf32> to vector<32x384xf32>
    %get3A_954 = arith.constant 0 : index
    %get3A_955 = arith.constant 53 : index
    %get3A_956 = arith.constant 0 : index
    %get3A_957 = arith.constant 0 : index
    %get3A_958 = vector.load %arg3[%get3A_954, %get3A_955, %get3A_956, %get3A_957] : memref<1x80x32x384xf32, #tpu.memory_space<vmem>>, vector<1x1x32x384xf32>
    %get3A_959 = vector.shape_cast %get3A_958 : vector<1x1x32x384xf32> to vector<32x384xf32>
    %mul3A_960 = arith.mulf %get3A_953, %get3A_959 : vector<32x384xf32>
    %add3A_961 = arith.addf %add3A_943, %mul3A_960 : vector<32x384xf32>
    %mul3A_962 = arith.mulf %get3A_953, %get3A_953 : vector<32x384xf32>
    %add3A_963 = arith.addf %add3A_945, %mul3A_962 : vector<32x384xf32>
    %mul3A_964 = arith.mulf %get3A_959, %get3A_959 : vector<32x384xf32>
    %add3A_965 = arith.addf %add3A_947, %mul3A_964 : vector<32x384xf32>
    %get3A_966 = arith.constant 0 : index
    %get3A_967 = arith.constant 54 : index
    %get3A_968 = arith.constant 0 : index
    %get3A_969 = arith.constant 0 : index
    %get3A_970 = vector.load %arg2[%get3A_966, %get3A_967, %get3A_968, %get3A_969] : memref<1x80x32x384xf32, #tpu.memory_space<vmem>>, vector<1x1x32x384xf32>
    %get3A_971 = vector.shape_cast %get3A_970 : vector<1x1x32x384xf32> to vector<32x384xf32>
    %get3A_972 = arith.constant 0 : index
    %get3A_973 = arith.constant 54 : index
    %get3A_974 = arith.constant 0 : index
    %get3A_975 = arith.constant 0 : index
    %get3A_976 = vector.load %arg3[%get3A_972, %get3A_973, %get3A_974, %get3A_975] : memref<1x80x32x384xf32, #tpu.memory_space<vmem>>, vector<1x1x32x384xf32>
    %get3A_977 = vector.shape_cast %get3A_976 : vector<1x1x32x384xf32> to vector<32x384xf32>
    %mul3A_978 = arith.mulf %get3A_971, %get3A_977 : vector<32x384xf32>
    %add3A_979 = arith.addf %add3A_961, %mul3A_978 : vector<32x384xf32>
    %mul3A_980 = arith.mulf %get3A_971, %get3A_971 : vector<32x384xf32>
    %add3A_981 = arith.addf %add3A_963, %mul3A_980 : vector<32x384xf32>
    %mul3A_982 = arith.mulf %get3A_977, %get3A_977 : vector<32x384xf32>
    %add3A_983 = arith.addf %add3A_965, %mul3A_982 : vector<32x384xf32>
    %get3A_984 = arith.constant 0 : index
    %get3A_985 = arith.constant 55 : index
    %get3A_986 = arith.constant 0 : index
    %get3A_987 = arith.constant 0 : index
    %get3A_988 = vector.load %arg2[%get3A_984, %get3A_985, %get3A_986, %get3A_987] : memref<1x80x32x384xf32, #tpu.memory_space<vmem>>, vector<1x1x32x384xf32>
    %get3A_989 = vector.shape_cast %get3A_988 : vector<1x1x32x384xf32> to vector<32x384xf32>
    %get3A_990 = arith.constant 0 : index
    %get3A_991 = arith.constant 55 : index
    %get3A_992 = arith.constant 0 : index
    %get3A_993 = arith.constant 0 : index
    %get3A_994 = vector.load %arg3[%get3A_990, %get3A_991, %get3A_992, %get3A_993] : memref<1x80x32x384xf32, #tpu.memory_space<vmem>>, vector<1x1x32x384xf32>
    %get3A_995 = vector.shape_cast %get3A_994 : vector<1x1x32x384xf32> to vector<32x384xf32>
    %mul3A_996 = arith.mulf %get3A_989, %get3A_995 : vector<32x384xf32>
    %add3A_997 = arith.addf %add3A_979, %mul3A_996 : vector<32x384xf32>
    %mul3A_998 = arith.mulf %get3A_989, %get3A_989 : vector<32x384xf32>
    %add3A_999 = arith.addf %add3A_981, %mul3A_998 : vector<32x384xf32>
    %mul3A_1000 = arith.mulf %get3A_995, %get3A_995 : vector<32x384xf32>
    %add3A_1001 = arith.addf %add3A_983, %mul3A_1000 : vector<32x384xf32>
    %get3A_1002 = arith.constant 0 : index
    %get3A_1003 = arith.constant 56 : index
    %get3A_1004 = arith.constant 0 : index
    %get3A_1005 = arith.constant 0 : index
    %get3A_1006 = vector.load %arg2[%get3A_1002, %get3A_1003, %get3A_1004, %get3A_1005] : memref<1x80x32x384xf32, #tpu.memory_space<vmem>>, vector<1x1x32x384xf32>
    %get3A_1007 = vector.shape_cast %get3A_1006 : vector<1x1x32x384xf32> to vector<32x384xf32>
    %get3A_1008 = arith.constant 0 : index
    %get3A_1009 = arith.constant 56 : index
    %get3A_1010 = arith.constant 0 : index
    %get3A_1011 = arith.constant 0 : index
    %get3A_1012 = vector.load %arg3[%get3A_1008, %get3A_1009, %get3A_1010, %get3A_1011] : memref<1x80x32x384xf32, #tpu.memory_space<vmem>>, vector<1x1x32x384xf32>
    %get3A_1013 = vector.shape_cast %get3A_1012 : vector<1x1x32x384xf32> to vector<32x384xf32>
    %mul3A_1014 = arith.mulf %get3A_1007, %get3A_1013 : vector<32x384xf32>
    %add3A_1015 = arith.addf %add3A_997, %mul3A_1014 : vector<32x384xf32>
    %mul3A_1016 = arith.mulf %get3A_1007, %get3A_1007 : vector<32x384xf32>
    %add3A_1017 = arith.addf %add3A_999, %mul3A_1016 : vector<32x384xf32>
    %mul3A_1018 = arith.mulf %get3A_1013, %get3A_1013 : vector<32x384xf32>
    %add3A_1019 = arith.addf %add3A_1001, %mul3A_1018 : vector<32x384xf32>
    %get3A_1020 = arith.constant 0 : index
    %get3A_1021 = arith.constant 57 : index
    %get3A_1022 = arith.constant 0 : index
    %get3A_1023 = arith.constant 0 : index
    %get3A_1024 = vector.load %arg2[%get3A_1020, %get3A_1021, %get3A_1022, %get3A_1023] : memref<1x80x32x384xf32, #tpu.memory_space<vmem>>, vector<1x1x32x384xf32>
    %get3A_1025 = vector.shape_cast %get3A_1024 : vector<1x1x32x384xf32> to vector<32x384xf32>
    %get3A_1026 = arith.constant 0 : index
    %get3A_1027 = arith.constant 57 : index
    %get3A_1028 = arith.constant 0 : index
    %get3A_1029 = arith.constant 0 : index
    %get3A_1030 = vector.load %arg3[%get3A_1026, %get3A_1027, %get3A_1028, %get3A_1029] : memref<1x80x32x384xf32, #tpu.memory_space<vmem>>, vector<1x1x32x384xf32>
    %get3A_1031 = vector.shape_cast %get3A_1030 : vector<1x1x32x384xf32> to vector<32x384xf32>
    %mul3A_1032 = arith.mulf %get3A_1025, %get3A_1031 : vector<32x384xf32>
    %add3A_1033 = arith.addf %add3A_1015, %mul3A_1032 : vector<32x384xf32>
    %mul3A_1034 = arith.mulf %get3A_1025, %get3A_1025 : vector<32x384xf32>
    %add3A_1035 = arith.addf %add3A_1017, %mul3A_1034 : vector<32x384xf32>
    %mul3A_1036 = arith.mulf %get3A_1031, %get3A_1031 : vector<32x384xf32>
    %add3A_1037 = arith.addf %add3A_1019, %mul3A_1036 : vector<32x384xf32>
    %get3A_1038 = arith.constant 0 : index
    %get3A_1039 = arith.constant 58 : index
    %get3A_1040 = arith.constant 0 : index
    %get3A_1041 = arith.constant 0 : index
    %get3A_1042 = vector.load %arg2[%get3A_1038, %get3A_1039, %get3A_1040, %get3A_1041] : memref<1x80x32x384xf32, #tpu.memory_space<vmem>>, vector<1x1x32x384xf32>
    %get3A_1043 = vector.shape_cast %get3A_1042 : vector<1x1x32x384xf32> to vector<32x384xf32>
    %get3A_1044 = arith.constant 0 : index
    %get3A_1045 = arith.constant 58 : index
    %get3A_1046 = arith.constant 0 : index
    %get3A_1047 = arith.constant 0 : index
    %get3A_1048 = vector.load %arg3[%get3A_1044, %get3A_1045, %get3A_1046, %get3A_1047] : memref<1x80x32x384xf32, #tpu.memory_space<vmem>>, vector<1x1x32x384xf32>
    %get3A_1049 = vector.shape_cast %get3A_1048 : vector<1x1x32x384xf32> to vector<32x384xf32>
    %mul3A_1050 = arith.mulf %get3A_1043, %get3A_1049 : vector<32x384xf32>
    %add3A_1051 = arith.addf %add3A_1033, %mul3A_1050 : vector<32x384xf32>
    %mul3A_1052 = arith.mulf %get3A_1043, %get3A_1043 : vector<32x384xf32>
    %add3A_1053 = arith.addf %add3A_1035, %mul3A_1052 : vector<32x384xf32>
    %mul3A_1054 = arith.mulf %get3A_1049, %get3A_1049 : vector<32x384xf32>
    %add3A_1055 = arith.addf %add3A_1037, %mul3A_1054 : vector<32x384xf32>
    %get3A_1056 = arith.constant 0 : index
    %get3A_1057 = arith.constant 59 : index
    %get3A_1058 = arith.constant 0 : index
    %get3A_1059 = arith.constant 0 : index
    %get3A_1060 = vector.load %arg2[%get3A_1056, %get3A_1057, %get3A_1058, %get3A_1059] : memref<1x80x32x384xf32, #tpu.memory_space<vmem>>, vector<1x1x32x384xf32>
    %get3A_1061 = vector.shape_cast %get3A_1060 : vector<1x1x32x384xf32> to vector<32x384xf32>
    %get3A_1062 = arith.constant 0 : index
    %get3A_1063 = arith.constant 59 : index
    %get3A_1064 = arith.constant 0 : index
    %get3A_1065 = arith.constant 0 : index
    %get3A_1066 = vector.load %arg3[%get3A_1062, %get3A_1063, %get3A_1064, %get3A_1065] : memref<1x80x32x384xf32, #tpu.memory_space<vmem>>, vector<1x1x32x384xf32>
    %get3A_1067 = vector.shape_cast %get3A_1066 : vector<1x1x32x384xf32> to vector<32x384xf32>
    %mul3A_1068 = arith.mulf %get3A_1061, %get3A_1067 : vector<32x384xf32>
    %add3A_1069 = arith.addf %add3A_1051, %mul3A_1068 : vector<32x384xf32>
    %mul3A_1070 = arith.mulf %get3A_1061, %get3A_1061 : vector<32x384xf32>
    %add3A_1071 = arith.addf %add3A_1053, %mul3A_1070 : vector<32x384xf32>
    %mul3A_1072 = arith.mulf %get3A_1067, %get3A_1067 : vector<32x384xf32>
    %add3A_1073 = arith.addf %add3A_1055, %mul3A_1072 : vector<32x384xf32>
    %get3A_1074 = arith.constant 0 : index
    %get3A_1075 = arith.constant 60 : index
    %get3A_1076 = arith.constant 0 : index
    %get3A_1077 = arith.constant 0 : index
    %get3A_1078 = vector.load %arg2[%get3A_1074, %get3A_1075, %get3A_1076, %get3A_1077] : memref<1x80x32x384xf32, #tpu.memory_space<vmem>>, vector<1x1x32x384xf32>
    %get3A_1079 = vector.shape_cast %get3A_1078 : vector<1x1x32x384xf32> to vector<32x384xf32>
    %get3A_1080 = arith.constant 0 : index
    %get3A_1081 = arith.constant 60 : index
    %get3A_1082 = arith.constant 0 : index
    %get3A_1083 = arith.constant 0 : index
    %get3A_1084 = vector.load %arg3[%get3A_1080, %get3A_1081, %get3A_1082, %get3A_1083] : memref<1x80x32x384xf32, #tpu.memory_space<vmem>>, vector<1x1x32x384xf32>
    %get3A_1085 = vector.shape_cast %get3A_1084 : vector<1x1x32x384xf32> to vector<32x384xf32>
    %mul3A_1086 = arith.mulf %get3A_1079, %get3A_1085 : vector<32x384xf32>
    %add3A_1087 = arith.addf %add3A_1069, %mul3A_1086 : vector<32x384xf32>
    %mul3A_1088 = arith.mulf %get3A_1079, %get3A_1079 : vector<32x384xf32>
    %add3A_1089 = arith.addf %add3A_1071, %mul3A_1088 : vector<32x384xf32>
    %mul3A_1090 = arith.mulf %get3A_1085, %get3A_1085 : vector<32x384xf32>
    %add3A_1091 = arith.addf %add3A_1073, %mul3A_1090 : vector<32x384xf32>
    %get3A_1092 = arith.constant 0 : index
    %get3A_1093 = arith.constant 61 : index
    %get3A_1094 = arith.constant 0 : index
    %get3A_1095 = arith.constant 0 : index
    %get3A_1096 = vector.load %arg2[%get3A_1092, %get3A_1093, %get3A_1094, %get3A_1095] : memref<1x80x32x384xf32, #tpu.memory_space<vmem>>, vector<1x1x32x384xf32>
    %get3A_1097 = vector.shape_cast %get3A_1096 : vector<1x1x32x384xf32> to vector<32x384xf32>
    %get3A_1098 = arith.constant 0 : index
    %get3A_1099 = arith.constant 61 : index
    %get3A_1100 = arith.constant 0 : index
    %get3A_1101 = arith.constant 0 : index
    %get3A_1102 = vector.load %arg3[%get3A_1098, %get3A_1099, %get3A_1100, %get3A_1101] : memref<1x80x32x384xf32, #tpu.memory_space<vmem>>, vector<1x1x32x384xf32>
    %get3A_1103 = vector.shape_cast %get3A_1102 : vector<1x1x32x384xf32> to vector<32x384xf32>
    %mul3A_1104 = arith.mulf %get3A_1097, %get3A_1103 : vector<32x384xf32>
    %add3A_1105 = arith.addf %add3A_1087, %mul3A_1104 : vector<32x384xf32>
    %mul3A_1106 = arith.mulf %get3A_1097, %get3A_1097 : vector<32x384xf32>
    %add3A_1107 = arith.addf %add3A_1089, %mul3A_1106 : vector<32x384xf32>
    %mul3A_1108 = arith.mulf %get3A_1103, %get3A_1103 : vector<32x384xf32>
    %add3A_1109 = arith.addf %add3A_1091, %mul3A_1108 : vector<32x384xf32>
    %get3A_1110 = arith.constant 0 : index
    %get3A_1111 = arith.constant 62 : index
    %get3A_1112 = arith.constant 0 : index
    %get3A_1113 = arith.constant 0 : index
    %get3A_1114 = vector.load %arg2[%get3A_1110, %get3A_1111, %get3A_1112, %get3A_1113] : memref<1x80x32x384xf32, #tpu.memory_space<vmem>>, vector<1x1x32x384xf32>
    %get3A_1115 = vector.shape_cast %get3A_1114 : vector<1x1x32x384xf32> to vector<32x384xf32>
    %get3A_1116 = arith.constant 0 : index
    %get3A_1117 = arith.constant 62 : index
    %get3A_1118 = arith.constant 0 : index
    %get3A_1119 = arith.constant 0 : index
    %get3A_1120 = vector.load %arg3[%get3A_1116, %get3A_1117, %get3A_1118, %get3A_1119] : memref<1x80x32x384xf32, #tpu.memory_space<vmem>>, vector<1x1x32x384xf32>
    %get3A_1121 = vector.shape_cast %get3A_1120 : vector<1x1x32x384xf32> to vector<32x384xf32>
    %mul3A_1122 = arith.mulf %get3A_1115, %get3A_1121 : vector<32x384xf32>
    %add3A_1123 = arith.addf %add3A_1105, %mul3A_1122 : vector<32x384xf32>
    %mul3A_1124 = arith.mulf %get3A_1115, %get3A_1115 : vector<32x384xf32>
    %add3A_1125 = arith.addf %add3A_1107, %mul3A_1124 : vector<32x384xf32>
    %mul3A_1126 = arith.mulf %get3A_1121, %get3A_1121 : vector<32x384xf32>
    %add3A_1127 = arith.addf %add3A_1109, %mul3A_1126 : vector<32x384xf32>
    %get3A_1128 = arith.constant 0 : index
    %get3A_1129 = arith.constant 63 : index
    %get3A_1130 = arith.constant 0 : index
    %get3A_1131 = arith.constant 0 : index
    %get3A_1132 = vector.load %arg2[%get3A_1128, %get3A_1129, %get3A_1130, %get3A_1131] : memref<1x80x32x384xf32, #tpu.memory_space<vmem>>, vector<1x1x32x384xf32>
    %get3A_1133 = vector.shape_cast %get3A_1132 : vector<1x1x32x384xf32> to vector<32x384xf32>
    %get3A_1134 = arith.constant 0 : index
    %get3A_1135 = arith.constant 63 : index
    %get3A_1136 = arith.constant 0 : index
    %get3A_1137 = arith.constant 0 : index
    %get3A_1138 = vector.load %arg3[%get3A_1134, %get3A_1135, %get3A_1136, %get3A_1137] : memref<1x80x32x384xf32, #tpu.memory_space<vmem>>, vector<1x1x32x384xf32>
    %get3A_1139 = vector.shape_cast %get3A_1138 : vector<1x1x32x384xf32> to vector<32x384xf32>
    %mul3A_1140 = arith.mulf %get3A_1133, %get3A_1139 : vector<32x384xf32>
    %add3A_1141 = arith.addf %add3A_1123, %mul3A_1140 : vector<32x384xf32>
    %mul3A_1142 = arith.mulf %get3A_1133, %get3A_1133 : vector<32x384xf32>
    %add3A_1143 = arith.addf %add3A_1125, %mul3A_1142 : vector<32x384xf32>
    %mul3A_1144 = arith.mulf %get3A_1139, %get3A_1139 : vector<32x384xf32>
    %add3A_1145 = arith.addf %add3A_1127, %mul3A_1144 : vector<32x384xf32>
    %get3A_1146 = arith.constant 0 : index
    %get3A_1147 = arith.constant 64 : index
    %get3A_1148 = arith.constant 0 : index
    %get3A_1149 = arith.constant 0 : index
    %get3A_1150 = vector.load %arg2[%get3A_1146, %get3A_1147, %get3A_1148, %get3A_1149] : memref<1x80x32x384xf32, #tpu.memory_space<vmem>>, vector<1x1x32x384xf32>
    %get3A_1151 = vector.shape_cast %get3A_1150 : vector<1x1x32x384xf32> to vector<32x384xf32>
    %get3A_1152 = arith.constant 0 : index
    %get3A_1153 = arith.constant 64 : index
    %get3A_1154 = arith.constant 0 : index
    %get3A_1155 = arith.constant 0 : index
    %get3A_1156 = vector.load %arg3[%get3A_1152, %get3A_1153, %get3A_1154, %get3A_1155] : memref<1x80x32x384xf32, #tpu.memory_space<vmem>>, vector<1x1x32x384xf32>
    %get3A_1157 = vector.shape_cast %get3A_1156 : vector<1x1x32x384xf32> to vector<32x384xf32>
    %mul3A_1158 = arith.mulf %get3A_1151, %get3A_1157 : vector<32x384xf32>
    %add3A_1159 = arith.addf %add3A_1141, %mul3A_1158 : vector<32x384xf32>
    %mul3A_1160 = arith.mulf %get3A_1151, %get3A_1151 : vector<32x384xf32>
    %add3A_1161 = arith.addf %add3A_1143, %mul3A_1160 : vector<32x384xf32>
    %mul3A_1162 = arith.mulf %get3A_1157, %get3A_1157 : vector<32x384xf32>
    %add3A_1163 = arith.addf %add3A_1145, %mul3A_1162 : vector<32x384xf32>
    %get3A_1164 = arith.constant 0 : index
    %get3A_1165 = arith.constant 65 : index
    %get3A_1166 = arith.constant 0 : index
    %get3A_1167 = arith.constant 0 : index
    %get3A_1168 = vector.load %arg2[%get3A_1164, %get3A_1165, %get3A_1166, %get3A_1167] : memref<1x80x32x384xf32, #tpu.memory_space<vmem>>, vector<1x1x32x384xf32>
    %get3A_1169 = vector.shape_cast %get3A_1168 : vector<1x1x32x384xf32> to vector<32x384xf32>
    %get3A_1170 = arith.constant 0 : index
    %get3A_1171 = arith.constant 65 : index
    %get3A_1172 = arith.constant 0 : index
    %get3A_1173 = arith.constant 0 : index
    %get3A_1174 = vector.load %arg3[%get3A_1170, %get3A_1171, %get3A_1172, %get3A_1173] : memref<1x80x32x384xf32, #tpu.memory_space<vmem>>, vector<1x1x32x384xf32>
    %get3A_1175 = vector.shape_cast %get3A_1174 : vector<1x1x32x384xf32> to vector<32x384xf32>
    %mul3A_1176 = arith.mulf %get3A_1169, %get3A_1175 : vector<32x384xf32>
    %add3A_1177 = arith.addf %add3A_1159, %mul3A_1176 : vector<32x384xf32>
    %mul3A_1178 = arith.mulf %get3A_1169, %get3A_1169 : vector<32x384xf32>
    %add3A_1179 = arith.addf %add3A_1161, %mul3A_1178 : vector<32x384xf32>
    %mul3A_1180 = arith.mulf %get3A_1175, %get3A_1175 : vector<32x384xf32>
    %add3A_1181 = arith.addf %add3A_1163, %mul3A_1180 : vector<32x384xf32>
    %get3A_1182 = arith.constant 0 : index
    %get3A_1183 = arith.constant 66 : index
    %get3A_1184 = arith.constant 0 : index
    %get3A_1185 = arith.constant 0 : index
    %get3A_1186 = vector.load %arg2[%get3A_1182, %get3A_1183, %get3A_1184, %get3A_1185] : memref<1x80x32x384xf32, #tpu.memory_space<vmem>>, vector<1x1x32x384xf32>
    %get3A_1187 = vector.shape_cast %get3A_1186 : vector<1x1x32x384xf32> to vector<32x384xf32>
    %get3A_1188 = arith.constant 0 : index
    %get3A_1189 = arith.constant 66 : index
    %get3A_1190 = arith.constant 0 : index
    %get3A_1191 = arith.constant 0 : index
    %get3A_1192 = vector.load %arg3[%get3A_1188, %get3A_1189, %get3A_1190, %get3A_1191] : memref<1x80x32x384xf32, #tpu.memory_space<vmem>>, vector<1x1x32x384xf32>
    %get3A_1193 = vector.shape_cast %get3A_1192 : vector<1x1x32x384xf32> to vector<32x384xf32>
    %mul3A_1194 = arith.mulf %get3A_1187, %get3A_1193 : vector<32x384xf32>
    %add3A_1195 = arith.addf %add3A_1177, %mul3A_1194 : vector<32x384xf32>
    %mul3A_1196 = arith.mulf %get3A_1187, %get3A_1187 : vector<32x384xf32>
    %add3A_1197 = arith.addf %add3A_1179, %mul3A_1196 : vector<32x384xf32>
    %mul3A_1198 = arith.mulf %get3A_1193, %get3A_1193 : vector<32x384xf32>
    %add3A_1199 = arith.addf %add3A_1181, %mul3A_1198 : vector<32x384xf32>
    %get3A_1200 = arith.constant 0 : index
    %get3A_1201 = arith.constant 67 : index
    %get3A_1202 = arith.constant 0 : index
    %get3A_1203 = arith.constant 0 : index
    %get3A_1204 = vector.load %arg2[%get3A_1200, %get3A_1201, %get3A_1202, %get3A_1203] : memref<1x80x32x384xf32, #tpu.memory_space<vmem>>, vector<1x1x32x384xf32>
    %get3A_1205 = vector.shape_cast %get3A_1204 : vector<1x1x32x384xf32> to vector<32x384xf32>
    %get3A_1206 = arith.constant 0 : index
    %get3A_1207 = arith.constant 67 : index
    %get3A_1208 = arith.constant 0 : index
    %get3A_1209 = arith.constant 0 : index
    %get3A_1210 = vector.load %arg3[%get3A_1206, %get3A_1207, %get3A_1208, %get3A_1209] : memref<1x80x32x384xf32, #tpu.memory_space<vmem>>, vector<1x1x32x384xf32>
    %get3A_1211 = vector.shape_cast %get3A_1210 : vector<1x1x32x384xf32> to vector<32x384xf32>
    %mul3A_1212 = arith.mulf %get3A_1205, %get3A_1211 : vector<32x384xf32>
    %add3A_1213 = arith.addf %add3A_1195, %mul3A_1212 : vector<32x384xf32>
    %mul3A_1214 = arith.mulf %get3A_1205, %get3A_1205 : vector<32x384xf32>
    %add3A_1215 = arith.addf %add3A_1197, %mul3A_1214 : vector<32x384xf32>
    %mul3A_1216 = arith.mulf %get3A_1211, %get3A_1211 : vector<32x384xf32>
    %add3A_1217 = arith.addf %add3A_1199, %mul3A_1216 : vector<32x384xf32>
    %get3A_1218 = arith.constant 0 : index
    %get3A_1219 = arith.constant 68 : index
    %get3A_1220 = arith.constant 0 : index
    %get3A_1221 = arith.constant 0 : index
    %get3A_1222 = vector.load %arg2[%get3A_1218, %get3A_1219, %get3A_1220, %get3A_1221] : memref<1x80x32x384xf32, #tpu.memory_space<vmem>>, vector<1x1x32x384xf32>
    %get3A_1223 = vector.shape_cast %get3A_1222 : vector<1x1x32x384xf32> to vector<32x384xf32>
    %get3A_1224 = arith.constant 0 : index
    %get3A_1225 = arith.constant 68 : index
    %get3A_1226 = arith.constant 0 : index
    %get3A_1227 = arith.constant 0 : index
    %get3A_1228 = vector.load %arg3[%get3A_1224, %get3A_1225, %get3A_1226, %get3A_1227] : memref<1x80x32x384xf32, #tpu.memory_space<vmem>>, vector<1x1x32x384xf32>
    %get3A_1229 = vector.shape_cast %get3A_1228 : vector<1x1x32x384xf32> to vector<32x384xf32>
    %mul3A_1230 = arith.mulf %get3A_1223, %get3A_1229 : vector<32x384xf32>
    %add3A_1231 = arith.addf %add3A_1213, %mul3A_1230 : vector<32x384xf32>
    %mul3A_1232 = arith.mulf %get3A_1223, %get3A_1223 : vector<32x384xf32>
    %add3A_1233 = arith.addf %add3A_1215, %mul3A_1232 : vector<32x384xf32>
    %mul3A_1234 = arith.mulf %get3A_1229, %get3A_1229 : vector<32x384xf32>
    %add3A_1235 = arith.addf %add3A_1217, %mul3A_1234 : vector<32x384xf32>
    %get3A_1236 = arith.constant 0 : index
    %get3A_1237 = arith.constant 69 : index
    %get3A_1238 = arith.constant 0 : index
    %get3A_1239 = arith.constant 0 : index
    %get3A_1240 = vector.load %arg2[%get3A_1236, %get3A_1237, %get3A_1238, %get3A_1239] : memref<1x80x32x384xf32, #tpu.memory_space<vmem>>, vector<1x1x32x384xf32>
    %get3A_1241 = vector.shape_cast %get3A_1240 : vector<1x1x32x384xf32> to vector<32x384xf32>
    %get3A_1242 = arith.constant 0 : index
    %get3A_1243 = arith.constant 69 : index
    %get3A_1244 = arith.constant 0 : index
    %get3A_1245 = arith.constant 0 : index
    %get3A_1246 = vector.load %arg3[%get3A_1242, %get3A_1243, %get3A_1244, %get3A_1245] : memref<1x80x32x384xf32, #tpu.memory_space<vmem>>, vector<1x1x32x384xf32>
    %get3A_1247 = vector.shape_cast %get3A_1246 : vector<1x1x32x384xf32> to vector<32x384xf32>
    %mul3A_1248 = arith.mulf %get3A_1241, %get3A_1247 : vector<32x384xf32>
    %add3A_1249 = arith.addf %add3A_1231, %mul3A_1248 : vector<32x384xf32>
    %mul3A_1250 = arith.mulf %get3A_1241, %get3A_1241 : vector<32x384xf32>
    %add3A_1251 = arith.addf %add3A_1233, %mul3A_1250 : vector<32x384xf32>
    %mul3A_1252 = arith.mulf %get3A_1247, %get3A_1247 : vector<32x384xf32>
    %add3A_1253 = arith.addf %add3A_1235, %mul3A_1252 : vector<32x384xf32>
    %get3A_1254 = arith.constant 0 : index
    %get3A_1255 = arith.constant 70 : index
    %get3A_1256 = arith.constant 0 : index
    %get3A_1257 = arith.constant 0 : index
    %get3A_1258 = vector.load %arg2[%get3A_1254, %get3A_1255, %get3A_1256, %get3A_1257] : memref<1x80x32x384xf32, #tpu.memory_space<vmem>>, vector<1x1x32x384xf32>
    %get3A_1259 = vector.shape_cast %get3A_1258 : vector<1x1x32x384xf32> to vector<32x384xf32>
    %get3A_1260 = arith.constant 0 : index
    %get3A_1261 = arith.constant 70 : index
    %get3A_1262 = arith.constant 0 : index
    %get3A_1263 = arith.constant 0 : index
    %get3A_1264 = vector.load %arg3[%get3A_1260, %get3A_1261, %get3A_1262, %get3A_1263] : memref<1x80x32x384xf32, #tpu.memory_space<vmem>>, vector<1x1x32x384xf32>
    %get3A_1265 = vector.shape_cast %get3A_1264 : vector<1x1x32x384xf32> to vector<32x384xf32>
    %mul3A_1266 = arith.mulf %get3A_1259, %get3A_1265 : vector<32x384xf32>
    %add3A_1267 = arith.addf %add3A_1249, %mul3A_1266 : vector<32x384xf32>
    %mul3A_1268 = arith.mulf %get3A_1259, %get3A_1259 : vector<32x384xf32>
    %add3A_1269 = arith.addf %add3A_1251, %mul3A_1268 : vector<32x384xf32>
    %mul3A_1270 = arith.mulf %get3A_1265, %get3A_1265 : vector<32x384xf32>
    %add3A_1271 = arith.addf %add3A_1253, %mul3A_1270 : vector<32x384xf32>
    %get3A_1272 = arith.constant 0 : index
    %get3A_1273 = arith.constant 71 : index
    %get3A_1274 = arith.constant 0 : index
    %get3A_1275 = arith.constant 0 : index
    %get3A_1276 = vector.load %arg2[%get3A_1272, %get3A_1273, %get3A_1274, %get3A_1275] : memref<1x80x32x384xf32, #tpu.memory_space<vmem>>, vector<1x1x32x384xf32>
    %get3A_1277 = vector.shape_cast %get3A_1276 : vector<1x1x32x384xf32> to vector<32x384xf32>
    %get3A_1278 = arith.constant 0 : index
    %get3A_1279 = arith.constant 71 : index
    %get3A_1280 = arith.constant 0 : index
    %get3A_1281 = arith.constant 0 : index
    %get3A_1282 = vector.load %arg3[%get3A_1278, %get3A_1279, %get3A_1280, %get3A_1281] : memref<1x80x32x384xf32, #tpu.memory_space<vmem>>, vector<1x1x32x384xf32>
    %get3A_1283 = vector.shape_cast %get3A_1282 : vector<1x1x32x384xf32> to vector<32x384xf32>
    %mul3A_1284 = arith.mulf %get3A_1277, %get3A_1283 : vector<32x384xf32>
    %add3A_1285 = arith.addf %add3A_1267, %mul3A_1284 : vector<32x384xf32>
    %mul3A_1286 = arith.mulf %get3A_1277, %get3A_1277 : vector<32x384xf32>
    %add3A_1287 = arith.addf %add3A_1269, %mul3A_1286 : vector<32x384xf32>
    %mul3A_1288 = arith.mulf %get3A_1283, %get3A_1283 : vector<32x384xf32>
    %add3A_1289 = arith.addf %add3A_1271, %mul3A_1288 : vector<32x384xf32>
    %get3A_1290 = arith.constant 0 : index
    %get3A_1291 = arith.constant 72 : index
    %get3A_1292 = arith.constant 0 : index
    %get3A_1293 = arith.constant 0 : index
    %get3A_1294 = vector.load %arg2[%get3A_1290, %get3A_1291, %get3A_1292, %get3A_1293] : memref<1x80x32x384xf32, #tpu.memory_space<vmem>>, vector<1x1x32x384xf32>
    %get3A_1295 = vector.shape_cast %get3A_1294 : vector<1x1x32x384xf32> to vector<32x384xf32>
    %get3A_1296 = arith.constant 0 : index
    %get3A_1297 = arith.constant 72 : index
    %get3A_1298 = arith.constant 0 : index
    %get3A_1299 = arith.constant 0 : index
    %get3A_1300 = vector.load %arg3[%get3A_1296, %get3A_1297, %get3A_1298, %get3A_1299] : memref<1x80x32x384xf32, #tpu.memory_space<vmem>>, vector<1x1x32x384xf32>
    %get3A_1301 = vector.shape_cast %get3A_1300 : vector<1x1x32x384xf32> to vector<32x384xf32>
    %mul3A_1302 = arith.mulf %get3A_1295, %get3A_1301 : vector<32x384xf32>
    %add3A_1303 = arith.addf %add3A_1285, %mul3A_1302 : vector<32x384xf32>
    %mul3A_1304 = arith.mulf %get3A_1295, %get3A_1295 : vector<32x384xf32>
    %add3A_1305 = arith.addf %add3A_1287, %mul3A_1304 : vector<32x384xf32>
    %mul3A_1306 = arith.mulf %get3A_1301, %get3A_1301 : vector<32x384xf32>
    %add3A_1307 = arith.addf %add3A_1289, %mul3A_1306 : vector<32x384xf32>
    %get3A_1308 = arith.constant 0 : index
    %get3A_1309 = arith.constant 73 : index
    %get3A_1310 = arith.constant 0 : index
    %get3A_1311 = arith.constant 0 : index
    %get3A_1312 = vector.load %arg2[%get3A_1308, %get3A_1309, %get3A_1310, %get3A_1311] : memref<1x80x32x384xf32, #tpu.memory_space<vmem>>, vector<1x1x32x384xf32>
    %get3A_1313 = vector.shape_cast %get3A_1312 : vector<1x1x32x384xf32> to vector<32x384xf32>
    %get3A_1314 = arith.constant 0 : index
    %get3A_1315 = arith.constant 73 : index
    %get3A_1316 = arith.constant 0 : index
    %get3A_1317 = arith.constant 0 : index
    %get3A_1318 = vector.load %arg3[%get3A_1314, %get3A_1315, %get3A_1316, %get3A_1317] : memref<1x80x32x384xf32, #tpu.memory_space<vmem>>, vector<1x1x32x384xf32>
    %get3A_1319 = vector.shape_cast %get3A_1318 : vector<1x1x32x384xf32> to vector<32x384xf32>
    %mul3A_1320 = arith.mulf %get3A_1313, %get3A_1319 : vector<32x384xf32>
    %add3A_1321 = arith.addf %add3A_1303, %mul3A_1320 : vector<32x384xf32>
    %mul3A_1322 = arith.mulf %get3A_1313, %get3A_1313 : vector<32x384xf32>
    %add3A_1323 = arith.addf %add3A_1305, %mul3A_1322 : vector<32x384xf32>
    %mul3A_1324 = arith.mulf %get3A_1319, %get3A_1319 : vector<32x384xf32>
    %add3A_1325 = arith.addf %add3A_1307, %mul3A_1324 : vector<32x384xf32>
    %get3A_1326 = arith.constant 0 : index
    %get3A_1327 = arith.constant 74 : index
    %get3A_1328 = arith.constant 0 : index
    %get3A_1329 = arith.constant 0 : index
    %get3A_1330 = vector.load %arg2[%get3A_1326, %get3A_1327, %get3A_1328, %get3A_1329] : memref<1x80x32x384xf32, #tpu.memory_space<vmem>>, vector<1x1x32x384xf32>
    %get3A_1331 = vector.shape_cast %get3A_1330 : vector<1x1x32x384xf32> to vector<32x384xf32>
    %get3A_1332 = arith.constant 0 : index
    %get3A_1333 = arith.constant 74 : index
    %get3A_1334 = arith.constant 0 : index
    %get3A_1335 = arith.constant 0 : index
    %get3A_1336 = vector.load %arg3[%get3A_1332, %get3A_1333, %get3A_1334, %get3A_1335] : memref<1x80x32x384xf32, #tpu.memory_space<vmem>>, vector<1x1x32x384xf32>
    %get3A_1337 = vector.shape_cast %get3A_1336 : vector<1x1x32x384xf32> to vector<32x384xf32>
    %mul3A_1338 = arith.mulf %get3A_1331, %get3A_1337 : vector<32x384xf32>
    %add3A_1339 = arith.addf %add3A_1321, %mul3A_1338 : vector<32x384xf32>
    %mul3A_1340 = arith.mulf %get3A_1331, %get3A_1331 : vector<32x384xf32>
    %add3A_1341 = arith.addf %add3A_1323, %mul3A_1340 : vector<32x384xf32>
    %mul3A_1342 = arith.mulf %get3A_1337, %get3A_1337 : vector<32x384xf32>
    %add3A_1343 = arith.addf %add3A_1325, %mul3A_1342 : vector<32x384xf32>
    %get3A_1344 = arith.constant 0 : index
    %get3A_1345 = arith.constant 75 : index
    %get3A_1346 = arith.constant 0 : index
    %get3A_1347 = arith.constant 0 : index
    %get3A_1348 = vector.load %arg2[%get3A_1344, %get3A_1345, %get3A_1346, %get3A_1347] : memref<1x80x32x384xf32, #tpu.memory_space<vmem>>, vector<1x1x32x384xf32>
    %get3A_1349 = vector.shape_cast %get3A_1348 : vector<1x1x32x384xf32> to vector<32x384xf32>
    %get3A_1350 = arith.constant 0 : index
    %get3A_1351 = arith.constant 75 : index
    %get3A_1352 = arith.constant 0 : index
    %get3A_1353 = arith.constant 0 : index
    %get3A_1354 = vector.load %arg3[%get3A_1350, %get3A_1351, %get3A_1352, %get3A_1353] : memref<1x80x32x384xf32, #tpu.memory_space<vmem>>, vector<1x1x32x384xf32>
    %get3A_1355 = vector.shape_cast %get3A_1354 : vector<1x1x32x384xf32> to vector<32x384xf32>
    %mul3A_1356 = arith.mulf %get3A_1349, %get3A_1355 : vector<32x384xf32>
    %add3A_1357 = arith.addf %add3A_1339, %mul3A_1356 : vector<32x384xf32>
    %mul3A_1358 = arith.mulf %get3A_1349, %get3A_1349 : vector<32x384xf32>
    %add3A_1359 = arith.addf %add3A_1341, %mul3A_1358 : vector<32x384xf32>
    %mul3A_1360 = arith.mulf %get3A_1355, %get3A_1355 : vector<32x384xf32>
    %add3A_1361 = arith.addf %add3A_1343, %mul3A_1360 : vector<32x384xf32>
    %get3A_1362 = arith.constant 0 : index
    %get3A_1363 = arith.constant 76 : index
    %get3A_1364 = arith.constant 0 : index
    %get3A_1365 = arith.constant 0 : index
    %get3A_1366 = vector.load %arg2[%get3A_1362, %get3A_1363, %get3A_1364, %get3A_1365] : memref<1x80x32x384xf32, #tpu.memory_space<vmem>>, vector<1x1x32x384xf32>
    %get3A_1367 = vector.shape_cast %get3A_1366 : vector<1x1x32x384xf32> to vector<32x384xf32>
    %get3A_1368 = arith.constant 0 : index
    %get3A_1369 = arith.constant 76 : index
    %get3A_1370 = arith.constant 0 : index
    %get3A_1371 = arith.constant 0 : index
    %get3A_1372 = vector.load %arg3[%get3A_1368, %get3A_1369, %get3A_1370, %get3A_1371] : memref<1x80x32x384xf32, #tpu.memory_space<vmem>>, vector<1x1x32x384xf32>
    %get3A_1373 = vector.shape_cast %get3A_1372 : vector<1x1x32x384xf32> to vector<32x384xf32>
    %mul3A_1374 = arith.mulf %get3A_1367, %get3A_1373 : vector<32x384xf32>
    %add3A_1375 = arith.addf %add3A_1357, %mul3A_1374 : vector<32x384xf32>
    %mul3A_1376 = arith.mulf %get3A_1367, %get3A_1367 : vector<32x384xf32>
    %add3A_1377 = arith.addf %add3A_1359, %mul3A_1376 : vector<32x384xf32>
    %mul3A_1378 = arith.mulf %get3A_1373, %get3A_1373 : vector<32x384xf32>
    %add3A_1379 = arith.addf %add3A_1361, %mul3A_1378 : vector<32x384xf32>
    %get3A_1380 = arith.constant 0 : index
    %get3A_1381 = arith.constant 77 : index
    %get3A_1382 = arith.constant 0 : index
    %get3A_1383 = arith.constant 0 : index
    %get3A_1384 = vector.load %arg2[%get3A_1380, %get3A_1381, %get3A_1382, %get3A_1383] : memref<1x80x32x384xf32, #tpu.memory_space<vmem>>, vector<1x1x32x384xf32>
    %get3A_1385 = vector.shape_cast %get3A_1384 : vector<1x1x32x384xf32> to vector<32x384xf32>
    %get3A_1386 = arith.constant 0 : index
    %get3A_1387 = arith.constant 77 : index
    %get3A_1388 = arith.constant 0 : index
    %get3A_1389 = arith.constant 0 : index
    %get3A_1390 = vector.load %arg3[%get3A_1386, %get3A_1387, %get3A_1388, %get3A_1389] : memref<1x80x32x384xf32, #tpu.memory_space<vmem>>, vector<1x1x32x384xf32>
    %get3A_1391 = vector.shape_cast %get3A_1390 : vector<1x1x32x384xf32> to vector<32x384xf32>
    %mul3A_1392 = arith.mulf %get3A_1385, %get3A_1391 : vector<32x384xf32>
    %add3A_1393 = arith.addf %add3A_1375, %mul3A_1392 : vector<32x384xf32>
    %mul3A_1394 = arith.mulf %get3A_1385, %get3A_1385 : vector<32x384xf32>
    %add3A_1395 = arith.addf %add3A_1377, %mul3A_1394 : vector<32x384xf32>
    %mul3A_1396 = arith.mulf %get3A_1391, %get3A_1391 : vector<32x384xf32>
    %add3A_1397 = arith.addf %add3A_1379, %mul3A_1396 : vector<32x384xf32>
    %get3A_1398 = arith.constant 0 : index
    %get3A_1399 = arith.constant 78 : index
    %get3A_1400 = arith.constant 0 : index
    %get3A_1401 = arith.constant 0 : index
    %get3A_1402 = vector.load %arg2[%get3A_1398, %get3A_1399, %get3A_1400, %get3A_1401] : memref<1x80x32x384xf32, #tpu.memory_space<vmem>>, vector<1x1x32x384xf32>
    %get3A_1403 = vector.shape_cast %get3A_1402 : vector<1x1x32x384xf32> to vector<32x384xf32>
    %get3A_1404 = arith.constant 0 : index
    %get3A_1405 = arith.constant 78 : index
    %get3A_1406 = arith.constant 0 : index
    %get3A_1407 = arith.constant 0 : index
    %get3A_1408 = vector.load %arg3[%get3A_1404, %get3A_1405, %get3A_1406, %get3A_1407] : memref<1x80x32x384xf32, #tpu.memory_space<vmem>>, vector<1x1x32x384xf32>
    %get3A_1409 = vector.shape_cast %get3A_1408 : vector<1x1x32x384xf32> to vector<32x384xf32>
    %mul3A_1410 = arith.mulf %get3A_1403, %get3A_1409 : vector<32x384xf32>
    %add3A_1411 = arith.addf %add3A_1393, %mul3A_1410 : vector<32x384xf32>
    %mul3A_1412 = arith.mulf %get3A_1403, %get3A_1403 : vector<32x384xf32>
    %add3A_1413 = arith.addf %add3A_1395, %mul3A_1412 : vector<32x384xf32>
    %mul3A_1414 = arith.mulf %get3A_1409, %get3A_1409 : vector<32x384xf32>
    %add3A_1415 = arith.addf %add3A_1397, %mul3A_1414 : vector<32x384xf32>
    %get3A_1416 = arith.constant 0 : index
    %get3A_1417 = arith.constant 79 : index
    %get3A_1418 = arith.constant 0 : index
    %get3A_1419 = arith.constant 0 : index
    %get3A_1420 = vector.load %arg2[%get3A_1416, %get3A_1417, %get3A_1418, %get3A_1419] : memref<1x80x32x384xf32, #tpu.memory_space<vmem>>, vector<1x1x32x384xf32>
    %get3A_1421 = vector.shape_cast %get3A_1420 : vector<1x1x32x384xf32> to vector<32x384xf32>
    %get3A_1422 = arith.constant 0 : index
    %get3A_1423 = arith.constant 79 : index
    %get3A_1424 = arith.constant 0 : index
    %get3A_1425 = arith.constant 0 : index
    %get3A_1426 = vector.load %arg3[%get3A_1422, %get3A_1423, %get3A_1424, %get3A_1425] : memref<1x80x32x384xf32, #tpu.memory_space<vmem>>, vector<1x1x32x384xf32>
    %get3A_1427 = vector.shape_cast %get3A_1426 : vector<1x1x32x384xf32> to vector<32x384xf32>
    %mul3A_1428 = arith.mulf %get3A_1421, %get3A_1427 : vector<32x384xf32>
    %add3A_1429 = arith.addf %add3A_1411, %mul3A_1428 : vector<32x384xf32>
    %mul3A_1430 = arith.mulf %get3A_1421, %get3A_1421 : vector<32x384xf32>
    %add3A_1431 = arith.addf %add3A_1413, %mul3A_1430 : vector<32x384xf32>
    %mul3A_1432 = arith.mulf %get3A_1427, %get3A_1427 : vector<32x384xf32>
    %add3A_1433 = arith.addf %add3A_1415, %mul3A_1432 : vector<32x384xf32>
    %swap3A = arith.constant 0 : index
    %swap3A_1434 = arith.constant 0 : index
    %swap3A_1435 = arith.constant 0 : index
    %swap3A_1436 = vector.load %arg4[%swap3A, %swap3A_1434, %swap3A_1435] : memref<1x32x384xf32, #tpu.memory_space<vmem>>, vector<1x32x384xf32>
    %swap3A_1437 = vector.shape_cast %swap3A_1436 : vector<1x32x384xf32> to vector<32x384xf32>
    %swap3A_1438 = vector.shape_cast %add3A_1429 : vector<32x384xf32> to vector<1x32x384xf32>
    tpu.vector_store %arg4[%swap3A, %swap3A_1434, %swap3A_1435], %swap3A_1438 {strides = array<i32>} : memref<1x32x384xf32, #tpu.memory_space<vmem>>, vector<1x32x384xf32>,
    %swap3A_1439 = arith.constant 0 : index
    %swap3A_1440 = arith.constant 0 : index
    %swap3A_1441 = arith.constant 0 : index
    %swap3A_1442 = vector.load %arg5[%swap3A_1439, %swap3A_1440, %swap3A_1441] : memref<1x32x384xf32, #tpu.memory_space<vmem>>, vector<1x32x384xf32>
    %swap3A_1443 = vector.shape_cast %swap3A_1442 : vector<1x32x384xf32> to vector<32x384xf32>
    %swap3A_1444 = vector.shape_cast %add3A_1431 : vector<32x384xf32> to vector<1x32x384xf32>
    tpu.vector_store %arg5[%swap3A_1439, %swap3A_1440, %swap3A_1441], %swap3A_1444 {strides = array<i32>} : memref<1x32x384xf32, #tpu.memory_space<vmem>>, vector<1x32x384xf32>,
    %swap3A_1445 = arith.constant 0 : index
    %swap3A_1446 = arith.constant 0 : index
    %swap3A_1447 = arith.constant 0 : index
    %swap3A_1448 = vector.load %arg6[%swap3A_1445, %swap3A_1446, %swap3A_1447] : memref<1x32x384xf32, #tpu.memory_space<vmem>>, vector<1x32x384xf32>
    %swap3A_1449 = vector.shape_cast %swap3A_1448 : vector<1x32x384xf32> to vector<32x384xf32>
    %swap3A_1450 = vector.shape_cast %add3A_1433 : vector<32x384xf32> to vector<1x32x384xf32>
    tpu.vector_store %arg6[%swap3A_1445, %swap3A_1446, %swap3A_1447], %swap3A_1450 {strides = array<i32>} : memref<1x32x384xf32, #tpu.memory_space<vmem>>, vector<1x32x384xf32>,
    return
  }
  func.func @transform_0(%arg0: i32, %arg1: i32) -> (i32, i32, i32, i32) {
    %c0_i32 = arith.constant 0 : i32
    %c0_i32_0 = arith.constant 0 : i32
    %c0_i32_1 = arith.constant 0 : i32
    return %arg0, %c0_i32, %arg1, %c0_i32_0 : i32, i32, i32, i32
  }
  func.func @transform_1(%arg0: i32, %arg1: i32) -> (i32, i32, i32, i32) {
    %c0_i32 = arith.constant 0 : i32
    %c0_i32_0 = arith.constant 0 : i32
    %c0_i32_1 = arith.constant 0 : i32
    return %arg0, %c0_i32, %arg1, %c0_i32_0 : i32, i32, i32, i32
  }
  func.func @transform_2(%arg0: i32, %arg1: i32) -> (i32, i32, i32) {
    %c0_i32 = arith.constant 0 : i32
    %c0_i32_0 = arith.constant 0 : i32
    return %arg0, %arg1, %c0_i32 : i32, i32, i32
  }
  func.func @transform_3(%arg0: i32, %arg1: i32) -> (i32, i32, i32) {
    %c0_i32 = arith.constant 0 : i32
    %c0_i32_0 = arith.constant 0 : i32
    return %arg0, %arg1, %c0_i32 : i32, i32, i32
  }
  func.func @transform_4(%arg0: i32, %arg1: i32) -> (i32, i32, i32) {
    %c0_i32 = arith.constant 0 : i32
    %c0_i32_0 = arith.constant 0 : i32
    return %arg0, %arg1, %c0_i32 : i32, i32, i32
  }
}

module attributes {stable_mosaic.version = 14 : i64} {
  func.func @_combine_body(%arg0: i32, %arg1: memref<1x384x384xf32, #tpu.memory_space<vmem>>, %arg2: memref<1x384x384xf32, #tpu.memory_space<vmem>>, %arg3: memref<1x384x384xf32, #tpu.memory_space<vmem>>, %arg4: memref<3x1x384x384xf32, #tpu.memory_space<vmem>>, %arg5: memref<1x384x384xi8, #tpu.memory_space<vmem>>, %arg6: memref<1x384x384xf32, #tpu.memory_space<vmem>>, %arg7: memref<1x1xf32, #tpu.memory_space<vmem>>, %arg8: memref<1x1xf32, #tpu.memory_space<vmem>>) attributes {dimension_semantics = [#tpu.dimension_semantics<arbitrary>], iteration_bounds = array<i64: 4>, scalar_prefetch = 0 : i64, scratch_operands = 0 : i64, tpu.core_type = #tpu.core_type<tc>, window_params = [{transform_indices = @transform_0, window_bounds = array<i64: 1, 384, 384>}, {transform_indices = @transform_1, window_bounds = array<i64: 1, 384, 384>}, {transform_indices = @transform_2, window_bounds = array<i64: 1, 384, 384>}, {transform_indices = @transform_3, window_bounds = array<i64: 3, 1, 384, 384>}, {transform_indices = @transform_4, window_bounds = array<i64: 1, 384, 384>}, {transform_indices = @transform_5, window_bounds = array<i64: 1, 384, 384>}, {pipeline_mode = #tpu.pipeline_mode<synchronous>, transform_indices = @transform_6, window_bounds = array<i64: 1, 1>}, {pipeline_mode = #tpu.pipeline_mode<synchronous>, transform_indices = @transform_7, window_bounds = array<i64: 1, 1>}]} {
    %eq3A = arith.constant 0 : i32
    %eq3A_0 = arith.cmpi eq, %arg0, %eq3A : i32
    %convert_element_type3A = arith.extui %eq3A_0 : i1 to i32
    %cond3A = arith.constant 0 : i32
    %cond3A_1 = arith.cmpi ne, %convert_element_type3A, %cond3A : i32
    scf.if %cond3A_1 {
      %broadcast_in_dim3A_82 = arith.constant 0.000000e+00 : f32
      %broadcast_in_dim3A_83 = vector.broadcast %broadcast_in_dim3A_82 : f32 to vector<1x1xf32>
      %swap3A_84 = arith.constant 0 : index
      %swap3A_85 = arith.constant 0 : index
      %swap3A_86 = vector.load %arg7[%swap3A_84, %swap3A_85] : memref<1x1xf32, #tpu.memory_space<vmem>>, vector<1x1xf32>
      tpu.vector_store %arg7[%swap3A_84, %swap3A_85], %broadcast_in_dim3A_83 {strides = array<i32>} : memref<1x1xf32, #tpu.memory_space<vmem>>, vector<1x1xf32>,
      %broadcast_in_dim3A_87 = arith.constant 0.000000e+00 : f32
      %broadcast_in_dim3A_88 = vector.broadcast %broadcast_in_dim3A_87 : f32 to vector<1x1xf32>
      %swap3A_89 = arith.constant 0 : index
      %swap3A_90 = arith.constant 0 : index
      %swap3A_91 = vector.load %arg8[%swap3A_89, %swap3A_90] : memref<1x1xf32, #tpu.memory_space<vmem>>, vector<1x1xf32>
      tpu.vector_store %arg8[%swap3A_89, %swap3A_90], %broadcast_in_dim3A_88 {strides = array<i32>} : memref<1x1xf32, #tpu.memory_space<vmem>>, vector<1x1xf32>,
    } else {
    }
    %get3A = arith.constant 0 : index
    %get3A_2 = arith.constant 0 : index
    %get3A_3 = arith.constant 0 : index
    %get3A_4 = vector.load %arg1[%get3A, %get3A_2, %get3A_3] : memref<1x384x384xf32, #tpu.memory_space<vmem>>, vector<1x384x384xf32>
    %get3A_5 = vector.shape_cast %get3A_4 : vector<1x384x384xf32> to vector<384x384xf32>
    %get3A_6 = arith.constant 0 : index
    %get3A_7 = arith.constant 0 : index
    %get3A_8 = arith.constant 0 : index
    %get3A_9 = arith.constant 0 : index
    %get3A_10 = vector.load %arg4[%get3A_6, %get3A_7, %get3A_8, %get3A_9] : memref<3x1x384x384xf32, #tpu.memory_space<vmem>>, vector<1x1x384x384xf32>
    %get3A_11 = vector.shape_cast %get3A_10 : vector<1x1x384x384xf32> to vector<384x384xf32>
    %add3A = arith.addf %get3A_5, %get3A_11 : vector<384x384xf32>
    %get3A_12 = arith.constant 0 : index
    %get3A_13 = arith.constant 0 : index
    %get3A_14 = arith.constant 0 : index
    %get3A_15 = vector.load %arg2[%get3A_12, %get3A_13, %get3A_14] : memref<1x384x384xf32, #tpu.memory_space<vmem>>, vector<1x384x384xf32>
    %get3A_16 = vector.shape_cast %get3A_15 : vector<1x384x384xf32> to vector<384x384xf32>
    %get3A_17 = arith.constant 1 : index
    %get3A_18 = arith.constant 0 : index
    %get3A_19 = arith.constant 0 : index
    %get3A_20 = arith.constant 0 : index
    %get3A_21 = vector.load %arg4[%get3A_17, %get3A_18, %get3A_19, %get3A_20] : memref<3x1x384x384xf32, #tpu.memory_space<vmem>>, vector<1x1x384x384xf32>
    %get3A_22 = vector.shape_cast %get3A_21 : vector<1x1x384x384xf32> to vector<384x384xf32>
    %add3A_23 = arith.addf %get3A_16, %get3A_22 : vector<384x384xf32>
    %get3A_24 = arith.constant 0 : index
    %get3A_25 = arith.constant 0 : index
    %get3A_26 = arith.constant 0 : index
    %get3A_27 = vector.load %arg3[%get3A_24, %get3A_25, %get3A_26] : memref<1x384x384xf32, #tpu.memory_space<vmem>>, vector<1x384x384xf32>
    %get3A_28 = vector.shape_cast %get3A_27 : vector<1x384x384xf32> to vector<384x384xf32>
    %get3A_29 = arith.constant 2 : index
    %get3A_30 = arith.constant 0 : index
    %get3A_31 = arith.constant 0 : index
    %get3A_32 = arith.constant 0 : index
    %get3A_33 = vector.load %arg4[%get3A_29, %get3A_30, %get3A_31, %get3A_32] : memref<3x1x384x384xf32, #tpu.memory_space<vmem>>, vector<1x1x384x384xf32>
    %get3A_34 = vector.shape_cast %get3A_33 : vector<1x1x384x384xf32> to vector<384x384xf32>
    %add3A_35 = arith.addf %get3A_28, %get3A_34 : vector<384x384xf32>
    %sqrt3A = math.sqrt %add3A_23 : vector<384x384xf32>
    %sqrt3A_36 = math.sqrt %add3A_35 : vector<384x384xf32>
    %mul3A = arith.mulf %sqrt3A, %sqrt3A_36 : vector<384x384xf32>
    %max3A = arith.constant 9.99999993E-9 : f32
    %max3A_37 = vector.broadcast %max3A : f32 to vector<384x384xf32>
    %max3A_38 = arith.maximumf %mul3A, %max3A_37 : vector<384x384xf32>
    %div3A = arith.divf %add3A, %max3A_38 : vector<384x384xf32>
    %sub3A = arith.constant 1.000000e+00 : f32
    %sub3A_39 = vector.broadcast %sub3A : f32 to vector<384x384xf32>
    %sub3A_40 = arith.subf %sub3A_39, %div3A : vector<384x384xf32>
    %get3A_41 = arith.constant 0 : index
    %get3A_42 = arith.constant 0 : index
    %get3A_43 = arith.constant 0 : index
    %get3A_44 = vector.load %arg6[%get3A_41, %get3A_42, %get3A_43] : memref<1x384x384xf32, #tpu.memory_space<vmem>>, vector<1x384x384xf32>
    %get3A_45 = vector.shape_cast %get3A_44 : vector<1x384x384xf32> to vector<384x384xf32>
    %ne3A = arith.constant 0.000000e+00 : f32
    %ne3A_46 = vector.broadcast %ne3A : f32 to vector<384x384xf32>
    %ne3A_47 = arith.cmpf one, %get3A_45, %ne3A_46 : vector<384x384xf32>
    %get3A_48 = arith.constant 0 : index
    %get3A_49 = arith.constant 0 : index
    %get3A_50 = arith.constant 0 : index
    %get3A_51 = vector.load %arg5[%get3A_48, %get3A_49, %get3A_50] : memref<1x384x384xi8, #tpu.memory_space<vmem>>, vector<1x384x384xi8>
    %get3A_52 = vector.shape_cast %get3A_51 : vector<1x384x384xi8> to vector<384x384xi8>
    %eq3A_53 = arith.constant 0 : i8
    %eq3A_54 = vector.broadcast %eq3A_53 : i8 to vector<384x384xi8>
    %eq3A_55 = arith.cmpi eq, %get3A_52, %eq3A_54 : vector<384x384xi8>
    %and3A = arith.andi %ne3A_47, %eq3A_55 : vector<384x384xi1>
    %convert_element_type3A_56 = arith.extui %and3A : vector<384x384xi1> to vector<384x384xi32>
    %convert_element_type3A_57 = arith.sitofp %convert_element_type3A_56 : vector<384x384xi32> to vector<384x384xf32>
    %get3A_58 = arith.constant 0 : index
    %get3A_59 = arith.constant 0 : index
    %get3A_60 = vector.load %arg7[%get3A_58, %get3A_59] : memref<1x1xf32, #tpu.memory_space<vmem>>, vector<1x1xf32>
    %mul3A_61 = arith.mulf %sub3A_40, %convert_element_type3A_57 : vector<384x384xf32>
    %reduce_sum3A = vector.shape_cast %mul3A_61 : vector<384x384xf32> to vector<1x384x384xf32>
    %reduce_sum3A_62 = arith.constant dense<0.000000e+00> : vector<1xf32>
    %reduce_sum3A_63 = vector.multi_reduction <add>, %reduce_sum3A, %reduce_sum3A_62 [1, 2] : vector<1x384x384xf32> to vector<1xf32>
    %reduce_sum3A_64 = vector.shape_cast %reduce_sum3A_63 : vector<1xf32> to vector<1x1x1xf32>
    %reduce_sum3A_65 = vector.extract %reduce_sum3A_64[0, 0, 0] : f32 from vector<1x1x1xf32>
    %broadcast_in_dim3A = vector.broadcast %reduce_sum3A_65 : f32 to vector<1x1xf32>
    %add3A_66 = arith.addf %get3A_60, %broadcast_in_dim3A : vector<1x1xf32>
    %swap3A = arith.constant 0 : index
    %swap3A_67 = arith.constant 0 : index
    %swap3A_68 = vector.load %arg7[%swap3A, %swap3A_67] : memref<1x1xf32, #tpu.memory_space<vmem>>, vector<1x1xf32>
    tpu.vector_store %arg7[%swap3A, %swap3A_67], %add3A_66 {strides = array<i32>} : memref<1x1xf32, #tpu.memory_space<vmem>>, vector<1x1xf32>,
    %get3A_69 = arith.constant 0 : index
    %get3A_70 = arith.constant 0 : index
    %get3A_71 = vector.load %arg8[%get3A_69, %get3A_70] : memref<1x1xf32, #tpu.memory_space<vmem>>, vector<1x1xf32>
    %reduce_sum3A_72 = vector.shape_cast %convert_element_type3A_57 : vector<384x384xf32> to vector<1x384x384xf32>
    %reduce_sum3A_73 = arith.constant dense<0.000000e+00> : vector<1xf32>
    %reduce_sum3A_74 = vector.multi_reduction <add>, %reduce_sum3A_72, %reduce_sum3A_73 [1, 2] : vector<1x384x384xf32> to vector<1xf32>
    %reduce_sum3A_75 = vector.shape_cast %reduce_sum3A_74 : vector<1xf32> to vector<1x1x1xf32>
    %reduce_sum3A_76 = vector.extract %reduce_sum3A_75[0, 0, 0] : f32 from vector<1x1x1xf32>
    %broadcast_in_dim3A_77 = vector.broadcast %reduce_sum3A_76 : f32 to vector<1x1xf32>
    %add3A_78 = arith.addf %get3A_71, %broadcast_in_dim3A_77 : vector<1x1xf32>
    %swap3A_79 = arith.constant 0 : index
    %swap3A_80 = arith.constant 0 : index
    %swap3A_81 = vector.load %arg8[%swap3A_79, %swap3A_80] : memref<1x1xf32, #tpu.memory_space<vmem>>, vector<1x1xf32>
    tpu.vector_store %arg8[%swap3A_79, %swap3A_80], %add3A_78 {strides = array<i32>} : memref<1x1xf32, #tpu.memory_space<vmem>>, vector<1x1xf32>,
    return
  }
  func.func @transform_0(%arg0: i32) -> (i32, i32, i32) {
    %c0_i32 = arith.constant 0 : i32
    %c0_i32_0 = arith.constant 0 : i32
    %c0_i32_1 = arith.constant 0 : i32
    return %arg0, %c0_i32, %c0_i32_0 : i32, i32, i32
  }
  func.func @transform_1(%arg0: i32) -> (i32, i32, i32) {
    %c0_i32 = arith.constant 0 : i32
    %c0_i32_0 = arith.constant 0 : i32
    %c0_i32_1 = arith.constant 0 : i32
    return %arg0, %c0_i32, %c0_i32_0 : i32, i32, i32
  }
  func.func @transform_2(%arg0: i32) -> (i32, i32, i32) {
    %c0_i32 = arith.constant 0 : i32
    %c0_i32_0 = arith.constant 0 : i32
    %c0_i32_1 = arith.constant 0 : i32
    return %arg0, %c0_i32, %c0_i32_0 : i32, i32, i32
  }
  func.func @transform_3(%arg0: i32) -> (i32, i32, i32, i32) {
    %c0_i32 = arith.constant 0 : i32
    %c0_i32_0 = arith.constant 0 : i32
    %c0_i32_1 = arith.constant 0 : i32
    %c0_i32_2 = arith.constant 0 : i32
    return %c0_i32, %arg0, %c0_i32_0, %c0_i32_1 : i32, i32, i32, i32
  }
  func.func @transform_4(%arg0: i32) -> (i32, i32, i32) {
    %c0_i32 = arith.constant 0 : i32
    %c0_i32_0 = arith.constant 0 : i32
    %c0_i32_1 = arith.constant 0 : i32
    return %arg0, %c0_i32, %c0_i32_0 : i32, i32, i32
  }
  func.func @transform_5(%arg0: i32) -> (i32, i32, i32) {
    %c0_i32 = arith.constant 0 : i32
    %c0_i32_0 = arith.constant 0 : i32
    %c0_i32_1 = arith.constant 0 : i32
    return %arg0, %c0_i32, %c0_i32_0 : i32, i32, i32
  }
  func.func @transform_6(%arg0: i32) -> (i32, i32) {
    %c0_i32 = arith.constant 0 : i32
    %c0_i32_0 = arith.constant 0 : i32
    %c0_i32_1 = arith.constant 0 : i32
    return %c0_i32, %c0_i32_0 : i32, i32
  }
  func.func @transform_7(%arg0: i32) -> (i32, i32) {
    %c0_i32 = arith.constant 0 : i32
    %c0_i32_0 = arith.constant 0 : i32
    %c0_i32_1 = arith.constant 0 : i32
    return %c0_i32, %c0_i32_0 : i32, i32
  }
}

</mosaic_0001>

<sc_bundles>
// kernel: kernel.5.cloned.1.call-start
scs
__scs_entry_jumppad:
0x0: {  	(pc) =	sbr.rel $0x88, $3  }
0x1: {  	(tag) =	ssettag $0x0;
	lr =	simm.s32 $0x1  }
0x2: {  	[smem:$0x3F9D] =	sst lr;
	_ =	strace $0xD0000000  }
0x3: {  	_ = 	snop  }
0x4: {  	_ = 	snop  }
0x5: {  	_ = 	snop  }
0x6: {  	_ = 	snop  }
0x7: {  	_ = 	snop  }
__scs_overlays_trampoline_lowered:
0x8: {  	[smem:$0x3FAC] =	sst s0  }
0x9: {  	[smem:$0x3FAD] =	sst s1  }
0xa: {  	[smem:$0x3FAE] =	sst s2  }
0xb: {  	[smem:$0x3FAF] =	sst s3  }
0xc: {  	[smem:$0x3FB0] =	sst s4  }
0xd: {  	[smem:$0x3FB1] =	sst s5  }
0xe: {  	[smem:$0x3FB2] =	sst s6  }
0xf: {  	[smem:$0x3FB3] =	sst s7  }
0x10: {  	[smem:$0x3FB4] =	sst s8  }
0x11: {  	[smem:$0x3FB5] =	sst s9;
	s0 =	simm.s32 @!p0 $0x0  }
0x12: {  	s1 =	sld [smem:$0x3F9B];
	s0 =	simm.s32 @p0 $0x1  }
0x13: {  	[smem:$0x3FB6] =	sst s0;
	s0 =	simm.s32 @!p1 $0x0  }
0x14: {  	s2 =	sld [smem:$0x3F9A];
	s0 =	simm.s32 @p1 $0x1  }
0x15: {  	[smem:$0x3FB7] =	sst s0;
	s0 =	simm.s32 @!p2 $0x0  }
0x16: {  	s3 =	sld [smem:$0x3FDB];
	s0 =	simm.s32 @p2 $0x1  }
0x17: {  	s4 =	simm.s32 $0x1BF5;
	[smem:$0x3FB9] =	sst s0  }
0x18: {  	s0 =	sld [smem:$0x3F9C];
	_ =	swait.ge [sflag:s4], $0x0  }
0x19: {  	s7 =	sld [smem:$0x3F9D]  }
0x1a: {  	s8 =	sadd.s32 $0xFFFFE003, lr  }
0x1b: {  	s9 =	sadd.s32 $0xFFFFFEF7, lr;
	s5 =	simm.s32 $0xFFFFFFFF;
	p2 =	slt.u32 s8, $0xFFFFF086  }
0x1c: {  	p1 =	slt.u32 s9, $0xF7A;
	s5 =	simm.s32 @!p2 $0x0  }
0x1d: {  	s5 =	simm.s32 @p1 $0x1;
	p0 =	seq.s32 s7, s2  }
0x1e: {  	s7 =	smul.u32 @!p0 $0xF7A, s2;
	p2 =	seq.s32 @!p0 s5, $0x0  }
0x1f: {  	s9 =	smul.u32 $0xF7A, s1;
	s8 =	simm.s32 @!p0 $0x1BF5;
	p2 =	por !p2, p0  }
0x20: {  	[sflag:s8] =	ssyncset.s32 @!p0 $0xFFFFF086;
	s6 =	sadd.s32 @!p0 s3, s7;
	s7 =	simm.s32 @!p0 $0x108  }
0x21: {  	s3 =	sadd.s32 s3, s9;
	s6 =	sadd.s32 @!p0 $0x88, s6;
	s7 =	simm.s32 @p2 $0x1082  }
0x22: {  	[simem:s7], [sflag:s8] =	dma.local @!p0 [hbm:s6], $0xF7A  }
0x23: {  	s9 =	sor.u32 $0xD0000000, s2;
	s6 =	simm.s32 $0x108;
	_ =	swait.ge @!p0 [sflag:s8], $0x0  }
0x24: {  	s3 =	sadd.s32 $0x88, s3;
	s6 =	simm.s32 @!p1 $0x1082;
	[sflag:s4] =	ssyncset.s32 $0xFFFFF086  }
0x25: {  	[simem:s6], [sflag:s4] =	dma.local [hbm:s3], $0xF7A  }
0x26: {  	[smem:$0x3F9D] =	sst s1;
	(tag) =	ssettag s2;
	_ =	strace s9  }
0x27: {  	s1 =	sld [smem:$0x3FAD]  }
0x28: {  	s2 =	sld [smem:$0x3FAE]  }
0x29: {  	s4 =	sld [smem:$0x3FB0]  }
0x2a: {  	p0 =	seq.s32 s5, $0x0;
	s5 =	sld [smem:$0x3FB1]  }
0x2b: {  	s6 =	sld [smem:$0x3FB2]  }
0x2c: {  	s7 =	sld [smem:$0x3FB3]  }
0x2d: {  	s3 =	simm.s32 $0x108;
	s8 =	sld [smem:$0x3FB4]  }
0x2e: {  	s3 =	simm.s32 @!p0 $0x1082;
	s9 =	sld [smem:$0x3FB5]  }
0x2f: {  	lr =	sadd.s32 s0, s3;
	s0 =	sld [smem:$0x3FAC]  }
0x30: {  	s3 =	sld [smem:$0x3FAF]  }
0x31: {  	[smem:$0x3FB8] =	sst s10  }
0x32: {  	s10 =	sld [smem:$0x3FB6];
	_ =	sdelay $0x3  }
0x33: {  	p0 =	seq.s32 s10, $0x1;
	s10 =	sld [smem:$0x3FB8];
	_ =	sdelay $0x3  }
0x34: {  	[smem:$0x3FB8] =	sst s10  }
0x35: {  	s10 =	sld [smem:$0x3FB7];
	_ =	sdelay $0x3  }
0x36: {  	p1 =	seq.s32 s10, $0x1;
	s10 =	sld [smem:$0x3FB8];
	_ =	sdelay $0x3  }
0x37: {  	[smem:$0x3FB8] =	sst s10  }
0x38: {  	s10 =	sld [smem:$0x3FB9]  }
0x39: {  	_ = 	snop;
	(pc) =	sbr.ind lr, $3  }
0x3a: {  	_ = 	snop  }
0x3b: {  	_ = 	snop  }
0x3c: {  	p2 =	seq.s32 s10, $0x1;
	s10 =	sld [smem:$0x3FB8]  }
0x3d: {  	_ =	shalt  }
0x3e: {  	_ =	shalt  }
0x3f: {  	_ =	shalt  }
0x40: {  	_ =	shalt  }
0x41: {  	_ =	shalt  }
0x42: {  	_ =	shalt  }
0x43: {  	_ =	shalt  }
0x44: {  	_ =	shalt  }
0x45: {  	_ =	shalt  }
0x46: {  	_ =	shalt  }
0x47: {  	_ =	shalt  }
0x48: {  	_ =	shalt  }
0x49: {  	_ =	shalt  }
0x4a: {  	_ =	shalt  }
0x4b: {  	_ =	shalt  }
0x4c: {  	_ =	shalt  }
0x4d: {  	_ =	shalt  }
0x4e: {  	_ =	shalt  }
0x4f: {  	_ =	shalt  }
0x50: {  	_ =	shalt  }
0x51: {  	_ =	shalt  }
0x52: {  	_ =	shalt  }
0x53: {  	_ =	shalt  }
0x54: {  	_ =	shalt  }
0x55: {  	_ =	shalt  }
0x56: {  	_ =	shalt  }
0x57: {  	_ =	shalt  }
0x58: {  	_ =	shalt  }
0x59: {  	_ =	shalt  }
0x5a: {  	_ =	shalt  }
0x5b: {  	_ =	shalt  }
0x5c: {  	_ =	shalt  }
0x5d: {  	_ =	shalt  }
0x5e: {  	_ =	shalt  }
0x5f: {  	_ =	shalt  }
0x60: {  	_ =	shalt  }
0x61: {  	_ =	shalt  }
0x62: {  	_ =	shalt  }
0x63: {  	_ =	shalt  }
0x64: {  	_ =	shalt  }
0x65: {  	_ =	shalt  }
0x66: {  	_ =	shalt  }
0x67: {  	_ =	shalt  }
0x68: {  	_ =	shalt  }
0x69: {  	_ =	shalt  }
0x6a: {  	_ =	shalt  }
0x6b: {  	_ =	shalt  }
0x6c: {  	_ =	shalt  }
0x6d: {  	_ =	shalt  }
0x6e: {  	_ =	shalt  }
0x6f: {  	_ =	shalt  }
0x70: {  	_ =	shalt  }
0x71: {  	_ =	shalt  }
0x72: {  	_ =	shalt  }
0x73: {  	_ =	shalt  }
0x74: {  	_ =	shalt  }
0x75: {  	_ =	shalt  }
0x76: {  	_ =	shalt  }
0x77: {  	_ =	shalt  }
0x78: {  	_ =	shalt  }
0x79: {  	_ =	shalt  }
0x7a: {  	_ =	shalt  }
0x7b: {  	_ =	shalt  }
0x7c: {  	_ =	shalt  }
0x7d: {  	_ =	shalt  }
0x7e: {  	_ =	shalt  }
0x7f: {  	_ =	shalt  }
0x80: {  	_ =	shalt  }
0x81: {  	_ =	shalt  }
0x82: {  	_ =	shalt  }
0x83: {  	_ =	shalt  }
0x84: {  	_ =	shalt  }
0x85: {  	_ =	shalt  }
0x86: {  	_ =	shalt  }
0x87: {  	_ =	shalt  }
.Lfunc_end0:
.L_simem_size_0:
called_computation_lowered:
.L_overlay_start_0:
0x88: {  	s2 =	sld [smem:$0x3FD9]  }
0x89: {  	s3 =	sld [smem:$0x3FFE];
	_ =	sdelay $0x1  }
0x8a: {  	s1 =	srdreg.scid  }
0x8b: {  	s0 =	sand.u32 $0x1, s1  }
0x8c: {  	s16 =	sshll.u32 s0, $0xA;
	s2 =	sadd.s32 s3, s2  }
0x8d: {  	s2 =	sadd.s32 s2, s16  }
0x8e: {  	[smem:$0x3FC4] =	sst s2  }
0x8f: {  	_ = 	snop  }
0x90: {  	(tm) =	ssettm $0x1  }
0x91: {  	s17 =	sld [smem:$0x3FFB];
	_ =	sdelay $0x3  }
0x92: {  	_ =	strace s17  }
0x93: {  	s2 =	sld [smem:$0x3FFC];
	_ =	sdelay $0x3  }
0x94: {  	_ =	strace s2  }
0x95: {  	s2 =	sld [smem:$0x3FFD];
	_ =	sdelay $0x3  }
0x96: {  	_ =	strace s2  }
0x97: {  	_ =	strace $0x8FFFFFFF  }
0x98: {  	s18 =	sld [smem:$0x3FDB];
	_ =	sdelay $0x1  }
0x99: {  	s19 =	simm.s32 $_scs_section_size  }
0x9a: {  	s4 =	simm.s32 $_size__tile_overlayer_lowered;
	s5 =	simm.s32 $_tile_overlayer_lowered  }
0x9b: {  	s22 =	simm.s32 $0x1BFF;
	s21 =	sshll.u32 s5, $0x1;
	s2 =	sadd.s32 s19, s18  }
0x9c: {  	s6 =	simm.s32 $0x0;
	s20 =	sshll.u32 s4, $0x1;
	s4 =	sadd.s32 s21, s2  }
0x9d: {  	[timem:s6], [sflag:s22] =	dma.local [hbm:s4], s20  }
0x9e: {  	_ =	swait.ge [sflag:s22], s20  }
0x9f: {  	s3 =	ssub.s32 $0x0, s20;
	[sflag:s22] =	ssyncset.done $0x0  }
0xa0: {  	[sflag:s22] =	ssyncadd.s32 s3;
	_ =	sdelay $0x1  }
0xa1: {  	s23 =	simm.s32 $0x1B8B  }
0xa2: {  	_ =	swait.ge [sflag:s23], $0x1  }
0xa3: {  	[sflag:s23] =	ssyncset.done $0x0  }
0xa4: {  	s25 =	simm.s32 $0x1B8E;
	s24 =	sld [smem:$0x3FFE];
	[sflag:s23] =	ssyncadd.s32 $0xFFFFFFFF  }
0xa5: {  	s26 =	simm.s32 $execute0_lowered;
	[smem:$0x3FD2] =	sst s25  }
0xa6: {  	s4 =	sshll.u32 s26, $0x1;
	_ =	strace $0x80000046;
	[dreg:$0x1] =	wrdreg $0xFFFFFFFF  }
0xa7: {  	s28 =	simm.s32 $_size_execute0_lowered;
	s2 =	sadd.s32 s2, s4;
	[dreg:$0x0] =	wrdreg $0x0  }
0xa8: {  	s4 =	sshll.u32 s28, $0x1;
	[dreg:$0x2] =	wrdreg s2  }
0xa9: {  	[dreg:$0x3] =	wrdreg s4  }
0xaa: {  	[dreg:$0x4] =	wrdreg $0xC0  }
0xab: {  	_ =	task [dreg:s6], $0x5FFFF  }
0xac: {  	[dreg:$0x1] =	wrdreg $0xFFFFFFFF  }
0xad: {  	[dreg:$0x0] =	wrdreg $0x60  }
0xae: {  	[dreg:$0x2] =	wrdreg s24  }
0xaf: {  	[dreg:$0x3] =	wrdreg $0x9  }
0xb0: {  	_ =	task.clear_ibuf [dreg:s6], $0x4FFFF;
	_ =	strace $0x90000046  }
0xb1: {  	s29 =	simm.s32 $0x9;
	_ =	strace $0x80000048  }
0xb2: {  	_ =	swait.ge [sflag:s29], $0x1  }
0xb3: {  	[sflag:s29] =	ssyncadd.s32 $0xFFFFFFFF  }
0xb4: {  	_ =	strace $0x90000048  }
0xb5: {  	_ =	sfence  }
0xb6: {  	s30 =	sld [smem:$0x0];
	_ =	sdelay $0x2  }
0xb7: {  	s31 =	sshll.u32 s1, $0xD;
	s1 =	sshrl.u32 s1, $0x2  }
0xb8: {  	s3 =	sand.u32 $0x4000, s31;
	s1 =	sadd.s32 s1, s30  }
0xb9: {  	s0 =	sor.u32 s3, s0;
	s1 =	sshll.u32 s1, $0x11  }
0xba: {  	s0 =	sor.u32 s1, s0  }
0xbb: {  	s0 =	sadd.s32 $0x8F2B, s0  }
0xbc: {  	[sflag:s0] =	ssyncadd.remote.s32 $0x1  }
0xbd: {  	_ =	sfence.sel $0xFFFF  }
0xbe: {  	[dreg:$0x0] =	wrdreg $0xFFFFFFFF;
	(pc) =	sbr.abs _section_cstart, $3  }
0xbf: {  	[dreg:$0x1] =	wrdreg $0xFFFFFFFF  }
0xc0: {  	_ =	task.clear_ibuf [dreg:s6], $0x2FFFF;
	_ =	strace $0x9FFFFFFF  }
0xc1: {  	(tm) =	ssettm $0x7FFFFFFF  }
tec
execute0_lowered:
.L_overlay_start_1:
0x0: {  	(tag) =	ssettag $0x1  }
0x1: {  	s0 =	rddreg [dreg:$0x0];
	s1 =	simm.s32 $0x0  }
0x2: {  	s2 =	srdreg.scid;
	s7 =	stileid.u32;
	s25 =	simm.s32 $0x1  }
0x3: {  	s28 =	simm.s32 $0x19800;
	[smem:$0x7FF] =	sst s1;
	s3 =	sadd.s32 $0xC00, s0  }
0x4: {  	s4 =	sadd.s32 $0x6C0C00, s0;
	s2 =	sand.u32 $0x1, s2;
	s5 =	sshll.u32 s7, $0x1  }
0x5: {  	s29 =	sshrl.u32 s7, $0x2;
	_ =	strace $0x80000047;
	s6 =	ssub.s32 $0x2, s2  }
0x6: {  	s2 =	sor.u32 s2, s5;
	s23 =	smul.u32 $0xD80000, s29;
	s5 =	sadd.s32 $0xD80C00, s0  }
0x7: {  	s30 =	sshrl.u32 s6, $0x1;
	s8 =	sand.u32 $0x7, s2;
	s7 =	smul.u32 $0x90, s2  }
0x8: {  	s2 =	simm.s32 $0x0;
	s31 =	ssub.s32 s6, s30;
	s6 =	smul.u32 $0x90, s8  }
0x9: {  	s8 =	sadd.s32 $0xB40000, s23;
	s9 =	sadd.s32 $0xB64000, s23;
	s10 =	sadd.s32 $0xB88000, s23  }
0xa: {  	s11 =	sadd.s32 $0xBAC000, s23;
	s12 =	sadd.s32 $0xBD0000, s23;
	s13 =	sadd.s32 $0xBF4000, s23  }
0xb: {  	s14 =	sadd.s32 $0xC18000, s23;
	s15 =	sadd.s32 $0xC3C000, s23;
	s16 =	sadd.s32 $0xC60000, s23  }
0xc: {  	s17 =	sadd.s32 $0xC84000, s23;
	s18 =	sadd.s32 $0xCA8000, s23;
	s19 =	sadd.s32 $0xCCC000, s23  }
0xd: {  	s20 =	sadd.s32 $0xCF0000, s23;
	s21 =	sadd.s32 $0xD14000, s23;
	s0 =	smax.u32 s31, $0x1  }
0xe: {  	s22 =	sadd.s32 $0xD38000, s23;
	s23 =	sadd.s32 $0xD5C000, s23;
	[dreg:$0x2] =	wrdreg s0  }
.LBB2_1:
0xf: {  	[dreg:$0x3] =	wrdreg s2;
	s29 =	simm.s32 $0x0  }
.LBB2_2:
0x10: {  	s30 =	smul.u32 $0x18, s29;
	_ =	sdelay $0x1  }
0x11: {  	s0 =	sadd.s32 s6, s30  }
0x12: {  	s0 =	sshll.u32 s0, $0x7  }
0x13: {  	s31 =	sadd.s32 s8, s0  }
0x14: {  	s2 =	sshrl.u32 s31, $0x3  }
0x15: {  	s31 =	simm.s32 $0x0;
	s24 =	sadd.s32 s3, s2  }
0x16: {  	[tilespmem:s31], [sflag:$0x1] =	stream.linear.gather [hbm4b:s24+s31], $0xC00, $0x38;
	[tilespmem:$0x1A400] =	vst v63  }
0x17: {  	_ =	swait.ge [sflag:s25], $0xC00  }
0x18: {  	[sflag:s25] =	ssyncset.done $0x0  }
0x19: {  	s26 =	simm.s32 $0xC000;
	s2 =	sadd.s32 s4, s2;
	[sflag:s25] =	ssyncadd.s32 $0xFFFFF400  }
0x1a: {  	[tilespmem:s26], [sflag:$0x1] =	stream.linear.gather [hbm4b:s2+s31], $0xC00, $0x38;
	[tilespmem:$0x1A400] =	vst v63  }
0x1b: {  	s24 =	sadd.s32 s9, s0;
	_ =	swait.ge [sflag:s25], $0xC00  }
0x1c: {  	s2 =	sshrl.u32 s24, $0x3;
	[sflag:s25] =	ssyncset.done $0x0  }
0x1d: {  	s26 =	simm.s32 $0xC00;
	s24 =	sadd.s32 s3, s2;
	[sflag:s25] =	ssyncadd.s32 $0xFFFFF400  }
0x1e: {  	[tilespmem:s26], [sflag:$0x1] =	stream.linear.gather [hbm4b:s24+s31], $0xC00, $0x38;
	[tilespmem:$0x1A400] =	vst v63  }
0x1f: {  	_ =	swait.ge [sflag:s25], $0xC00  }
0x20: {  	[sflag:s25] =	ssyncset.done $0x0  }
0x21: {  	s2 =	sadd.s32 s4, s2;
	s26 =	simm.s32 $0xCC00;
	[sflag:s25] =	ssyncadd.s32 $0xFFFFF400  }
0x22: {  	[tilespmem:s26], [sflag:$0x1] =	stream.linear.gather [hbm4b:s2+s31], $0xC00, $0x38;
	[tilespmem:$0x1A400] =	vst v63  }
0x23: {  	s24 =	sadd.s32 s10, s0;
	_ =	swait.ge [sflag:s25], $0xC00  }
0x24: {  	s2 =	sshrl.u32 s24, $0x3;
	[sflag:s25] =	ssyncset.done $0x0  }
0x25: {  	s26 =	simm.s32 $0x1800;
	s24 =	sadd.s32 s3, s2;
	[sflag:s25] =	ssyncadd.s32 $0xFFFFF400  }
0x26: {  	[tilespmem:s26], [sflag:$0x1] =	stream.linear.gather [hbm4b:s24+s31], $0xC00, $0x38;
	[tilespmem:$0x1A400] =	vst v63  }
0x27: {  	_ =	swait.ge [sflag:s25], $0xC00  }
0x28: {  	[sflag:s25] =	ssyncset.done $0x0  }
0x29: {  	s2 =	sadd.s32 s4, s2;
	s26 =	simm.s32 $0xD800;
	[sflag:s25] =	ssyncadd.s32 $0xFFFFF400  }
0x2a: {  	[tilespmem:s26], [sflag:$0x1] =	stream.linear.gather [hbm4b:s2+s31], $0xC00, $0x38;
	[tilespmem:$0x1A400] =	vst v63  }
0x2b: {  	s24 =	sadd.s32 s11, s0;
	_ =	swait.ge [sflag:s25], $0xC00  }
0x2c: {  	s2 =	sshrl.u32 s24, $0x3;
	[sflag:s25] =	ssyncset.done $0x0  }
0x2d: {  	s26 =	simm.s32 $0x2400;
	s24 =	sadd.s32 s3, s2;
	[sflag:s25] =	ssyncadd.s32 $0xFFFFF400  }
0x2e: {  	[tilespmem:s26], [sflag:$0x1] =	stream.linear.gather [hbm4b:s24+s31], $0xC00, $0x38;
	[tilespmem:$0x1A400] =	vst v63  }
0x2f: {  	_ =	swait.ge [sflag:s25], $0xC00  }
0x30: {  	[sflag:s25] =	ssyncset.done $0x0  }
0x31: {  	s2 =	sadd.s32 s4, s2;
	s26 =	simm.s32 $0xE400;
	[sflag:s25] =	ssyncadd.s32 $0xFFFFF400  }
0x32: {  	[tilespmem:s26], [sflag:$0x1] =	stream.linear.gather [hbm4b:s2+s31], $0xC00, $0x38;
	[tilespmem:$0x1A400] =	vst v63  }
0x33: {  	s24 =	sadd.s32 s12, s0;
	_ =	swait.ge [sflag:s25], $0xC00  }
0x34: {  	s2 =	sshrl.u32 s24, $0x3;
	[sflag:s25] =	ssyncset.done $0x0  }
0x35: {  	s26 =	simm.s32 $0x3000;
	s24 =	sadd.s32 s3, s2;
	[sflag:s25] =	ssyncadd.s32 $0xFFFFF400  }
0x36: {  	[tilespmem:s26], [sflag:$0x1] =	stream.linear.gather [hbm4b:s24+s31], $0xC00, $0x38;
	[tilespmem:$0x1A400] =	vst v63  }
0x37: {  	_ =	swait.ge [sflag:s25], $0xC00  }
0x38: {  	[sflag:s25] =	ssyncset.done $0x0  }
0x39: {  	s2 =	sadd.s32 s4, s2;
	s26 =	simm.s32 $0xF000;
	[sflag:s25] =	ssyncadd.s32 $0xFFFFF400  }
0x3a: {  	[tilespmem:s26], [sflag:$0x1] =	stream.linear.gather [hbm4b:s2+s31], $0xC00, $0x38;
	[tilespmem:$0x1A400] =	vst v63  }
0x3b: {  	s24 =	sadd.s32 s13, s0;
	_ =	swait.ge [sflag:s25], $0xC00  }
0x3c: {  	s2 =	sshrl.u32 s24, $0x3;
	[sflag:s25] =	ssyncset.done $0x0  }
0x3d: {  	s26 =	simm.s32 $0x3C00;
	s24 =	sadd.s32 s3, s2;
	[sflag:s25] =	ssyncadd.s32 $0xFFFFF400  }
0x3e: {  	[tilespmem:s26], [sflag:$0x1] =	stream.linear.gather [hbm4b:s24+s31], $0xC00, $0x38;
	[tilespmem:$0x1A400] =	vst v63  }
0x3f: {  	_ =	swait.ge [sflag:s25], $0xC00  }
0x40: {  	[sflag:s25] =	ssyncset.done $0x0  }
0x41: {  	s2 =	sadd.s32 s4, s2;
	s26 =	simm.s32 $0xFC00;
	[sflag:s25] =	ssyncadd.s32 $0xFFFFF400  }
0x42: {  	[tilespmem:s26], [sflag:$0x1] =	stream.linear.gather [hbm4b:s2+s31], $0xC00, $0x38;
	[tilespmem:$0x1A400] =	vst v63  }
0x43: {  	s24 =	sadd.s32 s14, s0;
	_ =	swait.ge [sflag:s25], $0xC00  }
0x44: {  	s2 =	sshrl.u32 s24, $0x3;
	[sflag:s25] =	ssyncset.done $0x0  }
0x45: {  	s26 =	simm.s32 $0x4800;
	s24 =	sadd.s32 s3, s2;
	[sflag:s25] =	ssyncadd.s32 $0xFFFFF400  }
0x46: {  	[tilespmem:s26], [sflag:$0x1] =	stream.linear.gather [hbm4b:s24+s31], $0xC00, $0x38;
	[tilespmem:$0x1A400] =	vst v63  }
0x47: {  	_ =	swait.ge [sflag:s25], $0xC00  }
0x48: {  	[sflag:s25] =	ssyncset.done $0x0  }
0x49: {  	s2 =	sadd.s32 s4, s2;
	s26 =	simm.s32 $0x10800;
	[sflag:s25] =	ssyncadd.s32 $0xFFFFF400  }
0x4a: {  	[tilespmem:s26], [sflag:$0x1] =	stream.linear.gather [hbm4b:s2+s31], $0xC00, $0x38;
	[tilespmem:$0x1A400] =	vst v63  }
0x4b: {  	s24 =	sadd.s32 s15, s0;
	_ =	swait.ge [sflag:s25], $0xC00  }
0x4c: {  	s2 =	sshrl.u32 s24, $0x3;
	[sflag:s25] =	ssyncset.done $0x0  }
0x4d: {  	s26 =	simm.s32 $0x5400;
	s24 =	sadd.s32 s3, s2;
	[sflag:s25] =	ssyncadd.s32 $0xFFFFF400  }
0x4e: {  	[tilespmem:s26], [sflag:$0x1] =	stream.linear.gather [hbm4b:s24+s31], $0xC00, $0x38;
	[tilespmem:$0x1A400] =	vst v63  }
0x4f: {  	_ =	swait.ge [sflag:s25], $0xC00  }
0x50: {  	[sflag:s25] =	ssyncset.done $0x0  }
0x51: {  	s2 =	sadd.s32 s4, s2;
	s26 =	simm.s32 $0x11400;
	[sflag:s25] =	ssyncadd.s32 $0xFFFFF400  }
0x52: {  	[tilespmem:s26], [sflag:$0x1] =	stream.linear.gather [hbm4b:s2+s31], $0xC00, $0x38;
	[tilespmem:$0x1A400] =	vst v63  }
0x53: {  	s24 =	sadd.s32 s16, s0;
	_ =	swait.ge [sflag:s25], $0xC00  }
0x54: {  	s2 =	sshrl.u32 s24, $0x3;
	[sflag:s25] =	ssyncset.done $0x0  }
0x55: {  	s26 =	simm.s32 $0x6000;
	s24 =	sadd.s32 s3, s2;
	[sflag:s25] =	ssyncadd.s32 $0xFFFFF400  }
0x56: {  	[tilespmem:s26], [sflag:$0x1] =	stream.linear.gather [hbm4b:s24+s31], $0xC00, $0x38;
	[tilespmem:$0x1A400] =	vst v63  }
0x57: {  	_ =	swait.ge [sflag:s25], $0xC00  }
0x58: {  	[sflag:s25] =	ssyncset.done $0x0  }
0x59: {  	s2 =	sadd.s32 s4, s2;
	s26 =	simm.s32 $0x12000;
	[sflag:s25] =	ssyncadd.s32 $0xFFFFF400  }
0x5a: {  	[tilespmem:s26], [sflag:$0x1] =	stream.linear.gather [hbm4b:s2+s31], $0xC00, $0x38;
	[tilespmem:$0x1A400] =	vst v63  }
0x5b: {  	s24 =	sadd.s32 s17, s0;
	_ =	swait.ge [sflag:s25], $0xC00  }
0x5c: {  	s2 =	sshrl.u32 s24, $0x3;
	[sflag:s25] =	ssyncset.done $0x0  }
0x5d: {  	s26 =	simm.s32 $0x6C00;
	s24 =	sadd.s32 s3, s2;
	[sflag:s25] =	ssyncadd.s32 $0xFFFFF400  }
0x5e: {  	[tilespmem:s26], [sflag:$0x1] =	stream.linear.gather [hbm4b:s24+s31], $0xC00, $0x38;
	[tilespmem:$0x1A400] =	vst v63  }
0x5f: {  	_ =	swait.ge [sflag:s25], $0xC00  }
0x60: {  	[sflag:s25] =	ssyncset.done $0x0  }
0x61: {  	s2 =	sadd.s32 s4, s2;
	s26 =	simm.s32 $0x12C00;
	[sflag:s25] =	ssyncadd.s32 $0xFFFFF400  }
0x62: {  	[tilespmem:s26], [sflag:$0x1] =	stream.linear.gather [hbm4b:s2+s31], $0xC00, $0x38;
	[tilespmem:$0x1A400] =	vst v63  }
0x63: {  	s24 =	sadd.s32 s18, s0;
	_ =	swait.ge [sflag:s25], $0xC00  }
0x64: {  	s2 =	sshrl.u32 s24, $0x3;
	[sflag:s25] =	ssyncset.done $0x0  }
0x65: {  	s26 =	simm.s32 $0x7800;
	s24 =	sadd.s32 s3, s2;
	[sflag:s25] =	ssyncadd.s32 $0xFFFFF400  }
0x66: {  	[tilespmem:s26], [sflag:$0x1] =	stream.linear.gather [hbm4b:s24+s31], $0xC00, $0x38;
	[tilespmem:$0x1A400] =	vst v63  }
0x67: {  	_ =	swait.ge [sflag:s25], $0xC00  }
0x68: {  	[sflag:s25] =	ssyncset.done $0x0  }
0x69: {  	s2 =	sadd.s32 s4, s2;
	s26 =	simm.s32 $0x13800;
	[sflag:s25] =	ssyncadd.s32 $0xFFFFF400  }
0x6a: {  	[tilespmem:s26], [sflag:$0x1] =	stream.linear.gather [hbm4b:s2+s31], $0xC00, $0x38;
	[tilespmem:$0x1A400] =	vst v63  }
0x6b: {  	s24 =	sadd.s32 s19, s0;
	_ =	swait.ge [sflag:s25], $0xC00  }
0x6c: {  	s2 =	sshrl.u32 s24, $0x3;
	[sflag:s25] =	ssyncset.done $0x0  }
0x6d: {  	s26 =	simm.s32 $0x8400;
	s24 =	sadd.s32 s3, s2;
	[sflag:s25] =	ssyncadd.s32 $0xFFFFF400  }
0x6e: {  	[tilespmem:s26], [sflag:$0x1] =	stream.linear.gather [hbm4b:s24+s31], $0xC00, $0x38;
	[tilespmem:$0x1A400] =	vst v63  }
0x6f: {  	_ =	swait.ge [sflag:s25], $0xC00  }
0x70: {  	[sflag:s25] =	ssyncset.done $0x0  }
0x71: {  	s2 =	sadd.s32 s4, s2;
	s26 =	simm.s32 $0x14400;
	[sflag:s25] =	ssyncadd.s32 $0xFFFFF400  }
0x72: {  	[tilespmem:s26], [sflag:$0x1] =	stream.linear.gather [hbm4b:s2+s31], $0xC00, $0x38;
	[tilespmem:$0x1A400] =	vst v63  }
0x73: {  	s24 =	sadd.s32 s20, s0;
	_ =	swait.ge [sflag:s25], $0xC00  }
0x74: {  	s2 =	sshrl.u32 s24, $0x3;
	[sflag:s25] =	ssyncset.done $0x0  }
0x75: {  	s26 =	simm.s32 $0x9000;
	s24 =	sadd.s32 s3, s2;
	[sflag:s25] =	ssyncadd.s32 $0xFFFFF400  }
0x76: {  	[tilespmem:s26], [sflag:$0x1] =	stream.linear.gather [hbm4b:s24+s31], $0xC00, $0x38;
	[tilespmem:$0x1A400] =	vst v63  }
0x77: {  	_ =	swait.ge [sflag:s25], $0xC00  }
0x78: {  	[sflag:s25] =	ssyncset.done $0x0  }
0x79: {  	s2 =	sadd.s32 s4, s2;
	s26 =	simm.s32 $0x15000;
	[sflag:s25] =	ssyncadd.s32 $0xFFFFF400  }
0x7a: {  	[tilespmem:s26], [sflag:$0x1] =	stream.linear.gather [hbm4b:s2+s31], $0xC00, $0x38;
	[tilespmem:$0x1A400] =	vst v63  }
0x7b: {  	s24 =	sadd.s32 s21, s0;
	_ =	swait.ge [sflag:s25], $0xC00  }
0x7c: {  	s2 =	sshrl.u32 s24, $0x3;
	[sflag:s25] =	ssyncset.done $0x0  }
0x7d: {  	s26 =	simm.s32 $0x9C00;
	s24 =	sadd.s32 s3, s2;
	[sflag:s25] =	ssyncadd.s32 $0xFFFFF400  }
0x7e: {  	[tilespmem:s26], [sflag:$0x1] =	stream.linear.gather [hbm4b:s24+s31], $0xC00, $0x38;
	[tilespmem:$0x1A400] =	vst v63  }
0x7f: {  	_ =	swait.ge [sflag:s25], $0xC00  }
0x80: {  	[sflag:s25] =	ssyncset.done $0x0  }
0x81: {  	s2 =	sadd.s32 s4, s2;
	s26 =	simm.s32 $0x15C00;
	[sflag:s25] =	ssyncadd.s32 $0xFFFFF400  }
0x82: {  	[tilespmem:s26], [sflag:$0x1] =	stream.linear.gather [hbm4b:s2+s31], $0xC00, $0x38;
	[tilespmem:$0x1A400] =	vst v63  }
0x83: {  	s24 =	sadd.s32 s22, s0;
	_ =	swait.ge [sflag:s25], $0xC00  }
0x84: {  	s2 =	sshrl.u32 s24, $0x3;
	[sflag:s25] =	ssyncset.done $0x0  }
0x85: {  	s26 =	simm.s32 $0xA800;
	s24 =	sadd.s32 s3, s2;
	[sflag:s25] =	ssyncadd.s32 $0xFFFFF400  }
0x86: {  	[tilespmem:s26], [sflag:$0x1] =	stream.linear.gather [hbm4b:s24+s31], $0xC00, $0x38;
	[tilespmem:$0x1A400] =	vst v63  }
0x87: {  	_ =	swait.ge [sflag:s25], $0xC00  }
0x88: {  	[sflag:s25] =	ssyncset.done $0x0  }
0x89: {  	s2 =	sadd.s32 s4, s2;
	s26 =	simm.s32 $0x16800;
	[sflag:s25] =	ssyncadd.s32 $0xFFFFF400  }
0x8a: {  	[tilespmem:s26], [sflag:$0x1] =	stream.linear.gather [hbm4b:s2+s31], $0xC00, $0x38;
	[tilespmem:$0x1A400] =	vst v63  }
0x8b: {  	s0 =	sadd.s32 s23, s0;
	_ =	swait.ge [sflag:s25], $0xC00  }
0x8c: {  	s0 =	sshrl.u32 s0, $0x3;
	[sflag:s25] =	ssyncset.done $0x0  }
0x8d: {  	s24 =	sadd.s32 s3, s0;
	s26 =	simm.s32 $0xB400;
	[sflag:s25] =	ssyncadd.s32 $0xFFFFF400  }
0x8e: {  	[tilespmem:s26], [sflag:$0x1] =	stream.linear.gather [hbm4b:s24+s31], $0xC00, $0x38;
	[tilespmem:$0x1A400] =	vst v63  }
0x8f: {  	_ =	swait.ge [sflag:s25], $0xC00  }
0x90: {  	[sflag:s25] =	ssyncset.done $0x0  }
0x91: {  	s0 =	sadd.s32 s4, s0;
	s26 =	simm.s32 $0x17400;
	[sflag:s25] =	ssyncadd.s32 $0xFFFFF400  }
0x92: {  	[tilespmem:s26], [sflag:$0x1] =	stream.linear.gather [hbm4b:s0+s31], $0xC00, $0x38;
	[tilespmem:$0x1A400] =	vst v63  }
0x93: {  	_ =	swait.ge [sflag:s25], $0xC00  }
0x94: {  	[sflag:s25] =	ssyncset.done $0x0  }
0x95: {  	[sflag:s25] =	ssyncadd.s32 $0xFFFFF400  }
.LBB2_3:
0x96: {  	s0 =	sshll.u32 s31, $0x7  }
0x97: {  	v0 =	vld [tilespmem:s0+$0x0]  }
0x98: {  	v1 =	vld [tilespmem:s0+$0xC000]  }
0x99: {  	v2 =	vld [tilespmem:s0+$0xC00]  }
0x9a: {  	v3 =	vld [tilespmem:s0+$0xCC00]  }
0x9b: {  	v4 =	vld [tilespmem:s0+$0x1800]  }
0x9c: {  	v5 =	vld [tilespmem:s0+$0xD800]  }
0x9d: {  	v6 =	vld [tilespmem:s0+$0x2400]  }
0x9e: {  	v8 =	vld [tilespmem:s0+$0xE400];
	v7 =	vmul.f32 v1, v0  }
0x9f: {  	s2 =	sor.u32 $0x3000, s0;
	v11 =	vld [tilespmem:s0+$0xF000];
	v0 =	vmul.f32 v0, v0;
	v9 =	vmul.f32 v3, v2  }
0xa0: {  	v10 =	vld [tilespmem:s2+$0x0];
	v1 =	vmul.f32 v1, v1;
	v2 =	vmul.f32 v2, v2  }
0xa1: {  	v59 =	vld [tilespmem:s0+$0x3C00];
	v3 =	vmul.f32 v3, v3;
	v57 =	vmul.f32 v5, v4;
	v7 =	vadd.f32 v9, v7  }
0xa2: {  	v62 =	vld [tilespmem:s0+$0xFC00];
	v58 =	vmul.f32 v4, v4;
	v5 =	vmul.f32 v5, v5;
	v0 =	vadd.f32 v2, v0  }
0xa3: {  	s26 =	sadd.s32 $0x4800, s0;
	v12 =	vld [tilespmem:s0+$0x4800];
	v61 =	vmul.f32 v8, v6;
	v1 =	vadd.f32 v3, v1;
	v60 =	vadd.f32 v57, v7  }
0xa4: {  	v14 =	vld [tilespmem:s26+$0xC000];
	v63 =	vmul.f32 v6, v6;
	v13 =	vmul.f32 v8, v8;
	v0 =	vadd.f32 v58, v0  }
0xa5: {  	s24 =	sadd.s32 $0x5400, s0;
	v17 =	vld [tilespmem:s0+$0x5400];
	v15 =	vmul.f32 v11, v10;
	v1 =	vadd.f32 v5, v1;
	v4 =	vadd.f32 v61, v60  }
0xa6: {  	v19 =	vld [tilespmem:s24+$0xC000];
	v18 =	vmul.f32 v11, v11;
	v16 =	vmul.f32 v10, v10;
	v0 =	vadd.f32 v63, v0  }
0xa7: {  	v24 =	vld [tilespmem:s0+$0x12000];
	s26 =	sor.u32 $0x6000, s0;
	v20 =	vmul.f32 v62, v59;
	v1 =	vadd.f32 v13, v1;
	v2 =	vadd.f32 v15, v4  }
0xa8: {  	v22 =	vld [tilespmem:s26+$0x0];
	v21 =	vmul.f32 v62, v62;
	v3 =	vmul.f32 v59, v59;
	v0 =	vadd.f32 v16, v0  }
0xa9: {  	v26 =	vld [tilespmem:s0+$0x6C00];
	s24 =	sadd.s32 $0x6C00, s0;
	v23 =	vmul.f32 v14, v12;
	v1 =	vadd.f32 v18, v1;
	v2 =	vadd.f32 v20, v2  }
0xaa: {  	v29 =	vld [tilespmem:s24+$0xC000];
	v25 =	vmul.f32 v12, v12;
	v27 =	vmul.f32 v14, v14;
	v0 =	vadd.f32 v3, v0  }
0xab: {  	v31 =	vld [tilespmem:s0+$0x7800];
	s26 =	sadd.s32 $0x7800, s0;
	v28 =	vmul.f32 v19, v17;
	v1 =	vadd.f32 v21, v1;
	v2 =	vadd.f32 v23, v2  }
0xac: {  	v33 =	vld [tilespmem:s26+$0xC000];
	v30 =	vmul.f32 v17, v17;
	v32 =	vmul.f32 v19, v19;
	v0 =	vadd.f32 v25, v0  }
0xad: {  	v35 =	vld [tilespmem:s0+$0x8400];
	s24 =	sadd.s32 $0x8400, s0;
	v34 =	vmul.f32 v24, v22;
	v1 =	vadd.f32 v27, v1;
	v2 =	vadd.f32 v28, v2  }
0xae: {  	v37 =	vld [tilespmem:s24+$0xC000];
	v36 =	vmul.f32 v24, v24;
	v8 =	vmul.f32 v22, v22;
	v0 =	vadd.f32 v30, v0  }
0xaf: {  	v43 =	vld [tilespmem:s0+$0x15000];
	s26 =	sor.u32 $0x9000, s0;
	v38 =	vmul.f32 v29, v26;
	v1 =	vadd.f32 v32, v1;
	v2 =	vadd.f32 v34, v2  }
0xb0: {  	v41 =	vld [tilespmem:s26+$0x0];
	v39 =	vmul.f32 v26, v26;
	v40 =	vmul.f32 v29, v29;
	v0 =	vadd.f32 v8, v0  }
0xb1: {  	v45 =	vld [tilespmem:s0+$0x9C00];
	s24 =	sadd.s32 $0x9C00, s0;
	v42 =	vmul.f32 v33, v31;
	v1 =	vadd.f32 v36, v1;
	v2 =	vadd.f32 v38, v2  }
0xb2: {  	v48 =	vld [tilespmem:s24+$0xC000];
	v44 =	vmul.f32 v31, v31;
	v46 =	vmul.f32 v33, v33;
	v0 =	vadd.f32 v39, v0  }
0xb3: {  	v50 =	vld [tilespmem:s0+$0xA800];
	s26 =	sadd.s32 $0xA800, s0;
	v47 =	vmul.f32 v37, v35;
	v1 =	vadd.f32 v40, v1;
	v2 =	vadd.f32 v42, v2  }
0xb4: {  	v49 =	vmul.f32 v35, v35;
	v52 =	vld [tilespmem:s26+$0xC000];
	v51 =	vmul.f32 v37, v37;
	v0 =	vadd.f32 v44, v0  }
0xb5: {  	v54 =	vld [tilespmem:s0+$0xB400];
	s24 =	sadd.s32 $0xB400, s0;
	v53 =	vmul.f32 v43, v41;
	v1 =	vadd.f32 v46, v1;
	v2 =	vadd.f32 v47, v2  }
0xb6: {  	v55 =	vmul.f32 v43, v43;
	v56 =	vld [tilespmem:s24+$0xC000];
	v7 =	vmul.f32 v41, v41;
	v0 =	vadd.f32 v49, v0  }
0xb7: {  	v57 =	vmul.f32 v48, v45;
	v1 =	vadd.f32 v51, v1;
	v2 =	vadd.f32 v53, v2  }
0xb8: {  	v14 =	vld [tilespmem:s0+$0xC10];
	v58 =	vmul.f32 v45, v45;
	v59 =	vmul.f32 v48, v48;
	v0 =	vadd.f32 v7, v0  }
0xb9: {  	v60 =	vmul.f32 v52, v50;
	v61 =	vld [tilespmem:s0+$0x10];
	v1 =	vadd.f32 v55, v1;
	v2 =	vadd.f32 v57, v2  }
0xba: {  	v62 =	vmul.f32 v50, v50;
	v12 =	vmul.f32 v52, v52;
	v63 =	vld [tilespmem:s0+$0xC010];
	v0 =	vadd.f32 v58, v0  }
0xbb: {  	v13 =	vmul.f32 v56, v54;
	v16 =	vld [tilespmem:s0+$0xCC10];
	v1 =	vadd.f32 v59, v1;
	v2 =	vadd.f32 v60, v2  }
0xbc: {  	v19 =	vld [tilespmem:s0+$0xD810];
	v15 =	vmul.f32 v54, v54;
	v0 =	vadd.f32 v62, v0  }
0xbd: {  	v29 =	vld [tilespmem:s0+$0xF010];
	v17 =	vmul.f32 v56, v56;
	v1 =	vadd.f32 v12, v1;
	v2 =	vadd.f32 v13, v2  }
0xbe: {  	v18 =	vld [tilespmem:s0+$0x1810];
	v0 =	vadd.f32 v15, v0  }
0xbf: {  	v26 =	vmul.f32 v14, v14;
	v22 =	vmul.f32 v61, v61;
	v23 =	vld [tilespmem:s0+$0xE410];
	v1 =	vadd.f32 v17, v1;
	[tilespmem:s0+$0x18000] =	vst v2  }
0xc0: {  	v20 =	vld [tilespmem:s0+$0x2410];
	v24 =	vmul.f32 v63, v63;
	v9 =	vmul.f32 v16, v16;
	[tilespmem:s0+$0x18C00] =	vst v0  }
0xc1: {  	s26 =	sor.u32 $0x3010, s0;
	v21 =	vmul.f32 v63, v61;
	v25 =	vmul.f32 v16, v14;
	v32 =	vld [tilespmem:s0+$0xFC10];
	[tilespmem:s0+$0x19800] =	vst v1  }
0xc2: {  	v3 =	vmul.f32 v19, v19;
	v4 =	vadd.f32 v26, v22;
	v1 =	vadd.f32 v9, v24;
	v27 =	vld [tilespmem:s26+$0x0]  }
0xc3: {  	v6 =	vmul.f32 v18, v18;
	v28 =	vmul.f32 v19, v18;
	v0 =	vadd.f32 v25, v21  }
0xc4: {  	s24 =	sadd.s32 $0x4810, s0;
	v30 =	vld [tilespmem:s0+$0x3C10];
	v34 =	vmul.f32 v23, v23;
	v1 =	vadd.f32 v3, v1  }
0xc5: {  	v4 =	vadd.f32 v6, v4;
	v31 =	vmul.f32 v23, v20;
	v35 =	vld [tilespmem:s24+$0xC000];
	v0 =	vadd.f32 v28, v0  }
0xc6: {  	v33 =	vld [tilespmem:s0+$0x4810];
	v39 =	vmul.f32 v29, v29;
	v2 =	vmul.f32 v20, v20;
	s26 =	sadd.s32 $0x5410, s0;
	v1 =	vadd.f32 v34, v1  }
0xc7: {  	v43 =	vmul.f32 v32, v32;
	v40 =	vld [tilespmem:s26+$0xC000];
	v0 =	vadd.f32 v31, v0;
	v36 =	vmul.f32 v29, v27  }
0xc8: {  	v38 =	vld [tilespmem:s0+$0x5410];
	v2 =	vadd.f32 v2, v4;
	v37 =	vmul.f32 v27, v27;
	v1 =	vadd.f32 v39, v1  }
0xc9: {  	v41 =	vmul.f32 v32, v30;
	v42 =	vmul.f32 v30, v30;
	v46 =	vld [tilespmem:s0+$0x12010];
	s24 =	sor.u32 $0x6010, s0;
	v0 =	vadd.f32 v36, v0  }
0xca: {  	v44 =	vld [tilespmem:s24+$0x0];
	s26 =	sadd.s32 $0x6C10, s0;
	v49 =	vmul.f32 v35, v35;
	v2 =	vadd.f32 v37, v2;
	v1 =	vadd.f32 v43, v1  }
0xcb: {  	v47 =	vmul.f32 v33, v33;
	v51 =	vld [tilespmem:s26+$0xC000];
	v45 =	vmul.f32 v35, v33;
	v0 =	vadd.f32 v41, v0  }
0xcc: {  	v48 =	vld [tilespmem:s0+$0x6C10];
	s24 =	sadd.s32 $0x7810, s0;
	v54 =	vmul.f32 v40, v40;
	v2 =	vadd.f32 v42, v2;
	v1 =	vadd.f32 v49, v1  }
0xcd: {  	v52 =	vmul.f32 v38, v38;
	v55 =	vld [tilespmem:s24+$0xC000];
	v50 =	vmul.f32 v40, v38;
	v0 =	vadd.f32 v45, v0  }
0xce: {  	v53 =	vld [tilespmem:s0+$0x7810];
	v58 =	vmul.f32 v46, v46;
	s26 =	sadd.s32 $0x8410, s0;
	v2 =	vadd.f32 v47, v2;
	v1 =	vadd.f32 v54, v1  }
0xcf: {  	v59 =	vld [tilespmem:s26+$0xC000];
	v56 =	vmul.f32 v46, v44;
	v8 =	vmul.f32 v44, v44;
	v0 =	vadd.f32 v50, v0  }
0xd0: {  	v57 =	vld [tilespmem:s0+$0x8410];
	v62 =	vmul.f32 v51, v51;
	v2 =	vadd.f32 v52, v2;
	v1 =	vadd.f32 v58, v1  }
0xd1: {  	v61 =	vmul.f32 v48, v48;
	v13 =	vld [tilespmem:s0+$0x15010];
	s24 =	sor.u32 $0x9010, s0;
	v60 =	vmul.f32 v51, v48;
	v0 =	vadd.f32 v56, v0  }
0xd2: {  	v63 =	vld [tilespmem:s24+$0x0];
	s26 =	sadd.s32 $0x9C10, s0;
	v16 =	vmul.f32 v55, v55;
	v2 =	vadd.f32 v8, v2;
	v1 =	vadd.f32 v62, v1  }
0xd3: {  	v14 =	vmul.f32 v53, v53;
	v18 =	vld [tilespmem:s26+$0xC000];
	v12 =	vmul.f32 v55, v53;
	v0 =	vadd.f32 v60, v0  }
0xd4: {  	v15 =	vld [tilespmem:s0+$0x9C10];
	s24 =	sadd.s32 $0xA810, s0;
	v21 =	vmul.f32 v59, v59;
	v2 =	vadd.f32 v61, v2;
	v1 =	vadd.f32 v16, v1  }
0xd5: {  	v19 =	vmul.f32 v57, v57;
	v22 =	vld [tilespmem:s24+$0xC000];
	v17 =	vmul.f32 v59, v57;
	v0 =	vadd.f32 v12, v0  }
0xd6: {  	v20 =	vld [tilespmem:s0+$0xA810];
	v25 =	vmul.f32 v13, v13;
	s26 =	sadd.s32 $0xB410, s0;
	v2 =	vadd.f32 v14, v2;
	v1 =	vadd.f32 v21, v1  }
0xd7: {  	v26 =	vld [tilespmem:s26+$0xC000];
	v23 =	vmul.f32 v13, v63;
	v7 =	vmul.f32 v63, v63;
	v0 =	vadd.f32 v17, v0  }
0xd8: {  	v24 =	vld [tilespmem:s0+$0xB410];
	v29 =	vmul.f32 v18, v18;
	v2 =	vadd.f32 v19, v2;
	v1 =	vadd.f32 v25, v1  }
0xd9: {  	v28 =	vmul.f32 v15, v15;
	v31 =	vld [tilespmem:s0+$0x20];
	v27 =	vmul.f32 v18, v15;
	v0 =	vadd.f32 v23, v0  }
0xda: {  	v33 =	vld [tilespmem:s0+$0xC020];
	v34 =	vmul.f32 v22, v22;
	v2 =	vadd.f32 v7, v2;
	v1 =	vadd.f32 v29, v1  }
0xdb: {  	v32 =	vmul.f32 v20, v20;
	v38 =	vld [tilespmem:s0+$0xCC20];
	v30 =	vmul.f32 v22, v20;
	v0 =	vadd.f32 v27, v0  }
0xdc: {  	v40 =	vld [tilespmem:s0+$0x1820];
	v39 =	vmul.f32 v26, v26;
	v2 =	vadd.f32 v28, v2;
	v1 =	vadd.f32 v34, v1  }
0xdd: {  	v36 =	vld [tilespmem:s0+$0xC20];
	v35 =	vmul.f32 v26, v24;
	v0 =	vadd.f32 v30, v0  }
0xde: {  	v37 =	vmul.f32 v24, v24;
	v41 =	vld [tilespmem:s0+$0xD820];
	v2 =	vadd.f32 v32, v2;
	v1 =	vadd.f32 v39, v1  }
0xdf: {  	v51 =	vld [tilespmem:s0+$0xF020];
	v0 =	vadd.f32 v35, v0  }
0xe0: {  	v44 =	vmul.f32 v31, v31;
	v43 =	vmul.f32 v33, v31;
	v45 =	vld [tilespmem:s0+$0xE420];
	v2 =	vadd.f32 v37, v2;
	[tilespmem:s0+$0x19810] =	vst v1  }
0xe1: {  	v42 =	vld [tilespmem:s0+$0x2420];
	v46 =	vmul.f32 v33, v33;
	v9 =	vmul.f32 v38, v38;
	[tilespmem:s0+$0x18010] =	vst v0  }
0xe2: {  	s24 =	sor.u32 $0x3020, s0;
	v54 =	vld [tilespmem:s0+$0xFC20];
	v47 =	vmul.f32 v38, v36;
	v48 =	vmul.f32 v36, v36;
	[tilespmem:s0+$0x18C10] =	vst v2  }
0xe3: {  	v5 =	vmul.f32 v40, v40;
	v3 =	vmul.f32 v41, v41;
	v1 =	vadd.f32 v9, v46;
	v49 =	vld [tilespmem:s24+$0x0]  }
0xe4: {  	v50 =	vmul.f32 v41, v40;
	v4 =	vadd.f32 v48, v44;
	v2 =	vadd.f32 v47, v43  }
0xe5: {  	s26 =	sadd.s32 $0x4820, s0;
	v52 =	vld [tilespmem:s0+$0x3C20];
	v56 =	vmul.f32 v45, v45;
	v1 =	vadd.f32 v3, v1  }
0xe6: {  	v53 =	vmul.f32 v45, v42;
	v4 =	vadd.f32 v5, v4;
	v57 =	vld [tilespmem:s26+$0xC000];
	v2 =	vadd.f32 v50, v2  }
0xe7: {  	v55 =	vld [tilespmem:s0+$0x4820];
	v61 =	vmul.f32 v51, v51;
	v0 =	vmul.f32 v42, v42;
	s24 =	sadd.s32 $0x5420, s0;
	v1 =	vadd.f32 v56, v1  }
0xe8: {  	v13 =	vmul.f32 v54, v54;
	v62 =	vld [tilespmem:s24+$0xC000];
	v2 =	vadd.f32 v53, v2;
	v58 =	vmul.f32 v51, v49  }
0xe9: {  	v60 =	vld [tilespmem:s0+$0x5420];
	v0 =	vadd.f32 v0, v4;
	v1 =	vadd.f32 v61, v1;
	v59 =	vmul.f32 v49, v49  }
0xea: {  	v16 =	vld [tilespmem:s0+$0x12020];
	v63 =	vmul.f32 v54, v52;
	v12 =	vmul.f32 v52, v52;
	s26 =	sor.u32 $0x6020, s0;
	v2 =	vadd.f32 v58, v2  }
0xeb: {  	v14 =	vld [tilespmem:s26+$0x0];
	s24 =	sadd.s32 $0x6C20, s0;
	v1 =	vadd.f32 v13, v1;
	v19 =	vmul.f32 v57, v57;
	v0 =	vadd.f32 v59, v0  }
0xec: {  	v17 =	vmul.f32 v55, v55;
	v21 =	vld [tilespmem:s24+$0xC000];
	v15 =	vmul.f32 v57, v55;
	v2 =	vadd.f32 v63, v2  }
0xed: {  	v18 =	vld [tilespmem:s0+$0x6C20];
	s26 =	sadd.s32 $0x7820, s0;
	v24 =	vmul.f32 v62, v62;
	v1 =	vadd.f32 v19, v1;
	v0 =	vadd.f32 v12, v0  }
0xee: {  	v22 =	vmul.f32 v60, v60;
	v25 =	vld [tilespmem:s26+$0xC000];
	v20 =	vmul.f32 v62, v60;
	v2 =	vadd.f32 v15, v2  }
0xef: {  	v23 =	vld [tilespmem:s0+$0x7820];
	v28 =	vmul.f32 v16, v16;
	s24 =	sadd.s32 $0x8420, s0;
	v1 =	vadd.f32 v24, v1;
	v0 =	vadd.f32 v17, v0  }
0xf0: {  	v29 =	vld [tilespmem:s24+$0xC000];
	v26 =	vmul.f32 v16, v14;
	v8 =	vmul.f32 v14, v14;
	v2 =	vadd.f32 v20, v2  }
0xf1: {  	v27 =	vld [tilespmem:s0+$0x8420];
	v32 =	vmul.f32 v21, v21;
	v1 =	vadd.f32 v28, v1;
	v0 =	vadd.f32 v22, v0  }
0xf2: {  	v31 =	vmul.f32 v18, v18;
	v35 =	vld [tilespmem:s0+$0x15020];
	s26 =	sor.u32 $0x9020, s0;
	v30 =	vmul.f32 v21, v18;
	v2 =	vadd.f32 v26, v2  }
0xf3: {  	v33 =	vld [tilespmem:s26+$0x0];
	s24 =	sadd.s32 $0x9C20, s0;
	v38 =	vmul.f32 v25, v25;
	v1 =	vadd.f32 v32, v1;
	v0 =	vadd.f32 v8, v0  }
0xf4: {  	v36 =	vmul.f32 v23, v23;
	v40 =	vld [tilespmem:s24+$0xC000];
	v34 =	vmul.f32 v25, v23;
	v2 =	vadd.f32 v30, v2  }
0xf5: {  	v37 =	vld [tilespmem:s0+$0x9C20];
	s26 =	sadd.s32 $0xA820, s0;
	v43 =	vmul.f32 v29, v29;
	v1 =	vadd.f32 v38, v1;
	v0 =	vadd.f32 v31, v0  }
0xf6: {  	v41 =	vmul.f32 v27, v27;
	v44 =	vld [tilespmem:s26+$0xC000];
	v39 =	vmul.f32 v29, v27;
	v2 =	vadd.f32 v34, v2  }
0xf7: {  	v42 =	vld [tilespmem:s0+$0xA820];
	v47 =	vmul.f32 v35, v35;
	s24 =	sadd.s32 $0xB420, s0;
	v1 =	vadd.f32 v43, v1;
	v0 =	vadd.f32 v36, v0  }
0xf8: {  	v48 =	vld [tilespmem:s24+$0xC000];
	v45 =	vmul.f32 v35, v33;
	v7 =	vmul.f32 v33, v33;
	v2 =	vadd.f32 v39, v2  }
0xf9: {  	v46 =	vld [tilespmem:s0+$0xB420];
	v51 =	vmul.f32 v40, v40;
	v1 =	vadd.f32 v47, v1;
	v0 =	vadd.f32 v41, v0  }
0xfa: {  	v50 =	vmul.f32 v37, v37;
	v53 =	vld [tilespmem:s0+$0x30];
	v49 =	vmul.f32 v40, v37;
	v2 =	vadd.f32 v45, v2  }
0xfb: {  	v55 =	vld [tilespmem:s0+$0xC030];
	v56 =	vmul.f32 v44, v44;
	v1 =	vadd.f32 v51, v1;
	v0 =	vadd.f32 v7, v0  }
0xfc: {  	v54 =	vmul.f32 v42, v42;
	v60 =	vld [tilespmem:s0+$0xCC30];
	v52 =	vmul.f32 v44, v42;
	v2 =	vadd.f32 v49, v2  }
0xfd: {  	v62 =	vld [tilespmem:s0+$0x1830];
	v61 =	vmul.f32 v48, v48;
	v1 =	vadd.f32 v56, v1;
	v0 =	vadd.f32 v50, v0  }
0xfe: {  	v58 =	vld [tilespmem:s0+$0xC30];
	v57 =	vmul.f32 v48, v46;
	v2 =	vadd.f32 v52, v2  }
0xff: {  	v59 =	vmul.f32 v46, v46;
	v63 =	vld [tilespmem:s0+$0xD830];
	v1 =	vadd.f32 v61, v1;
	v0 =	vadd.f32 v54, v0  }
0x100: {  	v21 =	vld [tilespmem:s0+$0xF030];
	v2 =	vadd.f32 v57, v2  }
0x101: {  	v14 =	vmul.f32 v53, v53;
	v13 =	vmul.f32 v55, v53;
	v15 =	vld [tilespmem:s0+$0xE430];
	[tilespmem:s0+$0x19820] =	vst v1;
	v0 =	vadd.f32 v59, v0  }
0x102: {  	v12 =	vld [tilespmem:s0+$0x2430];
	v16 =	vmul.f32 v55, v55;
	v9 =	vmul.f32 v60, v60;
	[tilespmem:s0+$0x18020] =	vst v2  }
0x103: {  	s26 =	sor.u32 $0x3030, s0;
	v24 =	vld [tilespmem:s0+$0xFC30];
	v17 =	vmul.f32 v60, v58;
	v18 =	vmul.f32 v58, v58;
	[tilespmem:s0+$0x18C20] =	vst v0  }
0x104: {  	v6 =	vmul.f32 v62, v62;
	v3 =	vmul.f32 v63, v63;
	v1 =	vadd.f32 v9, v16;
	v19 =	vld [tilespmem:s26+$0x0]  }
0x105: {  	v20 =	vmul.f32 v63, v62;
	v4 =	vadd.f32 v18, v14;
	v0 =	vadd.f32 v17, v13  }
0x106: {  	s24 =	sadd.s32 $0x4830, s0;
	v22 =	vld [tilespmem:s0+$0x3C30];
	v26 =	vmul.f32 v15, v15;
	v1 =	vadd.f32 v3, v1  }
0x107: {  	v23 =	vmul.f32 v15, v12;
	v4 =	vadd.f32 v6, v4;
	v27 =	vld [tilespmem:s24+$0xC000];
	v0 =	vadd.f32 v20, v0  }
0x108: {  	v25 =	vld [tilespmem:s0+$0x4830];
	v31 =	vmul.f32 v21, v21;
	v2 =	vmul.f32 v12, v12;
	v1 =	vadd.f32 v26, v1;
	s26 =	sadd.s32 $0x5430, s0  }
0x109: {  	v35 =	vmul.f32 v24, v24;
	v32 =	vld [tilespmem:s26+$0xC000];
	v0 =	vadd.f32 v23, v0;
	v28 =	vmul.f32 v21, v19  }
0x10a: {  	v30 =	vld [tilespmem:s0+$0x5430];
	v2 =	vadd.f32 v2, v4;
	v1 =	vadd.f32 v31, v1;
	v29 =	vmul.f32 v19, v19  }
0x10b: {  	v38 =	vld [tilespmem:s0+$0x12030];
	v33 =	vmul.f32 v24, v22;
	v34 =	vmul.f32 v22, v22;
	s24 =	sor.u32 $0x6030, s0;
	v0 =	vadd.f32 v28, v0  }
0x10c: {  	v36 =	vld [tilespmem:s24+$0x0];
	s26 =	sadd.s32 $0x6C30, s0;
	v1 =	vadd.f32 v35, v1;
	v41 =	vmul.f32 v27, v27;
	v2 =	vadd.f32 v29, v2  }
0x10d: {  	v39 =	vmul.f32 v25, v25;
	v43 =	vld [tilespmem:s26+$0xC000];
	v37 =	vmul.f32 v27, v25;
	v0 =	vadd.f32 v33, v0  }
0x10e: {  	v40 =	vld [tilespmem:s0+$0x6C30];
	s24 =	sadd.s32 $0x7830, s0;
	v46 =	vmul.f32 v32, v32;
	v1 =	vadd.f32 v41, v1;
	v2 =	vadd.f32 v34, v2  }
0x10f: {  	v44 =	vmul.f32 v30, v30;
	v47 =	vld [tilespmem:s24+$0xC000];
	v42 =	vmul.f32 v32, v30;
	v0 =	vadd.f32 v37, v0  }
0x110: {  	v45 =	vld [tilespmem:s0+$0x7830];
	v50 =	vmul.f32 v38, v38;
	s26 =	sadd.s32 $0x8430, s0;
	v1 =	vadd.f32 v46, v1;
	v2 =	vadd.f32 v39, v2  }
0x111: {  	v51 =	vld [tilespmem:s26+$0xC000];
	v48 =	vmul.f32 v38, v36;
	v8 =	vmul.f32 v36, v36;
	v0 =	vadd.f32 v42, v0  }
0x112: {  	v49 =	vld [tilespmem:s0+$0x8430];
	v54 =	vmul.f32 v43, v43;
	v1 =	vadd.f32 v50, v1;
	v2 =	vadd.f32 v44, v2  }
0x113: {  	v53 =	vmul.f32 v40, v40;
	v57 =	vld [tilespmem:s0+$0x15030];
	s24 =	sor.u32 $0x9030, s0;
	v52 =	vmul.f32 v43, v40;
	v0 =	vadd.f32 v48, v0  }
0x114: {  	v55 =	vld [tilespmem:s24+$0x0];
	s26 =	sadd.s32 $0x9C30, s0;
	v60 =	vmul.f32 v47, v47;
	v1 =	vadd.f32 v54, v1;
	v2 =	vadd.f32 v8, v2  }
0x115: {  	v58 =	vmul.f32 v45, v45;
	v62 =	vld [tilespmem:s26+$0xC000];
	v56 =	vmul.f32 v47, v45;
	v0 =	vadd.f32 v52, v0  }
0x116: {  	v59 =	vld [tilespmem:s0+$0x9C30];
	s24 =	sadd.s32 $0xA830, s0;
	v13 =	vmul.f32 v51, v51;
	v1 =	vadd.f32 v60, v1;
	v2 =	vadd.f32 v53, v2  }
0x117: {  	v63 =	vmul.f32 v49, v49;
	v14 =	vld [tilespmem:s24+$0xC000];
	v61 =	vmul.f32 v51, v49;
	v0 =	vadd.f32 v56, v0  }
0x118: {  	v12 =	vld [tilespmem:s0+$0xA830];
	v17 =	vmul.f32 v57, v57;
	s26 =	sadd.s32 $0xB430, s0;
	v1 =	vadd.f32 v13, v1;
	v2 =	vadd.f32 v58, v2  }
0x119: {  	v18 =	vld [tilespmem:s26+$0xC000];
	v15 =	vmul.f32 v57, v55;
	v7 =	vmul.f32 v55, v55;
	v0 =	vadd.f32 v61, v0  }
0x11a: {  	v16 =	vld [tilespmem:s0+$0xB430];
	v21 =	vmul.f32 v62, v62;
	v1 =	vadd.f32 v17, v1;
	v2 =	vadd.f32 v63, v2  }
0x11b: {  	v20 =	vmul.f32 v59, v59;
	v23 =	vld [tilespmem:s0+$0x40];
	v19 =	vmul.f32 v62, v59;
	v0 =	vadd.f32 v15, v0  }
0x11c: {  	v25 =	vld [tilespmem:s0+$0xC040];
	v26 =	vmul.f32 v14, v14;
	v1 =	vadd.f32 v21, v1;
	v2 =	vadd.f32 v7, v2  }
0x11d: {  	v24 =	vmul.f32 v12, v12;
	v30 =	vld [tilespmem:s0+$0xCC40];
	v22 =	vmul.f32 v14, v12;
	v0 =	vadd.f32 v19, v0  }
0x11e: {  	v32 =	vld [tilespmem:s0+$0x1840];
	v31 =	vmul.f32 v18, v18;
	v1 =	vadd.f32 v26, v1;
	v2 =	vadd.f32 v20, v2  }
0x11f: {  	v28 =	vld [tilespmem:s0+$0xC40];
	v27 =	vmul.f32 v18, v16;
	v0 =	vadd.f32 v22, v0  }
0x120: {  	v29 =	vmul.f32 v16, v16;
	v33 =	vld [tilespmem:s0+$0xD840];
	v1 =	vadd.f32 v31, v1;
	v2 =	vadd.f32 v24, v2  }
0x121: {  	v43 =	vld [tilespmem:s0+$0xF040];
	v0 =	vadd.f32 v27, v0  }
0x122: {  	v36 =	vmul.f32 v23, v23;
	v35 =	vmul.f32 v25, v23;
	v37 =	vld [tilespmem:s0+$0xE440];
	[tilespmem:s0+$0x19830] =	vst v1;
	v2 =	vadd.f32 v29, v2  }
0x123: {  	v34 =	vld [tilespmem:s0+$0x2440];
	v38 =	vmul.f32 v25, v25;
	v9 =	vmul.f32 v30, v30;
	[tilespmem:s0+$0x18030] =	vst v0  }
0x124: {  	s24 =	sor.u32 $0x3040, s0;
	v46 =	vld [tilespmem:s0+$0xFC40];
	v39 =	vmul.f32 v30, v28;
	v40 =	vmul.f32 v28, v28;
	[tilespmem:s0+$0x18C30] =	vst v2  }
0x125: {  	v5 =	vmul.f32 v32, v32;
	v3 =	vmul.f32 v33, v33;
	v1 =	vadd.f32 v9, v38;
	v41 =	vld [tilespmem:s24+$0x0]  }
0x126: {  	v42 =	vmul.f32 v33, v32;
	v4 =	vadd.f32 v40, v36;
	v2 =	vadd.f32 v39, v35  }
0x127: {  	s26 =	sadd.s32 $0x4840, s0;
	v44 =	vld [tilespmem:s0+$0x3C40];
	v48 =	vmul.f32 v37, v37;
	v1 =	vadd.f32 v3, v1  }
0x128: {  	v45 =	vmul.f32 v37, v34;
	v4 =	vadd.f32 v5, v4;
	v49 =	vld [tilespmem:s26+$0xC000];
	v2 =	vadd.f32 v42, v2  }
0x129: {  	v47 =	vld [tilespmem:s0+$0x4840];
	v53 =	vmul.f32 v43, v43;
	v0 =	vmul.f32 v34, v34;
	v1 =	vadd.f32 v48, v1;
	s24 =	sadd.s32 $0x5440, s0  }
0x12a: {  	v57 =	vmul.f32 v46, v46;
	v54 =	vld [tilespmem:s24+$0xC000];
	v2 =	vadd.f32 v45, v2;
	v50 =	vmul.f32 v43, v41  }
0x12b: {  	v52 =	vld [tilespmem:s0+$0x5440];
	v0 =	vadd.f32 v0, v4;
	v1 =	vadd.f32 v53, v1;
	v51 =	vmul.f32 v41, v41  }
0x12c: {  	v60 =	vld [tilespmem:s0+$0x12040];
	v55 =	vmul.f32 v46, v44;
	v56 =	vmul.f32 v44, v44;
	s26 =	sor.u32 $0x6040, s0;
	v2 =	vadd.f32 v50, v2  }
0x12d: {  	v58 =	vld [tilespmem:s26+$0x0];
	s24 =	sadd.s32 $0x6C40, s0;
	v1 =	vadd.f32 v57, v1;
	v63 =	vmul.f32 v49, v49;
	v0 =	vadd.f32 v51, v0  }
0x12e: {  	v61 =	vmul.f32 v47, v47;
	v13 =	vld [tilespmem:s24+$0xC000];
	v59 =	vmul.f32 v49, v47;
	v2 =	vadd.f32 v55, v2  }
0x12f: {  	v62 =	vld [tilespmem:s0+$0x6C40];
	s26 =	sadd.s32 $0x7840, s0;
	v16 =	vmul.f32 v54, v54;
	v1 =	vadd.f32 v63, v1;
	v0 =	vadd.f32 v56, v0  }
0x130: {  	v14 =	vmul.f32 v52, v52;
	v17 =	vld [tilespmem:s26+$0xC000];
	v12 =	vmul.f32 v54, v52;
	v2 =	vadd.f32 v59, v2  }
0x131: {  	v15 =	vld [tilespmem:s0+$0x7840];
	v20 =	vmul.f32 v60, v60;
	s24 =	sadd.s32 $0x8440, s0;
	v1 =	vadd.f32 v16, v1;
	v0 =	vadd.f32 v61, v0  }
0x132: {  	v21 =	vld [tilespmem:s24+$0xC000];
	v18 =	vmul.f32 v60, v58;
	v8 =	vmul.f32 v58, v58;
	v2 =	vadd.f32 v12, v2  }
0x133: {  	v19 =	vld [tilespmem:s0+$0x8440];
	v24 =	vmul.f32 v13, v13;
	v1 =	vadd.f32 v20, v1;
	v0 =	vadd.f32 v14, v0  }
0x134: {  	v23 =	vmul.f32 v62, v62;
	v27 =	vld [tilespmem:s0+$0x15040];
	s26 =	sor.u32 $0x9040, s0;
	v22 =	vmul.f32 v13, v62;
	v2 =	vadd.f32 v18, v2  }
0x135: {  	v25 =	vld [tilespmem:s26+$0x0];
	s24 =	sadd.s32 $0x9C40, s0;
	v30 =	vmul.f32 v17, v17;
	v1 =	vadd.f32 v24, v1;
	v0 =	vadd.f32 v8, v0  }
0x136: {  	v28 =	vmul.f32 v15, v15;
	v32 =	vld [tilespmem:s24+$0xC000];
	v26 =	vmul.f32 v17, v15;
	v2 =	vadd.f32 v22, v2  }
0x137: {  	v29 =	vld [tilespmem:s0+$0x9C40];
	s26 =	sadd.s32 $0xA840, s0;
	v35 =	vmul.f32 v21, v21;
	v1 =	vadd.f32 v30, v1;
	v0 =	vadd.f32 v23, v0  }
0x138: {  	v33 =	vmul.f32 v19, v19;
	v36 =	vld [tilespmem:s26+$0xC000];
	v31 =	vmul.f32 v21, v19;
	v2 =	vadd.f32 v26, v2  }
0x139: {  	v34 =	vld [tilespmem:s0+$0xA840];
	v39 =	vmul.f32 v27, v27;
	s24 =	sadd.s32 $0xB440, s0;
	v1 =	vadd.f32 v35, v1;
	v0 =	vadd.f32 v28, v0  }
0x13a: {  	v40 =	vld [tilespmem:s24+$0xC000];
	v37 =	vmul.f32 v27, v25;
	v7 =	vmul.f32 v25, v25;
	v2 =	vadd.f32 v31, v2  }
0x13b: {  	v38 =	vld [tilespmem:s0+$0xB440];
	v43 =	vmul.f32 v32, v32;
	v1 =	vadd.f32 v39, v1;
	v0 =	vadd.f32 v33, v0  }
0x13c: {  	v42 =	vmul.f32 v29, v29;
	v45 =	vld [tilespmem:s0+$0x50];
	v41 =	vmul.f32 v32, v29;
	v2 =	vadd.f32 v37, v2  }
0x13d: {  	v47 =	vld [tilespmem:s0+$0xC050];
	v48 =	vmul.f32 v36, v36;
	v1 =	vadd.f32 v43, v1;
	v0 =	vadd.f32 v7, v0  }
0x13e: {  	v46 =	vmul.f32 v34, v34;
	v52 =	vld [tilespmem:s0+$0xCC50];
	v44 =	vmul.f32 v36, v34;
	v2 =	vadd.f32 v41, v2  }
0x13f: {  	v54 =	vld [tilespmem:s0+$0x1850];
	v53 =	vmul.f32 v40, v40;
	v1 =	vadd.f32 v48, v1;
	v0 =	vadd.f32 v42, v0  }
0x140: {  	v50 =	vld [tilespmem:s0+$0xC50];
	v49 =	vmul.f32 v40, v38;
	v2 =	vadd.f32 v44, v2  }
0x141: {  	v51 =	vmul.f32 v38, v38;
	v55 =	vld [tilespmem:s0+$0xD850];
	v1 =	vadd.f32 v53, v1;
	v0 =	vadd.f32 v46, v0  }
0x142: {  	v13 =	vld [tilespmem:s0+$0xF050];
	v2 =	vadd.f32 v49, v2  }
0x143: {  	v58 =	vmul.f32 v45, v45;
	v57 =	vmul.f32 v47, v45;
	v59 =	vld [tilespmem:s0+$0xE450];
	[tilespmem:s0+$0x19840] =	vst v1;
	v0 =	vadd.f32 v51, v0  }
0x144: {  	v56 =	vld [tilespmem:s0+$0x2450];
	v60 =	vmul.f32 v47, v47;
	v9 =	vmul.f32 v52, v52;
	[tilespmem:s0+$0x18040] =	vst v2  }
0x145: {  	s26 =	sor.u32 $0x3050, s0;
	v16 =	vld [tilespmem:s0+$0xFC50];
	v61 =	vmul.f32 v52, v50;
	v62 =	vmul.f32 v50, v50;
	[tilespmem:s0+$0x18C40] =	vst v0  }
0x146: {  	v6 =	vmul.f32 v54, v54;
	v3 =	vmul.f32 v55, v55;
	v1 =	vadd.f32 v9, v60;
	v63 =	vld [tilespmem:s26+$0x0]  }
0x147: {  	v12 =	vmul.f32 v55, v54;
	v4 =	vadd.f32 v62, v58;
	v0 =	vadd.f32 v61, v57  }
0x148: {  	s24 =	sadd.s32 $0x4850, s0;
	v14 =	vld [tilespmem:s0+$0x3C50];
	v18 =	vmul.f32 v59, v59;
	v1 =	vadd.f32 v3, v1  }
0x149: {  	v15 =	vmul.f32 v59, v56;
	v4 =	vadd.f32 v6, v4;
	v19 =	vld [tilespmem:s24+$0xC000];
	v0 =	vadd.f32 v12, v0  }
0x14a: {  	v17 =	vld [tilespmem:s0+$0x4850];
	v23 =	vmul.f32 v13, v13;
	v2 =	vmul.f32 v56, v56;
	v1 =	vadd.f32 v18, v1;
	s26 =	sadd.s32 $0x5450, s0  }
0x14b: {  	v27 =	vmul.f32 v16, v16;
	v24 =	vld [tilespmem:s26+$0xC000];
	v0 =	vadd.f32 v15, v0;
	v20 =	vmul.f32 v13, v63  }
0x14c: {  	v22 =	vld [tilespmem:s0+$0x5450];
	v2 =	vadd.f32 v2, v4;
	v1 =	vadd.f32 v23, v1;
	v21 =	vmul.f32 v63, v63  }
0x14d: {  	v30 =	vld [tilespmem:s0+$0x12050];
	v25 =	vmul.f32 v16, v14;
	v26 =	vmul.f32 v14, v14;
	s24 =	sor.u32 $0x6050, s0;
	v0 =	vadd.f32 v20, v0  }
0x14e: {  	v28 =	vld [tilespmem:s24+$0x0];
	s26 =	sadd.s32 $0x6C50, s0;
	v1 =	vadd.f32 v27, v1;
	v33 =	vmul.f32 v19, v19;
	v2 =	vadd.f32 v21, v2  }
0x14f: {  	v31 =	vmul.f32 v17, v17;
	v35 =	vld [tilespmem:s26+$0xC000];
	v29 =	vmul.f32 v19, v17;
	v0 =	vadd.f32 v25, v0  }
0x150: {  	v32 =	vld [tilespmem:s0+$0x6C50];
	s24 =	sadd.s32 $0x7850, s0;
	v38 =	vmul.f32 v24, v24;
	v1 =	vadd.f32 v33, v1;
	v2 =	vadd.f32 v26, v2  }
0x151: {  	v36 =	vmul.f32 v22, v22;
	v39 =	vld [tilespmem:s24+$0xC000];
	v34 =	vmul.f32 v24, v22;
	v0 =	vadd.f32 v29, v0  }
0x152: {  	v37 =	vld [tilespmem:s0+$0x7850];
	v42 =	vmul.f32 v30, v30;
	s26 =	sadd.s32 $0x8450, s0;
	v1 =	vadd.f32 v38, v1;
	v2 =	vadd.f32 v31, v2  }
0x153: {  	v43 =	vld [tilespmem:s26+$0xC000];
	v40 =	vmul.f32 v30, v28;
	v8 =	vmul.f32 v28, v28;
	v0 =	vadd.f32 v34, v0  }
0x154: {  	v41 =	vld [tilespmem:s0+$0x8450];
	v46 =	vmul.f32 v35, v35;
	v1 =	vadd.f32 v42, v1;
	v2 =	vadd.f32 v36, v2  }
0x155: {  	v45 =	vmul.f32 v32, v32;
	v49 =	vld [tilespmem:s0+$0x15050];
	s24 =	sor.u32 $0x9050, s0;
	v44 =	vmul.f32 v35, v32;
	v0 =	vadd.f32 v40, v0  }
0x156: {  	v47 =	vld [tilespmem:s24+$0x0];
	s26 =	sadd.s32 $0x9C50, s0;
	v52 =	vmul.f32 v39, v39;
	v1 =	vadd.f32 v46, v1;
	v2 =	vadd.f32 v8, v2  }
0x157: {  	v50 =	vmul.f32 v37, v37;
	v54 =	vld [tilespmem:s26+$0xC000];
	v48 =	vmul.f32 v39, v37;
	v0 =	vadd.f32 v44, v0  }
0x158: {  	v51 =	vld [tilespmem:s0+$0x9C50];
	s24 =	sadd.s32 $0xA850, s0;
	v57 =	vmul.f32 v43, v43;
	v1 =	vadd.f32 v52, v1;
	v2 =	vadd.f32 v45, v2  }
0x159: {  	v55 =	vmul.f32 v41, v41;
	v58 =	vld [tilespmem:s24+$0xC000];
	v53 =	vmul.f32 v43, v41;
	v0 =	vadd.f32 v48, v0  }
0x15a: {  	v56 =	vld [tilespmem:s0+$0xA850];
	v61 =	vmul.f32 v49, v49;
	s26 =	sadd.s32 $0xB450, s0;
	v1 =	vadd.f32 v57, v1;
	v2 =	vadd.f32 v50, v2  }
0x15b: {  	v62 =	vld [tilespmem:s26+$0xC000];
	v59 =	vmul.f32 v49, v47;
	v7 =	vmul.f32 v47, v47;
	v0 =	vadd.f32 v53, v0  }
0x15c: {  	v60 =	vld [tilespmem:s0+$0xB450];
	v13 =	vmul.f32 v54, v54;
	v1 =	vadd.f32 v61, v1;
	v2 =	vadd.f32 v55, v2  }
0x15d: {  	v12 =	vmul.f32 v51, v51;
	v15 =	vld [tilespmem:s0+$0x60];
	v63 =	vmul.f32 v54, v51;
	v0 =	vadd.f32 v59, v0  }
0x15e: {  	v17 =	vld [tilespmem:s0+$0xC060];
	v18 =	vmul.f32 v58, v58;
	v1 =	vadd.f32 v13, v1;
	v2 =	vadd.f32 v7, v2  }
0x15f: {  	v16 =	vmul.f32 v56, v56;
	v22 =	vld [tilespmem:s0+$0xCC60];
	v14 =	vmul.f32 v58, v56;
	v0 =	vadd.f32 v63, v0  }
0x160: {  	v24 =	vld [tilespmem:s0+$0x1860];
	v23 =	vmul.f32 v62, v62;
	v1 =	vadd.f32 v18, v1;
	v2 =	vadd.f32 v12, v2  }
0x161: {  	v20 =	vld [tilespmem:s0+$0xC60];
	v19 =	vmul.f32 v62, v60;
	v0 =	vadd.f32 v14, v0  }
0x162: {  	v21 =	vmul.f32 v60, v60;
	v25 =	vld [tilespmem:s0+$0xD860];
	v1 =	vadd.f32 v23, v1;
	v2 =	vadd.f32 v16, v2  }
0x163: {  	v35 =	vld [tilespmem:s0+$0xF060];
	v0 =	vadd.f32 v19, v0  }
0x164: {  	v28 =	vmul.f32 v15, v15;
	v27 =	vmul.f32 v17, v15;
	v29 =	vld [tilespmem:s0+$0xE460];
	[tilespmem:s0+$0x19850] =	vst v1;
	v2 =	vadd.f32 v21, v2  }
0x165: {  	v26 =	vld [tilespmem:s0+$0x2460];
	v30 =	vmul.f32 v17, v17;
	v9 =	vmul.f32 v22, v22;
	[tilespmem:s0+$0x18050] =	vst v0  }
0x166: {  	s24 =	sor.u32 $0x3060, s0;
	v38 =	vld [tilespmem:s0+$0xFC60];
	v31 =	vmul.f32 v22, v20;
	v32 =	vmul.f32 v20, v20;
	[tilespmem:s0+$0x18C50] =	vst v2  }
0x167: {  	v5 =	vmul.f32 v24, v24;
	v3 =	vmul.f32 v25, v25;
	v1 =	vadd.f32 v9, v30;
	v33 =	vld [tilespmem:s24+$0x0]  }
0x168: {  	v34 =	vmul.f32 v25, v24;
	v4 =	vadd.f32 v32, v28;
	v2 =	vadd.f32 v31, v27  }
0x169: {  	s26 =	sadd.s32 $0x4860, s0;
	v36 =	vld [tilespmem:s0+$0x3C60];
	v40 =	vmul.f32 v29, v29;
	v1 =	vadd.f32 v3, v1  }
0x16a: {  	v37 =	vmul.f32 v29, v26;
	v4 =	vadd.f32 v5, v4;
	v41 =	vld [tilespmem:s26+$0xC000];
	v2 =	vadd.f32 v34, v2  }
0x16b: {  	v39 =	vld [tilespmem:s0+$0x4860];
	v45 =	vmul.f32 v35, v35;
	v0 =	vmul.f32 v26, v26;
	v1 =	vadd.f32 v40, v1;
	s24 =	sadd.s32 $0x5460, s0  }
0x16c: {  	v49 =	vmul.f32 v38, v38;
	v46 =	vld [tilespmem:s24+$0xC000];
	v2 =	vadd.f32 v37, v2;
	v42 =	vmul.f32 v35, v33  }
0x16d: {  	v44 =	vld [tilespmem:s0+$0x5460];
	v0 =	vadd.f32 v0, v4;
	v1 =	vadd.f32 v45, v1;
	v43 =	vmul.f32 v33, v33  }
0x16e: {  	v52 =	vld [tilespmem:s0+$0x12060];
	v47 =	vmul.f32 v38, v36;
	v48 =	vmul.f32 v36, v36;
	s26 =	sor.u32 $0x6060, s0;
	v2 =	vadd.f32 v42, v2  }
0x16f: {  	v50 =	vld [tilespmem:s26+$0x0];
	s24 =	sadd.s32 $0x6C60, s0;
	v1 =	vadd.f32 v49, v1;
	v55 =	vmul.f32 v41, v41;
	v0 =	vadd.f32 v43, v0  }
0x170: {  	v53 =	vmul.f32 v39, v39;
	v57 =	vld [tilespmem:s24+$0xC000];
	v51 =	vmul.f32 v41, v39;
	v2 =	vadd.f32 v47, v2  }
0x171: {  	v54 =	vld [tilespmem:s0+$0x6C60];
	s26 =	sadd.s32 $0x7860, s0;
	v60 =	vmul.f32 v46, v46;
	v1 =	vadd.f32 v55, v1;
	v0 =	vadd.f32 v48, v0  }
0x172: {  	v58 =	vmul.f32 v44, v44;
	v61 =	vld [tilespmem:s26+$0xC000];
	v56 =	vmul.f32 v46, v44;
	v2 =	vadd.f32 v51, v2  }
0x173: {  	v59 =	vld [tilespmem:s0+$0x7860];
	v12 =	vmul.f32 v52, v52;
	s24 =	sadd.s32 $0x8460, s0;
	v1 =	vadd.f32 v60, v1;
	v0 =	vadd.f32 v53, v0  }
0x174: {  	v13 =	vld [tilespmem:s24+$0xC000];
	v62 =	vmul.f32 v52, v50;
	v8 =	vmul.f32 v50, v50;
	v2 =	vadd.f32 v56, v2  }
0x175: {  	v63 =	vld [tilespmem:s0+$0x8460];
	v16 =	vmul.f32 v57, v57;
	v1 =	vadd.f32 v12, v1;
	v0 =	vadd.f32 v58, v0  }
0x176: {  	v15 =	vmul.f32 v54, v54;
	v19 =	vld [tilespmem:s0+$0x15060];
	s26 =	sor.u32 $0x9060, s0;
	v14 =	vmul.f32 v57, v54;
	v2 =	vadd.f32 v62, v2  }
0x177: {  	v17 =	vld [tilespmem:s26+$0x0];
	s24 =	sadd.s32 $0x9C60, s0;
	v22 =	vmul.f32 v61, v61;
	v1 =	vadd.f32 v16, v1;
	v0 =	vadd.f32 v8, v0  }
0x178: {  	v20 =	vmul.f32 v59, v59;
	v24 =	vld [tilespmem:s24+$0xC000];
	v18 =	vmul.f32 v61, v59;
	v2 =	vadd.f32 v14, v2  }
0x179: {  	v21 =	vld [tilespmem:s0+$0x9C60];
	s26 =	sadd.s32 $0xA860, s0;
	v27 =	vmul.f32 v13, v13;
	v1 =	vadd.f32 v22, v1;
	v0 =	vadd.f32 v15, v0  }
0x17a: {  	v25 =	vmul.f32 v63, v63;
	v28 =	vld [tilespmem:s26+$0xC000];
	v23 =	vmul.f32 v13, v63;
	v2 =	vadd.f32 v18, v2  }
0x17b: {  	v26 =	vld [tilespmem:s0+$0xA860];
	v31 =	vmul.f32 v19, v19;
	s24 =	sadd.s32 $0xB460, s0;
	v1 =	vadd.f32 v27, v1;
	v0 =	vadd.f32 v20, v0  }
0x17c: {  	v32 =	vld [tilespmem:s24+$0xC000];
	v29 =	vmul.f32 v19, v17;
	v7 =	vmul.f32 v17, v17;
	v2 =	vadd.f32 v23, v2  }
0x17d: {  	v30 =	vld [tilespmem:s0+$0xB460];
	v35 =	vmul.f32 v24, v24;
	v1 =	vadd.f32 v31, v1;
	v0 =	vadd.f32 v25, v0  }
0x17e: {  	v34 =	vmul.f32 v21, v21;
	v37 =	vld [tilespmem:s0+$0x70];
	v33 =	vmul.f32 v24, v21;
	v2 =	vadd.f32 v29, v2  }
0x17f: {  	v39 =	vld [tilespmem:s0+$0xC070];
	v40 =	vmul.f32 v28, v28;
	v1 =	vadd.f32 v35, v1;
	v0 =	vadd.f32 v7, v0  }
0x180: {  	v38 =	vmul.f32 v26, v26;
	v44 =	vld [tilespmem:s0+$0xCC70];
	v36 =	vmul.f32 v28, v26;
	v2 =	vadd.f32 v33, v2  }
0x181: {  	v46 =	vld [tilespmem:s0+$0x1870];
	v45 =	vmul.f32 v32, v32;
	v1 =	vadd.f32 v40, v1;
	v0 =	vadd.f32 v34, v0  }
0x182: {  	v42 =	vld [tilespmem:s0+$0xC70];
	v41 =	vmul.f32 v32, v30;
	v2 =	vadd.f32 v36, v2  }
0x183: {  	v43 =	vmul.f32 v30, v30;
	v47 =	vld [tilespmem:s0+$0xD870];
	v1 =	vadd.f32 v45, v1;
	v0 =	vadd.f32 v38, v0  }
0x184: {  	v57 =	vld [tilespmem:s0+$0xF070];
	v2 =	vadd.f32 v41, v2  }
0x185: {  	v50 =	vmul.f32 v37, v37;
	v49 =	vmul.f32 v39, v37;
	v51 =	vld [tilespmem:s0+$0xE470];
	[tilespmem:s0+$0x19860] =	vst v1;
	v0 =	vadd.f32 v43, v0  }
0x186: {  	v48 =	vld [tilespmem:s0+$0x2470];
	v52 =	vmul.f32 v39, v39;
	v9 =	vmul.f32 v44, v44;
	[tilespmem:s0+$0x18060] =	vst v2  }
0x187: {  	s26 =	sor.u32 $0x3070, s0;
	v60 =	vld [tilespmem:s0+$0xFC70];
	v53 =	vmul.f32 v44, v42;
	v54 =	vmul.f32 v42, v42;
	[tilespmem:s0+$0x18C60] =	vst v0  }
0x188: {  	v6 =	vmul.f32 v46, v46;
	v3 =	vmul.f32 v47, v47;
	v1 =	vadd.f32 v9, v52;
	v55 =	vld [tilespmem:s26+$0x0]  }
0x189: {  	v56 =	vmul.f32 v47, v46;
	v4 =	vadd.f32 v54, v50;
	v0 =	vadd.f32 v53, v49  }
0x18a: {  	s24 =	sadd.s32 $0x4870, s0;
	v58 =	vld [tilespmem:s0+$0x3C70];
	v62 =	vmul.f32 v51, v51;
	v1 =	vadd.f32 v3, v1  }
0x18b: {  	v59 =	vmul.f32 v51, v48;
	v4 =	vadd.f32 v6, v4;
	v63 =	vld [tilespmem:s24+$0xC000];
	v0 =	vadd.f32 v56, v0  }
0x18c: {  	v61 =	vld [tilespmem:s0+$0x4870];
	v15 =	vmul.f32 v57, v57;
	v2 =	vmul.f32 v48, v48;
	v1 =	vadd.f32 v62, v1;
	s26 =	sadd.s32 $0x5470, s0  }
0x18d: {  	v19 =	vmul.f32 v60, v60;
	v16 =	vld [tilespmem:s26+$0xC000];
	v0 =	vadd.f32 v59, v0;
	v12 =	vmul.f32 v57, v55  }
0x18e: {  	v14 =	vld [tilespmem:s0+$0x5470];
	v2 =	vadd.f32 v2, v4;
	v1 =	vadd.f32 v15, v1;
	v13 =	vmul.f32 v55, v55  }
0x18f: {  	v22 =	vld [tilespmem:s0+$0x12070];
	v17 =	vmul.f32 v60, v58;
	v18 =	vmul.f32 v58, v58;
	s24 =	sor.u32 $0x6070, s0;
	v0 =	vadd.f32 v12, v0  }
0x190: {  	v20 =	vld [tilespmem:s24+$0x0];
	s26 =	sadd.s32 $0x6C70, s0;
	v1 =	vadd.f32 v19, v1;
	v25 =	vmul.f32 v63, v63;
	v2 =	vadd.f32 v13, v2  }
0x191: {  	v23 =	vmul.f32 v61, v61;
	v27 =	vld [tilespmem:s26+$0xC000];
	v21 =	vmul.f32 v63, v61;
	v0 =	vadd.f32 v17, v0  }
0x192: {  	v24 =	vld [tilespmem:s0+$0x6C70];
	s24 =	sadd.s32 $0x7870, s0;
	v30 =	vmul.f32 v16, v16;
	v1 =	vadd.f32 v25, v1;
	v2 =	vadd.f32 v18, v2  }
0x193: {  	v28 =	vmul.f32 v14, v14;
	v31 =	vld [tilespmem:s24+$0xC000];
	v26 =	vmul.f32 v16, v14;
	v0 =	vadd.f32 v21, v0  }
0x194: {  	v29 =	vld [tilespmem:s0+$0x7870];
	v34 =	vmul.f32 v22, v22;
	s26 =	sadd.s32 $0x8470, s0;
	v1 =	vadd.f32 v30, v1;
	v2 =	vadd.f32 v23, v2  }
0x195: {  	v35 =	vld [tilespmem:s26+$0xC000];
	v32 =	vmul.f32 v22, v20;
	v8 =	vmul.f32 v20, v20;
	v0 =	vadd.f32 v26, v0  }
0x196: {  	v33 =	vld [tilespmem:s0+$0x8470];
	v38 =	vmul.f32 v27, v27;
	v1 =	vadd.f32 v34, v1;
	v2 =	vadd.f32 v28, v2  }
0x197: {  	v37 =	vmul.f32 v24, v24;
	v41 =	vld [tilespmem:s0+$0x15070];
	s24 =	sor.u32 $0x9070, s0;
	v36 =	vmul.f32 v27, v24;
	v0 =	vadd.f32 v32, v0  }
0x198: {  	v39 =	vld [tilespmem:s24+$0x0];
	s26 =	sadd.s32 $0x9C70, s0;
	v44 =	vmul.f32 v31, v31;
	v1 =	vadd.f32 v38, v1;
	v2 =	vadd.f32 v8, v2  }
0x199: {  	v42 =	vmul.f32 v29, v29;
	v46 =	vld [tilespmem:s26+$0xC000];
	v40 =	vmul.f32 v31, v29;
	v0 =	vadd.f32 v36, v0  }
0x19a: {  	v43 =	vld [tilespmem:s0+$0x9C70];
	s24 =	sadd.s32 $0xA870, s0;
	v49 =	vmul.f32 v35, v35;
	v1 =	vadd.f32 v44, v1;
	v2 =	vadd.f32 v37, v2  }
0x19b: {  	v47 =	vmul.f32 v33, v33;
	v50 =	vld [tilespmem:s24+$0xC000];
	v45 =	vmul.f32 v35, v33;
	v0 =	vadd.f32 v40, v0  }
0x19c: {  	v48 =	vld [tilespmem:s0+$0xA870];
	v53 =	vmul.f32 v41, v41;
	s26 =	sadd.s32 $0xB470, s0;
	v1 =	vadd.f32 v49, v1;
	v2 =	vadd.f32 v42, v2  }
0x19d: {  	v54 =	vld [tilespmem:s26+$0xC000];
	v51 =	vmul.f32 v41, v39;
	v7 =	vmul.f32 v39, v39;
	v0 =	vadd.f32 v45, v0  }
0x19e: {  	v52 =	vld [tilespmem:s0+$0xB470];
	v57 =	vmul.f32 v46, v46;
	v1 =	vadd.f32 v53, v1;
	v2 =	vadd.f32 v47, v2  }
0x19f: {  	v56 =	vmul.f32 v43, v43;
	v55 =	vmul.f32 v46, v43;
	v0 =	vadd.f32 v51, v0  }
0x1a0: {  	v60 =	vmul.f32 v50, v50;
	v1 =	vadd.f32 v57, v1;
	v2 =	vadd.f32 v7, v2  }
0x1a1: {  	v59 =	vmul.f32 v48, v48;
	v58 =	vmul.f32 v50, v48;
	v0 =	vadd.f32 v55, v0  }
0x1a2: {  	v63 =	vmul.f32 v54, v54;
	v1 =	vadd.f32 v60, v1;
	v2 =	vadd.f32 v56, v2  }
0x1a3: {  	p0 =	sne.s32 s31, $0x17;
	v61 =	vmul.f32 v54, v52;
	v0 =	vadd.f32 v58, v0  }
.Ltmp0:
0x1a4: {  	v62 =	vmul.f32 v52, v52;
	v1 =	vadd.f32 v63, v1;
	v2 =	vadd.f32 v59, v2;
	(pc) =	sbr.rel @p0 .LBB2_3-.Ltmp0, $4  }
0x1a5: {  	v0 =	vadd.f32 v61, v0  }
0x1a6: {  	[tilespmem:s0+$0x19870] =	vst v1;
	v2 =	vadd.f32 v62, v2  }
0x1a7: {  	[tilespmem:s0+$0x18070] =	vst v0  }
0x1a8: {  	s31 =	sadd.s32 $0x1, s31;
	[tilespmem:s0+$0x18C70] =	vst v2  }
0x1a9: {  	s0 =	sadd.s32 s7, s30  }
0x1aa: {  	s0 =	sshll.u32 s0, $0x4  }
0x1ab: {  	s24 =	simm.s32 $0x18000;
	s2 =	sadd.s32 s5, s0  }
0x1ac: {  	[hbm4b:s2+s1] =	stream.linear.scatter [tilespmem:s24], [sflag:$0x1], $0xC00, $0x38;
	[tilespmem:$0x1A400] =	vst v63  }
0x1ad: {  	s0 =	sand.u32 $0x1FFFFFF0, s0;
	_ =	swait.ge [sflag:s25], $0xC00  }
0x1ae: {  	s0 =	sadd.s32 s5, s0;
	[sflag:s25] =	ssyncset.done $0x0  }
0x1af: {  	s31 =	simm.s32 $0x18C00;
	s30 =	sadd.s32 $0x12000, s0;
	[sflag:s25] =	ssyncadd.s32 $0xFFFFF400  }
0x1b0: {  	[hbm4b:s30+s1] =	stream.linear.scatter [tilespmem:s31], [sflag:$0x1], $0xC00, $0x38;
	[tilespmem:$0x1A400] =	vst v63  }
0x1b1: {  	s29 =	sadd.s32 $0x1, s29;
	_ =	swait.ge [sflag:s25], $0xC00  }
0x1b2: {  	p0 =	sne.s32 s29, $0x6;
	[sflag:s25] =	ssyncset.done $0x0  }
.Ltmp1:
0x1b3: {  	s0 =	sadd.s32 $0x24000, s0;
	[sflag:s25] =	ssyncadd.s32 $0xFFFFF400;
	(pc) =	sbr.rel @p0 .LBB2_2-.Ltmp1, $4  }
0x1b4: {  	[hbm4b:s0+s1] =	stream.linear.scatter [tilespmem:s28], [sflag:$0x1], $0xC00, $0x38;
	[tilespmem:$0x1A400] =	vst v63  }
0x1b5: {  	_ =	swait.ge [sflag:s25], $0xC00  }
0x1b6: {  	[sflag:s25] =	ssyncset.done $0x0  }
0x1b7: {  	[sflag:s25] =	ssyncadd.s32 $0xFFFFF400  }
0x1b8: {  	s2 =	rddreg [dreg:$0x3]  }
0x1b9: {  	s0 =	rddreg [dreg:$0x2];
	s2 =	sadd.s32 $0x1, s2  }
0x1ba: {  	p0 =	sne.s32 s2, s0  }
.Ltmp2:
0x1bb: {  	_ = 	snop;
	(pc) =	sbr.rel @p0 .LBB2_1-.Ltmp2, $1  }
0x1bc: {  	_ =	sdelay $0x3  }
0x1bd: {  	_ =	sfence.sel $0x180000  }
0x1be: {  	[bflag:$0x0] =	sbarrier.arrive $0xFFFF  }
0x1bf: {  	_ =	strace $0x90000047  }
0x1c0: {  	s0 =	stileid.u32;
	[bflag:$0x2] =	sbarrier.arrive $0xFFFF  }
0x1c1: {  	p0 =	sne.s32 s0, $0x0;
	s0 =	rddreg [dreg:$0x1]  }
0x1c2: {  	s0 =	sadd.s32 @!p0 $0x100000, s0  }
0x1c3: {  	[sflag:s0] =	ssyncadd.tile.s32 @!p0 $0x1;
	_ =	shalt  }
.Lfunc_end2:
_tile_overlayer_lowered:
.L_overlay_start_2:
0x1c4: {  	(tag) =	ssettag $0x2  }
0x1c5: {  	s0 =	rddreg [dreg:$0x0];
	s2 =	stileid.u32  }
0x1c6: {  	s1 =	rddreg [dreg:$0x1];
	p0 =	sne.s32 s2, $0x0  }
0x1c7: {  	s3 =	rddreg [dreg:$0x2];
	[bflag:$0x3] =	sbarrier.arrive $0xFFFF;
	s2 =	simm.s32 @!p0 $0x1C01  }
0x1c8: {  	[timem:s3], [sflag:s2] =	dma.local @!p0 [hbm:s0], s1  }
0x1c9: {  	s0 =	simm.s32 @!p0 $0x1  }
0x1ca: {  	_ =	swait.ge @!p0 [sflag:s0], s1  }
0x1cb: {  	s1 =	ssub.s32 @!p0 $0x0, s1;
	[sflag:s0] =	ssyncset.done @!p0 $0x0  }
0x1cc: {  	[sflag:s0] =	ssyncadd.s32 @!p0 s1  }
0x1cd: {  	[bflag:$0x3] =	sbarrier.arrive $0xFFFF  }
0x1ce: {  	_ =	shalt  }

</sc_bundles>
